<compile_context>
chip_gen: v7x
topology: tpu7x:2x2x1
jax: 0.10.2.dev20260603
libtpu: 0.0.44.dev20260713+nightly
codegen_flags: <defaults>
</compile_context>

<pallas_src>
import jax
import jax.numpy as jnp
from jax import lax
from jax.experimental import pallas as pl
from jax.experimental.pallas import tpu as pltpu
from jax.experimental.pallas import tpu_sc as plsc

NC = 2
NS = 16
LANES = 16
NW = NC * NS

B = 16384
C = 50
DIM = 32
HALF = DIM // 2
CHUNK = 16
B_PER_W = B // NW
N_CHUNKS = B_PER_W // CHUNK
ROWS = CHUNK * C


def _mfnet_body(u_idx_hbm, i_idx_hbm, user_hbm, item_hbm, out_hbm,
                u_idx_v, i_idx_v, u_v, item_v, out_v,
                sem_u0, sem_u1, sem_i0, sem_i1):
    cid = lax.axis_index("c")
    sid = lax.axis_index("s")
    wid = sid * NC + cid
    base = wid * B_PER_W
    b_iota = lax.iota(jnp.int32, LANES)
    row_b = b_iota * C
    sems_u = (sem_u0, sem_u1)
    sems_i = (sem_i0, sem_i1)

    pltpu.sync_copy(u_idx_hbm.at[pl.ds(base, B_PER_W)], u_idx_v)
    pltpu.sync_copy(i_idx_hbm.at[pl.ds(base, B_PER_W), :], i_idx_v)

    def start(t, buf):
        r0 = t * CHUNK
        pltpu.async_copy(
            user_hbm.at[u_idx_v.at[pl.ds(r0, CHUNK)]],
            u_v.at[pl.ds(buf * CHUNK, CHUNK), :], sems_u[buf])
        for b in range(CHUNK):
            pltpu.async_copy(
                item_hbm.at[i_idx_v.at[r0 + b]],
                item_v.at[pl.ds(buf * ROWS + b * C, C), :], sems_i[buf])

    def drain(buf):
        pltpu.make_async_copy(
            user_hbm.at[pl.ds(0, CHUNK)],
            u_v.at[pl.ds(buf * CHUNK, CHUNK), :], sems_u[buf]).wait()
        pltpu.make_async_copy(
            item_hbm.at[pl.ds(0, ROWS)],
            item_v.at[pl.ds(buf * ROWS, ROWS), :], sems_i[buf]).wait()

    def compute(t, buf):
        u_rows = b_iota + buf * CHUNK
        rbase = row_b + buf * ROWS

        for half in range(2):
            h = half * HALF
            dcols = [((b_iota + d0) & (LANES - 1)) + h for d0 in range(HALF)]
            u_diag = [
                plsc.load_gather(u_v, [u_rows, dcols[d0]])
                for d0 in range(HALF)
            ]

            def c_body(ci, inner):
                for dc in range(2):
                    c = ci * 2 + dc
                    rows = rbase + c
                    accs = [None, None, None, None]
                    for d0 in range(HALF):
                        iv = plsc.load_gather(item_v, [rows, dcols[d0]])
                        p = iv * u_diag[d0]
                        k = d0 % 4
                        accs[k] = p if accs[k] is None else accs[k] + p
                    s = (accs[0] + accs[1]) + (accs[2] + accs[3])
                    if half == 0:
                        out_v[c, :] = s
                    else:
                        out_v[c, :] = out_v[c, :] + s
                return inner

            lax.fori_loop(0, C // 2, c_body, 0)

        pltpu.sync_copy(
            out_v, out_hbm.at[:, pl.ds(base + t * CHUNK, CHUNK)])

    start(0, 0)

    def pair_body(i, carry):
        t0 = i * 2
        start(t0 + 1, 1)
        drain(0)
        compute(t0, 0)

        @pl.when(t0 + 2 < N_CHUNKS)
        def _():
            start(t0 + 2, 0)

        drain(1)
        compute(t0 + 1, 1)
        return carry

    lax.fori_loop(0, N_CHUNKS // 2, pair_body, 0)


def kernel(u_idx, i_idx, user_emb, item_emb):
    mesh = plsc.VectorSubcoreMesh(core_axis_name="c", subcore_axis_name="s")
    f = pl.kernel(
        _mfnet_body,
        out_type=jax.ShapeDtypeStruct((C, B), jnp.float32),
        mesh=mesh,
        compiler_params=pltpu.CompilerParams(
            use_tc_tiling_on_sc=False,
            needs_layout_passes=False,
        ),
        scratch_types=[
            pltpu.VMEM((B_PER_W,), jnp.int32),
            pltpu.VMEM((B_PER_W, C), jnp.int32),
            pltpu.VMEM((2 * CHUNK, DIM), jnp.float32),
            pltpu.VMEM((2 * ROWS, DIM), jnp.float32),
            pltpu.VMEM((C, CHUNK), jnp.float32),
            pltpu.SemaphoreType.DMA,
            pltpu.SemaphoreType.DMA,
            pltpu.SemaphoreType.DMA,
            pltpu.SemaphoreType.DMA,
        ],
    )
    out_t = f(u_idx.astype(jnp.int32), i_idx.astype(jnp.int32),
              user_emb, item_emb)
    return out_t.T

# --- scband reference (transcript-rebuilt; emitter-appended) ---
"""Pipeline reference for scband-mfnet-59365037965802 (READ-ONLY COPY).

The authoritative reference and input builder live on the scoring server;
editing this copy changes nothing except your own understanding.
"""

import jax, jax.numpy as jnp
import numpy as np

N_USERS = 1000000
N_ITEMS = 1000000
DIM = 32
B = 16384
C = 50


def setup_inputs(seed: int = 0) -> dict:
    key = jax.random.key(seed)
    k1, k2, k3, k4 = jax.random.split(key, 4)
    u_idx = jax.random.randint(k1, (B,), 0, N_USERS, dtype=jnp.int64 if jax.config.jax_enable_x64 else jnp.int32)
    i_idx = jax.random.randint(k2, (B, C), 0, N_ITEMS, dtype=jnp.int64 if jax.config.jax_enable_x64 else jnp.int32)
    user_emb = jax.random.normal(k3, (N_USERS, DIM), dtype=jnp.float32) * 0.01
    item_emb = jax.random.normal(k4, (N_ITEMS, DIM), dtype=jnp.float32) * 0.01
    return {"u_idx": u_idx, "i_idx": i_idx, "user_emb": user_emb, "item_emb": item_emb}


def reference(u_idx, i_idx, user_emb, item_emb):
    # u = self.user_emb(u_idx)  -> [B, dim]
    u = jnp.take(user_emb, u_idx, axis=0)
    # i_idx is 2-D: i = self.item_emb(i_idx) -> [B, C, dim]
    i = jnp.take(item_emb, i_idx, axis=0)
    # (i * u.unsqueeze(1)).sum(dim=-1) -> [B, C]
    return (i * u[:, None, :]).sum(axis=-1)

if __name__ == "__main__":
    import jax
    _d = setup_inputs()
    print(jax.jit(kernel)(*tuple(_d.values())))

</pallas_src>

<mosaic_0001>
#map = affine_map<(d0, d1) -> (0)>
#map1 = affine_map<(d0, d1) -> (0, 0)>
module attributes {stable_mosaic.version = 14 : i64} {
  func.func @_mfnet_body(%arg0: i32, %arg1: i32, %arg2: memref<16384xi32, #tpu.memory_space<hbm>>, %arg3: memref<16384x50xi32, #tpu.memory_space<hbm>>, %arg4: memref<1000000x32xf32, #tpu.memory_space<hbm>>, %arg5: memref<1000000x32xf32, #tpu.memory_space<hbm>>, %arg6: memref<50x16384xf32, #tpu.memory_space<hbm>>, %arg7: memref<512xi32, #tpu.memory_space<vmem>>, %arg8: memref<512x50xi32, #tpu.memory_space<vmem>>, %arg9: memref<32x32xf32, #tpu.memory_space<vmem>>, %arg10: memref<1600x32xf32, #tpu.memory_space<vmem>>, %arg11: memref<50x16xf32, #tpu.memory_space<vmem>>, %arg12: memref<!tpu.dma_semaphore, #tpu.memory_space<semaphore_mem>>, %arg13: memref<!tpu.dma_semaphore, #tpu.memory_space<semaphore_mem>>, %arg14: memref<!tpu.dma_semaphore, #tpu.memory_space<semaphore_mem>>, %arg15: memref<!tpu.dma_semaphore, #tpu.memory_space<semaphore_mem>>) attributes {dimension_semantics = [#tpu.dimension_semantics<core_parallel>, #tpu.dimension_semantics<subcore_parallel>], iteration_bounds = array<i64: 2, 16>, scalar_prefetch = 0 : i64, scratch_operands = 9 : i64, tpu.core_type = #tpu.core_type<sc_vector_subcore>, window_params = [{transform_indices = #map}, {transform_indices = #map1}, {transform_indices = #map1}, {transform_indices = #map1}, {transform_indices = #map1}]} {
    %mul3A = arith.constant 2 : i32
    %mul3A_0 = arith.muli %arg1, %mul3A : i32
    %add3A = arith.addi %mul3A_0, %arg0 : i32
    %mul3A_1 = arith.constant 512 : i32
    %mul3A_2 = arith.muli %add3A, %mul3A_1 : i32
    %iota3A = tpu.iota {dimensions = array<i32: 0>} : vector<16xi32>
    %mul3A_3 = arith.constant 50 : i32
    %mul3A_4 = vector.broadcast %mul3A_3 : i32 to vector<16xi32>
    %mul3A_5 = arith.muli %iota3A, %mul3A_4 : vector<16xi32>
    "tpu.region"() ({
      %run_scoped3A = tpu.sem_alloc : memref<!tpu.dma_semaphore, #tpu.memory_space<semaphore_mem>>
      %dma_start3A_178 = tpu.memref_slice %arg2[%mul3A_2] : memref<16384xi32, #tpu.memory_space<hbm>> -> memref<512xi32, #tpu.memory_space<hbm>>
      %dma_start3A_179 = tpu.memref_slice %arg2[%mul3A_2] : memref<16384xi32, #tpu.memory_space<hbm>> -> memref<512xi32, #tpu.memory_space<hbm>>
      tpu.enqueue_dma source(%dma_start3A_179 : memref<512xi32, #tpu.memory_space<hbm>>) target(%arg7 : memref<512xi32, #tpu.memory_space<vmem>>) target_semaphore(%run_scoped3A : memref<!tpu.dma_semaphore, #tpu.memory_space<semaphore_mem>>)
      %dma_wait3A = tpu.memref_slice %arg2[%mul3A_2] : memref<16384xi32, #tpu.memory_space<hbm>> -> memref<512xi32, #tpu.memory_space<hbm>>
      %dma_wait3A_180 = tpu.memref_slice %arg2[%mul3A_2] : memref<16384xi32, #tpu.memory_space<hbm>> -> memref<512xi32, #tpu.memory_space<hbm>>
      tpu.wait_dma2 semaphore(%run_scoped3A : memref<!tpu.dma_semaphore, #tpu.memory_space<semaphore_mem>>) src(%dma_wait3A_180 : memref<512xi32, #tpu.memory_space<hbm>>) dst(%arg7 : memref<512xi32, #tpu.memory_space<vmem>>)
      tpu.yield
    }) : () -> ()
    "tpu.region"() ({
      %run_scoped3A = tpu.sem_alloc : memref<!tpu.dma_semaphore, #tpu.memory_space<semaphore_mem>>
      %dma_start3A_178 = arith.constant 0 : i32
      %dma_start3A_179 = tpu.memref_slice %arg3[%mul3A_2, %dma_start3A_178] : memref<16384x50xi32, #tpu.memory_space<hbm>> -> memref<512x50xi32, #tpu.memory_space<hbm>>
      %dma_start3A_180 = arith.constant 0 : i32
      %dma_start3A_181 = tpu.memref_slice %arg3[%mul3A_2, %dma_start3A_180] : memref<16384x50xi32, #tpu.memory_space<hbm>> -> memref<512x50xi32, #tpu.memory_space<hbm>>
      tpu.enqueue_dma source(%dma_start3A_181 : memref<512x50xi32, #tpu.memory_space<hbm>>) target(%arg8 : memref<512x50xi32, #tpu.memory_space<vmem>>) target_semaphore(%run_scoped3A : memref<!tpu.dma_semaphore, #tpu.memory_space<semaphore_mem>>)
      %dma_wait3A = arith.constant 0 : i32
      %dma_wait3A_182 = tpu.memref_slice %arg3[%mul3A_2, %dma_wait3A] : memref<16384x50xi32, #tpu.memory_space<hbm>> -> memref<512x50xi32, #tpu.memory_space<hbm>>
      %dma_wait3A_183 = arith.constant 0 : i32
      %dma_wait3A_184 = tpu.memref_slice %arg3[%mul3A_2, %dma_wait3A_183] : memref<16384x50xi32, #tpu.memory_space<hbm>> -> memref<512x50xi32, #tpu.memory_space<hbm>>
      tpu.wait_dma2 semaphore(%run_scoped3A : memref<!tpu.dma_semaphore, #tpu.memory_space<semaphore_mem>>) src(%dma_wait3A_184 : memref<512x50xi32, #tpu.memory_space<hbm>>) dst(%arg8 : memref<512x50xi32, #tpu.memory_space<vmem>>)
      tpu.yield
    }) : () -> ()
    %dma_start3A = arith.constant 0 : i32
    %dma_start3A_6 = arith.constant 0 : i32
    %dma_start3A_7 = tpu.memref_slice %arg9[%dma_start3A, %dma_start3A_6] : memref<32x32xf32, #tpu.memory_space<vmem>> -> memref<16x32xf32, #tpu.memory_space<vmem>>
    %dma_start3A_8 = arith.constant 0 : i32
    %dma_start3A_9 = tpu.memref_slice %arg7[%dma_start3A_8] : memref<512xi32, #tpu.memory_space<vmem>> -> memref<16xi32, #tpu.memory_space<vmem>>
    %dma_start3A_10 = arith.constant 0 : i32
    %dma_start3A_11 = arith.constant 0 : i32
    %dma_start3A_12 = tpu.memref_slice %arg4[%dma_start3A_10, %dma_start3A_11] : memref<1000000x32xf32, #tpu.memory_space<hbm>> -> memref<1000000x32xf32, #tpu.memory_space<hbm>>
    tpu.enqueue_indirect_dma source(%dma_start3A_12 : memref<1000000x32xf32, #tpu.memory_space<hbm>>) target(%dma_start3A_7 : memref<16x32xf32, #tpu.memory_space<vmem>>) offsets(%dma_start3A_9 : memref<16xi32, #tpu.memory_space<vmem>>) semaphore(%arg12 : memref<!tpu.dma_semaphore, #tpu.memory_space<semaphore_mem>>)
    %dma_start3A_13 = arith.constant 0 : i32
    %dma_start3A_14 = arith.constant 0 : i32
    %dma_start3A_15 = arith.constant 0 : i32
    %dma_start3A_16 = tpu.memref_slice %arg10[%dma_start3A_14, %dma_start3A_15] : memref<1600x32xf32, #tpu.memory_space<vmem>> -> memref<50x32xf32, #tpu.memory_space<vmem>>
    %dma_start3A_17 = arith.constant 0 : i32
    %dma_start3A_18 = tpu.memref_slice %arg8[%dma_start3A_13, %dma_start3A_17] : memref<512x50xi32, #tpu.memory_space<vmem>> -> memref<1x50xi32, #tpu.memory_space<vmem>>
    %dma_start3A_19 = tpu.memref_squeeze %dma_start3A_18 : memref<1x50xi32, #tpu.memory_space<vmem>> -> memref<50xi32, #tpu.memory_space<vmem>>
    %dma_start3A_20 = arith.constant 0 : i32
    %dma_start3A_21 = arith.constant 0 : i32
    %dma_start3A_22 = tpu.memref_slice %arg5[%dma_start3A_20, %dma_start3A_21] : memref<1000000x32xf32, #tpu.memory_space<hbm>> -> memref<1000000x32xf32, #tpu.memory_space<hbm>>
    tpu.enqueue_indirect_dma source(%dma_start3A_22 : memref<1000000x32xf32, #tpu.memory_space<hbm>>) target(%dma_start3A_16 : memref<50x32xf32, #tpu.memory_space<vmem>>) offsets(%dma_start3A_19 : memref<50xi32, #tpu.memory_space<vmem>>) semaphore(%arg14 : memref<!tpu.dma_semaphore, #tpu.memory_space<semaphore_mem>>)
    %dma_start3A_23 = arith.constant 1 : i32
    %dma_start3A_24 = arith.constant 50 : i32
    %dma_start3A_25 = arith.constant 0 : i32
    %dma_start3A_26 = tpu.memref_slice %arg10[%dma_start3A_24, %dma_start3A_25] : memref<1600x32xf32, #tpu.memory_space<vmem>> -> memref<50x32xf32, #tpu.memory_space<vmem>>
    %dma_start3A_27 = arith.constant 0 : i32
    %dma_start3A_28 = tpu.memref_slice %arg8[%dma_start3A_23, %dma_start3A_27] : memref<512x50xi32, #tpu.memory_space<vmem>> -> memref<1x50xi32, #tpu.memory_space<vmem>>
    %dma_start3A_29 = tpu.memref_squeeze %dma_start3A_28 : memref<1x50xi32, #tpu.memory_space<vmem>> -> memref<50xi32, #tpu.memory_space<vmem>>
    %dma_start3A_30 = arith.constant 0 : i32
    %dma_start3A_31 = arith.constant 0 : i32
    %dma_start3A_32 = tpu.memref_slice %arg5[%dma_start3A_30, %dma_start3A_31] : memref<1000000x32xf32, #tpu.memory_space<hbm>> -> memref<1000000x32xf32, #tpu.memory_space<hbm>>
    tpu.enqueue_indirect_dma source(%dma_start3A_32 : memref<1000000x32xf32, #tpu.memory_space<hbm>>) target(%dma_start3A_26 : memref<50x32xf32, #tpu.memory_space<vmem>>) offsets(%dma_start3A_29 : memref<50xi32, #tpu.memory_space<vmem>>) semaphore(%arg14 : memref<!tpu.dma_semaphore, #tpu.memory_space<semaphore_mem>>)
    %dma_start3A_33 = arith.constant 2 : i32
    %dma_start3A_34 = arith.constant 100 : i32
    %dma_start3A_35 = arith.constant 0 : i32
    %dma_start3A_36 = tpu.memref_slice %arg10[%dma_start3A_34, %dma_start3A_35] : memref<1600x32xf32, #tpu.memory_space<vmem>> -> memref<50x32xf32, #tpu.memory_space<vmem>>
    %dma_start3A_37 = arith.constant 0 : i32
    %dma_start3A_38 = tpu.memref_slice %arg8[%dma_start3A_33, %dma_start3A_37] : memref<512x50xi32, #tpu.memory_space<vmem>> -> memref<1x50xi32, #tpu.memory_space<vmem>>
    %dma_start3A_39 = tpu.memref_squeeze %dma_start3A_38 : memref<1x50xi32, #tpu.memory_space<vmem>> -> memref<50xi32, #tpu.memory_space<vmem>>
    %dma_start3A_40 = arith.constant 0 : i32
    %dma_start3A_41 = arith.constant 0 : i32
    %dma_start3A_42 = tpu.memref_slice %arg5[%dma_start3A_40, %dma_start3A_41] : memref<1000000x32xf32, #tpu.memory_space<hbm>> -> memref<1000000x32xf32, #tpu.memory_space<hbm>>
    tpu.enqueue_indirect_dma source(%dma_start3A_42 : memref<1000000x32xf32, #tpu.memory_space<hbm>>) target(%dma_start3A_36 : memref<50x32xf32, #tpu.memory_space<vmem>>) offsets(%dma_start3A_39 : memref<50xi32, #tpu.memory_space<vmem>>) semaphore(%arg14 : memref<!tpu.dma_semaphore, #tpu.memory_space<semaphore_mem>>)
    %dma_start3A_43 = arith.constant 3 : i32
    %dma_start3A_44 = arith.constant 150 : i32
    %dma_start3A_45 = arith.constant 0 : i32
    %dma_start3A_46 = tpu.memref_slice %arg10[%dma_start3A_44, %dma_start3A_45] : memref<1600x32xf32, #tpu.memory_space<vmem>> -> memref<50x32xf32, #tpu.memory_space<vmem>>
    %dma_start3A_47 = arith.constant 0 : i32
    %dma_start3A_48 = tpu.memref_slice %arg8[%dma_start3A_43, %dma_start3A_47] : memref<512x50xi32, #tpu.memory_space<vmem>> -> memref<1x50xi32, #tpu.memory_space<vmem>>
    %dma_start3A_49 = tpu.memref_squeeze %dma_start3A_48 : memref<1x50xi32, #tpu.memory_space<vmem>> -> memref<50xi32, #tpu.memory_space<vmem>>
    %dma_start3A_50 = arith.constant 0 : i32
    %dma_start3A_51 = arith.constant 0 : i32
    %dma_start3A_52 = tpu.memref_slice %arg5[%dma_start3A_50, %dma_start3A_51] : memref<1000000x32xf32, #tpu.memory_space<hbm>> -> memref<1000000x32xf32, #tpu.memory_space<hbm>>
    tpu.enqueue_indirect_dma source(%dma_start3A_52 : memref<1000000x32xf32, #tpu.memory_space<hbm>>) target(%dma_start3A_46 : memref<50x32xf32, #tpu.memory_space<vmem>>) offsets(%dma_start3A_49 : memref<50xi32, #tpu.memory_space<vmem>>) semaphore(%arg14 : memref<!tpu.dma_semaphore, #tpu.memory_space<semaphore_mem>>)
    %dma_start3A_53 = arith.constant 4 : i32
    %dma_start3A_54 = arith.constant 200 : i32
    %dma_start3A_55 = arith.constant 0 : i32
    %dma_start3A_56 = tpu.memref_slice %arg10[%dma_start3A_54, %dma_start3A_55] : memref<1600x32xf32, #tpu.memory_space<vmem>> -> memref<50x32xf32, #tpu.memory_space<vmem>>
    %dma_start3A_57 = arith.constant 0 : i32
    %dma_start3A_58 = tpu.memref_slice %arg8[%dma_start3A_53, %dma_start3A_57] : memref<512x50xi32, #tpu.memory_space<vmem>> -> memref<1x50xi32, #tpu.memory_space<vmem>>
    %dma_start3A_59 = tpu.memref_squeeze %dma_start3A_58 : memref<1x50xi32, #tpu.memory_space<vmem>> -> memref<50xi32, #tpu.memory_space<vmem>>
    %dma_start3A_60 = arith.constant 0 : i32
    %dma_start3A_61 = arith.constant 0 : i32
    %dma_start3A_62 = tpu.memref_slice %arg5[%dma_start3A_60, %dma_start3A_61] : memref<1000000x32xf32, #tpu.memory_space<hbm>> -> memref<1000000x32xf32, #tpu.memory_space<hbm>>
    tpu.enqueue_indirect_dma source(%dma_start3A_62 : memref<1000000x32xf32, #tpu.memory_space<hbm>>) target(%dma_start3A_56 : memref<50x32xf32, #tpu.memory_space<vmem>>) offsets(%dma_start3A_59 : memref<50xi32, #tpu.memory_space<vmem>>) semaphore(%arg14 : memref<!tpu.dma_semaphore, #tpu.memory_space<semaphore_mem>>)
    %dma_start3A_63 = arith.constant 5 : i32
    %dma_start3A_64 = arith.constant 250 : i32
    %dma_start3A_65 = arith.constant 0 : i32
    %dma_start3A_66 = tpu.memref_slice %arg10[%dma_start3A_64, %dma_start3A_65] : memref<1600x32xf32, #tpu.memory_space<vmem>> -> memref<50x32xf32, #tpu.memory_space<vmem>>
    %dma_start3A_67 = arith.constant 0 : i32
    %dma_start3A_68 = tpu.memref_slice %arg8[%dma_start3A_63, %dma_start3A_67] : memref<512x50xi32, #tpu.memory_space<vmem>> -> memref<1x50xi32, #tpu.memory_space<vmem>>
    %dma_start3A_69 = tpu.memref_squeeze %dma_start3A_68 : memref<1x50xi32, #tpu.memory_space<vmem>> -> memref<50xi32, #tpu.memory_space<vmem>>
    %dma_start3A_70 = arith.constant 0 : i32
    %dma_start3A_71 = arith.constant 0 : i32
    %dma_start3A_72 = tpu.memref_slice %arg5[%dma_start3A_70, %dma_start3A_71] : memref<1000000x32xf32, #tpu.memory_space<hbm>> -> memref<1000000x32xf32, #tpu.memory_space<hbm>>
    tpu.enqueue_indirect_dma source(%dma_start3A_72 : memref<1000000x32xf32, #tpu.memory_space<hbm>>) target(%dma_start3A_66 : memref<50x32xf32, #tpu.memory_space<vmem>>) offsets(%dma_start3A_69 : memref<50xi32, #tpu.memory_space<vmem>>) semaphore(%arg14 : memref<!tpu.dma_semaphore, #tpu.memory_space<semaphore_mem>>)
    %dma_start3A_73 = arith.constant 6 : i32
    %dma_start3A_74 = arith.constant 300 : i32
    %dma_start3A_75 = arith.constant 0 : i32
    %dma_start3A_76 = tpu.memref_slice %arg10[%dma_start3A_74, %dma_start3A_75] : memref<1600x32xf32, #tpu.memory_space<vmem>> -> memref<50x32xf32, #tpu.memory_space<vmem>>
    %dma_start3A_77 = arith.constant 0 : i32
    %dma_start3A_78 = tpu.memref_slice %arg8[%dma_start3A_73, %dma_start3A_77] : memref<512x50xi32, #tpu.memory_space<vmem>> -> memref<1x50xi32, #tpu.memory_space<vmem>>
    %dma_start3A_79 = tpu.memref_squeeze %dma_start3A_78 : memref<1x50xi32, #tpu.memory_space<vmem>> -> memref<50xi32, #tpu.memory_space<vmem>>
    %dma_start3A_80 = arith.constant 0 : i32
    %dma_start3A_81 = arith.constant 0 : i32
    %dma_start3A_82 = tpu.memref_slice %arg5[%dma_start3A_80, %dma_start3A_81] : memref<1000000x32xf32, #tpu.memory_space<hbm>> -> memref<1000000x32xf32, #tpu.memory_space<hbm>>
    tpu.enqueue_indirect_dma source(%dma_start3A_82 : memref<1000000x32xf32, #tpu.memory_space<hbm>>) target(%dma_start3A_76 : memref<50x32xf32, #tpu.memory_space<vmem>>) offsets(%dma_start3A_79 : memref<50xi32, #tpu.memory_space<vmem>>) semaphore(%arg14 : memref<!tpu.dma_semaphore, #tpu.memory_space<semaphore_mem>>)
    %dma_start3A_83 = arith.constant 7 : i32
    %dma_start3A_84 = arith.constant 350 : i32
    %dma_start3A_85 = arith.constant 0 : i32
    %dma_start3A_86 = tpu.memref_slice %arg10[%dma_start3A_84, %dma_start3A_85] : memref<1600x32xf32, #tpu.memory_space<vmem>> -> memref<50x32xf32, #tpu.memory_space<vmem>>
    %dma_start3A_87 = arith.constant 0 : i32
    %dma_start3A_88 = tpu.memref_slice %arg8[%dma_start3A_83, %dma_start3A_87] : memref<512x50xi32, #tpu.memory_space<vmem>> -> memref<1x50xi32, #tpu.memory_space<vmem>>
    %dma_start3A_89 = tpu.memref_squeeze %dma_start3A_88 : memref<1x50xi32, #tpu.memory_space<vmem>> -> memref<50xi32, #tpu.memory_space<vmem>>
    %dma_start3A_90 = arith.constant 0 : i32
    %dma_start3A_91 = arith.constant 0 : i32
    %dma_start3A_92 = tpu.memref_slice %arg5[%dma_start3A_90, %dma_start3A_91] : memref<1000000x32xf32, #tpu.memory_space<hbm>> -> memref<1000000x32xf32, #tpu.memory_space<hbm>>
    tpu.enqueue_indirect_dma source(%dma_start3A_92 : memref<1000000x32xf32, #tpu.memory_space<hbm>>) target(%dma_start3A_86 : memref<50x32xf32, #tpu.memory_space<vmem>>) offsets(%dma_start3A_89 : memref<50xi32, #tpu.memory_space<vmem>>) semaphore(%arg14 : memref<!tpu.dma_semaphore, #tpu.memory_space<semaphore_mem>>)
    %dma_start3A_93 = arith.constant 8 : i32
    %dma_start3A_94 = arith.constant 400 : i32
    %dma_start3A_95 = arith.constant 0 : i32
    %dma_start3A_96 = tpu.memref_slice %arg10[%dma_start3A_94, %dma_start3A_95] : memref<1600x32xf32, #tpu.memory_space<vmem>> -> memref<50x32xf32, #tpu.memory_space<vmem>>
    %dma_start3A_97 = arith.constant 0 : i32
    %dma_start3A_98 = tpu.memref_slice %arg8[%dma_start3A_93, %dma_start3A_97] : memref<512x50xi32, #tpu.memory_space<vmem>> -> memref<1x50xi32, #tpu.memory_space<vmem>>
    %dma_start3A_99 = tpu.memref_squeeze %dma_start3A_98 : memref<1x50xi32, #tpu.memory_space<vmem>> -> memref<50xi32, #tpu.memory_space<vmem>>
    %dma_start3A_100 = arith.constant 0 : i32
    %dma_start3A_101 = arith.constant 0 : i32
    %dma_start3A_102 = tpu.memref_slice %arg5[%dma_start3A_100, %dma_start3A_101] : memref<1000000x32xf32, #tpu.memory_space<hbm>> -> memref<1000000x32xf32, #tpu.memory_space<hbm>>
    tpu.enqueue_indirect_dma source(%dma_start3A_102 : memref<1000000x32xf32, #tpu.memory_space<hbm>>) target(%dma_start3A_96 : memref<50x32xf32, #tpu.memory_space<vmem>>) offsets(%dma_start3A_99 : memref<50xi32, #tpu.memory_space<vmem>>) semaphore(%arg14 : memref<!tpu.dma_semaphore, #tpu.memory_space<semaphore_mem>>)
    %dma_start3A_103 = arith.constant 9 : i32
    %dma_start3A_104 = arith.constant 450 : i32
    %dma_start3A_105 = arith.constant 0 : i32
    %dma_start3A_106 = tpu.memref_slice %arg10[%dma_start3A_104, %dma_start3A_105] : memref<1600x32xf32, #tpu.memory_space<vmem>> -> memref<50x32xf32, #tpu.memory_space<vmem>>
    %dma_start3A_107 = arith.constant 0 : i32
    %dma_start3A_108 = tpu.memref_slice %arg8[%dma_start3A_103, %dma_start3A_107] : memref<512x50xi32, #tpu.memory_space<vmem>> -> memref<1x50xi32, #tpu.memory_space<vmem>>
    %dma_start3A_109 = tpu.memref_squeeze %dma_start3A_108 : memref<1x50xi32, #tpu.memory_space<vmem>> -> memref<50xi32, #tpu.memory_space<vmem>>
    %dma_start3A_110 = arith.constant 0 : i32
    %dma_start3A_111 = arith.constant 0 : i32
    %dma_start3A_112 = tpu.memref_slice %arg5[%dma_start3A_110, %dma_start3A_111] : memref<1000000x32xf32, #tpu.memory_space<hbm>> -> memref<1000000x32xf32, #tpu.memory_space<hbm>>
    tpu.enqueue_indirect_dma source(%dma_start3A_112 : memref<1000000x32xf32, #tpu.memory_space<hbm>>) target(%dma_start3A_106 : memref<50x32xf32, #tpu.memory_space<vmem>>) offsets(%dma_start3A_109 : memref<50xi32, #tpu.memory_space<vmem>>) semaphore(%arg14 : memref<!tpu.dma_semaphore, #tpu.memory_space<semaphore_mem>>)
    %dma_start3A_113 = arith.constant 10 : i32
    %dma_start3A_114 = arith.constant 500 : i32
    %dma_start3A_115 = arith.constant 0 : i32
    %dma_start3A_116 = tpu.memref_slice %arg10[%dma_start3A_114, %dma_start3A_115] : memref<1600x32xf32, #tpu.memory_space<vmem>> -> memref<50x32xf32, #tpu.memory_space<vmem>>
    %dma_start3A_117 = arith.constant 0 : i32
    %dma_start3A_118 = tpu.memref_slice %arg8[%dma_start3A_113, %dma_start3A_117] : memref<512x50xi32, #tpu.memory_space<vmem>> -> memref<1x50xi32, #tpu.memory_space<vmem>>
    %dma_start3A_119 = tpu.memref_squeeze %dma_start3A_118 : memref<1x50xi32, #tpu.memory_space<vmem>> -> memref<50xi32, #tpu.memory_space<vmem>>
    %dma_start3A_120 = arith.constant 0 : i32
    %dma_start3A_121 = arith.constant 0 : i32
    %dma_start3A_122 = tpu.memref_slice %arg5[%dma_start3A_120, %dma_start3A_121] : memref<1000000x32xf32, #tpu.memory_space<hbm>> -> memref<1000000x32xf32, #tpu.memory_space<hbm>>
    tpu.enqueue_indirect_dma source(%dma_start3A_122 : memref<1000000x32xf32, #tpu.memory_space<hbm>>) target(%dma_start3A_116 : memref<50x32xf32, #tpu.memory_space<vmem>>) offsets(%dma_start3A_119 : memref<50xi32, #tpu.memory_space<vmem>>) semaphore(%arg14 : memref<!tpu.dma_semaphore, #tpu.memory_space<semaphore_mem>>)
    %dma_start3A_123 = arith.constant 11 : i32
    %dma_start3A_124 = arith.constant 550 : i32
    %dma_start3A_125 = arith.constant 0 : i32
    %dma_start3A_126 = tpu.memref_slice %arg10[%dma_start3A_124, %dma_start3A_125] : memref<1600x32xf32, #tpu.memory_space<vmem>> -> memref<50x32xf32, #tpu.memory_space<vmem>>
    %dma_start3A_127 = arith.constant 0 : i32
    %dma_start3A_128 = tpu.memref_slice %arg8[%dma_start3A_123, %dma_start3A_127] : memref<512x50xi32, #tpu.memory_space<vmem>> -> memref<1x50xi32, #tpu.memory_space<vmem>>
    %dma_start3A_129 = tpu.memref_squeeze %dma_start3A_128 : memref<1x50xi32, #tpu.memory_space<vmem>> -> memref<50xi32, #tpu.memory_space<vmem>>
    %dma_start3A_130 = arith.constant 0 : i32
    %dma_start3A_131 = arith.constant 0 : i32
    %dma_start3A_132 = tpu.memref_slice %arg5[%dma_start3A_130, %dma_start3A_131] : memref<1000000x32xf32, #tpu.memory_space<hbm>> -> memref<1000000x32xf32, #tpu.memory_space<hbm>>
    tpu.enqueue_indirect_dma source(%dma_start3A_132 : memref<1000000x32xf32, #tpu.memory_space<hbm>>) target(%dma_start3A_126 : memref<50x32xf32, #tpu.memory_space<vmem>>) offsets(%dma_start3A_129 : memref<50xi32, #tpu.memory_space<vmem>>) semaphore(%arg14 : memref<!tpu.dma_semaphore, #tpu.memory_space<semaphore_mem>>)
    %dma_start3A_133 = arith.constant 12 : i32
    %dma_start3A_134 = arith.constant 600 : i32
    %dma_start3A_135 = arith.constant 0 : i32
    %dma_start3A_136 = tpu.memref_slice %arg10[%dma_start3A_134, %dma_start3A_135] : memref<1600x32xf32, #tpu.memory_space<vmem>> -> memref<50x32xf32, #tpu.memory_space<vmem>>
    %dma_start3A_137 = arith.constant 0 : i32
    %dma_start3A_138 = tpu.memref_slice %arg8[%dma_start3A_133, %dma_start3A_137] : memref<512x50xi32, #tpu.memory_space<vmem>> -> memref<1x50xi32, #tpu.memory_space<vmem>>
    %dma_start3A_139 = tpu.memref_squeeze %dma_start3A_138 : memref<1x50xi32, #tpu.memory_space<vmem>> -> memref<50xi32, #tpu.memory_space<vmem>>
    %dma_start3A_140 = arith.constant 0 : i32
    %dma_start3A_141 = arith.constant 0 : i32
    %dma_start3A_142 = tpu.memref_slice %arg5[%dma_start3A_140, %dma_start3A_141] : memref<1000000x32xf32, #tpu.memory_space<hbm>> -> memref<1000000x32xf32, #tpu.memory_space<hbm>>
    tpu.enqueue_indirect_dma source(%dma_start3A_142 : memref<1000000x32xf32, #tpu.memory_space<hbm>>) target(%dma_start3A_136 : memref<50x32xf32, #tpu.memory_space<vmem>>) offsets(%dma_start3A_139 : memref<50xi32, #tpu.memory_space<vmem>>) semaphore(%arg14 : memref<!tpu.dma_semaphore, #tpu.memory_space<semaphore_mem>>)
    %dma_start3A_143 = arith.constant 13 : i32
    %dma_start3A_144 = arith.constant 650 : i32
    %dma_start3A_145 = arith.constant 0 : i32
    %dma_start3A_146 = tpu.memref_slice %arg10[%dma_start3A_144, %dma_start3A_145] : memref<1600x32xf32, #tpu.memory_space<vmem>> -> memref<50x32xf32, #tpu.memory_space<vmem>>
    %dma_start3A_147 = arith.constant 0 : i32
    %dma_start3A_148 = tpu.memref_slice %arg8[%dma_start3A_143, %dma_start3A_147] : memref<512x50xi32, #tpu.memory_space<vmem>> -> memref<1x50xi32, #tpu.memory_space<vmem>>
    %dma_start3A_149 = tpu.memref_squeeze %dma_start3A_148 : memref<1x50xi32, #tpu.memory_space<vmem>> -> memref<50xi32, #tpu.memory_space<vmem>>
    %dma_start3A_150 = arith.constant 0 : i32
    %dma_start3A_151 = arith.constant 0 : i32
    %dma_start3A_152 = tpu.memref_slice %arg5[%dma_start3A_150, %dma_start3A_151] : memref<1000000x32xf32, #tpu.memory_space<hbm>> -> memref<1000000x32xf32, #tpu.memory_space<hbm>>
    tpu.enqueue_indirect_dma source(%dma_start3A_152 : memref<1000000x32xf32, #tpu.memory_space<hbm>>) target(%dma_start3A_146 : memref<50x32xf32, #tpu.memory_space<vmem>>) offsets(%dma_start3A_149 : memref<50xi32, #tpu.memory_space<vmem>>) semaphore(%arg14 : memref<!tpu.dma_semaphore, #tpu.memory_space<semaphore_mem>>)
    %dma_start3A_153 = arith.constant 14 : i32
    %dma_start3A_154 = arith.constant 700 : i32
    %dma_start3A_155 = arith.constant 0 : i32
    %dma_start3A_156 = tpu.memref_slice %arg10[%dma_start3A_154, %dma_start3A_155] : memref<1600x32xf32, #tpu.memory_space<vmem>> -> memref<50x32xf32, #tpu.memory_space<vmem>>
    %dma_start3A_157 = arith.constant 0 : i32
    %dma_start3A_158 = tpu.memref_slice %arg8[%dma_start3A_153, %dma_start3A_157] : memref<512x50xi32, #tpu.memory_space<vmem>> -> memref<1x50xi32, #tpu.memory_space<vmem>>
    %dma_start3A_159 = tpu.memref_squeeze %dma_start3A_158 : memref<1x50xi32, #tpu.memory_space<vmem>> -> memref<50xi32, #tpu.memory_space<vmem>>
    %dma_start3A_160 = arith.constant 0 : i32
    %dma_start3A_161 = arith.constant 0 : i32
    %dma_start3A_162 = tpu.memref_slice %arg5[%dma_start3A_160, %dma_start3A_161] : memref<1000000x32xf32, #tpu.memory_space<hbm>> -> memref<1000000x32xf32, #tpu.memory_space<hbm>>
    tpu.enqueue_indirect_dma source(%dma_start3A_162 : memref<1000000x32xf32, #tpu.memory_space<hbm>>) target(%dma_start3A_156 : memref<50x32xf32, #tpu.memory_space<vmem>>) offsets(%dma_start3A_159 : memref<50xi32, #tpu.memory_space<vmem>>) semaphore(%arg14 : memref<!tpu.dma_semaphore, #tpu.memory_space<semaphore_mem>>)
    %dma_start3A_163 = arith.constant 15 : i32
    %dma_start3A_164 = arith.constant 750 : i32
    %dma_start3A_165 = arith.constant 0 : i32
    %dma_start3A_166 = tpu.memref_slice %arg10[%dma_start3A_164, %dma_start3A_165] : memref<1600x32xf32, #tpu.memory_space<vmem>> -> memref<50x32xf32, #tpu.memory_space<vmem>>
    %dma_start3A_167 = arith.constant 0 : i32
    %dma_start3A_168 = tpu.memref_slice %arg8[%dma_start3A_163, %dma_start3A_167] : memref<512x50xi32, #tpu.memory_space<vmem>> -> memref<1x50xi32, #tpu.memory_space<vmem>>
    %dma_start3A_169 = tpu.memref_squeeze %dma_start3A_168 : memref<1x50xi32, #tpu.memory_space<vmem>> -> memref<50xi32, #tpu.memory_space<vmem>>
    %dma_start3A_170 = arith.constant 0 : i32
    %dma_start3A_171 = arith.constant 0 : i32
    %dma_start3A_172 = tpu.memref_slice %arg5[%dma_start3A_170, %dma_start3A_171] : memref<1000000x32xf32, #tpu.memory_space<hbm>> -> memref<1000000x32xf32, #tpu.memory_space<hbm>>
    tpu.enqueue_indirect_dma source(%dma_start3A_172 : memref<1000000x32xf32, #tpu.memory_space<hbm>>) target(%dma_start3A_166 : memref<50x32xf32, #tpu.memory_space<vmem>>) offsets(%dma_start3A_169 : memref<50xi32, #tpu.memory_space<vmem>>) semaphore(%arg14 : memref<!tpu.dma_semaphore, #tpu.memory_space<semaphore_mem>>)
    %scan3A = arith.constant 0 : i32
    %scan3A_173 = arith.constant 0 : i32
    %scan3A_174 = arith.constant 16 : i32
    %scan3A_175 = arith.addi %scan3A_173, %scan3A_174 : i32
    %scan3A_176 = arith.constant 1 : i32
    scf.for %scan3A_178 = %scan3A_173 to %scan3A_175 step %scan3A_176  : i32 {
      %mul3A_179 = arith.constant 2 : i32
      %mul3A_180 = arith.muli %scan3A_178, %mul3A_179 : i32
      %add3A_181 = arith.constant 1 : i32
      %add3A_182 = arith.addi %mul3A_180, %add3A_181 : i32
      %mul3A_183 = arith.constant 16 : i32
      %mul3A_184 = arith.muli %add3A_182, %mul3A_183 : i32
      %dma_start3A_185 = arith.constant 16 : i32
      %dma_start3A_186 = arith.constant 0 : i32
      %dma_start3A_187 = tpu.memref_slice %arg9[%dma_start3A_185, %dma_start3A_186] : memref<32x32xf32, #tpu.memory_space<vmem>> -> memref<16x32xf32, #tpu.memory_space<vmem>>
      %dma_start3A_188 = tpu.memref_slice %arg7[%mul3A_184] : memref<512xi32, #tpu.memory_space<vmem>> -> memref<16xi32, #tpu.memory_space<vmem>>
      %dma_start3A_189 = arith.constant 0 : i32
      %dma_start3A_190 = arith.constant 0 : i32
      %dma_start3A_191 = tpu.memref_slice %arg4[%dma_start3A_189, %dma_start3A_190] : memref<1000000x32xf32, #tpu.memory_space<hbm>> -> memref<1000000x32xf32, #tpu.memory_space<hbm>>
      tpu.enqueue_indirect_dma source(%dma_start3A_191 : memref<1000000x32xf32, #tpu.memory_space<hbm>>) target(%dma_start3A_187 : memref<16x32xf32, #tpu.memory_space<vmem>>) offsets(%dma_start3A_188 : memref<16xi32, #tpu.memory_space<vmem>>) semaphore(%arg13 : memref<!tpu.dma_semaphore, #tpu.memory_space<semaphore_mem>>)
      %add3A_192 = arith.constant 0 : i32
      %add3A_193 = arith.addi %mul3A_184, %add3A_192 : i32
      %dma_start3A_194 = arith.constant 800 : i32
      %dma_start3A_195 = arith.constant 0 : i32
      %dma_start3A_196 = tpu.memref_slice %arg10[%dma_start3A_194, %dma_start3A_195] : memref<1600x32xf32, #tpu.memory_space<vmem>> -> memref<50x32xf32, #tpu.memory_space<vmem>>
      %dma_start3A_197 = arith.constant 0 : i32
      %dma_start3A_198 = tpu.memref_slice %arg8[%add3A_193, %dma_start3A_197] : memref<512x50xi32, #tpu.memory_space<vmem>> -> memref<1x50xi32, #tpu.memory_space<vmem>>
      %dma_start3A_199 = tpu.memref_squeeze %dma_start3A_198 : memref<1x50xi32, #tpu.memory_space<vmem>> -> memref<50xi32, #tpu.memory_space<vmem>>
      %dma_start3A_200 = arith.constant 0 : i32
      %dma_start3A_201 = arith.constant 0 : i32
      %dma_start3A_202 = tpu.memref_slice %arg5[%dma_start3A_200, %dma_start3A_201] : memref<1000000x32xf32, #tpu.memory_space<hbm>> -> memref<1000000x32xf32, #tpu.memory_space<hbm>>
      tpu.enqueue_indirect_dma source(%dma_start3A_202 : memref<1000000x32xf32, #tpu.memory_space<hbm>>) target(%dma_start3A_196 : memref<50x32xf32, #tpu.memory_space<vmem>>) offsets(%dma_start3A_199 : memref<50xi32, #tpu.memory_space<vmem>>) semaphore(%arg15 : memref<!tpu.dma_semaphore, #tpu.memory_space<semaphore_mem>>)
      %add3A_203 = arith.constant 1 : i32
      %add3A_204 = arith.addi %mul3A_184, %add3A_203 : i32
      %dma_start3A_205 = arith.constant 850 : i32
      %dma_start3A_206 = arith.constant 0 : i32
      %dma_start3A_207 = tpu.memref_slice %arg10[%dma_start3A_205, %dma_start3A_206] : memref<1600x32xf32, #tpu.memory_space<vmem>> -> memref<50x32xf32, #tpu.memory_space<vmem>>
      %dma_start3A_208 = arith.constant 0 : i32
      %dma_start3A_209 = tpu.memref_slice %arg8[%add3A_204, %dma_start3A_208] : memref<512x50xi32, #tpu.memory_space<vmem>> -> memref<1x50xi32, #tpu.memory_space<vmem>>
      %dma_start3A_210 = tpu.memref_squeeze %dma_start3A_209 : memref<1x50xi32, #tpu.memory_space<vmem>> -> memref<50xi32, #tpu.memory_space<vmem>>
      %dma_start3A_211 = arith.constant 0 : i32
      %dma_start3A_212 = arith.constant 0 : i32
      %dma_start3A_213 = tpu.memref_slice %arg5[%dma_start3A_211, %dma_start3A_212] : memref<1000000x32xf32, #tpu.memory_space<hbm>> -> memref<1000000x32xf32, #tpu.memory_space<hbm>>
      tpu.enqueue_indirect_dma source(%dma_start3A_213 : memref<1000000x32xf32, #tpu.memory_space<hbm>>) target(%dma_start3A_207 : memref<50x32xf32, #tpu.memory_space<vmem>>) offsets(%dma_start3A_210 : memref<50xi32, #tpu.memory_space<vmem>>) semaphore(%arg15 : memref<!tpu.dma_semaphore, #tpu.memory_space<semaphore_mem>>)
      %add3A_214 = arith.constant 2 : i32
      %add3A_215 = arith.addi %mul3A_184, %add3A_214 : i32
      %dma_start3A_216 = arith.constant 900 : i32
      %dma_start3A_217 = arith.constant 0 : i32
      %dma_start3A_218 = tpu.memref_slice %arg10[%dma_start3A_216, %dma_start3A_217] : memref<1600x32xf32, #tpu.memory_space<vmem>> -> memref<50x32xf32, #tpu.memory_space<vmem>>
      %dma_start3A_219 = arith.constant 0 : i32
      %dma_start3A_220 = tpu.memref_slice %arg8[%add3A_215, %dma_start3A_219] : memref<512x50xi32, #tpu.memory_space<vmem>> -> memref<1x50xi32, #tpu.memory_space<vmem>>
      %dma_start3A_221 = tpu.memref_squeeze %dma_start3A_220 : memref<1x50xi32, #tpu.memory_space<vmem>> -> memref<50xi32, #tpu.memory_space<vmem>>
      %dma_start3A_222 = arith.constant 0 : i32
      %dma_start3A_223 = arith.constant 0 : i32
      %dma_start3A_224 = tpu.memref_slice %arg5[%dma_start3A_222, %dma_start3A_223] : memref<1000000x32xf32, #tpu.memory_space<hbm>> -> memref<1000000x32xf32, #tpu.memory_space<hbm>>
      tpu.enqueue_indirect_dma source(%dma_start3A_224 : memref<1000000x32xf32, #tpu.memory_space<hbm>>) target(%dma_start3A_218 : memref<50x32xf32, #tpu.memory_space<vmem>>) offsets(%dma_start3A_221 : memref<50xi32, #tpu.memory_space<vmem>>) semaphore(%arg15 : memref<!tpu.dma_semaphore, #tpu.memory_space<semaphore_mem>>)
      %add3A_225 = arith.constant 3 : i32
      %add3A_226 = arith.addi %mul3A_184, %add3A_225 : i32
      %dma_start3A_227 = arith.constant 950 : i32
      %dma_start3A_228 = arith.constant 0 : i32
      %dma_start3A_229 = tpu.memref_slice %arg10[%dma_start3A_227, %dma_start3A_228] : memref<1600x32xf32, #tpu.memory_space<vmem>> -> memref<50x32xf32, #tpu.memory_space<vmem>>
      %dma_start3A_230 = arith.constant 0 : i32
      %dma_start3A_231 = tpu.memref_slice %arg8[%add3A_226, %dma_start3A_230] : memref<512x50xi32, #tpu.memory_space<vmem>> -> memref<1x50xi32, #tpu.memory_space<vmem>>
      %dma_start3A_232 = tpu.memref_squeeze %dma_start3A_231 : memref<1x50xi32, #tpu.memory_space<vmem>> -> memref<50xi32, #tpu.memory_space<vmem>>
      %dma_start3A_233 = arith.constant 0 : i32
      %dma_start3A_234 = arith.constant 0 : i32
      %dma_start3A_235 = tpu.memref_slice %arg5[%dma_start3A_233, %dma_start3A_234] : memref<1000000x32xf32, #tpu.memory_space<hbm>> -> memref<1000000x32xf32, #tpu.memory_space<hbm>>
      tpu.enqueue_indirect_dma source(%dma_start3A_235 : memref<1000000x32xf32, #tpu.memory_space<hbm>>) target(%dma_start3A_229 : memref<50x32xf32, #tpu.memory_space<vmem>>) offsets(%dma_start3A_232 : memref<50xi32, #tpu.memory_space<vmem>>) semaphore(%arg15 : memref<!tpu.dma_semaphore, #tpu.memory_space<semaphore_mem>>)
      %add3A_236 = arith.constant 4 : i32
      %add3A_237 = arith.addi %mul3A_184, %add3A_236 : i32
      %dma_start3A_238 = arith.constant 1000 : i32
      %dma_start3A_239 = arith.constant 0 : i32
      %dma_start3A_240 = tpu.memref_slice %arg10[%dma_start3A_238, %dma_start3A_239] : memref<1600x32xf32, #tpu.memory_space<vmem>> -> memref<50x32xf32, #tpu.memory_space<vmem>>
      %dma_start3A_241 = arith.constant 0 : i32
      %dma_start3A_242 = tpu.memref_slice %arg8[%add3A_237, %dma_start3A_241] : memref<512x50xi32, #tpu.memory_space<vmem>> -> memref<1x50xi32, #tpu.memory_space<vmem>>
      %dma_start3A_243 = tpu.memref_squeeze %dma_start3A_242 : memref<1x50xi32, #tpu.memory_space<vmem>> -> memref<50xi32, #tpu.memory_space<vmem>>
      %dma_start3A_244 = arith.constant 0 : i32
      %dma_start3A_245 = arith.constant 0 : i32
      %dma_start3A_246 = tpu.memref_slice %arg5[%dma_start3A_244, %dma_start3A_245] : memref<1000000x32xf32, #tpu.memory_space<hbm>> -> memref<1000000x32xf32, #tpu.memory_space<hbm>>
      tpu.enqueue_indirect_dma source(%dma_start3A_246 : memref<1000000x32xf32, #tpu.memory_space<hbm>>) target(%dma_start3A_240 : memref<50x32xf32, #tpu.memory_space<vmem>>) offsets(%dma_start3A_243 : memref<50xi32, #tpu.memory_space<vmem>>) semaphore(%arg15 : memref<!tpu.dma_semaphore, #tpu.memory_space<semaphore_mem>>)
      %add3A_247 = arith.constant 5 : i32
      %add3A_248 = arith.addi %mul3A_184, %add3A_247 : i32
      %dma_start3A_249 = arith.constant 1050 : i32
      %dma_start3A_250 = arith.constant 0 : i32
      %dma_start3A_251 = tpu.memref_slice %arg10[%dma_start3A_249, %dma_start3A_250] : memref<1600x32xf32, #tpu.memory_space<vmem>> -> memref<50x32xf32, #tpu.memory_space<vmem>>
      %dma_start3A_252 = arith.constant 0 : i32
      %dma_start3A_253 = tpu.memref_slice %arg8[%add3A_248, %dma_start3A_252] : memref<512x50xi32, #tpu.memory_space<vmem>> -> memref<1x50xi32, #tpu.memory_space<vmem>>
      %dma_start3A_254 = tpu.memref_squeeze %dma_start3A_253 : memref<1x50xi32, #tpu.memory_space<vmem>> -> memref<50xi32, #tpu.memory_space<vmem>>
      %dma_start3A_255 = arith.constant 0 : i32
      %dma_start3A_256 = arith.constant 0 : i32
      %dma_start3A_257 = tpu.memref_slice %arg5[%dma_start3A_255, %dma_start3A_256] : memref<1000000x32xf32, #tpu.memory_space<hbm>> -> memref<1000000x32xf32, #tpu.memory_space<hbm>>
      tpu.enqueue_indirect_dma source(%dma_start3A_257 : memref<1000000x32xf32, #tpu.memory_space<hbm>>) target(%dma_start3A_251 : memref<50x32xf32, #tpu.memory_space<vmem>>) offsets(%dma_start3A_254 : memref<50xi32, #tpu.memory_space<vmem>>) semaphore(%arg15 : memref<!tpu.dma_semaphore, #tpu.memory_space<semaphore_mem>>)
      %add3A_258 = arith.constant 6 : i32
      %add3A_259 = arith.addi %mul3A_184, %add3A_258 : i32
      %dma_start3A_260 = arith.constant 1100 : i32
      %dma_start3A_261 = arith.constant 0 : i32
      %dma_start3A_262 = tpu.memref_slice %arg10[%dma_start3A_260, %dma_start3A_261] : memref<1600x32xf32, #tpu.memory_space<vmem>> -> memref<50x32xf32, #tpu.memory_space<vmem>>
      %dma_start3A_263 = arith.constant 0 : i32
      %dma_start3A_264 = tpu.memref_slice %arg8[%add3A_259, %dma_start3A_263] : memref<512x50xi32, #tpu.memory_space<vmem>> -> memref<1x50xi32, #tpu.memory_space<vmem>>
      %dma_start3A_265 = tpu.memref_squeeze %dma_start3A_264 : memref<1x50xi32, #tpu.memory_space<vmem>> -> memref<50xi32, #tpu.memory_space<vmem>>
      %dma_start3A_266 = arith.constant 0 : i32
      %dma_start3A_267 = arith.constant 0 : i32
      %dma_start3A_268 = tpu.memref_slice %arg5[%dma_start3A_266, %dma_start3A_267] : memref<1000000x32xf32, #tpu.memory_space<hbm>> -> memref<1000000x32xf32, #tpu.memory_space<hbm>>
      tpu.enqueue_indirect_dma source(%dma_start3A_268 : memref<1000000x32xf32, #tpu.memory_space<hbm>>) target(%dma_start3A_262 : memref<50x32xf32, #tpu.memory_space<vmem>>) offsets(%dma_start3A_265 : memref<50xi32, #tpu.memory_space<vmem>>) semaphore(%arg15 : memref<!tpu.dma_semaphore, #tpu.memory_space<semaphore_mem>>)
      %add3A_269 = arith.constant 7 : i32
      %add3A_270 = arith.addi %mul3A_184, %add3A_269 : i32
      %dma_start3A_271 = arith.constant 1150 : i32
      %dma_start3A_272 = arith.constant 0 : i32
      %dma_start3A_273 = tpu.memref_slice %arg10[%dma_start3A_271, %dma_start3A_272] : memref<1600x32xf32, #tpu.memory_space<vmem>> -> memref<50x32xf32, #tpu.memory_space<vmem>>
      %dma_start3A_274 = arith.constant 0 : i32
      %dma_start3A_275 = tpu.memref_slice %arg8[%add3A_270, %dma_start3A_274] : memref<512x50xi32, #tpu.memory_space<vmem>> -> memref<1x50xi32, #tpu.memory_space<vmem>>
      %dma_start3A_276 = tpu.memref_squeeze %dma_start3A_275 : memref<1x50xi32, #tpu.memory_space<vmem>> -> memref<50xi32, #tpu.memory_space<vmem>>
      %dma_start3A_277 = arith.constant 0 : i32
      %dma_start3A_278 = arith.constant 0 : i32
      %dma_start3A_279 = tpu.memref_slice %arg5[%dma_start3A_277, %dma_start3A_278] : memref<1000000x32xf32, #tpu.memory_space<hbm>> -> memref<1000000x32xf32, #tpu.memory_space<hbm>>
      tpu.enqueue_indirect_dma source(%dma_start3A_279 : memref<1000000x32xf32, #tpu.memory_space<hbm>>) target(%dma_start3A_273 : memref<50x32xf32, #tpu.memory_space<vmem>>) offsets(%dma_start3A_276 : memref<50xi32, #tpu.memory_space<vmem>>) semaphore(%arg15 : memref<!tpu.dma_semaphore, #tpu.memory_space<semaphore_mem>>)
      %add3A_280 = arith.constant 8 : i32
      %add3A_281 = arith.addi %mul3A_184, %add3A_280 : i32
      %dma_start3A_282 = arith.constant 1200 : i32
      %dma_start3A_283 = arith.constant 0 : i32
      %dma_start3A_284 = tpu.memref_slice %arg10[%dma_start3A_282, %dma_start3A_283] : memref<1600x32xf32, #tpu.memory_space<vmem>> -> memref<50x32xf32, #tpu.memory_space<vmem>>
      %dma_start3A_285 = arith.constant 0 : i32
      %dma_start3A_286 = tpu.memref_slice %arg8[%add3A_281, %dma_start3A_285] : memref<512x50xi32, #tpu.memory_space<vmem>> -> memref<1x50xi32, #tpu.memory_space<vmem>>
      %dma_start3A_287 = tpu.memref_squeeze %dma_start3A_286 : memref<1x50xi32, #tpu.memory_space<vmem>> -> memref<50xi32, #tpu.memory_space<vmem>>
      %dma_start3A_288 = arith.constant 0 : i32
      %dma_start3A_289 = arith.constant 0 : i32
      %dma_start3A_290 = tpu.memref_slice %arg5[%dma_start3A_288, %dma_start3A_289] : memref<1000000x32xf32, #tpu.memory_space<hbm>> -> memref<1000000x32xf32, #tpu.memory_space<hbm>>
      tpu.enqueue_indirect_dma source(%dma_start3A_290 : memref<1000000x32xf32, #tpu.memory_space<hbm>>) target(%dma_start3A_284 : memref<50x32xf32, #tpu.memory_space<vmem>>) offsets(%dma_start3A_287 : memref<50xi32, #tpu.memory_space<vmem>>) semaphore(%arg15 : memref<!tpu.dma_semaphore, #tpu.memory_space<semaphore_mem>>)
      %add3A_291 = arith.constant 9 : i32
      %add3A_292 = arith.addi %mul3A_184, %add3A_291 : i32
      %dma_start3A_293 = arith.constant 1250 : i32
      %dma_start3A_294 = arith.constant 0 : i32
      %dma_start3A_295 = tpu.memref_slice %arg10[%dma_start3A_293, %dma_start3A_294] : memref<1600x32xf32, #tpu.memory_space<vmem>> -> memref<50x32xf32, #tpu.memory_space<vmem>>
      %dma_start3A_296 = arith.constant 0 : i32
      %dma_start3A_297 = tpu.memref_slice %arg8[%add3A_292, %dma_start3A_296] : memref<512x50xi32, #tpu.memory_space<vmem>> -> memref<1x50xi32, #tpu.memory_space<vmem>>
      %dma_start3A_298 = tpu.memref_squeeze %dma_start3A_297 : memref<1x50xi32, #tpu.memory_space<vmem>> -> memref<50xi32, #tpu.memory_space<vmem>>
      %dma_start3A_299 = arith.constant 0 : i32
      %dma_start3A_300 = arith.constant 0 : i32
      %dma_start3A_301 = tpu.memref_slice %arg5[%dma_start3A_299, %dma_start3A_300] : memref<1000000x32xf32, #tpu.memory_space<hbm>> -> memref<1000000x32xf32, #tpu.memory_space<hbm>>
      tpu.enqueue_indirect_dma source(%dma_start3A_301 : memref<1000000x32xf32, #tpu.memory_space<hbm>>) target(%dma_start3A_295 : memref<50x32xf32, #tpu.memory_space<vmem>>) offsets(%dma_start3A_298 : memref<50xi32, #tpu.memory_space<vmem>>) semaphore(%arg15 : memref<!tpu.dma_semaphore, #tpu.memory_space<semaphore_mem>>)
      %add3A_302 = arith.constant 10 : i32
      %add3A_303 = arith.addi %mul3A_184, %add3A_302 : i32
      %dma_start3A_304 = arith.constant 1300 : i32
      %dma_start3A_305 = arith.constant 0 : i32
      %dma_start3A_306 = tpu.memref_slice %arg10[%dma_start3A_304, %dma_start3A_305] : memref<1600x32xf32, #tpu.memory_space<vmem>> -> memref<50x32xf32, #tpu.memory_space<vmem>>
      %dma_start3A_307 = arith.constant 0 : i32
      %dma_start3A_308 = tpu.memref_slice %arg8[%add3A_303, %dma_start3A_307] : memref<512x50xi32, #tpu.memory_space<vmem>> -> memref<1x50xi32, #tpu.memory_space<vmem>>
      %dma_start3A_309 = tpu.memref_squeeze %dma_start3A_308 : memref<1x50xi32, #tpu.memory_space<vmem>> -> memref<50xi32, #tpu.memory_space<vmem>>
      %dma_start3A_310 = arith.constant 0 : i32
      %dma_start3A_311 = arith.constant 0 : i32
      %dma_start3A_312 = tpu.memref_slice %arg5[%dma_start3A_310, %dma_start3A_311] : memref<1000000x32xf32, #tpu.memory_space<hbm>> -> memref<1000000x32xf32, #tpu.memory_space<hbm>>
      tpu.enqueue_indirect_dma source(%dma_start3A_312 : memref<1000000x32xf32, #tpu.memory_space<hbm>>) target(%dma_start3A_306 : memref<50x32xf32, #tpu.memory_space<vmem>>) offsets(%dma_start3A_309 : memref<50xi32, #tpu.memory_space<vmem>>) semaphore(%arg15 : memref<!tpu.dma_semaphore, #tpu.memory_space<semaphore_mem>>)
      %add3A_313 = arith.constant 11 : i32
      %add3A_314 = arith.addi %mul3A_184, %add3A_313 : i32
      %dma_start3A_315 = arith.constant 1350 : i32
      %dma_start3A_316 = arith.constant 0 : i32
      %dma_start3A_317 = tpu.memref_slice %arg10[%dma_start3A_315, %dma_start3A_316] : memref<1600x32xf32, #tpu.memory_space<vmem>> -> memref<50x32xf32, #tpu.memory_space<vmem>>
      %dma_start3A_318 = arith.constant 0 : i32
      %dma_start3A_319 = tpu.memref_slice %arg8[%add3A_314, %dma_start3A_318] : memref<512x50xi32, #tpu.memory_space<vmem>> -> memref<1x50xi32, #tpu.memory_space<vmem>>
      %dma_start3A_320 = tpu.memref_squeeze %dma_start3A_319 : memref<1x50xi32, #tpu.memory_space<vmem>> -> memref<50xi32, #tpu.memory_space<vmem>>
      %dma_start3A_321 = arith.constant 0 : i32
      %dma_start3A_322 = arith.constant 0 : i32
      %dma_start3A_323 = tpu.memref_slice %arg5[%dma_start3A_321, %dma_start3A_322] : memref<1000000x32xf32, #tpu.memory_space<hbm>> -> memref<1000000x32xf32, #tpu.memory_space<hbm>>
      tpu.enqueue_indirect_dma source(%dma_start3A_323 : memref<1000000x32xf32, #tpu.memory_space<hbm>>) target(%dma_start3A_317 : memref<50x32xf32, #tpu.memory_space<vmem>>) offsets(%dma_start3A_320 : memref<50xi32, #tpu.memory_space<vmem>>) semaphore(%arg15 : memref<!tpu.dma_semaphore, #tpu.memory_space<semaphore_mem>>)
      %add3A_324 = arith.constant 12 : i32
      %add3A_325 = arith.addi %mul3A_184, %add3A_324 : i32
      %dma_start3A_326 = arith.constant 1400 : i32
      %dma_start3A_327 = arith.constant 0 : i32
      %dma_start3A_328 = tpu.memref_slice %arg10[%dma_start3A_326, %dma_start3A_327] : memref<1600x32xf32, #tpu.memory_space<vmem>> -> memref<50x32xf32, #tpu.memory_space<vmem>>
      %dma_start3A_329 = arith.constant 0 : i32
      %dma_start3A_330 = tpu.memref_slice %arg8[%add3A_325, %dma_start3A_329] : memref<512x50xi32, #tpu.memory_space<vmem>> -> memref<1x50xi32, #tpu.memory_space<vmem>>
      %dma_start3A_331 = tpu.memref_squeeze %dma_start3A_330 : memref<1x50xi32, #tpu.memory_space<vmem>> -> memref<50xi32, #tpu.memory_space<vmem>>
      %dma_start3A_332 = arith.constant 0 : i32
      %dma_start3A_333 = arith.constant 0 : i32
      %dma_start3A_334 = tpu.memref_slice %arg5[%dma_start3A_332, %dma_start3A_333] : memref<1000000x32xf32, #tpu.memory_space<hbm>> -> memref<1000000x32xf32, #tpu.memory_space<hbm>>
      tpu.enqueue_indirect_dma source(%dma_start3A_334 : memref<1000000x32xf32, #tpu.memory_space<hbm>>) target(%dma_start3A_328 : memref<50x32xf32, #tpu.memory_space<vmem>>) offsets(%dma_start3A_331 : memref<50xi32, #tpu.memory_space<vmem>>) semaphore(%arg15 : memref<!tpu.dma_semaphore, #tpu.memory_space<semaphore_mem>>)
      %add3A_335 = arith.constant 13 : i32
      %add3A_336 = arith.addi %mul3A_184, %add3A_335 : i32
      %dma_start3A_337 = arith.constant 1450 : i32
      %dma_start3A_338 = arith.constant 0 : i32
      %dma_start3A_339 = tpu.memref_slice %arg10[%dma_start3A_337, %dma_start3A_338] : memref<1600x32xf32, #tpu.memory_space<vmem>> -> memref<50x32xf32, #tpu.memory_space<vmem>>
      %dma_start3A_340 = arith.constant 0 : i32
      %dma_start3A_341 = tpu.memref_slice %arg8[%add3A_336, %dma_start3A_340] : memref<512x50xi32, #tpu.memory_space<vmem>> -> memref<1x50xi32, #tpu.memory_space<vmem>>
      %dma_start3A_342 = tpu.memref_squeeze %dma_start3A_341 : memref<1x50xi32, #tpu.memory_space<vmem>> -> memref<50xi32, #tpu.memory_space<vmem>>
      %dma_start3A_343 = arith.constant 0 : i32
      %dma_start3A_344 = arith.constant 0 : i32
      %dma_start3A_345 = tpu.memref_slice %arg5[%dma_start3A_343, %dma_start3A_344] : memref<1000000x32xf32, #tpu.memory_space<hbm>> -> memref<1000000x32xf32, #tpu.memory_space<hbm>>
      tpu.enqueue_indirect_dma source(%dma_start3A_345 : memref<1000000x32xf32, #tpu.memory_space<hbm>>) target(%dma_start3A_339 : memref<50x32xf32, #tpu.memory_space<vmem>>) offsets(%dma_start3A_342 : memref<50xi32, #tpu.memory_space<vmem>>) semaphore(%arg15 : memref<!tpu.dma_semaphore, #tpu.memory_space<semaphore_mem>>)
      %add3A_346 = arith.constant 14 : i32
      %add3A_347 = arith.addi %mul3A_184, %add3A_346 : i32
      %dma_start3A_348 = arith.constant 1500 : i32
      %dma_start3A_349 = arith.constant 0 : i32
      %dma_start3A_350 = tpu.memref_slice %arg10[%dma_start3A_348, %dma_start3A_349] : memref<1600x32xf32, #tpu.memory_space<vmem>> -> memref<50x32xf32, #tpu.memory_space<vmem>>
      %dma_start3A_351 = arith.constant 0 : i32
      %dma_start3A_352 = tpu.memref_slice %arg8[%add3A_347, %dma_start3A_351] : memref<512x50xi32, #tpu.memory_space<vmem>> -> memref<1x50xi32, #tpu.memory_space<vmem>>
      %dma_start3A_353 = tpu.memref_squeeze %dma_start3A_352 : memref<1x50xi32, #tpu.memory_space<vmem>> -> memref<50xi32, #tpu.memory_space<vmem>>
      %dma_start3A_354 = arith.constant 0 : i32
      %dma_start3A_355 = arith.constant 0 : i32
      %dma_start3A_356 = tpu.memref_slice %arg5[%dma_start3A_354, %dma_start3A_355] : memref<1000000x32xf32, #tpu.memory_space<hbm>> -> memref<1000000x32xf32, #tpu.memory_space<hbm>>
      tpu.enqueue_indirect_dma source(%dma_start3A_356 : memref<1000000x32xf32, #tpu.memory_space<hbm>>) target(%dma_start3A_350 : memref<50x32xf32, #tpu.memory_space<vmem>>) offsets(%dma_start3A_353 : memref<50xi32, #tpu.memory_space<vmem>>) semaphore(%arg15 : memref<!tpu.dma_semaphore, #tpu.memory_space<semaphore_mem>>)
      %add3A_357 = arith.constant 15 : i32
      %add3A_358 = arith.addi %mul3A_184, %add3A_357 : i32
      %dma_start3A_359 = arith.constant 1550 : i32
      %dma_start3A_360 = arith.constant 0 : i32
      %dma_start3A_361 = tpu.memref_slice %arg10[%dma_start3A_359, %dma_start3A_360] : memref<1600x32xf32, #tpu.memory_space<vmem>> -> memref<50x32xf32, #tpu.memory_space<vmem>>
      %dma_start3A_362 = arith.constant 0 : i32
      %dma_start3A_363 = tpu.memref_slice %arg8[%add3A_358, %dma_start3A_362] : memref<512x50xi32, #tpu.memory_space<vmem>> -> memref<1x50xi32, #tpu.memory_space<vmem>>
      %dma_start3A_364 = tpu.memref_squeeze %dma_start3A_363 : memref<1x50xi32, #tpu.memory_space<vmem>> -> memref<50xi32, #tpu.memory_space<vmem>>
      %dma_start3A_365 = arith.constant 0 : i32
      %dma_start3A_366 = arith.constant 0 : i32
      %dma_start3A_367 = tpu.memref_slice %arg5[%dma_start3A_365, %dma_start3A_366] : memref<1000000x32xf32, #tpu.memory_space<hbm>> -> memref<1000000x32xf32, #tpu.memory_space<hbm>>
      tpu.enqueue_indirect_dma source(%dma_start3A_367 : memref<1000000x32xf32, #tpu.memory_space<hbm>>) target(%dma_start3A_361 : memref<50x32xf32, #tpu.memory_space<vmem>>) offsets(%dma_start3A_364 : memref<50xi32, #tpu.memory_space<vmem>>) semaphore(%arg15 : memref<!tpu.dma_semaphore, #tpu.memory_space<semaphore_mem>>)
      %dma_wait3A = arith.constant 0 : i32
      %dma_wait3A_368 = arith.constant 0 : i32
      %dma_wait3A_369 = tpu.memref_slice %arg9[%dma_wait3A, %dma_wait3A_368] : memref<32x32xf32, #tpu.memory_space<vmem>> -> memref<16x32xf32, #tpu.memory_space<vmem>>
      %dma_wait3A_370 = arith.constant 0 : i32
      %dma_wait3A_371 = arith.constant 0 : i32
      %dma_wait3A_372 = tpu.memref_slice %arg4[%dma_wait3A_370, %dma_wait3A_371] : memref<1000000x32xf32, #tpu.memory_space<hbm>> -> memref<16x32xf32, #tpu.memory_space<hbm>>
      %dma_wait3A_373 = arith.constant 0 : i32
      %dma_wait3A_374 = arith.constant 0 : i32
      %dma_wait3A_375 = tpu.memref_slice %arg9[%dma_wait3A_373, %dma_wait3A_374] : memref<32x32xf32, #tpu.memory_space<vmem>> -> memref<16x32xf32, #tpu.memory_space<vmem>>
      %dma_wait3A_376 = arith.constant 0 : i32
      %dma_wait3A_377 = arith.constant 0 : i32
      %dma_wait3A_378 = tpu.memref_slice %arg4[%dma_wait3A_376, %dma_wait3A_377] : memref<1000000x32xf32, #tpu.memory_space<hbm>> -> memref<16x32xf32, #tpu.memory_space<hbm>>
      tpu.wait_dma2 semaphore(%arg12 : memref<!tpu.dma_semaphore, #tpu.memory_space<semaphore_mem>>) src(%dma_wait3A_378 : memref<16x32xf32, #tpu.memory_space<hbm>>) dst(%dma_wait3A_375 : memref<16x32xf32, #tpu.memory_space<vmem>>)
      %dma_wait3A_379 = arith.constant 0 : i32
      %dma_wait3A_380 = arith.constant 0 : i32
      %dma_wait3A_381 = tpu.memref_slice %arg10[%dma_wait3A_379, %dma_wait3A_380] : memref<1600x32xf32, #tpu.memory_space<vmem>> -> memref<800x32xf32, #tpu.memory_space<vmem>>
      %dma_wait3A_382 = arith.constant 0 : i32
      %dma_wait3A_383 = arith.constant 0 : i32
      %dma_wait3A_384 = tpu.memref_slice %arg5[%dma_wait3A_382, %dma_wait3A_383] : memref<1000000x32xf32, #tpu.memory_space<hbm>> -> memref<800x32xf32, #tpu.memory_space<hbm>>
      %dma_wait3A_385 = arith.constant 0 : i32
      %dma_wait3A_386 = arith.constant 0 : i32
      %dma_wait3A_387 = tpu.memref_slice %arg10[%dma_wait3A_385, %dma_wait3A_386] : memref<1600x32xf32, #tpu.memory_space<vmem>> -> memref<800x32xf32, #tpu.memory_space<vmem>>
      %dma_wait3A_388 = arith.constant 0 : i32
      %dma_wait3A_389 = arith.constant 0 : i32
      %dma_wait3A_390 = tpu.memref_slice %arg5[%dma_wait3A_388, %dma_wait3A_389] : memref<1000000x32xf32, #tpu.memory_space<hbm>> -> memref<800x32xf32, #tpu.memory_space<hbm>>
      tpu.wait_dma2 semaphore(%arg14 : memref<!tpu.dma_semaphore, #tpu.memory_space<semaphore_mem>>) src(%dma_wait3A_390 : memref<800x32xf32, #tpu.memory_space<hbm>>) dst(%dma_wait3A_387 : memref<800x32xf32, #tpu.memory_space<vmem>>)
      %add3A_391 = arith.constant 0 : i32
      %add3A_392 = vector.broadcast %add3A_391 : i32 to vector<16xi32>
      %add3A_393 = arith.addi %iota3A, %add3A_392 : vector<16xi32>
      %add3A_394 = arith.constant 0 : i32
      %add3A_395 = vector.broadcast %add3A_394 : i32 to vector<16xi32>
      %add3A_396 = arith.addi %mul3A_5, %add3A_395 : vector<16xi32>
      %add3A_397 = arith.constant 0 : i32
      %add3A_398 = vector.broadcast %add3A_397 : i32 to vector<16xi32>
      %add3A_399 = arith.addi %iota3A, %add3A_398 : vector<16xi32>
      %and3A = arith.constant 15 : i32
      %and3A_400 = vector.broadcast %and3A : i32 to vector<16xi32>
      %and3A_401 = arith.andi %add3A_399, %and3A_400 : vector<16xi32>
      %add3A_402 = arith.constant 0 : i32
      %add3A_403 = vector.broadcast %add3A_402 : i32 to vector<16xi32>
      %add3A_404 = arith.addi %and3A_401, %add3A_403 : vector<16xi32>
      %add3A_405 = arith.constant 1 : i32
      %add3A_406 = vector.broadcast %add3A_405 : i32 to vector<16xi32>
      %add3A_407 = arith.addi %iota3A, %add3A_406 : vector<16xi32>
      %and3A_408 = arith.constant 15 : i32
      %and3A_409 = vector.broadcast %and3A_408 : i32 to vector<16xi32>
      %and3A_410 = arith.andi %add3A_407, %and3A_409 : vector<16xi32>
      %add3A_411 = arith.constant 0 : i32
      %add3A_412 = vector.broadcast %add3A_411 : i32 to vector<16xi32>
      %add3A_413 = arith.addi %and3A_410, %add3A_412 : vector<16xi32>
      %add3A_414 = arith.constant 2 : i32
      %add3A_415 = vector.broadcast %add3A_414 : i32 to vector<16xi32>
      %add3A_416 = arith.addi %iota3A, %add3A_415 : vector<16xi32>
      %and3A_417 = arith.constant 15 : i32
      %and3A_418 = vector.broadcast %and3A_417 : i32 to vector<16xi32>
      %and3A_419 = arith.andi %add3A_416, %and3A_418 : vector<16xi32>
      %add3A_420 = arith.constant 0 : i32
      %add3A_421 = vector.broadcast %add3A_420 : i32 to vector<16xi32>
      %add3A_422 = arith.addi %and3A_419, %add3A_421 : vector<16xi32>
      %add3A_423 = arith.constant 3 : i32
      %add3A_424 = vector.broadcast %add3A_423 : i32 to vector<16xi32>
      %add3A_425 = arith.addi %iota3A, %add3A_424 : vector<16xi32>
      %and3A_426 = arith.constant 15 : i32
      %and3A_427 = vector.broadcast %and3A_426 : i32 to vector<16xi32>
      %and3A_428 = arith.andi %add3A_425, %and3A_427 : vector<16xi32>
      %add3A_429 = arith.constant 0 : i32
      %add3A_430 = vector.broadcast %add3A_429 : i32 to vector<16xi32>
      %add3A_431 = arith.addi %and3A_428, %add3A_430 : vector<16xi32>
      %add3A_432 = arith.constant 4 : i32
      %add3A_433 = vector.broadcast %add3A_432 : i32 to vector<16xi32>
      %add3A_434 = arith.addi %iota3A, %add3A_433 : vector<16xi32>
      %and3A_435 = arith.constant 15 : i32
      %and3A_436 = vector.broadcast %and3A_435 : i32 to vector<16xi32>
      %and3A_437 = arith.andi %add3A_434, %and3A_436 : vector<16xi32>
      %add3A_438 = arith.constant 0 : i32
      %add3A_439 = vector.broadcast %add3A_438 : i32 to vector<16xi32>
      %add3A_440 = arith.addi %and3A_437, %add3A_439 : vector<16xi32>
      %add3A_441 = arith.constant 5 : i32
      %add3A_442 = vector.broadcast %add3A_441 : i32 to vector<16xi32>
      %add3A_443 = arith.addi %iota3A, %add3A_442 : vector<16xi32>
      %and3A_444 = arith.constant 15 : i32
      %and3A_445 = vector.broadcast %and3A_444 : i32 to vector<16xi32>
      %and3A_446 = arith.andi %add3A_443, %and3A_445 : vector<16xi32>
      %add3A_447 = arith.constant 0 : i32
      %add3A_448 = vector.broadcast %add3A_447 : i32 to vector<16xi32>
      %add3A_449 = arith.addi %and3A_446, %add3A_448 : vector<16xi32>
      %add3A_450 = arith.constant 6 : i32
      %add3A_451 = vector.broadcast %add3A_450 : i32 to vector<16xi32>
      %add3A_452 = arith.addi %iota3A, %add3A_451 : vector<16xi32>
      %and3A_453 = arith.constant 15 : i32
      %and3A_454 = vector.broadcast %and3A_453 : i32 to vector<16xi32>
      %and3A_455 = arith.andi %add3A_452, %and3A_454 : vector<16xi32>
      %add3A_456 = arith.constant 0 : i32
      %add3A_457 = vector.broadcast %add3A_456 : i32 to vector<16xi32>
      %add3A_458 = arith.addi %and3A_455, %add3A_457 : vector<16xi32>
      %add3A_459 = arith.constant 7 : i32
      %add3A_460 = vector.broadcast %add3A_459 : i32 to vector<16xi32>
      %add3A_461 = arith.addi %iota3A, %add3A_460 : vector<16xi32>
      %and3A_462 = arith.constant 15 : i32
      %and3A_463 = vector.broadcast %and3A_462 : i32 to vector<16xi32>
      %and3A_464 = arith.andi %add3A_461, %and3A_463 : vector<16xi32>
      %add3A_465 = arith.constant 0 : i32
      %add3A_466 = vector.broadcast %add3A_465 : i32 to vector<16xi32>
      %add3A_467 = arith.addi %and3A_464, %add3A_466 : vector<16xi32>
      %add3A_468 = arith.constant 8 : i32
      %add3A_469 = vector.broadcast %add3A_468 : i32 to vector<16xi32>
      %add3A_470 = arith.addi %iota3A, %add3A_469 : vector<16xi32>
      %and3A_471 = arith.constant 15 : i32
      %and3A_472 = vector.broadcast %and3A_471 : i32 to vector<16xi32>
      %and3A_473 = arith.andi %add3A_470, %and3A_472 : vector<16xi32>
      %add3A_474 = arith.constant 0 : i32
      %add3A_475 = vector.broadcast %add3A_474 : i32 to vector<16xi32>
      %add3A_476 = arith.addi %and3A_473, %add3A_475 : vector<16xi32>
      %add3A_477 = arith.constant 9 : i32
      %add3A_478 = vector.broadcast %add3A_477 : i32 to vector<16xi32>
      %add3A_479 = arith.addi %iota3A, %add3A_478 : vector<16xi32>
      %and3A_480 = arith.constant 15 : i32
      %and3A_481 = vector.broadcast %and3A_480 : i32 to vector<16xi32>
      %and3A_482 = arith.andi %add3A_479, %and3A_481 : vector<16xi32>
      %add3A_483 = arith.constant 0 : i32
      %add3A_484 = vector.broadcast %add3A_483 : i32 to vector<16xi32>
      %add3A_485 = arith.addi %and3A_482, %add3A_484 : vector<16xi32>
      %add3A_486 = arith.constant 10 : i32
      %add3A_487 = vector.broadcast %add3A_486 : i32 to vector<16xi32>
      %add3A_488 = arith.addi %iota3A, %add3A_487 : vector<16xi32>
      %and3A_489 = arith.constant 15 : i32
      %and3A_490 = vector.broadcast %and3A_489 : i32 to vector<16xi32>
      %and3A_491 = arith.andi %add3A_488, %and3A_490 : vector<16xi32>
      %add3A_492 = arith.constant 0 : i32
      %add3A_493 = vector.broadcast %add3A_492 : i32 to vector<16xi32>
      %add3A_494 = arith.addi %and3A_491, %add3A_493 : vector<16xi32>
      %add3A_495 = arith.constant 11 : i32
      %add3A_496 = vector.broadcast %add3A_495 : i32 to vector<16xi32>
      %add3A_497 = arith.addi %iota3A, %add3A_496 : vector<16xi32>
      %and3A_498 = arith.constant 15 : i32
      %and3A_499 = vector.broadcast %and3A_498 : i32 to vector<16xi32>
      %and3A_500 = arith.andi %add3A_497, %and3A_499 : vector<16xi32>
      %add3A_501 = arith.constant 0 : i32
      %add3A_502 = vector.broadcast %add3A_501 : i32 to vector<16xi32>
      %add3A_503 = arith.addi %and3A_500, %add3A_502 : vector<16xi32>
      %add3A_504 = arith.constant 12 : i32
      %add3A_505 = vector.broadcast %add3A_504 : i32 to vector<16xi32>
      %add3A_506 = arith.addi %iota3A, %add3A_505 : vector<16xi32>
      %and3A_507 = arith.constant 15 : i32
      %and3A_508 = vector.broadcast %and3A_507 : i32 to vector<16xi32>
      %and3A_509 = arith.andi %add3A_506, %and3A_508 : vector<16xi32>
      %add3A_510 = arith.constant 0 : i32
      %add3A_511 = vector.broadcast %add3A_510 : i32 to vector<16xi32>
      %add3A_512 = arith.addi %and3A_509, %add3A_511 : vector<16xi32>
      %add3A_513 = arith.constant 13 : i32
      %add3A_514 = vector.broadcast %add3A_513 : i32 to vector<16xi32>
      %add3A_515 = arith.addi %iota3A, %add3A_514 : vector<16xi32>
      %and3A_516 = arith.constant 15 : i32
      %and3A_517 = vector.broadcast %and3A_516 : i32 to vector<16xi32>
      %and3A_518 = arith.andi %add3A_515, %and3A_517 : vector<16xi32>
      %add3A_519 = arith.constant 0 : i32
      %add3A_520 = vector.broadcast %add3A_519 : i32 to vector<16xi32>
      %add3A_521 = arith.addi %and3A_518, %add3A_520 : vector<16xi32>
      %add3A_522 = arith.constant 14 : i32
      %add3A_523 = vector.broadcast %add3A_522 : i32 to vector<16xi32>
      %add3A_524 = arith.addi %iota3A, %add3A_523 : vector<16xi32>
      %and3A_525 = arith.constant 15 : i32
      %and3A_526 = vector.broadcast %and3A_525 : i32 to vector<16xi32>
      %and3A_527 = arith.andi %add3A_524, %and3A_526 : vector<16xi32>
      %add3A_528 = arith.constant 0 : i32
      %add3A_529 = vector.broadcast %add3A_528 : i32 to vector<16xi32>
      %add3A_530 = arith.addi %and3A_527, %add3A_529 : vector<16xi32>
      %add3A_531 = arith.constant 15 : i32
      %add3A_532 = vector.broadcast %add3A_531 : i32 to vector<16xi32>
      %add3A_533 = arith.addi %iota3A, %add3A_532 : vector<16xi32>
      %and3A_534 = arith.constant 15 : i32
      %and3A_535 = vector.broadcast %and3A_534 : i32 to vector<16xi32>
      %and3A_536 = arith.andi %add3A_533, %and3A_535 : vector<16xi32>
      %add3A_537 = arith.constant 0 : i32
      %add3A_538 = vector.broadcast %add3A_537 : i32 to vector<16xi32>
      %add3A_539 = arith.addi %and3A_536, %add3A_538 : vector<16xi32>
      %gather3A = tpu.vector_load_idx %arg9[%add3A_393, %add3A_404] : memref<32x32xf32, #tpu.memory_space<vmem>>[vector<16xi32>, vector<16xi32>], vector<16xf32>,
      %gather3A_540 = tpu.vector_load_idx %arg9[%add3A_393, %add3A_413] : memref<32x32xf32, #tpu.memory_space<vmem>>[vector<16xi32>, vector<16xi32>], vector<16xf32>,
      %gather3A_541 = tpu.vector_load_idx %arg9[%add3A_393, %add3A_422] : memref<32x32xf32, #tpu.memory_space<vmem>>[vector<16xi32>, vector<16xi32>], vector<16xf32>,
      %gather3A_542 = tpu.vector_load_idx %arg9[%add3A_393, %add3A_431] : memref<32x32xf32, #tpu.memory_space<vmem>>[vector<16xi32>, vector<16xi32>], vector<16xf32>,
      %gather3A_543 = tpu.vector_load_idx %arg9[%add3A_393, %add3A_440] : memref<32x32xf32, #tpu.memory_space<vmem>>[vector<16xi32>, vector<16xi32>], vector<16xf32>,
      %gather3A_544 = tpu.vector_load_idx %arg9[%add3A_393, %add3A_449] : memref<32x32xf32, #tpu.memory_space<vmem>>[vector<16xi32>, vector<16xi32>], vector<16xf32>,
      %gather3A_545 = tpu.vector_load_idx %arg9[%add3A_393, %add3A_458] : memref<32x32xf32, #tpu.memory_space<vmem>>[vector<16xi32>, vector<16xi32>], vector<16xf32>,
      %gather3A_546 = tpu.vector_load_idx %arg9[%add3A_393, %add3A_467] : memref<32x32xf32, #tpu.memory_space<vmem>>[vector<16xi32>, vector<16xi32>], vector<16xf32>,
      %gather3A_547 = tpu.vector_load_idx %arg9[%add3A_393, %add3A_476] : memref<32x32xf32, #tpu.memory_space<vmem>>[vector<16xi32>, vector<16xi32>], vector<16xf32>,
      %gather3A_548 = tpu.vector_load_idx %arg9[%add3A_393, %add3A_485] : memref<32x32xf32, #tpu.memory_space<vmem>>[vector<16xi32>, vector<16xi32>], vector<16xf32>,
      %gather3A_549 = tpu.vector_load_idx %arg9[%add3A_393, %add3A_494] : memref<32x32xf32, #tpu.memory_space<vmem>>[vector<16xi32>, vector<16xi32>], vector<16xf32>,
      %gather3A_550 = tpu.vector_load_idx %arg9[%add3A_393, %add3A_503] : memref<32x32xf32, #tpu.memory_space<vmem>>[vector<16xi32>, vector<16xi32>], vector<16xf32>,
      %gather3A_551 = tpu.vector_load_idx %arg9[%add3A_393, %add3A_512] : memref<32x32xf32, #tpu.memory_space<vmem>>[vector<16xi32>, vector<16xi32>], vector<16xf32>,
      %gather3A_552 = tpu.vector_load_idx %arg9[%add3A_393, %add3A_521] : memref<32x32xf32, #tpu.memory_space<vmem>>[vector<16xi32>, vector<16xi32>], vector<16xf32>,
      %gather3A_553 = tpu.vector_load_idx %arg9[%add3A_393, %add3A_530] : memref<32x32xf32, #tpu.memory_space<vmem>>[vector<16xi32>, vector<16xi32>], vector<16xf32>,
      %gather3A_554 = tpu.vector_load_idx %arg9[%add3A_393, %add3A_539] : memref<32x32xf32, #tpu.memory_space<vmem>>[vector<16xi32>, vector<16xi32>], vector<16xf32>,
      %scan3A_555 = arith.constant 0 : i32
      %scan3A_556 = arith.constant 0 : i32
      %scan3A_557 = arith.constant 25 : i32
      %scan3A_558 = arith.addi %scan3A_556, %scan3A_557 : i32
      %scan3A_559 = arith.constant 1 : i32
      scf.for %scan3A_1101 = %scan3A_556 to %scan3A_558 step %scan3A_559  : i32 {
        %mul3A_1102 = arith.constant 2 : i32
        %mul3A_1103 = arith.muli %scan3A_1101, %mul3A_1102 : i32
        %add3A_1104 = arith.constant 0 : i32
        %add3A_1105 = arith.addi %mul3A_1103, %add3A_1104 : i32
        %add3A_1106 = vector.broadcast %add3A_1105 : i32 to vector<16xi32>
        %add3A_1107 = arith.addi %add3A_396, %add3A_1106 : vector<16xi32>
        %gather3A_1108 = tpu.vector_load_idx %arg10[%add3A_1107, %add3A_404] : memref<1600x32xf32, #tpu.memory_space<vmem>>[vector<16xi32>, vector<16xi32>], vector<16xf32>,
        %mul3A_1109 = arith.mulf %gather3A_1108, %gather3A : vector<16xf32>
        %gather3A_1110 = tpu.vector_load_idx %arg10[%add3A_1107, %add3A_413] : memref<1600x32xf32, #tpu.memory_space<vmem>>[vector<16xi32>, vector<16xi32>], vector<16xf32>,
        %mul3A_1111 = arith.mulf %gather3A_1110, %gather3A_540 : vector<16xf32>
        %gather3A_1112 = tpu.vector_load_idx %arg10[%add3A_1107, %add3A_422] : memref<1600x32xf32, #tpu.memory_space<vmem>>[vector<16xi32>, vector<16xi32>], vector<16xf32>,
        %mul3A_1113 = arith.mulf %gather3A_1112, %gather3A_541 : vector<16xf32>
        %gather3A_1114 = tpu.vector_load_idx %arg10[%add3A_1107, %add3A_431] : memref<1600x32xf32, #tpu.memory_space<vmem>>[vector<16xi32>, vector<16xi32>], vector<16xf32>,
        %mul3A_1115 = arith.mulf %gather3A_1114, %gather3A_542 : vector<16xf32>
        %gather3A_1116 = tpu.vector_load_idx %arg10[%add3A_1107, %add3A_440] : memref<1600x32xf32, #tpu.memory_space<vmem>>[vector<16xi32>, vector<16xi32>], vector<16xf32>,
        %mul3A_1117 = arith.mulf %gather3A_1116, %gather3A_543 : vector<16xf32>
        %add3A_1118 = arith.addf %mul3A_1109, %mul3A_1117 : vector<16xf32>
        %gather3A_1119 = tpu.vector_load_idx %arg10[%add3A_1107, %add3A_449] : memref<1600x32xf32, #tpu.memory_space<vmem>>[vector<16xi32>, vector<16xi32>], vector<16xf32>,
        %mul3A_1120 = arith.mulf %gather3A_1119, %gather3A_544 : vector<16xf32>
        %add3A_1121 = arith.addf %mul3A_1111, %mul3A_1120 : vector<16xf32>
        %gather3A_1122 = tpu.vector_load_idx %arg10[%add3A_1107, %add3A_458] : memref<1600x32xf32, #tpu.memory_space<vmem>>[vector<16xi32>, vector<16xi32>], vector<16xf32>,
        %mul3A_1123 = arith.mulf %gather3A_1122, %gather3A_545 : vector<16xf32>
        %add3A_1124 = arith.addf %mul3A_1113, %mul3A_1123 : vector<16xf32>
        %gather3A_1125 = tpu.vector_load_idx %arg10[%add3A_1107, %add3A_467] : memref<1600x32xf32, #tpu.memory_space<vmem>>[vector<16xi32>, vector<16xi32>], vector<16xf32>,
        %mul3A_1126 = arith.mulf %gather3A_1125, %gather3A_546 : vector<16xf32>
        %add3A_1127 = arith.addf %mul3A_1115, %mul3A_1126 : vector<16xf32>
        %gather3A_1128 = tpu.vector_load_idx %arg10[%add3A_1107, %add3A_476] : memref<1600x32xf32, #tpu.memory_space<vmem>>[vector<16xi32>, vector<16xi32>], vector<16xf32>,
        %mul3A_1129 = arith.mulf %gather3A_1128, %gather3A_547 : vector<16xf32>
        %add3A_1130 = arith.addf %add3A_1118, %mul3A_1129 : vector<16xf32>
        %gather3A_1131 = tpu.vector_load_idx %arg10[%add3A_1107, %add3A_485] : memref<1600x32xf32, #tpu.memory_space<vmem>>[vector<16xi32>, vector<16xi32>], vector<16xf32>,
        %mul3A_1132 = arith.mulf %gather3A_1131, %gather3A_548 : vector<16xf32>
        %add3A_1133 = arith.addf %add3A_1121, %mul3A_1132 : vector<16xf32>
        %gather3A_1134 = tpu.vector_load_idx %arg10[%add3A_1107, %add3A_494] : memref<1600x32xf32, #tpu.memory_space<vmem>>[vector<16xi32>, vector<16xi32>], vector<16xf32>,
        %mul3A_1135 = arith.mulf %gather3A_1134, %gather3A_549 : vector<16xf32>
        %add3A_1136 = arith.addf %add3A_1124, %mul3A_1135 : vector<16xf32>
        %gather3A_1137 = tpu.vector_load_idx %arg10[%add3A_1107, %add3A_503] : memref<1600x32xf32, #tpu.memory_space<vmem>>[vector<16xi32>, vector<16xi32>], vector<16xf32>,
        %mul3A_1138 = arith.mulf %gather3A_1137, %gather3A_550 : vector<16xf32>
        %add3A_1139 = arith.addf %add3A_1127, %mul3A_1138 : vector<16xf32>
        %gather3A_1140 = tpu.vector_load_idx %arg10[%add3A_1107, %add3A_512] : memref<1600x32xf32, #tpu.memory_space<vmem>>[vector<16xi32>, vector<16xi32>], vector<16xf32>,
        %mul3A_1141 = arith.mulf %gather3A_1140, %gather3A_551 : vector<16xf32>
        %add3A_1142 = arith.addf %add3A_1130, %mul3A_1141 : vector<16xf32>
        %gather3A_1143 = tpu.vector_load_idx %arg10[%add3A_1107, %add3A_521] : memref<1600x32xf32, #tpu.memory_space<vmem>>[vector<16xi32>, vector<16xi32>], vector<16xf32>,
        %mul3A_1144 = arith.mulf %gather3A_1143, %gather3A_552 : vector<16xf32>
        %add3A_1145 = arith.addf %add3A_1133, %mul3A_1144 : vector<16xf32>
        %gather3A_1146 = tpu.vector_load_idx %arg10[%add3A_1107, %add3A_530] : memref<1600x32xf32, #tpu.memory_space<vmem>>[vector<16xi32>, vector<16xi32>], vector<16xf32>,
        %mul3A_1147 = arith.mulf %gather3A_1146, %gather3A_553 : vector<16xf32>
        %add3A_1148 = arith.addf %add3A_1136, %mul3A_1147 : vector<16xf32>
        %gather3A_1149 = tpu.vector_load_idx %arg10[%add3A_1107, %add3A_539] : memref<1600x32xf32, #tpu.memory_space<vmem>>[vector<16xi32>, vector<16xi32>], vector<16xf32>,
        %mul3A_1150 = arith.mulf %gather3A_1149, %gather3A_554 : vector<16xf32>
        %add3A_1151 = arith.addf %add3A_1139, %mul3A_1150 : vector<16xf32>
        %add3A_1152 = arith.addf %add3A_1142, %add3A_1145 : vector<16xf32>
        %add3A_1153 = arith.addf %add3A_1148, %add3A_1151 : vector<16xf32>
        %add3A_1154 = arith.addf %add3A_1152, %add3A_1153 : vector<16xf32>
        %swap3A = arith.index_cast %add3A_1105 : i32 to index
        %swap3A_1155 = arith.constant 0 : index
        %swap3A_1156 = tpu.vector_load %arg11[%swap3A, %swap3A_1155] {strides = array<i32>} : memref<50x16xf32, #tpu.memory_space<vmem>>, vector<16xf32>,
        tpu.vector_store %arg11[%swap3A, %swap3A_1155], %add3A_1154 {strides = array<i32>} : memref<50x16xf32, #tpu.memory_space<vmem>>, vector<16xf32>,
        %mul3A_1157 = arith.constant 2 : i32
        %mul3A_1158 = arith.muli %scan3A_1101, %mul3A_1157 : i32
        %add3A_1159 = arith.constant 1 : i32
        %add3A_1160 = arith.addi %mul3A_1158, %add3A_1159 : i32
        %add3A_1161 = vector.broadcast %add3A_1160 : i32 to vector<16xi32>
        %add3A_1162 = arith.addi %add3A_396, %add3A_1161 : vector<16xi32>
        %gather3A_1163 = tpu.vector_load_idx %arg10[%add3A_1162, %add3A_404] : memref<1600x32xf32, #tpu.memory_space<vmem>>[vector<16xi32>, vector<16xi32>], vector<16xf32>,
        %mul3A_1164 = arith.mulf %gather3A_1163, %gather3A : vector<16xf32>
        %gather3A_1165 = tpu.vector_load_idx %arg10[%add3A_1162, %add3A_413] : memref<1600x32xf32, #tpu.memory_space<vmem>>[vector<16xi32>, vector<16xi32>], vector<16xf32>,
        %mul3A_1166 = arith.mulf %gather3A_1165, %gather3A_540 : vector<16xf32>
        %gather3A_1167 = tpu.vector_load_idx %arg10[%add3A_1162, %add3A_422] : memref<1600x32xf32, #tpu.memory_space<vmem>>[vector<16xi32>, vector<16xi32>], vector<16xf32>,
        %mul3A_1168 = arith.mulf %gather3A_1167, %gather3A_541 : vector<16xf32>
        %gather3A_1169 = tpu.vector_load_idx %arg10[%add3A_1162, %add3A_431] : memref<1600x32xf32, #tpu.memory_space<vmem>>[vector<16xi32>, vector<16xi32>], vector<16xf32>,
        %mul3A_1170 = arith.mulf %gather3A_1169, %gather3A_542 : vector<16xf32>
        %gather3A_1171 = tpu.vector_load_idx %arg10[%add3A_1162, %add3A_440] : memref<1600x32xf32, #tpu.memory_space<vmem>>[vector<16xi32>, vector<16xi32>], vector<16xf32>,
        %mul3A_1172 = arith.mulf %gather3A_1171, %gather3A_543 : vector<16xf32>
        %add3A_1173 = arith.addf %mul3A_1164, %mul3A_1172 : vector<16xf32>
        %gather3A_1174 = tpu.vector_load_idx %arg10[%add3A_1162, %add3A_449] : memref<1600x32xf32, #tpu.memory_space<vmem>>[vector<16xi32>, vector<16xi32>], vector<16xf32>,
        %mul3A_1175 = arith.mulf %gather3A_1174, %gather3A_544 : vector<16xf32>
        %add3A_1176 = arith.addf %mul3A_1166, %mul3A_1175 : vector<16xf32>
        %gather3A_1177 = tpu.vector_load_idx %arg10[%add3A_1162, %add3A_458] : memref<1600x32xf32, #tpu.memory_space<vmem>>[vector<16xi32>, vector<16xi32>], vector<16xf32>,
        %mul3A_1178 = arith.mulf %gather3A_1177, %gather3A_545 : vector<16xf32>
        %add3A_1179 = arith.addf %mul3A_1168, %mul3A_1178 : vector<16xf32>
        %gather3A_1180 = tpu.vector_load_idx %arg10[%add3A_1162, %add3A_467] : memref<1600x32xf32, #tpu.memory_space<vmem>>[vector<16xi32>, vector<16xi32>], vector<16xf32>,
        %mul3A_1181 = arith.mulf %gather3A_1180, %gather3A_546 : vector<16xf32>
        %add3A_1182 = arith.addf %mul3A_1170, %mul3A_1181 : vector<16xf32>
        %gather3A_1183 = tpu.vector_load_idx %arg10[%add3A_1162, %add3A_476] : memref<1600x32xf32, #tpu.memory_space<vmem>>[vector<16xi32>, vector<16xi32>], vector<16xf32>,
        %mul3A_1184 = arith.mulf %gather3A_1183, %gather3A_547 : vector<16xf32>
        %add3A_1185 = arith.addf %add3A_1173, %mul3A_1184 : vector<16xf32>
        %gather3A_1186 = tpu.vector_load_idx %arg10[%add3A_1162, %add3A_485] : memref<1600x32xf32, #tpu.memory_space<vmem>>[vector<16xi32>, vector<16xi32>], vector<16xf32>,
        %mul3A_1187 = arith.mulf %gather3A_1186, %gather3A_548 : vector<16xf32>
        %add3A_1188 = arith.addf %add3A_1176, %mul3A_1187 : vector<16xf32>
        %gather3A_1189 = tpu.vector_load_idx %arg10[%add3A_1162, %add3A_494] : memref<1600x32xf32, #tpu.memory_space<vmem>>[vector<16xi32>, vector<16xi32>], vector<16xf32>,
        %mul3A_1190 = arith.mulf %gather3A_1189, %gather3A_549 : vector<16xf32>
        %add3A_1191 = arith.addf %add3A_1179, %mul3A_1190 : vector<16xf32>
        %gather3A_1192 = tpu.vector_load_idx %arg10[%add3A_1162, %add3A_503] : memref<1600x32xf32, #tpu.memory_space<vmem>>[vector<16xi32>, vector<16xi32>], vector<16xf32>,
        %mul3A_1193 = arith.mulf %gather3A_1192, %gather3A_550 : vector<16xf32>
        %add3A_1194 = arith.addf %add3A_1182, %mul3A_1193 : vector<16xf32>
        %gather3A_1195 = tpu.vector_load_idx %arg10[%add3A_1162, %add3A_512] : memref<1600x32xf32, #tpu.memory_space<vmem>>[vector<16xi32>, vector<16xi32>], vector<16xf32>,
        %mul3A_1196 = arith.mulf %gather3A_1195, %gather3A_551 : vector<16xf32>
        %add3A_1197 = arith.addf %add3A_1185, %mul3A_1196 : vector<16xf32>
        %gather3A_1198 = tpu.vector_load_idx %arg10[%add3A_1162, %add3A_521] : memref<1600x32xf32, #tpu.memory_space<vmem>>[vector<16xi32>, vector<16xi32>], vector<16xf32>,
        %mul3A_1199 = arith.mulf %gather3A_1198, %gather3A_552 : vector<16xf32>
        %add3A_1200 = arith.addf %add3A_1188, %mul3A_1199 : vector<16xf32>
        %gather3A_1201 = tpu.vector_load_idx %arg10[%add3A_1162, %add3A_530] : memref<1600x32xf32, #tpu.memory_space<vmem>>[vector<16xi32>, vector<16xi32>], vector<16xf32>,
        %mul3A_1202 = arith.mulf %gather3A_1201, %gather3A_553 : vector<16xf32>
        %add3A_1203 = arith.addf %add3A_1191, %mul3A_1202 : vector<16xf32>
        %gather3A_1204 = tpu.vector_load_idx %arg10[%add3A_1162, %add3A_539] : memref<1600x32xf32, #tpu.memory_space<vmem>>[vector<16xi32>, vector<16xi32>], vector<16xf32>,
        %mul3A_1205 = arith.mulf %gather3A_1204, %gather3A_554 : vector<16xf32>
        %add3A_1206 = arith.addf %add3A_1194, %mul3A_1205 : vector<16xf32>
        %add3A_1207 = arith.addf %add3A_1197, %add3A_1200 : vector<16xf32>
        %add3A_1208 = arith.addf %add3A_1203, %add3A_1206 : vector<16xf32>
        %add3A_1209 = arith.addf %add3A_1207, %add3A_1208 : vector<16xf32>
        %swap3A_1210 = arith.index_cast %add3A_1160 : i32 to index
        %swap3A_1211 = arith.constant 0 : index
        %swap3A_1212 = tpu.vector_load %arg11[%swap3A_1210, %swap3A_1211] {strides = array<i32>} : memref<50x16xf32, #tpu.memory_space<vmem>>, vector<16xf32>,
        tpu.vector_store %arg11[%swap3A_1210, %swap3A_1211], %add3A_1209 {strides = array<i32>} : memref<50x16xf32, #tpu.memory_space<vmem>>, vector<16xf32>,
      }
      %scan3A_560 = arith.constant 25 : i32
      %add3A_561 = arith.constant 0 : i32
      %add3A_562 = vector.broadcast %add3A_561 : i32 to vector<16xi32>
      %add3A_563 = arith.addi %iota3A, %add3A_562 : vector<16xi32>
      %and3A_564 = arith.constant 15 : i32
      %and3A_565 = vector.broadcast %and3A_564 : i32 to vector<16xi32>
      %and3A_566 = arith.andi %add3A_563, %and3A_565 : vector<16xi32>
      %add3A_567 = arith.constant 16 : i32
      %add3A_568 = vector.broadcast %add3A_567 : i32 to vector<16xi32>
      %add3A_569 = arith.addi %and3A_566, %add3A_568 : vector<16xi32>
      %add3A_570 = arith.constant 1 : i32
      %add3A_571 = vector.broadcast %add3A_570 : i32 to vector<16xi32>
      %add3A_572 = arith.addi %iota3A, %add3A_571 : vector<16xi32>
      %and3A_573 = arith.constant 15 : i32
      %and3A_574 = vector.broadcast %and3A_573 : i32 to vector<16xi32>
      %and3A_575 = arith.andi %add3A_572, %and3A_574 : vector<16xi32>
      %add3A_576 = arith.constant 16 : i32
      %add3A_577 = vector.broadcast %add3A_576 : i32 to vector<16xi32>
      %add3A_578 = arith.addi %and3A_575, %add3A_577 : vector<16xi32>
      %add3A_579 = arith.constant 2 : i32
      %add3A_580 = vector.broadcast %add3A_579 : i32 to vector<16xi32>
      %add3A_581 = arith.addi %iota3A, %add3A_580 : vector<16xi32>
      %and3A_582 = arith.constant 15 : i32
      %and3A_583 = vector.broadcast %and3A_582 : i32 to vector<16xi32>
      %and3A_584 = arith.andi %add3A_581, %and3A_583 : vector<16xi32>
      %add3A_585 = arith.constant 16 : i32
      %add3A_586 = vector.broadcast %add3A_585 : i32 to vector<16xi32>
      %add3A_587 = arith.addi %and3A_584, %add3A_586 : vector<16xi32>
      %add3A_588 = arith.constant 3 : i32
      %add3A_589 = vector.broadcast %add3A_588 : i32 to vector<16xi32>
      %add3A_590 = arith.addi %iota3A, %add3A_589 : vector<16xi32>
      %and3A_591 = arith.constant 15 : i32
      %and3A_592 = vector.broadcast %and3A_591 : i32 to vector<16xi32>
      %and3A_593 = arith.andi %add3A_590, %and3A_592 : vector<16xi32>
      %add3A_594 = arith.constant 16 : i32
      %add3A_595 = vector.broadcast %add3A_594 : i32 to vector<16xi32>
      %add3A_596 = arith.addi %and3A_593, %add3A_595 : vector<16xi32>
      %add3A_597 = arith.constant 4 : i32
      %add3A_598 = vector.broadcast %add3A_597 : i32 to vector<16xi32>
      %add3A_599 = arith.addi %iota3A, %add3A_598 : vector<16xi32>
      %and3A_600 = arith.constant 15 : i32
      %and3A_601 = vector.broadcast %and3A_600 : i32 to vector<16xi32>
      %and3A_602 = arith.andi %add3A_599, %and3A_601 : vector<16xi32>
      %add3A_603 = arith.constant 16 : i32
      %add3A_604 = vector.broadcast %add3A_603 : i32 to vector<16xi32>
      %add3A_605 = arith.addi %and3A_602, %add3A_604 : vector<16xi32>
      %add3A_606 = arith.constant 5 : i32
      %add3A_607 = vector.broadcast %add3A_606 : i32 to vector<16xi32>
      %add3A_608 = arith.addi %iota3A, %add3A_607 : vector<16xi32>
      %and3A_609 = arith.constant 15 : i32
      %and3A_610 = vector.broadcast %and3A_609 : i32 to vector<16xi32>
      %and3A_611 = arith.andi %add3A_608, %and3A_610 : vector<16xi32>
      %add3A_612 = arith.constant 16 : i32
      %add3A_613 = vector.broadcast %add3A_612 : i32 to vector<16xi32>
      %add3A_614 = arith.addi %and3A_611, %add3A_613 : vector<16xi32>
      %add3A_615 = arith.constant 6 : i32
      %add3A_616 = vector.broadcast %add3A_615 : i32 to vector<16xi32>
      %add3A_617 = arith.addi %iota3A, %add3A_616 : vector<16xi32>
      %and3A_618 = arith.constant 15 : i32
      %and3A_619 = vector.broadcast %and3A_618 : i32 to vector<16xi32>
      %and3A_620 = arith.andi %add3A_617, %and3A_619 : vector<16xi32>
      %add3A_621 = arith.constant 16 : i32
      %add3A_622 = vector.broadcast %add3A_621 : i32 to vector<16xi32>
      %add3A_623 = arith.addi %and3A_620, %add3A_622 : vector<16xi32>
      %add3A_624 = arith.constant 7 : i32
      %add3A_625 = vector.broadcast %add3A_624 : i32 to vector<16xi32>
      %add3A_626 = arith.addi %iota3A, %add3A_625 : vector<16xi32>
      %and3A_627 = arith.constant 15 : i32
      %and3A_628 = vector.broadcast %and3A_627 : i32 to vector<16xi32>
      %and3A_629 = arith.andi %add3A_626, %and3A_628 : vector<16xi32>
      %add3A_630 = arith.constant 16 : i32
      %add3A_631 = vector.broadcast %add3A_630 : i32 to vector<16xi32>
      %add3A_632 = arith.addi %and3A_629, %add3A_631 : vector<16xi32>
      %add3A_633 = arith.constant 8 : i32
      %add3A_634 = vector.broadcast %add3A_633 : i32 to vector<16xi32>
      %add3A_635 = arith.addi %iota3A, %add3A_634 : vector<16xi32>
      %and3A_636 = arith.constant 15 : i32
      %and3A_637 = vector.broadcast %and3A_636 : i32 to vector<16xi32>
      %and3A_638 = arith.andi %add3A_635, %and3A_637 : vector<16xi32>
      %add3A_639 = arith.constant 16 : i32
      %add3A_640 = vector.broadcast %add3A_639 : i32 to vector<16xi32>
      %add3A_641 = arith.addi %and3A_638, %add3A_640 : vector<16xi32>
      %add3A_642 = arith.constant 9 : i32
      %add3A_643 = vector.broadcast %add3A_642 : i32 to vector<16xi32>
      %add3A_644 = arith.addi %iota3A, %add3A_643 : vector<16xi32>
      %and3A_645 = arith.constant 15 : i32
      %and3A_646 = vector.broadcast %and3A_645 : i32 to vector<16xi32>
      %and3A_647 = arith.andi %add3A_644, %and3A_646 : vector<16xi32>
      %add3A_648 = arith.constant 16 : i32
      %add3A_649 = vector.broadcast %add3A_648 : i32 to vector<16xi32>
      %add3A_650 = arith.addi %and3A_647, %add3A_649 : vector<16xi32>
      %add3A_651 = arith.constant 10 : i32
      %add3A_652 = vector.broadcast %add3A_651 : i32 to vector<16xi32>
      %add3A_653 = arith.addi %iota3A, %add3A_652 : vector<16xi32>
      %and3A_654 = arith.constant 15 : i32
      %and3A_655 = vector.broadcast %and3A_654 : i32 to vector<16xi32>
      %and3A_656 = arith.andi %add3A_653, %and3A_655 : vector<16xi32>
      %add3A_657 = arith.constant 16 : i32
      %add3A_658 = vector.broadcast %add3A_657 : i32 to vector<16xi32>
      %add3A_659 = arith.addi %and3A_656, %add3A_658 : vector<16xi32>
      %add3A_660 = arith.constant 11 : i32
      %add3A_661 = vector.broadcast %add3A_660 : i32 to vector<16xi32>
      %add3A_662 = arith.addi %iota3A, %add3A_661 : vector<16xi32>
      %and3A_663 = arith.constant 15 : i32
      %and3A_664 = vector.broadcast %and3A_663 : i32 to vector<16xi32>
      %and3A_665 = arith.andi %add3A_662, %and3A_664 : vector<16xi32>
      %add3A_666 = arith.constant 16 : i32
      %add3A_667 = vector.broadcast %add3A_666 : i32 to vector<16xi32>
      %add3A_668 = arith.addi %and3A_665, %add3A_667 : vector<16xi32>
      %add3A_669 = arith.constant 12 : i32
      %add3A_670 = vector.broadcast %add3A_669 : i32 to vector<16xi32>
      %add3A_671 = arith.addi %iota3A, %add3A_670 : vector<16xi32>
      %and3A_672 = arith.constant 15 : i32
      %and3A_673 = vector.broadcast %and3A_672 : i32 to vector<16xi32>
      %and3A_674 = arith.andi %add3A_671, %and3A_673 : vector<16xi32>
      %add3A_675 = arith.constant 16 : i32
      %add3A_676 = vector.broadcast %add3A_675 : i32 to vector<16xi32>
      %add3A_677 = arith.addi %and3A_674, %add3A_676 : vector<16xi32>
      %add3A_678 = arith.constant 13 : i32
      %add3A_679 = vector.broadcast %add3A_678 : i32 to vector<16xi32>
      %add3A_680 = arith.addi %iota3A, %add3A_679 : vector<16xi32>
      %and3A_681 = arith.constant 15 : i32
      %and3A_682 = vector.broadcast %and3A_681 : i32 to vector<16xi32>
      %and3A_683 = arith.andi %add3A_680, %and3A_682 : vector<16xi32>
      %add3A_684 = arith.constant 16 : i32
      %add3A_685 = vector.broadcast %add3A_684 : i32 to vector<16xi32>
      %add3A_686 = arith.addi %and3A_683, %add3A_685 : vector<16xi32>
      %add3A_687 = arith.constant 14 : i32
      %add3A_688 = vector.broadcast %add3A_687 : i32 to vector<16xi32>
      %add3A_689 = arith.addi %iota3A, %add3A_688 : vector<16xi32>
      %and3A_690 = arith.constant 15 : i32
      %and3A_691 = vector.broadcast %and3A_690 : i32 to vector<16xi32>
      %and3A_692 = arith.andi %add3A_689, %and3A_691 : vector<16xi32>
      %add3A_693 = arith.constant 16 : i32
      %add3A_694 = vector.broadcast %add3A_693 : i32 to vector<16xi32>
      %add3A_695 = arith.addi %and3A_692, %add3A_694 : vector<16xi32>
      %add3A_696 = arith.constant 15 : i32
      %add3A_697 = vector.broadcast %add3A_696 : i32 to vector<16xi32>
      %add3A_698 = arith.addi %iota3A, %add3A_697 : vector<16xi32>
      %and3A_699 = arith.constant 15 : i32
      %and3A_700 = vector.broadcast %and3A_699 : i32 to vector<16xi32>
      %and3A_701 = arith.andi %add3A_698, %and3A_700 : vector<16xi32>
      %add3A_702 = arith.constant 16 : i32
      %add3A_703 = vector.broadcast %add3A_702 : i32 to vector<16xi32>
      %add3A_704 = arith.addi %and3A_701, %add3A_703 : vector<16xi32>
      %gather3A_705 = tpu.vector_load_idx %arg9[%add3A_393, %add3A_569] : memref<32x32xf32, #tpu.memory_space<vmem>>[vector<16xi32>, vector<16xi32>], vector<16xf32>,
      %gather3A_706 = tpu.vector_load_idx %arg9[%add3A_393, %add3A_578] : memref<32x32xf32, #tpu.memory_space<vmem>>[vector<16xi32>, vector<16xi32>], vector<16xf32>,
      %gather3A_707 = tpu.vector_load_idx %arg9[%add3A_393, %add3A_587] : memref<32x32xf32, #tpu.memory_space<vmem>>[vector<16xi32>, vector<16xi32>], vector<16xf32>,
      %gather3A_708 = tpu.vector_load_idx %arg9[%add3A_393, %add3A_596] : memref<32x32xf32, #tpu.memory_space<vmem>>[vector<16xi32>, vector<16xi32>], vector<16xf32>,
      %gather3A_709 = tpu.vector_load_idx %arg9[%add3A_393, %add3A_605] : memref<32x32xf32, #tpu.memory_space<vmem>>[vector<16xi32>, vector<16xi32>], vector<16xf32>,
      %gather3A_710 = tpu.vector_load_idx %arg9[%add3A_393, %add3A_614] : memref<32x32xf32, #tpu.memory_space<vmem>>[vector<16xi32>, vector<16xi32>], vector<16xf32>,
      %gather3A_711 = tpu.vector_load_idx %arg9[%add3A_393, %add3A_623] : memref<32x32xf32, #tpu.memory_space<vmem>>[vector<16xi32>, vector<16xi32>], vector<16xf32>,
      %gather3A_712 = tpu.vector_load_idx %arg9[%add3A_393, %add3A_632] : memref<32x32xf32, #tpu.memory_space<vmem>>[vector<16xi32>, vector<16xi32>], vector<16xf32>,
      %gather3A_713 = tpu.vector_load_idx %arg9[%add3A_393, %add3A_641] : memref<32x32xf32, #tpu.memory_space<vmem>>[vector<16xi32>, vector<16xi32>], vector<16xf32>,
      %gather3A_714 = tpu.vector_load_idx %arg9[%add3A_393, %add3A_650] : memref<32x32xf32, #tpu.memory_space<vmem>>[vector<16xi32>, vector<16xi32>], vector<16xf32>,
      %gather3A_715 = tpu.vector_load_idx %arg9[%add3A_393, %add3A_659] : memref<32x32xf32, #tpu.memory_space<vmem>>[vector<16xi32>, vector<16xi32>], vector<16xf32>,
      %gather3A_716 = tpu.vector_load_idx %arg9[%add3A_393, %add3A_668] : memref<32x32xf32, #tpu.memory_space<vmem>>[vector<16xi32>, vector<16xi32>], vector<16xf32>,
      %gather3A_717 = tpu.vector_load_idx %arg9[%add3A_393, %add3A_677] : memref<32x32xf32, #tpu.memory_space<vmem>>[vector<16xi32>, vector<16xi32>], vector<16xf32>,
      %gather3A_718 = tpu.vector_load_idx %arg9[%add3A_393, %add3A_686] : memref<32x32xf32, #tpu.memory_space<vmem>>[vector<16xi32>, vector<16xi32>], vector<16xf32>,
      %gather3A_719 = tpu.vector_load_idx %arg9[%add3A_393, %add3A_695] : memref<32x32xf32, #tpu.memory_space<vmem>>[vector<16xi32>, vector<16xi32>], vector<16xf32>,
      %gather3A_720 = tpu.vector_load_idx %arg9[%add3A_393, %add3A_704] : memref<32x32xf32, #tpu.memory_space<vmem>>[vector<16xi32>, vector<16xi32>], vector<16xf32>,
      %scan3A_721 = arith.constant 0 : i32
      %scan3A_722 = arith.constant 0 : i32
      %scan3A_723 = arith.constant 25 : i32
      %scan3A_724 = arith.addi %scan3A_722, %scan3A_723 : i32
      %scan3A_725 = arith.constant 1 : i32
      scf.for %scan3A_1101 = %scan3A_722 to %scan3A_724 step %scan3A_725  : i32 {
        %mul3A_1102 = arith.constant 2 : i32
        %mul3A_1103 = arith.muli %scan3A_1101, %mul3A_1102 : i32
        %add3A_1104 = arith.constant 0 : i32
        %add3A_1105 = arith.addi %mul3A_1103, %add3A_1104 : i32
        %add3A_1106 = vector.broadcast %add3A_1105 : i32 to vector<16xi32>
        %add3A_1107 = arith.addi %add3A_396, %add3A_1106 : vector<16xi32>
        %gather3A_1108 = tpu.vector_load_idx %arg10[%add3A_1107, %add3A_569] : memref<1600x32xf32, #tpu.memory_space<vmem>>[vector<16xi32>, vector<16xi32>], vector<16xf32>,
        %mul3A_1109 = arith.mulf %gather3A_1108, %gather3A_705 : vector<16xf32>
        %gather3A_1110 = tpu.vector_load_idx %arg10[%add3A_1107, %add3A_578] : memref<1600x32xf32, #tpu.memory_space<vmem>>[vector<16xi32>, vector<16xi32>], vector<16xf32>,
        %mul3A_1111 = arith.mulf %gather3A_1110, %gather3A_706 : vector<16xf32>
        %gather3A_1112 = tpu.vector_load_idx %arg10[%add3A_1107, %add3A_587] : memref<1600x32xf32, #tpu.memory_space<vmem>>[vector<16xi32>, vector<16xi32>], vector<16xf32>,
        %mul3A_1113 = arith.mulf %gather3A_1112, %gather3A_707 : vector<16xf32>
        %gather3A_1114 = tpu.vector_load_idx %arg10[%add3A_1107, %add3A_596] : memref<1600x32xf32, #tpu.memory_space<vmem>>[vector<16xi32>, vector<16xi32>], vector<16xf32>,
        %mul3A_1115 = arith.mulf %gather3A_1114, %gather3A_708 : vector<16xf32>
        %gather3A_1116 = tpu.vector_load_idx %arg10[%add3A_1107, %add3A_605] : memref<1600x32xf32, #tpu.memory_space<vmem>>[vector<16xi32>, vector<16xi32>], vector<16xf32>,
        %mul3A_1117 = arith.mulf %gather3A_1116, %gather3A_709 : vector<16xf32>
        %add3A_1118 = arith.addf %mul3A_1109, %mul3A_1117 : vector<16xf32>
        %gather3A_1119 = tpu.vector_load_idx %arg10[%add3A_1107, %add3A_614] : memref<1600x32xf32, #tpu.memory_space<vmem>>[vector<16xi32>, vector<16xi32>], vector<16xf32>,
        %mul3A_1120 = arith.mulf %gather3A_1119, %gather3A_710 : vector<16xf32>
        %add3A_1121 = arith.addf %mul3A_1111, %mul3A_1120 : vector<16xf32>
        %gather3A_1122 = tpu.vector_load_idx %arg10[%add3A_1107, %add3A_623] : memref<1600x32xf32, #tpu.memory_space<vmem>>[vector<16xi32>, vector<16xi32>], vector<16xf32>,
        %mul3A_1123 = arith.mulf %gather3A_1122, %gather3A_711 : vector<16xf32>
        %add3A_1124 = arith.addf %mul3A_1113, %mul3A_1123 : vector<16xf32>
        %gather3A_1125 = tpu.vector_load_idx %arg10[%add3A_1107, %add3A_632] : memref<1600x32xf32, #tpu.memory_space<vmem>>[vector<16xi32>, vector<16xi32>], vector<16xf32>,
        %mul3A_1126 = arith.mulf %gather3A_1125, %gather3A_712 : vector<16xf32>
        %add3A_1127 = arith.addf %mul3A_1115, %mul3A_1126 : vector<16xf32>
        %gather3A_1128 = tpu.vector_load_idx %arg10[%add3A_1107, %add3A_641] : memref<1600x32xf32, #tpu.memory_space<vmem>>[vector<16xi32>, vector<16xi32>], vector<16xf32>,
        %mul3A_1129 = arith.mulf %gather3A_1128, %gather3A_713 : vector<16xf32>
        %add3A_1130 = arith.addf %add3A_1118, %mul3A_1129 : vector<16xf32>
        %gather3A_1131 = tpu.vector_load_idx %arg10[%add3A_1107, %add3A_650] : memref<1600x32xf32, #tpu.memory_space<vmem>>[vector<16xi32>, vector<16xi32>], vector<16xf32>,
        %mul3A_1132 = arith.mulf %gather3A_1131, %gather3A_714 : vector<16xf32>
        %add3A_1133 = arith.addf %add3A_1121, %mul3A_1132 : vector<16xf32>
        %gather3A_1134 = tpu.vector_load_idx %arg10[%add3A_1107, %add3A_659] : memref<1600x32xf32, #tpu.memory_space<vmem>>[vector<16xi32>, vector<16xi32>], vector<16xf32>,
        %mul3A_1135 = arith.mulf %gather3A_1134, %gather3A_715 : vector<16xf32>
        %add3A_1136 = arith.addf %add3A_1124, %mul3A_1135 : vector<16xf32>
        %gather3A_1137 = tpu.vector_load_idx %arg10[%add3A_1107, %add3A_668] : memref<1600x32xf32, #tpu.memory_space<vmem>>[vector<16xi32>, vector<16xi32>], vector<16xf32>,
        %mul3A_1138 = arith.mulf %gather3A_1137, %gather3A_716 : vector<16xf32>
        %add3A_1139 = arith.addf %add3A_1127, %mul3A_1138 : vector<16xf32>
        %gather3A_1140 = tpu.vector_load_idx %arg10[%add3A_1107, %add3A_677] : memref<1600x32xf32, #tpu.memory_space<vmem>>[vector<16xi32>, vector<16xi32>], vector<16xf32>,
        %mul3A_1141 = arith.mulf %gather3A_1140, %gather3A_717 : vector<16xf32>
        %add3A_1142 = arith.addf %add3A_1130, %mul3A_1141 : vector<16xf32>
        %gather3A_1143 = tpu.vector_load_idx %arg10[%add3A_1107, %add3A_686] : memref<1600x32xf32, #tpu.memory_space<vmem>>[vector<16xi32>, vector<16xi32>], vector<16xf32>,
        %mul3A_1144 = arith.mulf %gather3A_1143, %gather3A_718 : vector<16xf32>
        %add3A_1145 = arith.addf %add3A_1133, %mul3A_1144 : vector<16xf32>
        %gather3A_1146 = tpu.vector_load_idx %arg10[%add3A_1107, %add3A_695] : memref<1600x32xf32, #tpu.memory_space<vmem>>[vector<16xi32>, vector<16xi32>], vector<16xf32>,
        %mul3A_1147 = arith.mulf %gather3A_1146, %gather3A_719 : vector<16xf32>
        %add3A_1148 = arith.addf %add3A_1136, %mul3A_1147 : vector<16xf32>
        %gather3A_1149 = tpu.vector_load_idx %arg10[%add3A_1107, %add3A_704] : memref<1600x32xf32, #tpu.memory_space<vmem>>[vector<16xi32>, vector<16xi32>], vector<16xf32>,
        %mul3A_1150 = arith.mulf %gather3A_1149, %gather3A_720 : vector<16xf32>
        %add3A_1151 = arith.addf %add3A_1139, %mul3A_1150 : vector<16xf32>
        %add3A_1152 = arith.addf %add3A_1142, %add3A_1145 : vector<16xf32>
        %add3A_1153 = arith.addf %add3A_1148, %add3A_1151 : vector<16xf32>
        %add3A_1154 = arith.addf %add3A_1152, %add3A_1153 : vector<16xf32>
        %get3A = arith.index_cast %add3A_1105 : i32 to index
        %get3A_1155 = arith.constant 0 : index
        %get3A_1156 = tpu.vector_load %arg11[%get3A, %get3A_1155] {strides = array<i32>} : memref<50x16xf32, #tpu.memory_space<vmem>>, vector<16xf32>,
        %add3A_1157 = arith.addf %get3A_1156, %add3A_1154 : vector<16xf32>
        %swap3A = arith.index_cast %add3A_1105 : i32 to index
        %swap3A_1158 = arith.constant 0 : index
        %swap3A_1159 = tpu.vector_load %arg11[%swap3A, %swap3A_1158] {strides = array<i32>} : memref<50x16xf32, #tpu.memory_space<vmem>>, vector<16xf32>,
        tpu.vector_store %arg11[%swap3A, %swap3A_1158], %add3A_1157 {strides = array<i32>} : memref<50x16xf32, #tpu.memory_space<vmem>>, vector<16xf32>,
        %mul3A_1160 = arith.constant 2 : i32
        %mul3A_1161 = arith.muli %scan3A_1101, %mul3A_1160 : i32
        %add3A_1162 = arith.constant 1 : i32
        %add3A_1163 = arith.addi %mul3A_1161, %add3A_1162 : i32
        %add3A_1164 = vector.broadcast %add3A_1163 : i32 to vector<16xi32>
        %add3A_1165 = arith.addi %add3A_396, %add3A_1164 : vector<16xi32>
        %gather3A_1166 = tpu.vector_load_idx %arg10[%add3A_1165, %add3A_569] : memref<1600x32xf32, #tpu.memory_space<vmem>>[vector<16xi32>, vector<16xi32>], vector<16xf32>,
        %mul3A_1167 = arith.mulf %gather3A_1166, %gather3A_705 : vector<16xf32>
        %gather3A_1168 = tpu.vector_load_idx %arg10[%add3A_1165, %add3A_578] : memref<1600x32xf32, #tpu.memory_space<vmem>>[vector<16xi32>, vector<16xi32>], vector<16xf32>,
        %mul3A_1169 = arith.mulf %gather3A_1168, %gather3A_706 : vector<16xf32>
        %gather3A_1170 = tpu.vector_load_idx %arg10[%add3A_1165, %add3A_587] : memref<1600x32xf32, #tpu.memory_space<vmem>>[vector<16xi32>, vector<16xi32>], vector<16xf32>,
        %mul3A_1171 = arith.mulf %gather3A_1170, %gather3A_707 : vector<16xf32>
        %gather3A_1172 = tpu.vector_load_idx %arg10[%add3A_1165, %add3A_596] : memref<1600x32xf32, #tpu.memory_space<vmem>>[vector<16xi32>, vector<16xi32>], vector<16xf32>,
        %mul3A_1173 = arith.mulf %gather3A_1172, %gather3A_708 : vector<16xf32>
        %gather3A_1174 = tpu.vector_load_idx %arg10[%add3A_1165, %add3A_605] : memref<1600x32xf32, #tpu.memory_space<vmem>>[vector<16xi32>, vector<16xi32>], vector<16xf32>,
        %mul3A_1175 = arith.mulf %gather3A_1174, %gather3A_709 : vector<16xf32>
        %add3A_1176 = arith.addf %mul3A_1167, %mul3A_1175 : vector<16xf32>
        %gather3A_1177 = tpu.vector_load_idx %arg10[%add3A_1165, %add3A_614] : memref<1600x32xf32, #tpu.memory_space<vmem>>[vector<16xi32>, vector<16xi32>], vector<16xf32>,
        %mul3A_1178 = arith.mulf %gather3A_1177, %gather3A_710 : vector<16xf32>
        %add3A_1179 = arith.addf %mul3A_1169, %mul3A_1178 : vector<16xf32>
        %gather3A_1180 = tpu.vector_load_idx %arg10[%add3A_1165, %add3A_623] : memref<1600x32xf32, #tpu.memory_space<vmem>>[vector<16xi32>, vector<16xi32>], vector<16xf32>,
        %mul3A_1181 = arith.mulf %gather3A_1180, %gather3A_711 : vector<16xf32>
        %add3A_1182 = arith.addf %mul3A_1171, %mul3A_1181 : vector<16xf32>
        %gather3A_1183 = tpu.vector_load_idx %arg10[%add3A_1165, %add3A_632] : memref<1600x32xf32, #tpu.memory_space<vmem>>[vector<16xi32>, vector<16xi32>], vector<16xf32>,
        %mul3A_1184 = arith.mulf %gather3A_1183, %gather3A_712 : vector<16xf32>
        %add3A_1185 = arith.addf %mul3A_1173, %mul3A_1184 : vector<16xf32>
        %gather3A_1186 = tpu.vector_load_idx %arg10[%add3A_1165, %add3A_641] : memref<1600x32xf32, #tpu.memory_space<vmem>>[vector<16xi32>, vector<16xi32>], vector<16xf32>,
        %mul3A_1187 = arith.mulf %gather3A_1186, %gather3A_713 : vector<16xf32>
        %add3A_1188 = arith.addf %add3A_1176, %mul3A_1187 : vector<16xf32>
        %gather3A_1189 = tpu.vector_load_idx %arg10[%add3A_1165, %add3A_650] : memref<1600x32xf32, #tpu.memory_space<vmem>>[vector<16xi32>, vector<16xi32>], vector<16xf32>,
        %mul3A_1190 = arith.mulf %gather3A_1189, %gather3A_714 : vector<16xf32>
        %add3A_1191 = arith.addf %add3A_1179, %mul3A_1190 : vector<16xf32>
        %gather3A_1192 = tpu.vector_load_idx %arg10[%add3A_1165, %add3A_659] : memref<1600x32xf32, #tpu.memory_space<vmem>>[vector<16xi32>, vector<16xi32>], vector<16xf32>,
        %mul3A_1193 = arith.mulf %gather3A_1192, %gather3A_715 : vector<16xf32>
        %add3A_1194 = arith.addf %add3A_1182, %mul3A_1193 : vector<16xf32>
        %gather3A_1195 = tpu.vector_load_idx %arg10[%add3A_1165, %add3A_668] : memref<1600x32xf32, #tpu.memory_space<vmem>>[vector<16xi32>, vector<16xi32>], vector<16xf32>,
        %mul3A_1196 = arith.mulf %gather3A_1195, %gather3A_716 : vector<16xf32>
        %add3A_1197 = arith.addf %add3A_1185, %mul3A_1196 : vector<16xf32>
        %gather3A_1198 = tpu.vector_load_idx %arg10[%add3A_1165, %add3A_677] : memref<1600x32xf32, #tpu.memory_space<vmem>>[vector<16xi32>, vector<16xi32>], vector<16xf32>,
        %mul3A_1199 = arith.mulf %gather3A_1198, %gather3A_717 : vector<16xf32>
        %add3A_1200 = arith.addf %add3A_1188, %mul3A_1199 : vector<16xf32>
        %gather3A_1201 = tpu.vector_load_idx %arg10[%add3A_1165, %add3A_686] : memref<1600x32xf32, #tpu.memory_space<vmem>>[vector<16xi32>, vector<16xi32>], vector<16xf32>,
        %mul3A_1202 = arith.mulf %gather3A_1201, %gather3A_718 : vector<16xf32>
        %add3A_1203 = arith.addf %add3A_1191, %mul3A_1202 : vector<16xf32>
        %gather3A_1204 = tpu.vector_load_idx %arg10[%add3A_1165, %add3A_695] : memref<1600x32xf32, #tpu.memory_space<vmem>>[vector<16xi32>, vector<16xi32>], vector<16xf32>,
        %mul3A_1205 = arith.mulf %gather3A_1204, %gather3A_719 : vector<16xf32>
        %add3A_1206 = arith.addf %add3A_1194, %mul3A_1205 : vector<16xf32>
        %gather3A_1207 = tpu.vector_load_idx %arg10[%add3A_1165, %add3A_704] : memref<1600x32xf32, #tpu.memory_space<vmem>>[vector<16xi32>, vector<16xi32>], vector<16xf32>,
        %mul3A_1208 = arith.mulf %gather3A_1207, %gather3A_720 : vector<16xf32>
        %add3A_1209 = arith.addf %add3A_1197, %mul3A_1208 : vector<16xf32>
        %add3A_1210 = arith.addf %add3A_1200, %add3A_1203 : vector<16xf32>
        %add3A_1211 = arith.addf %add3A_1206, %add3A_1209 : vector<16xf32>
        %add3A_1212 = arith.addf %add3A_1210, %add3A_1211 : vector<16xf32>
        %get3A_1213 = arith.index_cast %add3A_1163 : i32 to index
        %get3A_1214 = arith.constant 0 : index
        %get3A_1215 = tpu.vector_load %arg11[%get3A_1213, %get3A_1214] {strides = array<i32>} : memref<50x16xf32, #tpu.memory_space<vmem>>, vector<16xf32>,
        %add3A_1216 = arith.addf %get3A_1215, %add3A_1212 : vector<16xf32>
        %swap3A_1217 = arith.index_cast %add3A_1163 : i32 to index
        %swap3A_1218 = arith.constant 0 : index
        %swap3A_1219 = tpu.vector_load %arg11[%swap3A_1217, %swap3A_1218] {strides = array<i32>} : memref<50x16xf32, #tpu.memory_space<vmem>>, vector<16xf32>,
        tpu.vector_store %arg11[%swap3A_1217, %swap3A_1218], %add3A_1216 {strides = array<i32>} : memref<50x16xf32, #tpu.memory_space<vmem>>, vector<16xf32>,
      }
      %scan3A_726 = arith.constant 25 : i32
      %mul3A_727 = arith.constant 16 : i32
      %mul3A_728 = arith.muli %mul3A_180, %mul3A_727 : i32
      %add3A_729 = arith.addi %mul3A_2, %mul3A_728 : i32
      "tpu.region"() ({
        %run_scoped3A = tpu.sem_alloc : memref<!tpu.dma_semaphore, #tpu.memory_space<semaphore_mem>>
        %dma_start3A_1101 = arith.constant 0 : i32
        %dma_start3A_1102 = tpu.memref_slice %arg6[%dma_start3A_1101, %add3A_729] : memref<50x16384xf32, #tpu.memory_space<hbm>> -> memref<50x16xf32, #tpu.memory_space<hbm>>
        %dma_start3A_1103 = arith.constant 0 : i32
        %dma_start3A_1104 = tpu.memref_slice %arg6[%dma_start3A_1103, %add3A_729] : memref<50x16384xf32, #tpu.memory_space<hbm>> -> memref<50x16xf32, #tpu.memory_space<hbm>>
        tpu.enqueue_dma source(%arg11 : memref<50x16xf32, #tpu.memory_space<vmem>>) target(%dma_start3A_1104 : memref<50x16xf32, #tpu.memory_space<hbm>>) target_semaphore(%run_scoped3A : memref<!tpu.dma_semaphore, #tpu.memory_space<semaphore_mem>>)
        %dma_wait3A_1105 = arith.constant 0 : i32
        %dma_wait3A_1106 = tpu.memref_slice %arg6[%dma_wait3A_1105, %add3A_729] : memref<50x16384xf32, #tpu.memory_space<hbm>> -> memref<50x16xf32, #tpu.memory_space<hbm>>
        %dma_wait3A_1107 = arith.constant 0 : i32
        %dma_wait3A_1108 = tpu.memref_slice %arg6[%dma_wait3A_1107, %add3A_729] : memref<50x16384xf32, #tpu.memory_space<hbm>> -> memref<50x16xf32, #tpu.memory_space<hbm>>
        tpu.wait_dma2 semaphore(%run_scoped3A : memref<!tpu.dma_semaphore, #tpu.memory_space<semaphore_mem>>) src(%arg11 : memref<50x16xf32, #tpu.memory_space<vmem>>) dst(%dma_wait3A_1108 : memref<50x16xf32, #tpu.memory_space<hbm>>)
        tpu.yield
      }) : () -> ()
      %add3A_730 = arith.constant 2 : i32
      %add3A_731 = arith.addi %mul3A_180, %add3A_730 : i32
      %lt3A = arith.constant 32 : i32
      %lt3A_732 = arith.cmpi slt, %add3A_731, %lt3A : i32
      %convert_element_type3A = arith.extui %lt3A_732 : i1 to i32
      %cond3A = arith.constant 0 : i32
      %cond3A_733 = arith.cmpi ne, %convert_element_type3A, %cond3A : i32
      scf.if %cond3A_733 {
        %add3A_1101 = arith.constant 2 : i32
        %add3A_1102 = arith.addi %mul3A_180, %add3A_1101 : i32
        %mul3A_1103 = arith.constant 16 : i32
        %mul3A_1104 = arith.muli %add3A_1102, %mul3A_1103 : i32
        %dma_start3A_1105 = arith.constant 0 : i32
        %dma_start3A_1106 = arith.constant 0 : i32
        %dma_start3A_1107 = tpu.memref_slice %arg9[%dma_start3A_1105, %dma_start3A_1106] : memref<32x32xf32, #tpu.memory_space<vmem>> -> memref<16x32xf32, #tpu.memory_space<vmem>>
        %dma_start3A_1108 = tpu.memref_slice %arg7[%mul3A_1104] : memref<512xi32, #tpu.memory_space<vmem>> -> memref<16xi32, #tpu.memory_space<vmem>>
        %dma_start3A_1109 = arith.constant 0 : i32
        %dma_start3A_1110 = arith.constant 0 : i32
        %dma_start3A_1111 = tpu.memref_slice %arg4[%dma_start3A_1109, %dma_start3A_1110] : memref<1000000x32xf32, #tpu.memory_space<hbm>> -> memref<1000000x32xf32, #tpu.memory_space<hbm>>
        tpu.enqueue_indirect_dma source(%dma_start3A_1111 : memref<1000000x32xf32, #tpu.memory_space<hbm>>) target(%dma_start3A_1107 : memref<16x32xf32, #tpu.memory_space<vmem>>) offsets(%dma_start3A_1108 : memref<16xi32, #tpu.memory_space<vmem>>) semaphore(%arg12 : memref<!tpu.dma_semaphore, #tpu.memory_space<semaphore_mem>>)
        %add3A_1112 = arith.constant 0 : i32
        %add3A_1113 = arith.addi %mul3A_1104, %add3A_1112 : i32
        %dma_start3A_1114 = arith.constant 0 : i32
        %dma_start3A_1115 = arith.constant 0 : i32
        %dma_start3A_1116 = tpu.memref_slice %arg10[%dma_start3A_1114, %dma_start3A_1115] : memref<1600x32xf32, #tpu.memory_space<vmem>> -> memref<50x32xf32, #tpu.memory_space<vmem>>
        %dma_start3A_1117 = arith.constant 0 : i32
        %dma_start3A_1118 = tpu.memref_slice %arg8[%add3A_1113, %dma_start3A_1117] : memref<512x50xi32, #tpu.memory_space<vmem>> -> memref<1x50xi32, #tpu.memory_space<vmem>>
        %dma_start3A_1119 = tpu.memref_squeeze %dma_start3A_1118 : memref<1x50xi32, #tpu.memory_space<vmem>> -> memref<50xi32, #tpu.memory_space<vmem>>
        %dma_start3A_1120 = arith.constant 0 : i32
        %dma_start3A_1121 = arith.constant 0 : i32
        %dma_start3A_1122 = tpu.memref_slice %arg5[%dma_start3A_1120, %dma_start3A_1121] : memref<1000000x32xf32, #tpu.memory_space<hbm>> -> memref<1000000x32xf32, #tpu.memory_space<hbm>>
        tpu.enqueue_indirect_dma source(%dma_start3A_1122 : memref<1000000x32xf32, #tpu.memory_space<hbm>>) target(%dma_start3A_1116 : memref<50x32xf32, #tpu.memory_space<vmem>>) offsets(%dma_start3A_1119 : memref<50xi32, #tpu.memory_space<vmem>>) semaphore(%arg14 : memref<!tpu.dma_semaphore, #tpu.memory_space<semaphore_mem>>)
        %add3A_1123 = arith.constant 1 : i32
        %add3A_1124 = arith.addi %mul3A_1104, %add3A_1123 : i32
        %dma_start3A_1125 = arith.constant 50 : i32
        %dma_start3A_1126 = arith.constant 0 : i32
        %dma_start3A_1127 = tpu.memref_slice %arg10[%dma_start3A_1125, %dma_start3A_1126] : memref<1600x32xf32, #tpu.memory_space<vmem>> -> memref<50x32xf32, #tpu.memory_space<vmem>>
        %dma_start3A_1128 = arith.constant 0 : i32
        %dma_start3A_1129 = tpu.memref_slice %arg8[%add3A_1124, %dma_start3A_1128] : memref<512x50xi32, #tpu.memory_space<vmem>> -> memref<1x50xi32, #tpu.memory_space<vmem>>
        %dma_start3A_1130 = tpu.memref_squeeze %dma_start3A_1129 : memref<1x50xi32, #tpu.memory_space<vmem>> -> memref<50xi32, #tpu.memory_space<vmem>>
        %dma_start3A_1131 = arith.constant 0 : i32
        %dma_start3A_1132 = arith.constant 0 : i32
        %dma_start3A_1133 = tpu.memref_slice %arg5[%dma_start3A_1131, %dma_start3A_1132] : memref<1000000x32xf32, #tpu.memory_space<hbm>> -> memref<1000000x32xf32, #tpu.memory_space<hbm>>
        tpu.enqueue_indirect_dma source(%dma_start3A_1133 : memref<1000000x32xf32, #tpu.memory_space<hbm>>) target(%dma_start3A_1127 : memref<50x32xf32, #tpu.memory_space<vmem>>) offsets(%dma_start3A_1130 : memref<50xi32, #tpu.memory_space<vmem>>) semaphore(%arg14 : memref<!tpu.dma_semaphore, #tpu.memory_space<semaphore_mem>>)
        %add3A_1134 = arith.constant 2 : i32
        %add3A_1135 = arith.addi %mul3A_1104, %add3A_1134 : i32
        %dma_start3A_1136 = arith.constant 100 : i32
        %dma_start3A_1137 = arith.constant 0 : i32
        %dma_start3A_1138 = tpu.memref_slice %arg10[%dma_start3A_1136, %dma_start3A_1137] : memref<1600x32xf32, #tpu.memory_space<vmem>> -> memref<50x32xf32, #tpu.memory_space<vmem>>
        %dma_start3A_1139 = arith.constant 0 : i32
        %dma_start3A_1140 = tpu.memref_slice %arg8[%add3A_1135, %dma_start3A_1139] : memref<512x50xi32, #tpu.memory_space<vmem>> -> memref<1x50xi32, #tpu.memory_space<vmem>>
        %dma_start3A_1141 = tpu.memref_squeeze %dma_start3A_1140 : memref<1x50xi32, #tpu.memory_space<vmem>> -> memref<50xi32, #tpu.memory_space<vmem>>
        %dma_start3A_1142 = arith.constant 0 : i32
        %dma_start3A_1143 = arith.constant 0 : i32
        %dma_start3A_1144 = tpu.memref_slice %arg5[%dma_start3A_1142, %dma_start3A_1143] : memref<1000000x32xf32, #tpu.memory_space<hbm>> -> memref<1000000x32xf32, #tpu.memory_space<hbm>>
        tpu.enqueue_indirect_dma source(%dma_start3A_1144 : memref<1000000x32xf32, #tpu.memory_space<hbm>>) target(%dma_start3A_1138 : memref<50x32xf32, #tpu.memory_space<vmem>>) offsets(%dma_start3A_1141 : memref<50xi32, #tpu.memory_space<vmem>>) semaphore(%arg14 : memref<!tpu.dma_semaphore, #tpu.memory_space<semaphore_mem>>)
        %add3A_1145 = arith.constant 3 : i32
        %add3A_1146 = arith.addi %mul3A_1104, %add3A_1145 : i32
        %dma_start3A_1147 = arith.constant 150 : i32
        %dma_start3A_1148 = arith.constant 0 : i32
        %dma_start3A_1149 = tpu.memref_slice %arg10[%dma_start3A_1147, %dma_start3A_1148] : memref<1600x32xf32, #tpu.memory_space<vmem>> -> memref<50x32xf32, #tpu.memory_space<vmem>>
        %dma_start3A_1150 = arith.constant 0 : i32
        %dma_start3A_1151 = tpu.memref_slice %arg8[%add3A_1146, %dma_start3A_1150] : memref<512x50xi32, #tpu.memory_space<vmem>> -> memref<1x50xi32, #tpu.memory_space<vmem>>
        %dma_start3A_1152 = tpu.memref_squeeze %dma_start3A_1151 : memref<1x50xi32, #tpu.memory_space<vmem>> -> memref<50xi32, #tpu.memory_space<vmem>>
        %dma_start3A_1153 = arith.constant 0 : i32
        %dma_start3A_1154 = arith.constant 0 : i32
        %dma_start3A_1155 = tpu.memref_slice %arg5[%dma_start3A_1153, %dma_start3A_1154] : memref<1000000x32xf32, #tpu.memory_space<hbm>> -> memref<1000000x32xf32, #tpu.memory_space<hbm>>
        tpu.enqueue_indirect_dma source(%dma_start3A_1155 : memref<1000000x32xf32, #tpu.memory_space<hbm>>) target(%dma_start3A_1149 : memref<50x32xf32, #tpu.memory_space<vmem>>) offsets(%dma_start3A_1152 : memref<50xi32, #tpu.memory_space<vmem>>) semaphore(%arg14 : memref<!tpu.dma_semaphore, #tpu.memory_space<semaphore_mem>>)
        %add3A_1156 = arith.constant 4 : i32
        %add3A_1157 = arith.addi %mul3A_1104, %add3A_1156 : i32
        %dma_start3A_1158 = arith.constant 200 : i32
        %dma_start3A_1159 = arith.constant 0 : i32
        %dma_start3A_1160 = tpu.memref_slice %arg10[%dma_start3A_1158, %dma_start3A_1159] : memref<1600x32xf32, #tpu.memory_space<vmem>> -> memref<50x32xf32, #tpu.memory_space<vmem>>
        %dma_start3A_1161 = arith.constant 0 : i32
        %dma_start3A_1162 = tpu.memref_slice %arg8[%add3A_1157, %dma_start3A_1161] : memref<512x50xi32, #tpu.memory_space<vmem>> -> memref<1x50xi32, #tpu.memory_space<vmem>>
        %dma_start3A_1163 = tpu.memref_squeeze %dma_start3A_1162 : memref<1x50xi32, #tpu.memory_space<vmem>> -> memref<50xi32, #tpu.memory_space<vmem>>
        %dma_start3A_1164 = arith.constant 0 : i32
        %dma_start3A_1165 = arith.constant 0 : i32
        %dma_start3A_1166 = tpu.memref_slice %arg5[%dma_start3A_1164, %dma_start3A_1165] : memref<1000000x32xf32, #tpu.memory_space<hbm>> -> memref<1000000x32xf32, #tpu.memory_space<hbm>>
        tpu.enqueue_indirect_dma source(%dma_start3A_1166 : memref<1000000x32xf32, #tpu.memory_space<hbm>>) target(%dma_start3A_1160 : memref<50x32xf32, #tpu.memory_space<vmem>>) offsets(%dma_start3A_1163 : memref<50xi32, #tpu.memory_space<vmem>>) semaphore(%arg14 : memref<!tpu.dma_semaphore, #tpu.memory_space<semaphore_mem>>)
        %add3A_1167 = arith.constant 5 : i32
        %add3A_1168 = arith.addi %mul3A_1104, %add3A_1167 : i32
        %dma_start3A_1169 = arith.constant 250 : i32
        %dma_start3A_1170 = arith.constant 0 : i32
        %dma_start3A_1171 = tpu.memref_slice %arg10[%dma_start3A_1169, %dma_start3A_1170] : memref<1600x32xf32, #tpu.memory_space<vmem>> -> memref<50x32xf32, #tpu.memory_space<vmem>>
        %dma_start3A_1172 = arith.constant 0 : i32
        %dma_start3A_1173 = tpu.memref_slice %arg8[%add3A_1168, %dma_start3A_1172] : memref<512x50xi32, #tpu.memory_space<vmem>> -> memref<1x50xi32, #tpu.memory_space<vmem>>
        %dma_start3A_1174 = tpu.memref_squeeze %dma_start3A_1173 : memref<1x50xi32, #tpu.memory_space<vmem>> -> memref<50xi32, #tpu.memory_space<vmem>>
        %dma_start3A_1175 = arith.constant 0 : i32
        %dma_start3A_1176 = arith.constant 0 : i32
        %dma_start3A_1177 = tpu.memref_slice %arg5[%dma_start3A_1175, %dma_start3A_1176] : memref<1000000x32xf32, #tpu.memory_space<hbm>> -> memref<1000000x32xf32, #tpu.memory_space<hbm>>
        tpu.enqueue_indirect_dma source(%dma_start3A_1177 : memref<1000000x32xf32, #tpu.memory_space<hbm>>) target(%dma_start3A_1171 : memref<50x32xf32, #tpu.memory_space<vmem>>) offsets(%dma_start3A_1174 : memref<50xi32, #tpu.memory_space<vmem>>) semaphore(%arg14 : memref<!tpu.dma_semaphore, #tpu.memory_space<semaphore_mem>>)
        %add3A_1178 = arith.constant 6 : i32
        %add3A_1179 = arith.addi %mul3A_1104, %add3A_1178 : i32
        %dma_start3A_1180 = arith.constant 300 : i32
        %dma_start3A_1181 = arith.constant 0 : i32
        %dma_start3A_1182 = tpu.memref_slice %arg10[%dma_start3A_1180, %dma_start3A_1181] : memref<1600x32xf32, #tpu.memory_space<vmem>> -> memref<50x32xf32, #tpu.memory_space<vmem>>
        %dma_start3A_1183 = arith.constant 0 : i32
        %dma_start3A_1184 = tpu.memref_slice %arg8[%add3A_1179, %dma_start3A_1183] : memref<512x50xi32, #tpu.memory_space<vmem>> -> memref<1x50xi32, #tpu.memory_space<vmem>>
        %dma_start3A_1185 = tpu.memref_squeeze %dma_start3A_1184 : memref<1x50xi32, #tpu.memory_space<vmem>> -> memref<50xi32, #tpu.memory_space<vmem>>
        %dma_start3A_1186 = arith.constant 0 : i32
        %dma_start3A_1187 = arith.constant 0 : i32
        %dma_start3A_1188 = tpu.memref_slice %arg5[%dma_start3A_1186, %dma_start3A_1187] : memref<1000000x32xf32, #tpu.memory_space<hbm>> -> memref<1000000x32xf32, #tpu.memory_space<hbm>>
        tpu.enqueue_indirect_dma source(%dma_start3A_1188 : memref<1000000x32xf32, #tpu.memory_space<hbm>>) target(%dma_start3A_1182 : memref<50x32xf32, #tpu.memory_space<vmem>>) offsets(%dma_start3A_1185 : memref<50xi32, #tpu.memory_space<vmem>>) semaphore(%arg14 : memref<!tpu.dma_semaphore, #tpu.memory_space<semaphore_mem>>)
        %add3A_1189 = arith.constant 7 : i32
        %add3A_1190 = arith.addi %mul3A_1104, %add3A_1189 : i32
        %dma_start3A_1191 = arith.constant 350 : i32
        %dma_start3A_1192 = arith.constant 0 : i32
        %dma_start3A_1193 = tpu.memref_slice %arg10[%dma_start3A_1191, %dma_start3A_1192] : memref<1600x32xf32, #tpu.memory_space<vmem>> -> memref<50x32xf32, #tpu.memory_space<vmem>>
        %dma_start3A_1194 = arith.constant 0 : i32
        %dma_start3A_1195 = tpu.memref_slice %arg8[%add3A_1190, %dma_start3A_1194] : memref<512x50xi32, #tpu.memory_space<vmem>> -> memref<1x50xi32, #tpu.memory_space<vmem>>
        %dma_start3A_1196 = tpu.memref_squeeze %dma_start3A_1195 : memref<1x50xi32, #tpu.memory_space<vmem>> -> memref<50xi32, #tpu.memory_space<vmem>>
        %dma_start3A_1197 = arith.constant 0 : i32
        %dma_start3A_1198 = arith.constant 0 : i32
        %dma_start3A_1199 = tpu.memref_slice %arg5[%dma_start3A_1197, %dma_start3A_1198] : memref<1000000x32xf32, #tpu.memory_space<hbm>> -> memref<1000000x32xf32, #tpu.memory_space<hbm>>
        tpu.enqueue_indirect_dma source(%dma_start3A_1199 : memref<1000000x32xf32, #tpu.memory_space<hbm>>) target(%dma_start3A_1193 : memref<50x32xf32, #tpu.memory_space<vmem>>) offsets(%dma_start3A_1196 : memref<50xi32, #tpu.memory_space<vmem>>) semaphore(%arg14 : memref<!tpu.dma_semaphore, #tpu.memory_space<semaphore_mem>>)
        %add3A_1200 = arith.constant 8 : i32
        %add3A_1201 = arith.addi %mul3A_1104, %add3A_1200 : i32
        %dma_start3A_1202 = arith.constant 400 : i32
        %dma_start3A_1203 = arith.constant 0 : i32
        %dma_start3A_1204 = tpu.memref_slice %arg10[%dma_start3A_1202, %dma_start3A_1203] : memref<1600x32xf32, #tpu.memory_space<vmem>> -> memref<50x32xf32, #tpu.memory_space<vmem>>
        %dma_start3A_1205 = arith.constant 0 : i32
        %dma_start3A_1206 = tpu.memref_slice %arg8[%add3A_1201, %dma_start3A_1205] : memref<512x50xi32, #tpu.memory_space<vmem>> -> memref<1x50xi32, #tpu.memory_space<vmem>>
        %dma_start3A_1207 = tpu.memref_squeeze %dma_start3A_1206 : memref<1x50xi32, #tpu.memory_space<vmem>> -> memref<50xi32, #tpu.memory_space<vmem>>
        %dma_start3A_1208 = arith.constant 0 : i32
        %dma_start3A_1209 = arith.constant 0 : i32
        %dma_start3A_1210 = tpu.memref_slice %arg5[%dma_start3A_1208, %dma_start3A_1209] : memref<1000000x32xf32, #tpu.memory_space<hbm>> -> memref<1000000x32xf32, #tpu.memory_space<hbm>>
        tpu.enqueue_indirect_dma source(%dma_start3A_1210 : memref<1000000x32xf32, #tpu.memory_space<hbm>>) target(%dma_start3A_1204 : memref<50x32xf32, #tpu.memory_space<vmem>>) offsets(%dma_start3A_1207 : memref<50xi32, #tpu.memory_space<vmem>>) semaphore(%arg14 : memref<!tpu.dma_semaphore, #tpu.memory_space<semaphore_mem>>)
        %add3A_1211 = arith.constant 9 : i32
        %add3A_1212 = arith.addi %mul3A_1104, %add3A_1211 : i32
        %dma_start3A_1213 = arith.constant 450 : i32
        %dma_start3A_1214 = arith.constant 0 : i32
        %dma_start3A_1215 = tpu.memref_slice %arg10[%dma_start3A_1213, %dma_start3A_1214] : memref<1600x32xf32, #tpu.memory_space<vmem>> -> memref<50x32xf32, #tpu.memory_space<vmem>>
        %dma_start3A_1216 = arith.constant 0 : i32
        %dma_start3A_1217 = tpu.memref_slice %arg8[%add3A_1212, %dma_start3A_1216] : memref<512x50xi32, #tpu.memory_space<vmem>> -> memref<1x50xi32, #tpu.memory_space<vmem>>
        %dma_start3A_1218 = tpu.memref_squeeze %dma_start3A_1217 : memref<1x50xi32, #tpu.memory_space<vmem>> -> memref<50xi32, #tpu.memory_space<vmem>>
        %dma_start3A_1219 = arith.constant 0 : i32
        %dma_start3A_1220 = arith.constant 0 : i32
        %dma_start3A_1221 = tpu.memref_slice %arg5[%dma_start3A_1219, %dma_start3A_1220] : memref<1000000x32xf32, #tpu.memory_space<hbm>> -> memref<1000000x32xf32, #tpu.memory_space<hbm>>
        tpu.enqueue_indirect_dma source(%dma_start3A_1221 : memref<1000000x32xf32, #tpu.memory_space<hbm>>) target(%dma_start3A_1215 : memref<50x32xf32, #tpu.memory_space<vmem>>) offsets(%dma_start3A_1218 : memref<50xi32, #tpu.memory_space<vmem>>) semaphore(%arg14 : memref<!tpu.dma_semaphore, #tpu.memory_space<semaphore_mem>>)
        %add3A_1222 = arith.constant 10 : i32
        %add3A_1223 = arith.addi %mul3A_1104, %add3A_1222 : i32
        %dma_start3A_1224 = arith.constant 500 : i32
        %dma_start3A_1225 = arith.constant 0 : i32
        %dma_start3A_1226 = tpu.memref_slice %arg10[%dma_start3A_1224, %dma_start3A_1225] : memref<1600x32xf32, #tpu.memory_space<vmem>> -> memref<50x32xf32, #tpu.memory_space<vmem>>
        %dma_start3A_1227 = arith.constant 0 : i32
        %dma_start3A_1228 = tpu.memref_slice %arg8[%add3A_1223, %dma_start3A_1227] : memref<512x50xi32, #tpu.memory_space<vmem>> -> memref<1x50xi32, #tpu.memory_space<vmem>>
        %dma_start3A_1229 = tpu.memref_squeeze %dma_start3A_1228 : memref<1x50xi32, #tpu.memory_space<vmem>> -> memref<50xi32, #tpu.memory_space<vmem>>
        %dma_start3A_1230 = arith.constant 0 : i32
        %dma_start3A_1231 = arith.constant 0 : i32
        %dma_start3A_1232 = tpu.memref_slice %arg5[%dma_start3A_1230, %dma_start3A_1231] : memref<1000000x32xf32, #tpu.memory_space<hbm>> -> memref<1000000x32xf32, #tpu.memory_space<hbm>>
        tpu.enqueue_indirect_dma source(%dma_start3A_1232 : memref<1000000x32xf32, #tpu.memory_space<hbm>>) target(%dma_start3A_1226 : memref<50x32xf32, #tpu.memory_space<vmem>>) offsets(%dma_start3A_1229 : memref<50xi32, #tpu.memory_space<vmem>>) semaphore(%arg14 : memref<!tpu.dma_semaphore, #tpu.memory_space<semaphore_mem>>)
        %add3A_1233 = arith.constant 11 : i32
        %add3A_1234 = arith.addi %mul3A_1104, %add3A_1233 : i32
        %dma_start3A_1235 = arith.constant 550 : i32
        %dma_start3A_1236 = arith.constant 0 : i32
        %dma_start3A_1237 = tpu.memref_slice %arg10[%dma_start3A_1235, %dma_start3A_1236] : memref<1600x32xf32, #tpu.memory_space<vmem>> -> memref<50x32xf32, #tpu.memory_space<vmem>>
        %dma_start3A_1238 = arith.constant 0 : i32
        %dma_start3A_1239 = tpu.memref_slice %arg8[%add3A_1234, %dma_start3A_1238] : memref<512x50xi32, #tpu.memory_space<vmem>> -> memref<1x50xi32, #tpu.memory_space<vmem>>
        %dma_start3A_1240 = tpu.memref_squeeze %dma_start3A_1239 : memref<1x50xi32, #tpu.memory_space<vmem>> -> memref<50xi32, #tpu.memory_space<vmem>>
        %dma_start3A_1241 = arith.constant 0 : i32
        %dma_start3A_1242 = arith.constant 0 : i32
        %dma_start3A_1243 = tpu.memref_slice %arg5[%dma_start3A_1241, %dma_start3A_1242] : memref<1000000x32xf32, #tpu.memory_space<hbm>> -> memref<1000000x32xf32, #tpu.memory_space<hbm>>
        tpu.enqueue_indirect_dma source(%dma_start3A_1243 : memref<1000000x32xf32, #tpu.memory_space<hbm>>) target(%dma_start3A_1237 : memref<50x32xf32, #tpu.memory_space<vmem>>) offsets(%dma_start3A_1240 : memref<50xi32, #tpu.memory_space<vmem>>) semaphore(%arg14 : memref<!tpu.dma_semaphore, #tpu.memory_space<semaphore_mem>>)
        %add3A_1244 = arith.constant 12 : i32
        %add3A_1245 = arith.addi %mul3A_1104, %add3A_1244 : i32
        %dma_start3A_1246 = arith.constant 600 : i32
        %dma_start3A_1247 = arith.constant 0 : i32
        %dma_start3A_1248 = tpu.memref_slice %arg10[%dma_start3A_1246, %dma_start3A_1247] : memref<1600x32xf32, #tpu.memory_space<vmem>> -> memref<50x32xf32, #tpu.memory_space<vmem>>
        %dma_start3A_1249 = arith.constant 0 : i32
        %dma_start3A_1250 = tpu.memref_slice %arg8[%add3A_1245, %dma_start3A_1249] : memref<512x50xi32, #tpu.memory_space<vmem>> -> memref<1x50xi32, #tpu.memory_space<vmem>>
        %dma_start3A_1251 = tpu.memref_squeeze %dma_start3A_1250 : memref<1x50xi32, #tpu.memory_space<vmem>> -> memref<50xi32, #tpu.memory_space<vmem>>
        %dma_start3A_1252 = arith.constant 0 : i32
        %dma_start3A_1253 = arith.constant 0 : i32
        %dma_start3A_1254 = tpu.memref_slice %arg5[%dma_start3A_1252, %dma_start3A_1253] : memref<1000000x32xf32, #tpu.memory_space<hbm>> -> memref<1000000x32xf32, #tpu.memory_space<hbm>>
        tpu.enqueue_indirect_dma source(%dma_start3A_1254 : memref<1000000x32xf32, #tpu.memory_space<hbm>>) target(%dma_start3A_1248 : memref<50x32xf32, #tpu.memory_space<vmem>>) offsets(%dma_start3A_1251 : memref<50xi32, #tpu.memory_space<vmem>>) semaphore(%arg14 : memref<!tpu.dma_semaphore, #tpu.memory_space<semaphore_mem>>)
        %add3A_1255 = arith.constant 13 : i32
        %add3A_1256 = arith.addi %mul3A_1104, %add3A_1255 : i32
        %dma_start3A_1257 = arith.constant 650 : i32
        %dma_start3A_1258 = arith.constant 0 : i32
        %dma_start3A_1259 = tpu.memref_slice %arg10[%dma_start3A_1257, %dma_start3A_1258] : memref<1600x32xf32, #tpu.memory_space<vmem>> -> memref<50x32xf32, #tpu.memory_space<vmem>>
        %dma_start3A_1260 = arith.constant 0 : i32
        %dma_start3A_1261 = tpu.memref_slice %arg8[%add3A_1256, %dma_start3A_1260] : memref<512x50xi32, #tpu.memory_space<vmem>> -> memref<1x50xi32, #tpu.memory_space<vmem>>
        %dma_start3A_1262 = tpu.memref_squeeze %dma_start3A_1261 : memref<1x50xi32, #tpu.memory_space<vmem>> -> memref<50xi32, #tpu.memory_space<vmem>>
        %dma_start3A_1263 = arith.constant 0 : i32
        %dma_start3A_1264 = arith.constant 0 : i32
        %dma_start3A_1265 = tpu.memref_slice %arg5[%dma_start3A_1263, %dma_start3A_1264] : memref<1000000x32xf32, #tpu.memory_space<hbm>> -> memref<1000000x32xf32, #tpu.memory_space<hbm>>
        tpu.enqueue_indirect_dma source(%dma_start3A_1265 : memref<1000000x32xf32, #tpu.memory_space<hbm>>) target(%dma_start3A_1259 : memref<50x32xf32, #tpu.memory_space<vmem>>) offsets(%dma_start3A_1262 : memref<50xi32, #tpu.memory_space<vmem>>) semaphore(%arg14 : memref<!tpu.dma_semaphore, #tpu.memory_space<semaphore_mem>>)
        %add3A_1266 = arith.constant 14 : i32
        %add3A_1267 = arith.addi %mul3A_1104, %add3A_1266 : i32
        %dma_start3A_1268 = arith.constant 700 : i32
        %dma_start3A_1269 = arith.constant 0 : i32
        %dma_start3A_1270 = tpu.memref_slice %arg10[%dma_start3A_1268, %dma_start3A_1269] : memref<1600x32xf32, #tpu.memory_space<vmem>> -> memref<50x32xf32, #tpu.memory_space<vmem>>
        %dma_start3A_1271 = arith.constant 0 : i32
        %dma_start3A_1272 = tpu.memref_slice %arg8[%add3A_1267, %dma_start3A_1271] : memref<512x50xi32, #tpu.memory_space<vmem>> -> memref<1x50xi32, #tpu.memory_space<vmem>>
        %dma_start3A_1273 = tpu.memref_squeeze %dma_start3A_1272 : memref<1x50xi32, #tpu.memory_space<vmem>> -> memref<50xi32, #tpu.memory_space<vmem>>
        %dma_start3A_1274 = arith.constant 0 : i32
        %dma_start3A_1275 = arith.constant 0 : i32
        %dma_start3A_1276 = tpu.memref_slice %arg5[%dma_start3A_1274, %dma_start3A_1275] : memref<1000000x32xf32, #tpu.memory_space<hbm>> -> memref<1000000x32xf32, #tpu.memory_space<hbm>>
        tpu.enqueue_indirect_dma source(%dma_start3A_1276 : memref<1000000x32xf32, #tpu.memory_space<hbm>>) target(%dma_start3A_1270 : memref<50x32xf32, #tpu.memory_space<vmem>>) offsets(%dma_start3A_1273 : memref<50xi32, #tpu.memory_space<vmem>>) semaphore(%arg14 : memref<!tpu.dma_semaphore, #tpu.memory_space<semaphore_mem>>)
        %add3A_1277 = arith.constant 15 : i32
        %add3A_1278 = arith.addi %mul3A_1104, %add3A_1277 : i32
        %dma_start3A_1279 = arith.constant 750 : i32
        %dma_start3A_1280 = arith.constant 0 : i32
        %dma_start3A_1281 = tpu.memref_slice %arg10[%dma_start3A_1279, %dma_start3A_1280] : memref<1600x32xf32, #tpu.memory_space<vmem>> -> memref<50x32xf32, #tpu.memory_space<vmem>>
        %dma_start3A_1282 = arith.constant 0 : i32
        %dma_start3A_1283 = tpu.memref_slice %arg8[%add3A_1278, %dma_start3A_1282] : memref<512x50xi32, #tpu.memory_space<vmem>> -> memref<1x50xi32, #tpu.memory_space<vmem>>
        %dma_start3A_1284 = tpu.memref_squeeze %dma_start3A_1283 : memref<1x50xi32, #tpu.memory_space<vmem>> -> memref<50xi32, #tpu.memory_space<vmem>>
        %dma_start3A_1285 = arith.constant 0 : i32
        %dma_start3A_1286 = arith.constant 0 : i32
        %dma_start3A_1287 = tpu.memref_slice %arg5[%dma_start3A_1285, %dma_start3A_1286] : memref<1000000x32xf32, #tpu.memory_space<hbm>> -> memref<1000000x32xf32, #tpu.memory_space<hbm>>
        tpu.enqueue_indirect_dma source(%dma_start3A_1287 : memref<1000000x32xf32, #tpu.memory_space<hbm>>) target(%dma_start3A_1281 : memref<50x32xf32, #tpu.memory_space<vmem>>) offsets(%dma_start3A_1284 : memref<50xi32, #tpu.memory_space<vmem>>) semaphore(%arg14 : memref<!tpu.dma_semaphore, #tpu.memory_space<semaphore_mem>>)
      } else {
      }
      %dma_wait3A_734 = arith.constant 16 : i32
      %dma_wait3A_735 = arith.constant 0 : i32
      %dma_wait3A_736 = tpu.memref_slice %arg9[%dma_wait3A_734, %dma_wait3A_735] : memref<32x32xf32, #tpu.memory_space<vmem>> -> memref<16x32xf32, #tpu.memory_space<vmem>>
      %dma_wait3A_737 = arith.constant 0 : i32
      %dma_wait3A_738 = arith.constant 0 : i32
      %dma_wait3A_739 = tpu.memref_slice %arg4[%dma_wait3A_737, %dma_wait3A_738] : memref<1000000x32xf32, #tpu.memory_space<hbm>> -> memref<16x32xf32, #tpu.memory_space<hbm>>
      %dma_wait3A_740 = arith.constant 16 : i32
      %dma_wait3A_741 = arith.constant 0 : i32
      %dma_wait3A_742 = tpu.memref_slice %arg9[%dma_wait3A_740, %dma_wait3A_741] : memref<32x32xf32, #tpu.memory_space<vmem>> -> memref<16x32xf32, #tpu.memory_space<vmem>>
      %dma_wait3A_743 = arith.constant 0 : i32
      %dma_wait3A_744 = arith.constant 0 : i32
      %dma_wait3A_745 = tpu.memref_slice %arg4[%dma_wait3A_743, %dma_wait3A_744] : memref<1000000x32xf32, #tpu.memory_space<hbm>> -> memref<16x32xf32, #tpu.memory_space<hbm>>
      tpu.wait_dma2 semaphore(%arg13 : memref<!tpu.dma_semaphore, #tpu.memory_space<semaphore_mem>>) src(%dma_wait3A_745 : memref<16x32xf32, #tpu.memory_space<hbm>>) dst(%dma_wait3A_742 : memref<16x32xf32, #tpu.memory_space<vmem>>)
      %dma_wait3A_746 = arith.constant 800 : i32
      %dma_wait3A_747 = arith.constant 0 : i32
      %dma_wait3A_748 = tpu.memref_slice %arg10[%dma_wait3A_746, %dma_wait3A_747] : memref<1600x32xf32, #tpu.memory_space<vmem>> -> memref<800x32xf32, #tpu.memory_space<vmem>>
      %dma_wait3A_749 = arith.constant 0 : i32
      %dma_wait3A_750 = arith.constant 0 : i32
      %dma_wait3A_751 = tpu.memref_slice %arg5[%dma_wait3A_749, %dma_wait3A_750] : memref<1000000x32xf32, #tpu.memory_space<hbm>> -> memref<800x32xf32, #tpu.memory_space<hbm>>
      %dma_wait3A_752 = arith.constant 800 : i32
      %dma_wait3A_753 = arith.constant 0 : i32
      %dma_wait3A_754 = tpu.memref_slice %arg10[%dma_wait3A_752, %dma_wait3A_753] : memref<1600x32xf32, #tpu.memory_space<vmem>> -> memref<800x32xf32, #tpu.memory_space<vmem>>
      %dma_wait3A_755 = arith.constant 0 : i32
      %dma_wait3A_756 = arith.constant 0 : i32
      %dma_wait3A_757 = tpu.memref_slice %arg5[%dma_wait3A_755, %dma_wait3A_756] : memref<1000000x32xf32, #tpu.memory_space<hbm>> -> memref<800x32xf32, #tpu.memory_space<hbm>>
      tpu.wait_dma2 semaphore(%arg15 : memref<!tpu.dma_semaphore, #tpu.memory_space<semaphore_mem>>) src(%dma_wait3A_757 : memref<800x32xf32, #tpu.memory_space<hbm>>) dst(%dma_wait3A_754 : memref<800x32xf32, #tpu.memory_space<vmem>>)
      %add3A_758 = arith.constant 1 : i32
      %add3A_759 = arith.addi %mul3A_180, %add3A_758 : i32
      %add3A_760 = arith.constant 16 : i32
      %add3A_761 = vector.broadcast %add3A_760 : i32 to vector<16xi32>
      %add3A_762 = arith.addi %iota3A, %add3A_761 : vector<16xi32>
      %add3A_763 = arith.constant 800 : i32
      %add3A_764 = vector.broadcast %add3A_763 : i32 to vector<16xi32>
      %add3A_765 = arith.addi %mul3A_5, %add3A_764 : vector<16xi32>
      %add3A_766 = arith.constant 0 : i32
      %add3A_767 = vector.broadcast %add3A_766 : i32 to vector<16xi32>
      %add3A_768 = arith.addi %iota3A, %add3A_767 : vector<16xi32>
      %and3A_769 = arith.constant 15 : i32
      %and3A_770 = vector.broadcast %and3A_769 : i32 to vector<16xi32>
      %and3A_771 = arith.andi %add3A_768, %and3A_770 : vector<16xi32>
      %add3A_772 = arith.constant 0 : i32
      %add3A_773 = vector.broadcast %add3A_772 : i32 to vector<16xi32>
      %add3A_774 = arith.addi %and3A_771, %add3A_773 : vector<16xi32>
      %add3A_775 = arith.constant 1 : i32
      %add3A_776 = vector.broadcast %add3A_775 : i32 to vector<16xi32>
      %add3A_777 = arith.addi %iota3A, %add3A_776 : vector<16xi32>
      %and3A_778 = arith.constant 15 : i32
      %and3A_779 = vector.broadcast %and3A_778 : i32 to vector<16xi32>
      %and3A_780 = arith.andi %add3A_777, %and3A_779 : vector<16xi32>
      %add3A_781 = arith.constant 0 : i32
      %add3A_782 = vector.broadcast %add3A_781 : i32 to vector<16xi32>
      %add3A_783 = arith.addi %and3A_780, %add3A_782 : vector<16xi32>
      %add3A_784 = arith.constant 2 : i32
      %add3A_785 = vector.broadcast %add3A_784 : i32 to vector<16xi32>
      %add3A_786 = arith.addi %iota3A, %add3A_785 : vector<16xi32>
      %and3A_787 = arith.constant 15 : i32
      %and3A_788 = vector.broadcast %and3A_787 : i32 to vector<16xi32>
      %and3A_789 = arith.andi %add3A_786, %and3A_788 : vector<16xi32>
      %add3A_790 = arith.constant 0 : i32
      %add3A_791 = vector.broadcast %add3A_790 : i32 to vector<16xi32>
      %add3A_792 = arith.addi %and3A_789, %add3A_791 : vector<16xi32>
      %add3A_793 = arith.constant 3 : i32
      %add3A_794 = vector.broadcast %add3A_793 : i32 to vector<16xi32>
      %add3A_795 = arith.addi %iota3A, %add3A_794 : vector<16xi32>
      %and3A_796 = arith.constant 15 : i32
      %and3A_797 = vector.broadcast %and3A_796 : i32 to vector<16xi32>
      %and3A_798 = arith.andi %add3A_795, %and3A_797 : vector<16xi32>
      %add3A_799 = arith.constant 0 : i32
      %add3A_800 = vector.broadcast %add3A_799 : i32 to vector<16xi32>
      %add3A_801 = arith.addi %and3A_798, %add3A_800 : vector<16xi32>
      %add3A_802 = arith.constant 4 : i32
      %add3A_803 = vector.broadcast %add3A_802 : i32 to vector<16xi32>
      %add3A_804 = arith.addi %iota3A, %add3A_803 : vector<16xi32>
      %and3A_805 = arith.constant 15 : i32
      %and3A_806 = vector.broadcast %and3A_805 : i32 to vector<16xi32>
      %and3A_807 = arith.andi %add3A_804, %and3A_806 : vector<16xi32>
      %add3A_808 = arith.constant 0 : i32
      %add3A_809 = vector.broadcast %add3A_808 : i32 to vector<16xi32>
      %add3A_810 = arith.addi %and3A_807, %add3A_809 : vector<16xi32>
      %add3A_811 = arith.constant 5 : i32
      %add3A_812 = vector.broadcast %add3A_811 : i32 to vector<16xi32>
      %add3A_813 = arith.addi %iota3A, %add3A_812 : vector<16xi32>
      %and3A_814 = arith.constant 15 : i32
      %and3A_815 = vector.broadcast %and3A_814 : i32 to vector<16xi32>
      %and3A_816 = arith.andi %add3A_813, %and3A_815 : vector<16xi32>
      %add3A_817 = arith.constant 0 : i32
      %add3A_818 = vector.broadcast %add3A_817 : i32 to vector<16xi32>
      %add3A_819 = arith.addi %and3A_816, %add3A_818 : vector<16xi32>
      %add3A_820 = arith.constant 6 : i32
      %add3A_821 = vector.broadcast %add3A_820 : i32 to vector<16xi32>
      %add3A_822 = arith.addi %iota3A, %add3A_821 : vector<16xi32>
      %and3A_823 = arith.constant 15 : i32
      %and3A_824 = vector.broadcast %and3A_823 : i32 to vector<16xi32>
      %and3A_825 = arith.andi %add3A_822, %and3A_824 : vector<16xi32>
      %add3A_826 = arith.constant 0 : i32
      %add3A_827 = vector.broadcast %add3A_826 : i32 to vector<16xi32>
      %add3A_828 = arith.addi %and3A_825, %add3A_827 : vector<16xi32>
      %add3A_829 = arith.constant 7 : i32
      %add3A_830 = vector.broadcast %add3A_829 : i32 to vector<16xi32>
      %add3A_831 = arith.addi %iota3A, %add3A_830 : vector<16xi32>
      %and3A_832 = arith.constant 15 : i32
      %and3A_833 = vector.broadcast %and3A_832 : i32 to vector<16xi32>
      %and3A_834 = arith.andi %add3A_831, %and3A_833 : vector<16xi32>
      %add3A_835 = arith.constant 0 : i32
      %add3A_836 = vector.broadcast %add3A_835 : i32 to vector<16xi32>
      %add3A_837 = arith.addi %and3A_834, %add3A_836 : vector<16xi32>
      %add3A_838 = arith.constant 8 : i32
      %add3A_839 = vector.broadcast %add3A_838 : i32 to vector<16xi32>
      %add3A_840 = arith.addi %iota3A, %add3A_839 : vector<16xi32>
      %and3A_841 = arith.constant 15 : i32
      %and3A_842 = vector.broadcast %and3A_841 : i32 to vector<16xi32>
      %and3A_843 = arith.andi %add3A_840, %and3A_842 : vector<16xi32>
      %add3A_844 = arith.constant 0 : i32
      %add3A_845 = vector.broadcast %add3A_844 : i32 to vector<16xi32>
      %add3A_846 = arith.addi %and3A_843, %add3A_845 : vector<16xi32>
      %add3A_847 = arith.constant 9 : i32
      %add3A_848 = vector.broadcast %add3A_847 : i32 to vector<16xi32>
      %add3A_849 = arith.addi %iota3A, %add3A_848 : vector<16xi32>
      %and3A_850 = arith.constant 15 : i32
      %and3A_851 = vector.broadcast %and3A_850 : i32 to vector<16xi32>
      %and3A_852 = arith.andi %add3A_849, %and3A_851 : vector<16xi32>
      %add3A_853 = arith.constant 0 : i32
      %add3A_854 = vector.broadcast %add3A_853 : i32 to vector<16xi32>
      %add3A_855 = arith.addi %and3A_852, %add3A_854 : vector<16xi32>
      %add3A_856 = arith.constant 10 : i32
      %add3A_857 = vector.broadcast %add3A_856 : i32 to vector<16xi32>
      %add3A_858 = arith.addi %iota3A, %add3A_857 : vector<16xi32>
      %and3A_859 = arith.constant 15 : i32
      %and3A_860 = vector.broadcast %and3A_859 : i32 to vector<16xi32>
      %and3A_861 = arith.andi %add3A_858, %and3A_860 : vector<16xi32>
      %add3A_862 = arith.constant 0 : i32
      %add3A_863 = vector.broadcast %add3A_862 : i32 to vector<16xi32>
      %add3A_864 = arith.addi %and3A_861, %add3A_863 : vector<16xi32>
      %add3A_865 = arith.constant 11 : i32
      %add3A_866 = vector.broadcast %add3A_865 : i32 to vector<16xi32>
      %add3A_867 = arith.addi %iota3A, %add3A_866 : vector<16xi32>
      %and3A_868 = arith.constant 15 : i32
      %and3A_869 = vector.broadcast %and3A_868 : i32 to vector<16xi32>
      %and3A_870 = arith.andi %add3A_867, %and3A_869 : vector<16xi32>
      %add3A_871 = arith.constant 0 : i32
      %add3A_872 = vector.broadcast %add3A_871 : i32 to vector<16xi32>
      %add3A_873 = arith.addi %and3A_870, %add3A_872 : vector<16xi32>
      %add3A_874 = arith.constant 12 : i32
      %add3A_875 = vector.broadcast %add3A_874 : i32 to vector<16xi32>
      %add3A_876 = arith.addi %iota3A, %add3A_875 : vector<16xi32>
      %and3A_877 = arith.constant 15 : i32
      %and3A_878 = vector.broadcast %and3A_877 : i32 to vector<16xi32>
      %and3A_879 = arith.andi %add3A_876, %and3A_878 : vector<16xi32>
      %add3A_880 = arith.constant 0 : i32
      %add3A_881 = vector.broadcast %add3A_880 : i32 to vector<16xi32>
      %add3A_882 = arith.addi %and3A_879, %add3A_881 : vector<16xi32>
      %add3A_883 = arith.constant 13 : i32
      %add3A_884 = vector.broadcast %add3A_883 : i32 to vector<16xi32>
      %add3A_885 = arith.addi %iota3A, %add3A_884 : vector<16xi32>
      %and3A_886 = arith.constant 15 : i32
      %and3A_887 = vector.broadcast %and3A_886 : i32 to vector<16xi32>
      %and3A_888 = arith.andi %add3A_885, %and3A_887 : vector<16xi32>
      %add3A_889 = arith.constant 0 : i32
      %add3A_890 = vector.broadcast %add3A_889 : i32 to vector<16xi32>
      %add3A_891 = arith.addi %and3A_888, %add3A_890 : vector<16xi32>
      %add3A_892 = arith.constant 14 : i32
      %add3A_893 = vector.broadcast %add3A_892 : i32 to vector<16xi32>
      %add3A_894 = arith.addi %iota3A, %add3A_893 : vector<16xi32>
      %and3A_895 = arith.constant 15 : i32
      %and3A_896 = vector.broadcast %and3A_895 : i32 to vector<16xi32>
      %and3A_897 = arith.andi %add3A_894, %and3A_896 : vector<16xi32>
      %add3A_898 = arith.constant 0 : i32
      %add3A_899 = vector.broadcast %add3A_898 : i32 to vector<16xi32>
      %add3A_900 = arith.addi %and3A_897, %add3A_899 : vector<16xi32>
      %add3A_901 = arith.constant 15 : i32
      %add3A_902 = vector.broadcast %add3A_901 : i32 to vector<16xi32>
      %add3A_903 = arith.addi %iota3A, %add3A_902 : vector<16xi32>
      %and3A_904 = arith.constant 15 : i32
      %and3A_905 = vector.broadcast %and3A_904 : i32 to vector<16xi32>
      %and3A_906 = arith.andi %add3A_903, %and3A_905 : vector<16xi32>
      %add3A_907 = arith.constant 0 : i32
      %add3A_908 = vector.broadcast %add3A_907 : i32 to vector<16xi32>
      %add3A_909 = arith.addi %and3A_906, %add3A_908 : vector<16xi32>
      %gather3A_910 = tpu.vector_load_idx %arg9[%add3A_762, %add3A_774] : memref<32x32xf32, #tpu.memory_space<vmem>>[vector<16xi32>, vector<16xi32>], vector<16xf32>,
      %gather3A_911 = tpu.vector_load_idx %arg9[%add3A_762, %add3A_783] : memref<32x32xf32, #tpu.memory_space<vmem>>[vector<16xi32>, vector<16xi32>], vector<16xf32>,
      %gather3A_912 = tpu.vector_load_idx %arg9[%add3A_762, %add3A_792] : memref<32x32xf32, #tpu.memory_space<vmem>>[vector<16xi32>, vector<16xi32>], vector<16xf32>,
      %gather3A_913 = tpu.vector_load_idx %arg9[%add3A_762, %add3A_801] : memref<32x32xf32, #tpu.memory_space<vmem>>[vector<16xi32>, vector<16xi32>], vector<16xf32>,
      %gather3A_914 = tpu.vector_load_idx %arg9[%add3A_762, %add3A_810] : memref<32x32xf32, #tpu.memory_space<vmem>>[vector<16xi32>, vector<16xi32>], vector<16xf32>,
      %gather3A_915 = tpu.vector_load_idx %arg9[%add3A_762, %add3A_819] : memref<32x32xf32, #tpu.memory_space<vmem>>[vector<16xi32>, vector<16xi32>], vector<16xf32>,
      %gather3A_916 = tpu.vector_load_idx %arg9[%add3A_762, %add3A_828] : memref<32x32xf32, #tpu.memory_space<vmem>>[vector<16xi32>, vector<16xi32>], vector<16xf32>,
      %gather3A_917 = tpu.vector_load_idx %arg9[%add3A_762, %add3A_837] : memref<32x32xf32, #tpu.memory_space<vmem>>[vector<16xi32>, vector<16xi32>], vector<16xf32>,
      %gather3A_918 = tpu.vector_load_idx %arg9[%add3A_762, %add3A_846] : memref<32x32xf32, #tpu.memory_space<vmem>>[vector<16xi32>, vector<16xi32>], vector<16xf32>,
      %gather3A_919 = tpu.vector_load_idx %arg9[%add3A_762, %add3A_855] : memref<32x32xf32, #tpu.memory_space<vmem>>[vector<16xi32>, vector<16xi32>], vector<16xf32>,
      %gather3A_920 = tpu.vector_load_idx %arg9[%add3A_762, %add3A_864] : memref<32x32xf32, #tpu.memory_space<vmem>>[vector<16xi32>, vector<16xi32>], vector<16xf32>,
      %gather3A_921 = tpu.vector_load_idx %arg9[%add3A_762, %add3A_873] : memref<32x32xf32, #tpu.memory_space<vmem>>[vector<16xi32>, vector<16xi32>], vector<16xf32>,
      %gather3A_922 = tpu.vector_load_idx %arg9[%add3A_762, %add3A_882] : memref<32x32xf32, #tpu.memory_space<vmem>>[vector<16xi32>, vector<16xi32>], vector<16xf32>,
      %gather3A_923 = tpu.vector_load_idx %arg9[%add3A_762, %add3A_891] : memref<32x32xf32, #tpu.memory_space<vmem>>[vector<16xi32>, vector<16xi32>], vector<16xf32>,
      %gather3A_924 = tpu.vector_load_idx %arg9[%add3A_762, %add3A_900] : memref<32x32xf32, #tpu.memory_space<vmem>>[vector<16xi32>, vector<16xi32>], vector<16xf32>,
      %gather3A_925 = tpu.vector_load_idx %arg9[%add3A_762, %add3A_909] : memref<32x32xf32, #tpu.memory_space<vmem>>[vector<16xi32>, vector<16xi32>], vector<16xf32>,
      %scan3A_926 = arith.constant 0 : i32
      %scan3A_927 = arith.constant 0 : i32
      %scan3A_928 = arith.constant 25 : i32
      %scan3A_929 = arith.addi %scan3A_927, %scan3A_928 : i32
      %scan3A_930 = arith.constant 1 : i32
      scf.for %scan3A_1101 = %scan3A_927 to %scan3A_929 step %scan3A_930  : i32 {
        %mul3A_1102 = arith.constant 2 : i32
        %mul3A_1103 = arith.muli %scan3A_1101, %mul3A_1102 : i32
        %add3A_1104 = arith.constant 0 : i32
        %add3A_1105 = arith.addi %mul3A_1103, %add3A_1104 : i32
        %add3A_1106 = vector.broadcast %add3A_1105 : i32 to vector<16xi32>
        %add3A_1107 = arith.addi %add3A_765, %add3A_1106 : vector<16xi32>
        %gather3A_1108 = tpu.vector_load_idx %arg10[%add3A_1107, %add3A_774] : memref<1600x32xf32, #tpu.memory_space<vmem>>[vector<16xi32>, vector<16xi32>], vector<16xf32>,
        %mul3A_1109 = arith.mulf %gather3A_1108, %gather3A_910 : vector<16xf32>
        %gather3A_1110 = tpu.vector_load_idx %arg10[%add3A_1107, %add3A_783] : memref<1600x32xf32, #tpu.memory_space<vmem>>[vector<16xi32>, vector<16xi32>], vector<16xf32>,
        %mul3A_1111 = arith.mulf %gather3A_1110, %gather3A_911 : vector<16xf32>
        %gather3A_1112 = tpu.vector_load_idx %arg10[%add3A_1107, %add3A_792] : memref<1600x32xf32, #tpu.memory_space<vmem>>[vector<16xi32>, vector<16xi32>], vector<16xf32>,
        %mul3A_1113 = arith.mulf %gather3A_1112, %gather3A_912 : vector<16xf32>
        %gather3A_1114 = tpu.vector_load_idx %arg10[%add3A_1107, %add3A_801] : memref<1600x32xf32, #tpu.memory_space<vmem>>[vector<16xi32>, vector<16xi32>], vector<16xf32>,
        %mul3A_1115 = arith.mulf %gather3A_1114, %gather3A_913 : vector<16xf32>
        %gather3A_1116 = tpu.vector_load_idx %arg10[%add3A_1107, %add3A_810] : memref<1600x32xf32, #tpu.memory_space<vmem>>[vector<16xi32>, vector<16xi32>], vector<16xf32>,
        %mul3A_1117 = arith.mulf %gather3A_1116, %gather3A_914 : vector<16xf32>
        %add3A_1118 = arith.addf %mul3A_1109, %mul3A_1117 : vector<16xf32>
        %gather3A_1119 = tpu.vector_load_idx %arg10[%add3A_1107, %add3A_819] : memref<1600x32xf32, #tpu.memory_space<vmem>>[vector<16xi32>, vector<16xi32>], vector<16xf32>,
        %mul3A_1120 = arith.mulf %gather3A_1119, %gather3A_915 : vector<16xf32>
        %add3A_1121 = arith.addf %mul3A_1111, %mul3A_1120 : vector<16xf32>
        %gather3A_1122 = tpu.vector_load_idx %arg10[%add3A_1107, %add3A_828] : memref<1600x32xf32, #tpu.memory_space<vmem>>[vector<16xi32>, vector<16xi32>], vector<16xf32>,
        %mul3A_1123 = arith.mulf %gather3A_1122, %gather3A_916 : vector<16xf32>
        %add3A_1124 = arith.addf %mul3A_1113, %mul3A_1123 : vector<16xf32>
        %gather3A_1125 = tpu.vector_load_idx %arg10[%add3A_1107, %add3A_837] : memref<1600x32xf32, #tpu.memory_space<vmem>>[vector<16xi32>, vector<16xi32>], vector<16xf32>,
        %mul3A_1126 = arith.mulf %gather3A_1125, %gather3A_917 : vector<16xf32>
        %add3A_1127 = arith.addf %mul3A_1115, %mul3A_1126 : vector<16xf32>
        %gather3A_1128 = tpu.vector_load_idx %arg10[%add3A_1107, %add3A_846] : memref<1600x32xf32, #tpu.memory_space<vmem>>[vector<16xi32>, vector<16xi32>], vector<16xf32>,
        %mul3A_1129 = arith.mulf %gather3A_1128, %gather3A_918 : vector<16xf32>
        %add3A_1130 = arith.addf %add3A_1118, %mul3A_1129 : vector<16xf32>
        %gather3A_1131 = tpu.vector_load_idx %arg10[%add3A_1107, %add3A_855] : memref<1600x32xf32, #tpu.memory_space<vmem>>[vector<16xi32>, vector<16xi32>], vector<16xf32>,
        %mul3A_1132 = arith.mulf %gather3A_1131, %gather3A_919 : vector<16xf32>
        %add3A_1133 = arith.addf %add3A_1121, %mul3A_1132 : vector<16xf32>
        %gather3A_1134 = tpu.vector_load_idx %arg10[%add3A_1107, %add3A_864] : memref<1600x32xf32, #tpu.memory_space<vmem>>[vector<16xi32>, vector<16xi32>], vector<16xf32>,
        %mul3A_1135 = arith.mulf %gather3A_1134, %gather3A_920 : vector<16xf32>
        %add3A_1136 = arith.addf %add3A_1124, %mul3A_1135 : vector<16xf32>
        %gather3A_1137 = tpu.vector_load_idx %arg10[%add3A_1107, %add3A_873] : memref<1600x32xf32, #tpu.memory_space<vmem>>[vector<16xi32>, vector<16xi32>], vector<16xf32>,
        %mul3A_1138 = arith.mulf %gather3A_1137, %gather3A_921 : vector<16xf32>
        %add3A_1139 = arith.addf %add3A_1127, %mul3A_1138 : vector<16xf32>
        %gather3A_1140 = tpu.vector_load_idx %arg10[%add3A_1107, %add3A_882] : memref<1600x32xf32, #tpu.memory_space<vmem>>[vector<16xi32>, vector<16xi32>], vector<16xf32>,
        %mul3A_1141 = arith.mulf %gather3A_1140, %gather3A_922 : vector<16xf32>
        %add3A_1142 = arith.addf %add3A_1130, %mul3A_1141 : vector<16xf32>
        %gather3A_1143 = tpu.vector_load_idx %arg10[%add3A_1107, %add3A_891] : memref<1600x32xf32, #tpu.memory_space<vmem>>[vector<16xi32>, vector<16xi32>], vector<16xf32>,
        %mul3A_1144 = arith.mulf %gather3A_1143, %gather3A_923 : vector<16xf32>
        %add3A_1145 = arith.addf %add3A_1133, %mul3A_1144 : vector<16xf32>
        %gather3A_1146 = tpu.vector_load_idx %arg10[%add3A_1107, %add3A_900] : memref<1600x32xf32, #tpu.memory_space<vmem>>[vector<16xi32>, vector<16xi32>], vector<16xf32>,
        %mul3A_1147 = arith.mulf %gather3A_1146, %gather3A_924 : vector<16xf32>
        %add3A_1148 = arith.addf %add3A_1136, %mul3A_1147 : vector<16xf32>
        %gather3A_1149 = tpu.vector_load_idx %arg10[%add3A_1107, %add3A_909] : memref<1600x32xf32, #tpu.memory_space<vmem>>[vector<16xi32>, vector<16xi32>], vector<16xf32>,
        %mul3A_1150 = arith.mulf %gather3A_1149, %gather3A_925 : vector<16xf32>
        %add3A_1151 = arith.addf %add3A_1139, %mul3A_1150 : vector<16xf32>
        %add3A_1152 = arith.addf %add3A_1142, %add3A_1145 : vector<16xf32>
        %add3A_1153 = arith.addf %add3A_1148, %add3A_1151 : vector<16xf32>
        %add3A_1154 = arith.addf %add3A_1152, %add3A_1153 : vector<16xf32>
        %swap3A = arith.index_cast %add3A_1105 : i32 to index
        %swap3A_1155 = arith.constant 0 : index
        %swap3A_1156 = tpu.vector_load %arg11[%swap3A, %swap3A_1155] {strides = array<i32>} : memref<50x16xf32, #tpu.memory_space<vmem>>, vector<16xf32>,
        tpu.vector_store %arg11[%swap3A, %swap3A_1155], %add3A_1154 {strides = array<i32>} : memref<50x16xf32, #tpu.memory_space<vmem>>, vector<16xf32>,
        %mul3A_1157 = arith.constant 2 : i32
        %mul3A_1158 = arith.muli %scan3A_1101, %mul3A_1157 : i32
        %add3A_1159 = arith.constant 1 : i32
        %add3A_1160 = arith.addi %mul3A_1158, %add3A_1159 : i32
        %add3A_1161 = vector.broadcast %add3A_1160 : i32 to vector<16xi32>
        %add3A_1162 = arith.addi %add3A_765, %add3A_1161 : vector<16xi32>
        %gather3A_1163 = tpu.vector_load_idx %arg10[%add3A_1162, %add3A_774] : memref<1600x32xf32, #tpu.memory_space<vmem>>[vector<16xi32>, vector<16xi32>], vector<16xf32>,
        %mul3A_1164 = arith.mulf %gather3A_1163, %gather3A_910 : vector<16xf32>
        %gather3A_1165 = tpu.vector_load_idx %arg10[%add3A_1162, %add3A_783] : memref<1600x32xf32, #tpu.memory_space<vmem>>[vector<16xi32>, vector<16xi32>], vector<16xf32>,
        %mul3A_1166 = arith.mulf %gather3A_1165, %gather3A_911 : vector<16xf32>
        %gather3A_1167 = tpu.vector_load_idx %arg10[%add3A_1162, %add3A_792] : memref<1600x32xf32, #tpu.memory_space<vmem>>[vector<16xi32>, vector<16xi32>], vector<16xf32>,
        %mul3A_1168 = arith.mulf %gather3A_1167, %gather3A_912 : vector<16xf32>
        %gather3A_1169 = tpu.vector_load_idx %arg10[%add3A_1162, %add3A_801] : memref<1600x32xf32, #tpu.memory_space<vmem>>[vector<16xi32>, vector<16xi32>], vector<16xf32>,
        %mul3A_1170 = arith.mulf %gather3A_1169, %gather3A_913 : vector<16xf32>
        %gather3A_1171 = tpu.vector_load_idx %arg10[%add3A_1162, %add3A_810] : memref<1600x32xf32, #tpu.memory_space<vmem>>[vector<16xi32>, vector<16xi32>], vector<16xf32>,
        %mul3A_1172 = arith.mulf %gather3A_1171, %gather3A_914 : vector<16xf32>
        %add3A_1173 = arith.addf %mul3A_1164, %mul3A_1172 : vector<16xf32>
        %gather3A_1174 = tpu.vector_load_idx %arg10[%add3A_1162, %add3A_819] : memref<1600x32xf32, #tpu.memory_space<vmem>>[vector<16xi32>, vector<16xi32>], vector<16xf32>,
        %mul3A_1175 = arith.mulf %gather3A_1174, %gather3A_915 : vector<16xf32>
        %add3A_1176 = arith.addf %mul3A_1166, %mul3A_1175 : vector<16xf32>
        %gather3A_1177 = tpu.vector_load_idx %arg10[%add3A_1162, %add3A_828] : memref<1600x32xf32, #tpu.memory_space<vmem>>[vector<16xi32>, vector<16xi32>], vector<16xf32>,
        %mul3A_1178 = arith.mulf %gather3A_1177, %gather3A_916 : vector<16xf32>
        %add3A_1179 = arith.addf %mul3A_1168, %mul3A_1178 : vector<16xf32>
        %gather3A_1180 = tpu.vector_load_idx %arg10[%add3A_1162, %add3A_837] : memref<1600x32xf32, #tpu.memory_space<vmem>>[vector<16xi32>, vector<16xi32>], vector<16xf32>,
        %mul3A_1181 = arith.mulf %gather3A_1180, %gather3A_917 : vector<16xf32>
        %add3A_1182 = arith.addf %mul3A_1170, %mul3A_1181 : vector<16xf32>
        %gather3A_1183 = tpu.vector_load_idx %arg10[%add3A_1162, %add3A_846] : memref<1600x32xf32, #tpu.memory_space<vmem>>[vector<16xi32>, vector<16xi32>], vector<16xf32>,
        %mul3A_1184 = arith.mulf %gather3A_1183, %gather3A_918 : vector<16xf32>
        %add3A_1185 = arith.addf %add3A_1173, %mul3A_1184 : vector<16xf32>
        %gather3A_1186 = tpu.vector_load_idx %arg10[%add3A_1162, %add3A_855] : memref<1600x32xf32, #tpu.memory_space<vmem>>[vector<16xi32>, vector<16xi32>], vector<16xf32>,
        %mul3A_1187 = arith.mulf %gather3A_1186, %gather3A_919 : vector<16xf32>
        %add3A_1188 = arith.addf %add3A_1176, %mul3A_1187 : vector<16xf32>
        %gather3A_1189 = tpu.vector_load_idx %arg10[%add3A_1162, %add3A_864] : memref<1600x32xf32, #tpu.memory_space<vmem>>[vector<16xi32>, vector<16xi32>], vector<16xf32>,
        %mul3A_1190 = arith.mulf %gather3A_1189, %gather3A_920 : vector<16xf32>
        %add3A_1191 = arith.addf %add3A_1179, %mul3A_1190 : vector<16xf32>
        %gather3A_1192 = tpu.vector_load_idx %arg10[%add3A_1162, %add3A_873] : memref<1600x32xf32, #tpu.memory_space<vmem>>[vector<16xi32>, vector<16xi32>], vector<16xf32>,
        %mul3A_1193 = arith.mulf %gather3A_1192, %gather3A_921 : vector<16xf32>
        %add3A_1194 = arith.addf %add3A_1182, %mul3A_1193 : vector<16xf32>
        %gather3A_1195 = tpu.vector_load_idx %arg10[%add3A_1162, %add3A_882] : memref<1600x32xf32, #tpu.memory_space<vmem>>[vector<16xi32>, vector<16xi32>], vector<16xf32>,
        %mul3A_1196 = arith.mulf %gather3A_1195, %gather3A_922 : vector<16xf32>
        %add3A_1197 = arith.addf %add3A_1185, %mul3A_1196 : vector<16xf32>
        %gather3A_1198 = tpu.vector_load_idx %arg10[%add3A_1162, %add3A_891] : memref<1600x32xf32, #tpu.memory_space<vmem>>[vector<16xi32>, vector<16xi32>], vector<16xf32>,
        %mul3A_1199 = arith.mulf %gather3A_1198, %gather3A_923 : vector<16xf32>
        %add3A_1200 = arith.addf %add3A_1188, %mul3A_1199 : vector<16xf32>
        %gather3A_1201 = tpu.vector_load_idx %arg10[%add3A_1162, %add3A_900] : memref<1600x32xf32, #tpu.memory_space<vmem>>[vector<16xi32>, vector<16xi32>], vector<16xf32>,
        %mul3A_1202 = arith.mulf %gather3A_1201, %gather3A_924 : vector<16xf32>
        %add3A_1203 = arith.addf %add3A_1191, %mul3A_1202 : vector<16xf32>
        %gather3A_1204 = tpu.vector_load_idx %arg10[%add3A_1162, %add3A_909] : memref<1600x32xf32, #tpu.memory_space<vmem>>[vector<16xi32>, vector<16xi32>], vector<16xf32>,
        %mul3A_1205 = arith.mulf %gather3A_1204, %gather3A_925 : vector<16xf32>
        %add3A_1206 = arith.addf %add3A_1194, %mul3A_1205 : vector<16xf32>
        %add3A_1207 = arith.addf %add3A_1197, %add3A_1200 : vector<16xf32>
        %add3A_1208 = arith.addf %add3A_1203, %add3A_1206 : vector<16xf32>
        %add3A_1209 = arith.addf %add3A_1207, %add3A_1208 : vector<16xf32>
        %swap3A_1210 = arith.index_cast %add3A_1160 : i32 to index
        %swap3A_1211 = arith.constant 0 : index
        %swap3A_1212 = tpu.vector_load %arg11[%swap3A_1210, %swap3A_1211] {strides = array<i32>} : memref<50x16xf32, #tpu.memory_space<vmem>>, vector<16xf32>,
        tpu.vector_store %arg11[%swap3A_1210, %swap3A_1211], %add3A_1209 {strides = array<i32>} : memref<50x16xf32, #tpu.memory_space<vmem>>, vector<16xf32>,
      }
      %scan3A_931 = arith.constant 25 : i32
      %add3A_932 = arith.constant 0 : i32
      %add3A_933 = vector.broadcast %add3A_932 : i32 to vector<16xi32>
      %add3A_934 = arith.addi %iota3A, %add3A_933 : vector<16xi32>
      %and3A_935 = arith.constant 15 : i32
      %and3A_936 = vector.broadcast %and3A_935 : i32 to vector<16xi32>
      %and3A_937 = arith.andi %add3A_934, %and3A_936 : vector<16xi32>
      %add3A_938 = arith.constant 16 : i32
      %add3A_939 = vector.broadcast %add3A_938 : i32 to vector<16xi32>
      %add3A_940 = arith.addi %and3A_937, %add3A_939 : vector<16xi32>
      %add3A_941 = arith.constant 1 : i32
      %add3A_942 = vector.broadcast %add3A_941 : i32 to vector<16xi32>
      %add3A_943 = arith.addi %iota3A, %add3A_942 : vector<16xi32>
      %and3A_944 = arith.constant 15 : i32
      %and3A_945 = vector.broadcast %and3A_944 : i32 to vector<16xi32>
      %and3A_946 = arith.andi %add3A_943, %and3A_945 : vector<16xi32>
      %add3A_947 = arith.constant 16 : i32
      %add3A_948 = vector.broadcast %add3A_947 : i32 to vector<16xi32>
      %add3A_949 = arith.addi %and3A_946, %add3A_948 : vector<16xi32>
      %add3A_950 = arith.constant 2 : i32
      %add3A_951 = vector.broadcast %add3A_950 : i32 to vector<16xi32>
      %add3A_952 = arith.addi %iota3A, %add3A_951 : vector<16xi32>
      %and3A_953 = arith.constant 15 : i32
      %and3A_954 = vector.broadcast %and3A_953 : i32 to vector<16xi32>
      %and3A_955 = arith.andi %add3A_952, %and3A_954 : vector<16xi32>
      %add3A_956 = arith.constant 16 : i32
      %add3A_957 = vector.broadcast %add3A_956 : i32 to vector<16xi32>
      %add3A_958 = arith.addi %and3A_955, %add3A_957 : vector<16xi32>
      %add3A_959 = arith.constant 3 : i32
      %add3A_960 = vector.broadcast %add3A_959 : i32 to vector<16xi32>
      %add3A_961 = arith.addi %iota3A, %add3A_960 : vector<16xi32>
      %and3A_962 = arith.constant 15 : i32
      %and3A_963 = vector.broadcast %and3A_962 : i32 to vector<16xi32>
      %and3A_964 = arith.andi %add3A_961, %and3A_963 : vector<16xi32>
      %add3A_965 = arith.constant 16 : i32
      %add3A_966 = vector.broadcast %add3A_965 : i32 to vector<16xi32>
      %add3A_967 = arith.addi %and3A_964, %add3A_966 : vector<16xi32>
      %add3A_968 = arith.constant 4 : i32
      %add3A_969 = vector.broadcast %add3A_968 : i32 to vector<16xi32>
      %add3A_970 = arith.addi %iota3A, %add3A_969 : vector<16xi32>
      %and3A_971 = arith.constant 15 : i32
      %and3A_972 = vector.broadcast %and3A_971 : i32 to vector<16xi32>
      %and3A_973 = arith.andi %add3A_970, %and3A_972 : vector<16xi32>
      %add3A_974 = arith.constant 16 : i32
      %add3A_975 = vector.broadcast %add3A_974 : i32 to vector<16xi32>
      %add3A_976 = arith.addi %and3A_973, %add3A_975 : vector<16xi32>
      %add3A_977 = arith.constant 5 : i32
      %add3A_978 = vector.broadcast %add3A_977 : i32 to vector<16xi32>
      %add3A_979 = arith.addi %iota3A, %add3A_978 : vector<16xi32>
      %and3A_980 = arith.constant 15 : i32
      %and3A_981 = vector.broadcast %and3A_980 : i32 to vector<16xi32>
      %and3A_982 = arith.andi %add3A_979, %and3A_981 : vector<16xi32>
      %add3A_983 = arith.constant 16 : i32
      %add3A_984 = vector.broadcast %add3A_983 : i32 to vector<16xi32>
      %add3A_985 = arith.addi %and3A_982, %add3A_984 : vector<16xi32>
      %add3A_986 = arith.constant 6 : i32
      %add3A_987 = vector.broadcast %add3A_986 : i32 to vector<16xi32>
      %add3A_988 = arith.addi %iota3A, %add3A_987 : vector<16xi32>
      %and3A_989 = arith.constant 15 : i32
      %and3A_990 = vector.broadcast %and3A_989 : i32 to vector<16xi32>
      %and3A_991 = arith.andi %add3A_988, %and3A_990 : vector<16xi32>
      %add3A_992 = arith.constant 16 : i32
      %add3A_993 = vector.broadcast %add3A_992 : i32 to vector<16xi32>
      %add3A_994 = arith.addi %and3A_991, %add3A_993 : vector<16xi32>
      %add3A_995 = arith.constant 7 : i32
      %add3A_996 = vector.broadcast %add3A_995 : i32 to vector<16xi32>
      %add3A_997 = arith.addi %iota3A, %add3A_996 : vector<16xi32>
      %and3A_998 = arith.constant 15 : i32
      %and3A_999 = vector.broadcast %and3A_998 : i32 to vector<16xi32>
      %and3A_1000 = arith.andi %add3A_997, %and3A_999 : vector<16xi32>
      %add3A_1001 = arith.constant 16 : i32
      %add3A_1002 = vector.broadcast %add3A_1001 : i32 to vector<16xi32>
      %add3A_1003 = arith.addi %and3A_1000, %add3A_1002 : vector<16xi32>
      %add3A_1004 = arith.constant 8 : i32
      %add3A_1005 = vector.broadcast %add3A_1004 : i32 to vector<16xi32>
      %add3A_1006 = arith.addi %iota3A, %add3A_1005 : vector<16xi32>
      %and3A_1007 = arith.constant 15 : i32
      %and3A_1008 = vector.broadcast %and3A_1007 : i32 to vector<16xi32>
      %and3A_1009 = arith.andi %add3A_1006, %and3A_1008 : vector<16xi32>
      %add3A_1010 = arith.constant 16 : i32
      %add3A_1011 = vector.broadcast %add3A_1010 : i32 to vector<16xi32>
      %add3A_1012 = arith.addi %and3A_1009, %add3A_1011 : vector<16xi32>
      %add3A_1013 = arith.constant 9 : i32
      %add3A_1014 = vector.broadcast %add3A_1013 : i32 to vector<16xi32>
      %add3A_1015 = arith.addi %iota3A, %add3A_1014 : vector<16xi32>
      %and3A_1016 = arith.constant 15 : i32
      %and3A_1017 = vector.broadcast %and3A_1016 : i32 to vector<16xi32>
      %and3A_1018 = arith.andi %add3A_1015, %and3A_1017 : vector<16xi32>
      %add3A_1019 = arith.constant 16 : i32
      %add3A_1020 = vector.broadcast %add3A_1019 : i32 to vector<16xi32>
      %add3A_1021 = arith.addi %and3A_1018, %add3A_1020 : vector<16xi32>
      %add3A_1022 = arith.constant 10 : i32
      %add3A_1023 = vector.broadcast %add3A_1022 : i32 to vector<16xi32>
      %add3A_1024 = arith.addi %iota3A, %add3A_1023 : vector<16xi32>
      %and3A_1025 = arith.constant 15 : i32
      %and3A_1026 = vector.broadcast %and3A_1025 : i32 to vector<16xi32>
      %and3A_1027 = arith.andi %add3A_1024, %and3A_1026 : vector<16xi32>
      %add3A_1028 = arith.constant 16 : i32
      %add3A_1029 = vector.broadcast %add3A_1028 : i32 to vector<16xi32>
      %add3A_1030 = arith.addi %and3A_1027, %add3A_1029 : vector<16xi32>
      %add3A_1031 = arith.constant 11 : i32
      %add3A_1032 = vector.broadcast %add3A_1031 : i32 to vector<16xi32>
      %add3A_1033 = arith.addi %iota3A, %add3A_1032 : vector<16xi32>
      %and3A_1034 = arith.constant 15 : i32
      %and3A_1035 = vector.broadcast %and3A_1034 : i32 to vector<16xi32>
      %and3A_1036 = arith.andi %add3A_1033, %and3A_1035 : vector<16xi32>
      %add3A_1037 = arith.constant 16 : i32
      %add3A_1038 = vector.broadcast %add3A_1037 : i32 to vector<16xi32>
      %add3A_1039 = arith.addi %and3A_1036, %add3A_1038 : vector<16xi32>
      %add3A_1040 = arith.constant 12 : i32
      %add3A_1041 = vector.broadcast %add3A_1040 : i32 to vector<16xi32>
      %add3A_1042 = arith.addi %iota3A, %add3A_1041 : vector<16xi32>
      %and3A_1043 = arith.constant 15 : i32
      %and3A_1044 = vector.broadcast %and3A_1043 : i32 to vector<16xi32>
      %and3A_1045 = arith.andi %add3A_1042, %and3A_1044 : vector<16xi32>
      %add3A_1046 = arith.constant 16 : i32
      %add3A_1047 = vector.broadcast %add3A_1046 : i32 to vector<16xi32>
      %add3A_1048 = arith.addi %and3A_1045, %add3A_1047 : vector<16xi32>
      %add3A_1049 = arith.constant 13 : i32
      %add3A_1050 = vector.broadcast %add3A_1049 : i32 to vector<16xi32>
      %add3A_1051 = arith.addi %iota3A, %add3A_1050 : vector<16xi32>
      %and3A_1052 = arith.constant 15 : i32
      %and3A_1053 = vector.broadcast %and3A_1052 : i32 to vector<16xi32>
      %and3A_1054 = arith.andi %add3A_1051, %and3A_1053 : vector<16xi32>
      %add3A_1055 = arith.constant 16 : i32
      %add3A_1056 = vector.broadcast %add3A_1055 : i32 to vector<16xi32>
      %add3A_1057 = arith.addi %and3A_1054, %add3A_1056 : vector<16xi32>
      %add3A_1058 = arith.constant 14 : i32
      %add3A_1059 = vector.broadcast %add3A_1058 : i32 to vector<16xi32>
      %add3A_1060 = arith.addi %iota3A, %add3A_1059 : vector<16xi32>
      %and3A_1061 = arith.constant 15 : i32
      %and3A_1062 = vector.broadcast %and3A_1061 : i32 to vector<16xi32>
      %and3A_1063 = arith.andi %add3A_1060, %and3A_1062 : vector<16xi32>
      %add3A_1064 = arith.constant 16 : i32
      %add3A_1065 = vector.broadcast %add3A_1064 : i32 to vector<16xi32>
      %add3A_1066 = arith.addi %and3A_1063, %add3A_1065 : vector<16xi32>
      %add3A_1067 = arith.constant 15 : i32
      %add3A_1068 = vector.broadcast %add3A_1067 : i32 to vector<16xi32>
      %add3A_1069 = arith.addi %iota3A, %add3A_1068 : vector<16xi32>
      %and3A_1070 = arith.constant 15 : i32
      %and3A_1071 = vector.broadcast %and3A_1070 : i32 to vector<16xi32>
      %and3A_1072 = arith.andi %add3A_1069, %and3A_1071 : vector<16xi32>
      %add3A_1073 = arith.constant 16 : i32
      %add3A_1074 = vector.broadcast %add3A_1073 : i32 to vector<16xi32>
      %add3A_1075 = arith.addi %and3A_1072, %add3A_1074 : vector<16xi32>
      %gather3A_1076 = tpu.vector_load_idx %arg9[%add3A_762, %add3A_940] : memref<32x32xf32, #tpu.memory_space<vmem>>[vector<16xi32>, vector<16xi32>], vector<16xf32>,
      %gather3A_1077 = tpu.vector_load_idx %arg9[%add3A_762, %add3A_949] : memref<32x32xf32, #tpu.memory_space<vmem>>[vector<16xi32>, vector<16xi32>], vector<16xf32>,
      %gather3A_1078 = tpu.vector_load_idx %arg9[%add3A_762, %add3A_958] : memref<32x32xf32, #tpu.memory_space<vmem>>[vector<16xi32>, vector<16xi32>], vector<16xf32>,
      %gather3A_1079 = tpu.vector_load_idx %arg9[%add3A_762, %add3A_967] : memref<32x32xf32, #tpu.memory_space<vmem>>[vector<16xi32>, vector<16xi32>], vector<16xf32>,
      %gather3A_1080 = tpu.vector_load_idx %arg9[%add3A_762, %add3A_976] : memref<32x32xf32, #tpu.memory_space<vmem>>[vector<16xi32>, vector<16xi32>], vector<16xf32>,
      %gather3A_1081 = tpu.vector_load_idx %arg9[%add3A_762, %add3A_985] : memref<32x32xf32, #tpu.memory_space<vmem>>[vector<16xi32>, vector<16xi32>], vector<16xf32>,
      %gather3A_1082 = tpu.vector_load_idx %arg9[%add3A_762, %add3A_994] : memref<32x32xf32, #tpu.memory_space<vmem>>[vector<16xi32>, vector<16xi32>], vector<16xf32>,
      %gather3A_1083 = tpu.vector_load_idx %arg9[%add3A_762, %add3A_1003] : memref<32x32xf32, #tpu.memory_space<vmem>>[vector<16xi32>, vector<16xi32>], vector<16xf32>,
      %gather3A_1084 = tpu.vector_load_idx %arg9[%add3A_762, %add3A_1012] : memref<32x32xf32, #tpu.memory_space<vmem>>[vector<16xi32>, vector<16xi32>], vector<16xf32>,
      %gather3A_1085 = tpu.vector_load_idx %arg9[%add3A_762, %add3A_1021] : memref<32x32xf32, #tpu.memory_space<vmem>>[vector<16xi32>, vector<16xi32>], vector<16xf32>,
      %gather3A_1086 = tpu.vector_load_idx %arg9[%add3A_762, %add3A_1030] : memref<32x32xf32, #tpu.memory_space<vmem>>[vector<16xi32>, vector<16xi32>], vector<16xf32>,
      %gather3A_1087 = tpu.vector_load_idx %arg9[%add3A_762, %add3A_1039] : memref<32x32xf32, #tpu.memory_space<vmem>>[vector<16xi32>, vector<16xi32>], vector<16xf32>,
      %gather3A_1088 = tpu.vector_load_idx %arg9[%add3A_762, %add3A_1048] : memref<32x32xf32, #tpu.memory_space<vmem>>[vector<16xi32>, vector<16xi32>], vector<16xf32>,
      %gather3A_1089 = tpu.vector_load_idx %arg9[%add3A_762, %add3A_1057] : memref<32x32xf32, #tpu.memory_space<vmem>>[vector<16xi32>, vector<16xi32>], vector<16xf32>,
      %gather3A_1090 = tpu.vector_load_idx %arg9[%add3A_762, %add3A_1066] : memref<32x32xf32, #tpu.memory_space<vmem>>[vector<16xi32>, vector<16xi32>], vector<16xf32>,
      %gather3A_1091 = tpu.vector_load_idx %arg9[%add3A_762, %add3A_1075] : memref<32x32xf32, #tpu.memory_space<vmem>>[vector<16xi32>, vector<16xi32>], vector<16xf32>,
      %scan3A_1092 = arith.constant 0 : i32
      %scan3A_1093 = arith.constant 0 : i32
      %scan3A_1094 = arith.constant 25 : i32
      %scan3A_1095 = arith.addi %scan3A_1093, %scan3A_1094 : i32
      %scan3A_1096 = arith.constant 1 : i32
      scf.for %scan3A_1101 = %scan3A_1093 to %scan3A_1095 step %scan3A_1096  : i32 {
        %mul3A_1102 = arith.constant 2 : i32
        %mul3A_1103 = arith.muli %scan3A_1101, %mul3A_1102 : i32
        %add3A_1104 = arith.constant 0 : i32
        %add3A_1105 = arith.addi %mul3A_1103, %add3A_1104 : i32
        %add3A_1106 = vector.broadcast %add3A_1105 : i32 to vector<16xi32>
        %add3A_1107 = arith.addi %add3A_765, %add3A_1106 : vector<16xi32>
        %gather3A_1108 = tpu.vector_load_idx %arg10[%add3A_1107, %add3A_940] : memref<1600x32xf32, #tpu.memory_space<vmem>>[vector<16xi32>, vector<16xi32>], vector<16xf32>,
        %mul3A_1109 = arith.mulf %gather3A_1108, %gather3A_1076 : vector<16xf32>
        %gather3A_1110 = tpu.vector_load_idx %arg10[%add3A_1107, %add3A_949] : memref<1600x32xf32, #tpu.memory_space<vmem>>[vector<16xi32>, vector<16xi32>], vector<16xf32>,
        %mul3A_1111 = arith.mulf %gather3A_1110, %gather3A_1077 : vector<16xf32>
        %gather3A_1112 = tpu.vector_load_idx %arg10[%add3A_1107, %add3A_958] : memref<1600x32xf32, #tpu.memory_space<vmem>>[vector<16xi32>, vector<16xi32>], vector<16xf32>,
        %mul3A_1113 = arith.mulf %gather3A_1112, %gather3A_1078 : vector<16xf32>
        %gather3A_1114 = tpu.vector_load_idx %arg10[%add3A_1107, %add3A_967] : memref<1600x32xf32, #tpu.memory_space<vmem>>[vector<16xi32>, vector<16xi32>], vector<16xf32>,
        %mul3A_1115 = arith.mulf %gather3A_1114, %gather3A_1079 : vector<16xf32>
        %gather3A_1116 = tpu.vector_load_idx %arg10[%add3A_1107, %add3A_976] : memref<1600x32xf32, #tpu.memory_space<vmem>>[vector<16xi32>, vector<16xi32>], vector<16xf32>,
        %mul3A_1117 = arith.mulf %gather3A_1116, %gather3A_1080 : vector<16xf32>
        %add3A_1118 = arith.addf %mul3A_1109, %mul3A_1117 : vector<16xf32>
        %gather3A_1119 = tpu.vector_load_idx %arg10[%add3A_1107, %add3A_985] : memref<1600x32xf32, #tpu.memory_space<vmem>>[vector<16xi32>, vector<16xi32>], vector<16xf32>,
        %mul3A_1120 = arith.mulf %gather3A_1119, %gather3A_1081 : vector<16xf32>
        %add3A_1121 = arith.addf %mul3A_1111, %mul3A_1120 : vector<16xf32>
        %gather3A_1122 = tpu.vector_load_idx %arg10[%add3A_1107, %add3A_994] : memref<1600x32xf32, #tpu.memory_space<vmem>>[vector<16xi32>, vector<16xi32>], vector<16xf32>,
        %mul3A_1123 = arith.mulf %gather3A_1122, %gather3A_1082 : vector<16xf32>
        %add3A_1124 = arith.addf %mul3A_1113, %mul3A_1123 : vector<16xf32>
        %gather3A_1125 = tpu.vector_load_idx %arg10[%add3A_1107, %add3A_1003] : memref<1600x32xf32, #tpu.memory_space<vmem>>[vector<16xi32>, vector<16xi32>], vector<16xf32>,
        %mul3A_1126 = arith.mulf %gather3A_1125, %gather3A_1083 : vector<16xf32>
        %add3A_1127 = arith.addf %mul3A_1115, %mul3A_1126 : vector<16xf32>
        %gather3A_1128 = tpu.vector_load_idx %arg10[%add3A_1107, %add3A_1012] : memref<1600x32xf32, #tpu.memory_space<vmem>>[vector<16xi32>, vector<16xi32>], vector<16xf32>,
        %mul3A_1129 = arith.mulf %gather3A_1128, %gather3A_1084 : vector<16xf32>
        %add3A_1130 = arith.addf %add3A_1118, %mul3A_1129 : vector<16xf32>
        %gather3A_1131 = tpu.vector_load_idx %arg10[%add3A_1107, %add3A_1021] : memref<1600x32xf32, #tpu.memory_space<vmem>>[vector<16xi32>, vector<16xi32>], vector<16xf32>,
        %mul3A_1132 = arith.mulf %gather3A_1131, %gather3A_1085 : vector<16xf32>
        %add3A_1133 = arith.addf %add3A_1121, %mul3A_1132 : vector<16xf32>
        %gather3A_1134 = tpu.vector_load_idx %arg10[%add3A_1107, %add3A_1030] : memref<1600x32xf32, #tpu.memory_space<vmem>>[vector<16xi32>, vector<16xi32>], vector<16xf32>,
        %mul3A_1135 = arith.mulf %gather3A_1134, %gather3A_1086 : vector<16xf32>
        %add3A_1136 = arith.addf %add3A_1124, %mul3A_1135 : vector<16xf32>
        %gather3A_1137 = tpu.vector_load_idx %arg10[%add3A_1107, %add3A_1039] : memref<1600x32xf32, #tpu.memory_space<vmem>>[vector<16xi32>, vector<16xi32>], vector<16xf32>,
        %mul3A_1138 = arith.mulf %gather3A_1137, %gather3A_1087 : vector<16xf32>
        %add3A_1139 = arith.addf %add3A_1127, %mul3A_1138 : vector<16xf32>
        %gather3A_1140 = tpu.vector_load_idx %arg10[%add3A_1107, %add3A_1048] : memref<1600x32xf32, #tpu.memory_space<vmem>>[vector<16xi32>, vector<16xi32>], vector<16xf32>,
        %mul3A_1141 = arith.mulf %gather3A_1140, %gather3A_1088 : vector<16xf32>
        %add3A_1142 = arith.addf %add3A_1130, %mul3A_1141 : vector<16xf32>
        %gather3A_1143 = tpu.vector_load_idx %arg10[%add3A_1107, %add3A_1057] : memref<1600x32xf32, #tpu.memory_space<vmem>>[vector<16xi32>, vector<16xi32>], vector<16xf32>,
        %mul3A_1144 = arith.mulf %gather3A_1143, %gather3A_1089 : vector<16xf32>
        %add3A_1145 = arith.addf %add3A_1133, %mul3A_1144 : vector<16xf32>
        %gather3A_1146 = tpu.vector_load_idx %arg10[%add3A_1107, %add3A_1066] : memref<1600x32xf32, #tpu.memory_space<vmem>>[vector<16xi32>, vector<16xi32>], vector<16xf32>,
        %mul3A_1147 = arith.mulf %gather3A_1146, %gather3A_1090 : vector<16xf32>
        %add3A_1148 = arith.addf %add3A_1136, %mul3A_1147 : vector<16xf32>
        %gather3A_1149 = tpu.vector_load_idx %arg10[%add3A_1107, %add3A_1075] : memref<1600x32xf32, #tpu.memory_space<vmem>>[vector<16xi32>, vector<16xi32>], vector<16xf32>,
        %mul3A_1150 = arith.mulf %gather3A_1149, %gather3A_1091 : vector<16xf32>
        %add3A_1151 = arith.addf %add3A_1139, %mul3A_1150 : vector<16xf32>
        %add3A_1152 = arith.addf %add3A_1142, %add3A_1145 : vector<16xf32>
        %add3A_1153 = arith.addf %add3A_1148, %add3A_1151 : vector<16xf32>
        %add3A_1154 = arith.addf %add3A_1152, %add3A_1153 : vector<16xf32>
        %get3A = arith.index_cast %add3A_1105 : i32 to index
        %get3A_1155 = arith.constant 0 : index
        %get3A_1156 = tpu.vector_load %arg11[%get3A, %get3A_1155] {strides = array<i32>} : memref<50x16xf32, #tpu.memory_space<vmem>>, vector<16xf32>,
        %add3A_1157 = arith.addf %get3A_1156, %add3A_1154 : vector<16xf32>
        %swap3A = arith.index_cast %add3A_1105 : i32 to index
        %swap3A_1158 = arith.constant 0 : index
        %swap3A_1159 = tpu.vector_load %arg11[%swap3A, %swap3A_1158] {strides = array<i32>} : memref<50x16xf32, #tpu.memory_space<vmem>>, vector<16xf32>,
        tpu.vector_store %arg11[%swap3A, %swap3A_1158], %add3A_1157 {strides = array<i32>} : memref<50x16xf32, #tpu.memory_space<vmem>>, vector<16xf32>,
        %mul3A_1160 = arith.constant 2 : i32
        %mul3A_1161 = arith.muli %scan3A_1101, %mul3A_1160 : i32
        %add3A_1162 = arith.constant 1 : i32
        %add3A_1163 = arith.addi %mul3A_1161, %add3A_1162 : i32
        %add3A_1164 = vector.broadcast %add3A_1163 : i32 to vector<16xi32>
        %add3A_1165 = arith.addi %add3A_765, %add3A_1164 : vector<16xi32>
        %gather3A_1166 = tpu.vector_load_idx %arg10[%add3A_1165, %add3A_940] : memref<1600x32xf32, #tpu.memory_space<vmem>>[vector<16xi32>, vector<16xi32>], vector<16xf32>,
        %mul3A_1167 = arith.mulf %gather3A_1166, %gather3A_1076 : vector<16xf32>
        %gather3A_1168 = tpu.vector_load_idx %arg10[%add3A_1165, %add3A_949] : memref<1600x32xf32, #tpu.memory_space<vmem>>[vector<16xi32>, vector<16xi32>], vector<16xf32>,
        %mul3A_1169 = arith.mulf %gather3A_1168, %gather3A_1077 : vector<16xf32>
        %gather3A_1170 = tpu.vector_load_idx %arg10[%add3A_1165, %add3A_958] : memref<1600x32xf32, #tpu.memory_space<vmem>>[vector<16xi32>, vector<16xi32>], vector<16xf32>,
        %mul3A_1171 = arith.mulf %gather3A_1170, %gather3A_1078 : vector<16xf32>
        %gather3A_1172 = tpu.vector_load_idx %arg10[%add3A_1165, %add3A_967] : memref<1600x32xf32, #tpu.memory_space<vmem>>[vector<16xi32>, vector<16xi32>], vector<16xf32>,
        %mul3A_1173 = arith.mulf %gather3A_1172, %gather3A_1079 : vector<16xf32>
        %gather3A_1174 = tpu.vector_load_idx %arg10[%add3A_1165, %add3A_976] : memref<1600x32xf32, #tpu.memory_space<vmem>>[vector<16xi32>, vector<16xi32>], vector<16xf32>,
        %mul3A_1175 = arith.mulf %gather3A_1174, %gather3A_1080 : vector<16xf32>
        %add3A_1176 = arith.addf %mul3A_1167, %mul3A_1175 : vector<16xf32>
        %gather3A_1177 = tpu.vector_load_idx %arg10[%add3A_1165, %add3A_985] : memref<1600x32xf32, #tpu.memory_space<vmem>>[vector<16xi32>, vector<16xi32>], vector<16xf32>,
        %mul3A_1178 = arith.mulf %gather3A_1177, %gather3A_1081 : vector<16xf32>
        %add3A_1179 = arith.addf %mul3A_1169, %mul3A_1178 : vector<16xf32>
        %gather3A_1180 = tpu.vector_load_idx %arg10[%add3A_1165, %add3A_994] : memref<1600x32xf32, #tpu.memory_space<vmem>>[vector<16xi32>, vector<16xi32>], vector<16xf32>,
        %mul3A_1181 = arith.mulf %gather3A_1180, %gather3A_1082 : vector<16xf32>
        %add3A_1182 = arith.addf %mul3A_1171, %mul3A_1181 : vector<16xf32>
        %gather3A_1183 = tpu.vector_load_idx %arg10[%add3A_1165, %add3A_1003] : memref<1600x32xf32, #tpu.memory_space<vmem>>[vector<16xi32>, vector<16xi32>], vector<16xf32>,
        %mul3A_1184 = arith.mulf %gather3A_1183, %gather3A_1083 : vector<16xf32>
        %add3A_1185 = arith.addf %mul3A_1173, %mul3A_1184 : vector<16xf32>
        %gather3A_1186 = tpu.vector_load_idx %arg10[%add3A_1165, %add3A_1012] : memref<1600x32xf32, #tpu.memory_space<vmem>>[vector<16xi32>, vector<16xi32>], vector<16xf32>,
        %mul3A_1187 = arith.mulf %gather3A_1186, %gather3A_1084 : vector<16xf32>
        %add3A_1188 = arith.addf %add3A_1176, %mul3A_1187 : vector<16xf32>
        %gather3A_1189 = tpu.vector_load_idx %arg10[%add3A_1165, %add3A_1021] : memref<1600x32xf32, #tpu.memory_space<vmem>>[vector<16xi32>, vector<16xi32>], vector<16xf32>,
        %mul3A_1190 = arith.mulf %gather3A_1189, %gather3A_1085 : vector<16xf32>
        %add3A_1191 = arith.addf %add3A_1179, %mul3A_1190 : vector<16xf32>
        %gather3A_1192 = tpu.vector_load_idx %arg10[%add3A_1165, %add3A_1030] : memref<1600x32xf32, #tpu.memory_space<vmem>>[vector<16xi32>, vector<16xi32>], vector<16xf32>,
        %mul3A_1193 = arith.mulf %gather3A_1192, %gather3A_1086 : vector<16xf32>
        %add3A_1194 = arith.addf %add3A_1182, %mul3A_1193 : vector<16xf32>
        %gather3A_1195 = tpu.vector_load_idx %arg10[%add3A_1165, %add3A_1039] : memref<1600x32xf32, #tpu.memory_space<vmem>>[vector<16xi32>, vector<16xi32>], vector<16xf32>,
        %mul3A_1196 = arith.mulf %gather3A_1195, %gather3A_1087 : vector<16xf32>
        %add3A_1197 = arith.addf %add3A_1185, %mul3A_1196 : vector<16xf32>
        %gather3A_1198 = tpu.vector_load_idx %arg10[%add3A_1165, %add3A_1048] : memref<1600x32xf32, #tpu.memory_space<vmem>>[vector<16xi32>, vector<16xi32>], vector<16xf32>,
        %mul3A_1199 = arith.mulf %gather3A_1198, %gather3A_1088 : vector<16xf32>
        %add3A_1200 = arith.addf %add3A_1188, %mul3A_1199 : vector<16xf32>
        %gather3A_1201 = tpu.vector_load_idx %arg10[%add3A_1165, %add3A_1057] : memref<1600x32xf32, #tpu.memory_space<vmem>>[vector<16xi32>, vector<16xi32>], vector<16xf32>,
        %mul3A_1202 = arith.mulf %gather3A_1201, %gather3A_1089 : vector<16xf32>
        %add3A_1203 = arith.addf %add3A_1191, %mul3A_1202 : vector<16xf32>
        %gather3A_1204 = tpu.vector_load_idx %arg10[%add3A_1165, %add3A_1066] : memref<1600x32xf32, #tpu.memory_space<vmem>>[vector<16xi32>, vector<16xi32>], vector<16xf32>,
        %mul3A_1205 = arith.mulf %gather3A_1204, %gather3A_1090 : vector<16xf32>
        %add3A_1206 = arith.addf %add3A_1194, %mul3A_1205 : vector<16xf32>
        %gather3A_1207 = tpu.vector_load_idx %arg10[%add3A_1165, %add3A_1075] : memref<1600x32xf32, #tpu.memory_space<vmem>>[vector<16xi32>, vector<16xi32>], vector<16xf32>,
        %mul3A_1208 = arith.mulf %gather3A_1207, %gather3A_1091 : vector<16xf32>
        %add3A_1209 = arith.addf %add3A_1197, %mul3A_1208 : vector<16xf32>
        %add3A_1210 = arith.addf %add3A_1200, %add3A_1203 : vector<16xf32>
        %add3A_1211 = arith.addf %add3A_1206, %add3A_1209 : vector<16xf32>
        %add3A_1212 = arith.addf %add3A_1210, %add3A_1211 : vector<16xf32>
        %get3A_1213 = arith.index_cast %add3A_1163 : i32 to index
        %get3A_1214 = arith.constant 0 : index
        %get3A_1215 = tpu.vector_load %arg11[%get3A_1213, %get3A_1214] {strides = array<i32>} : memref<50x16xf32, #tpu.memory_space<vmem>>, vector<16xf32>,
        %add3A_1216 = arith.addf %get3A_1215, %add3A_1212 : vector<16xf32>
        %swap3A_1217 = arith.index_cast %add3A_1163 : i32 to index
        %swap3A_1218 = arith.constant 0 : index
        %swap3A_1219 = tpu.vector_load %arg11[%swap3A_1217, %swap3A_1218] {strides = array<i32>} : memref<50x16xf32, #tpu.memory_space<vmem>>, vector<16xf32>,
        tpu.vector_store %arg11[%swap3A_1217, %swap3A_1218], %add3A_1216 {strides = array<i32>} : memref<50x16xf32, #tpu.memory_space<vmem>>, vector<16xf32>,
      }
      %scan3A_1097 = arith.constant 25 : i32
      %mul3A_1098 = arith.constant 16 : i32
      %mul3A_1099 = arith.muli %add3A_759, %mul3A_1098 : i32
      %add3A_1100 = arith.addi %mul3A_2, %mul3A_1099 : i32
      "tpu.region"() ({
        %run_scoped3A = tpu.sem_alloc : memref<!tpu.dma_semaphore, #tpu.memory_space<semaphore_mem>>
        %dma_start3A_1101 = arith.constant 0 : i32
        %dma_start3A_1102 = tpu.memref_slice %arg6[%dma_start3A_1101, %add3A_1100] : memref<50x16384xf32, #tpu.memory_space<hbm>> -> memref<50x16xf32, #tpu.memory_space<hbm>>
        %dma_start3A_1103 = arith.constant 0 : i32
        %dma_start3A_1104 = tpu.memref_slice %arg6[%dma_start3A_1103, %add3A_1100] : memref<50x16384xf32, #tpu.memory_space<hbm>> -> memref<50x16xf32, #tpu.memory_space<hbm>>
        tpu.enqueue_dma source(%arg11 : memref<50x16xf32, #tpu.memory_space<vmem>>) target(%dma_start3A_1104 : memref<50x16xf32, #tpu.memory_space<hbm>>) target_semaphore(%run_scoped3A : memref<!tpu.dma_semaphore, #tpu.memory_space<semaphore_mem>>)
        %dma_wait3A_1105 = arith.constant 0 : i32
        %dma_wait3A_1106 = tpu.memref_slice %arg6[%dma_wait3A_1105, %add3A_1100] : memref<50x16384xf32, #tpu.memory_space<hbm>> -> memref<50x16xf32, #tpu.memory_space<hbm>>
        %dma_wait3A_1107 = arith.constant 0 : i32
        %dma_wait3A_1108 = tpu.memref_slice %arg6[%dma_wait3A_1107, %add3A_1100] : memref<50x16384xf32, #tpu.memory_space<hbm>> -> memref<50x16xf32, #tpu.memory_space<hbm>>
        tpu.wait_dma2 semaphore(%run_scoped3A : memref<!tpu.dma_semaphore, #tpu.memory_space<semaphore_mem>>) src(%arg11 : memref<50x16xf32, #tpu.memory_space<vmem>>) dst(%dma_wait3A_1108 : memref<50x16xf32, #tpu.memory_space<hbm>>)
        tpu.yield
      }) : () -> ()
    }
    %scan3A_177 = arith.constant 16 : i32
    return
  }
}

</mosaic_0001>

<sc_bundles>
// kernel: kernel.3.cloned.1.call-start
scs
__scs_entry_jumppad:
0x0: {  	(pc) =	sbr.rel $0x88, $3  }
0x1: {  	(tag) =	ssettag $0x0;
	lr =	simm.s32 $0x1  }
0x2: {  	[smem:$0x3F9D] =	sst lr;
	_ =	strace $0xD0000000  }
0x3: {  	_ = 	snop  }
0x4: {  	_ = 	snop  }
0x5: {  	_ = 	snop  }
0x6: {  	_ = 	snop  }
0x7: {  	_ = 	snop  }
__scs_overlays_trampoline_lowered:
0x8: {  	[smem:$0x3FAC] =	sst s0  }
0x9: {  	[smem:$0x3FAD] =	sst s1  }
0xa: {  	[smem:$0x3FAE] =	sst s2  }
0xb: {  	[smem:$0x3FAF] =	sst s3  }
0xc: {  	[smem:$0x3FB0] =	sst s4  }
0xd: {  	[smem:$0x3FB1] =	sst s5  }
0xe: {  	[smem:$0x3FB2] =	sst s6  }
0xf: {  	[smem:$0x3FB3] =	sst s7  }
0x10: {  	[smem:$0x3FB4] =	sst s8  }
0x11: {  	[smem:$0x3FB5] =	sst s9;
	s0 =	simm.s32 @!p0 $0x0  }
0x12: {  	s1 =	sld [smem:$0x3F9B];
	s0 =	simm.s32 @p0 $0x1  }
0x13: {  	[smem:$0x3FB6] =	sst s0;
	s0 =	simm.s32 @!p1 $0x0  }
0x14: {  	s2 =	sld [smem:$0x3F9A];
	s0 =	simm.s32 @p1 $0x1  }
0x15: {  	[smem:$0x3FB7] =	sst s0;
	s0 =	simm.s32 @!p2 $0x0  }
0x16: {  	s3 =	sld [smem:$0x3FDB];
	s0 =	simm.s32 @p2 $0x1  }
0x17: {  	s4 =	simm.s32 $0x1BF5;
	[smem:$0x3FB9] =	sst s0  }
0x18: {  	s0 =	sld [smem:$0x3F9C];
	_ =	swait.ge [sflag:s4], $0x0  }
0x19: {  	s7 =	sld [smem:$0x3F9D]  }
0x1a: {  	s8 =	sadd.s32 $0xFFFFE003, lr  }
0x1b: {  	s9 =	sadd.s32 $0xFFFFFEF7, lr;
	s5 =	simm.s32 $0xFFFFFFFF;
	p2 =	slt.u32 s8, $0xFFFFF086  }
0x1c: {  	p1 =	slt.u32 s9, $0xF7A;
	s5 =	simm.s32 @!p2 $0x0  }
0x1d: {  	s5 =	simm.s32 @p1 $0x1;
	p0 =	seq.s32 s7, s2  }
0x1e: {  	s7 =	smul.u32 @!p0 $0xF7A, s2;
	p2 =	seq.s32 @!p0 s5, $0x0  }
0x1f: {  	s9 =	smul.u32 $0xF7A, s1;
	s8 =	simm.s32 @!p0 $0x1BF5;
	p2 =	por !p2, p0  }
0x20: {  	[sflag:s8] =	ssyncset.s32 @!p0 $0xFFFFF086;
	s6 =	sadd.s32 @!p0 s3, s7;
	s7 =	simm.s32 @!p0 $0x108  }
0x21: {  	s3 =	sadd.s32 s3, s9;
	s6 =	sadd.s32 @!p0 $0x88, s6;
	s7 =	simm.s32 @p2 $0x1082  }
0x22: {  	[simem:s7], [sflag:s8] =	dma.local @!p0 [hbm:s6], $0xF7A  }
0x23: {  	s9 =	sor.u32 $0xD0000000, s2;
	s6 =	simm.s32 $0x108;
	_ =	swait.ge @!p0 [sflag:s8], $0x0  }
0x24: {  	s3 =	sadd.s32 $0x88, s3;
	s6 =	simm.s32 @!p1 $0x1082;
	[sflag:s4] =	ssyncset.s32 $0xFFFFF086  }
0x25: {  	[simem:s6], [sflag:s4] =	dma.local [hbm:s3], $0xF7A  }
0x26: {  	[smem:$0x3F9D] =	sst s1;
	(tag) =	ssettag s2;
	_ =	strace s9  }
0x27: {  	s1 =	sld [smem:$0x3FAD]  }
0x28: {  	s2 =	sld [smem:$0x3FAE]  }
0x29: {  	s4 =	sld [smem:$0x3FB0]  }
0x2a: {  	p0 =	seq.s32 s5, $0x0;
	s5 =	sld [smem:$0x3FB1]  }
0x2b: {  	s6 =	sld [smem:$0x3FB2]  }
0x2c: {  	s7 =	sld [smem:$0x3FB3]  }
0x2d: {  	s3 =	simm.s32 $0x108;
	s8 =	sld [smem:$0x3FB4]  }
0x2e: {  	s3 =	simm.s32 @!p0 $0x1082;
	s9 =	sld [smem:$0x3FB5]  }
0x2f: {  	lr =	sadd.s32 s0, s3;
	s0 =	sld [smem:$0x3FAC]  }
0x30: {  	s3 =	sld [smem:$0x3FAF]  }
0x31: {  	[smem:$0x3FB8] =	sst s10  }
0x32: {  	s10 =	sld [smem:$0x3FB6];
	_ =	sdelay $0x3  }
0x33: {  	p0 =	seq.s32 s10, $0x1;
	s10 =	sld [smem:$0x3FB8];
	_ =	sdelay $0x3  }
0x34: {  	[smem:$0x3FB8] =	sst s10  }
0x35: {  	s10 =	sld [smem:$0x3FB7];
	_ =	sdelay $0x3  }
0x36: {  	p1 =	seq.s32 s10, $0x1;
	s10 =	sld [smem:$0x3FB8];
	_ =	sdelay $0x3  }
0x37: {  	[smem:$0x3FB8] =	sst s10  }
0x38: {  	s10 =	sld [smem:$0x3FB9]  }
0x39: {  	_ = 	snop;
	(pc) =	sbr.ind lr, $3  }
0x3a: {  	_ = 	snop  }
0x3b: {  	_ = 	snop  }
0x3c: {  	p2 =	seq.s32 s10, $0x1;
	s10 =	sld [smem:$0x3FB8]  }
0x3d: {  	_ =	shalt  }
0x3e: {  	_ =	shalt  }
0x3f: {  	_ =	shalt  }
0x40: {  	_ =	shalt  }
0x41: {  	_ =	shalt  }
0x42: {  	_ =	shalt  }
0x43: {  	_ =	shalt  }
0x44: {  	_ =	shalt  }
0x45: {  	_ =	shalt  }
0x46: {  	_ =	shalt  }
0x47: {  	_ =	shalt  }
0x48: {  	_ =	shalt  }
0x49: {  	_ =	shalt  }
0x4a: {  	_ =	shalt  }
0x4b: {  	_ =	shalt  }
0x4c: {  	_ =	shalt  }
0x4d: {  	_ =	shalt  }
0x4e: {  	_ =	shalt  }
0x4f: {  	_ =	shalt  }
0x50: {  	_ =	shalt  }
0x51: {  	_ =	shalt  }
0x52: {  	_ =	shalt  }
0x53: {  	_ =	shalt  }
0x54: {  	_ =	shalt  }
0x55: {  	_ =	shalt  }
0x56: {  	_ =	shalt  }
0x57: {  	_ =	shalt  }
0x58: {  	_ =	shalt  }
0x59: {  	_ =	shalt  }
0x5a: {  	_ =	shalt  }
0x5b: {  	_ =	shalt  }
0x5c: {  	_ =	shalt  }
0x5d: {  	_ =	shalt  }
0x5e: {  	_ =	shalt  }
0x5f: {  	_ =	shalt  }
0x60: {  	_ =	shalt  }
0x61: {  	_ =	shalt  }
0x62: {  	_ =	shalt  }
0x63: {  	_ =	shalt  }
0x64: {  	_ =	shalt  }
0x65: {  	_ =	shalt  }
0x66: {  	_ =	shalt  }
0x67: {  	_ =	shalt  }
0x68: {  	_ =	shalt  }
0x69: {  	_ =	shalt  }
0x6a: {  	_ =	shalt  }
0x6b: {  	_ =	shalt  }
0x6c: {  	_ =	shalt  }
0x6d: {  	_ =	shalt  }
0x6e: {  	_ =	shalt  }
0x6f: {  	_ =	shalt  }
0x70: {  	_ =	shalt  }
0x71: {  	_ =	shalt  }
0x72: {  	_ =	shalt  }
0x73: {  	_ =	shalt  }
0x74: {  	_ =	shalt  }
0x75: {  	_ =	shalt  }
0x76: {  	_ =	shalt  }
0x77: {  	_ =	shalt  }
0x78: {  	_ =	shalt  }
0x79: {  	_ =	shalt  }
0x7a: {  	_ =	shalt  }
0x7b: {  	_ =	shalt  }
0x7c: {  	_ =	shalt  }
0x7d: {  	_ =	shalt  }
0x7e: {  	_ =	shalt  }
0x7f: {  	_ =	shalt  }
0x80: {  	_ =	shalt  }
0x81: {  	_ =	shalt  }
0x82: {  	_ =	shalt  }
0x83: {  	_ =	shalt  }
0x84: {  	_ =	shalt  }
0x85: {  	_ =	shalt  }
0x86: {  	_ =	shalt  }
0x87: {  	_ =	shalt  }
.Lfunc_end0:
.L_simem_size_0:
called_computation_lowered:
.L_overlay_start_0:
0x88: {  	s2 =	sld [smem:$0x3FD9]  }
0x89: {  	s3 =	sld [smem:$0x3FFE];
	_ =	sdelay $0x1  }
0x8a: {  	s1 =	srdreg.scid  }
0x8b: {  	s0 =	sand.u32 $0x1, s1  }
0x8c: {  	s17 =	sshll.u32 s0, $0xA;
	s2 =	sadd.s32 s3, s2  }
0x8d: {  	s2 =	sadd.s32 s2, s17  }
0x8e: {  	[smem:$0x3FC4] =	sst s2  }
0x8f: {  	_ = 	snop  }
0x90: {  	s2 =	sld [smem:$0x3FC9]  }
0x91: {  	s18 =	sld [smem:$0x3FD0];
	(tm) =	ssettm $0x1  }
0x92: {  	s4 =	sld [smem:$0x3FFB];
	_ =	sdelay $0x3  }
0x93: {  	_ =	strace s4  }
0x94: {  	s4 =	sld [smem:$0x3FFC];
	_ =	sdelay $0x3  }
0x95: {  	_ =	strace s4  }
0x96: {  	s4 =	sld [smem:$0x3FFD];
	_ =	sdelay $0x3  }
0x97: {  	_ =	strace s4  }
0x98: {  	_ =	strace $0x8FFFFFFF  }
0x99: {  	s19 =	sld [smem:$0x3FDB];
	_ =	sdelay $0x1  }
0x9a: {  	s5 =	simm.s32 $_scs_section_size  }
0x9b: {  	s6 =	simm.s32 $_size__tile_overlayer_lowered;
	s7 =	simm.s32 $_tile_overlayer_lowered  }
0x9c: {  	s22 =	simm.s32 $0x1BFF;
	s21 =	sshll.u32 s7, $0x1;
	s4 =	sadd.s32 s5, s19  }
0x9d: {  	s8 =	simm.s32 $0x0;
	s20 =	sshll.u32 s6, $0x1;
	s6 =	sadd.s32 s21, s4  }
0x9e: {  	[timem:s8], [sflag:s22] =	dma.local [hbm:s6], s20  }
0x9f: {  	_ =	swait.ge [sflag:s22], s20  }
0xa0: {  	s5 =	ssub.s32 $0x0, s20;
	[sflag:s22] =	ssyncset.done $0x0  }
0xa1: {  	[sflag:s22] =	ssyncadd.s32 s5;
	_ =	sdelay $0x1  }
0xa2: {  	s23 =	simm.s32 $0x1B8B  }
0xa3: {  	_ =	swait.ge [sflag:s23], $0x1  }
0xa4: {  	[sflag:s23] =	ssyncset.done $0x0  }
0xa5: {  	s25 =	simm.s32 $0x1B8E;
	s24 =	sld [smem:$0x3FFE];
	[sflag:s23] =	ssyncadd.s32 $0xFFFFFFFF  }
0xa6: {  	s26 =	simm.s32 $execute0_lowered;
	[smem:$0x3FD2] =	sst s25  }
0xa7: {  	s6 =	sshll.u32 s26, $0x1;
	_ =	strace $0x80000046;
	[dreg:$0x1] =	wrdreg $0xFFFFFFFF  }
0xa8: {  	s28 =	simm.s32 $_size_execute0_lowered;
	s4 =	sadd.s32 s4, s6;
	[dreg:$0x0] =	wrdreg $0x0  }
0xa9: {  	s6 =	sshll.u32 s28, $0x1;
	[dreg:$0x2] =	wrdreg s4  }
0xaa: {  	[dreg:$0x3] =	wrdreg s6  }
0xab: {  	[dreg:$0x4] =	wrdreg $0xC0  }
0xac: {  	_ =	task [dreg:s8], $0x5FFFF  }
0xad: {  	[dreg:$0x1] =	wrdreg $0xFFFFFFFF  }
0xae: {  	[dreg:$0x0] =	wrdreg $0x60  }
0xaf: {  	[dreg:$0x2] =	wrdreg s2  }
0xb0: {  	[dreg:$0x3] =	wrdreg s18  }
0xb1: {  	[dreg:$0x4] =	wrdreg s24  }
0xb2: {  	[dreg:$0x5] =	wrdreg $0x9  }
0xb3: {  	_ =	task.clear_ibuf [dreg:s8], $0x6FFFF;
	_ =	strace $0x90000046  }
0xb4: {  	s29 =	simm.s32 $0x9;
	_ =	strace $0x80000048  }
0xb5: {  	_ =	swait.ge [sflag:s29], $0x1  }
0xb6: {  	[sflag:s29] =	ssyncadd.s32 $0xFFFFFFFF  }
0xb7: {  	_ =	strace $0x90000048  }
0xb8: {  	_ =	sfence  }
0xb9: {  	s30 =	sld [smem:$0x0];
	_ =	sdelay $0x2  }
0xba: {  	s31 =	sshll.u32 s1, $0xD;
	s1 =	sshrl.u32 s1, $0x2  }
0xbb: {  	s3 =	sand.u32 $0x4000, s31;
	s1 =	sadd.s32 s1, s30  }
0xbc: {  	s0 =	sor.u32 s3, s0;
	s1 =	sshll.u32 s1, $0x11  }
0xbd: {  	s0 =	sor.u32 s1, s0  }
0xbe: {  	s0 =	sadd.s32 $0x8F2B, s0  }
0xbf: {  	[sflag:s0] =	ssyncadd.remote.s32 $0x1  }
0xc0: {  	_ =	sfence.sel $0xFFFF  }
0xc1: {  	[dreg:$0x0] =	wrdreg $0xFFFFFFFF;
	(pc) =	sbr.abs _section_cstart, $3  }
0xc2: {  	[dreg:$0x1] =	wrdreg $0xFFFFFFFF  }
0xc3: {  	_ =	task.clear_ibuf [dreg:s8], $0x2FFFF;
	_ =	strace $0x9FFFFFFF  }
0xc4: {  	(tm) =	ssettm $0x7FFFFFFF  }
0xc5: {  	_ =	shalt  }
tec
execute0_lowered:
.L_overlay_start_1:
0x0: {  	(tag) =	ssettag $0x1  }
0x1: {  	v0 =	vimm.s32 $0x64432201;
	v1 =	vimm.s32 $0xE8C7A685;
	vm8 =	vcmask $0xF00  }
0x2: {  	vm0 =	vcmask $0x1F10;
	vm6 =	vcmask $0x2320;
	vm7 =	vcmask $0x2724  }
0x3: {  	v11 =	vimm.s32 $0x65442302;
	vm5 =	vcmask $0x2B28;
	v2 =	vimm.s32 $0xE9C8A786  }
0x4: {  	vm4 =	vcmask $0x2F2C;
	vm2 =	vcmask $0x3330;
	vm1 =	vcmask $0x3734  }
0x5: {  	v32 =	vimm.s32 $0x66452403;
	v3 =	vimm.s32 $0xEAC9A887;
	vm3 =	vcmask $0x3B38  }
0x6: {  	v36 =	vimm.s32 $0x67462504;
	v38 =	vimm.s32 $0xEBCAA988;
	v41 =	vimm.s32 $0x68472605  }
0x7: {  	v42 =	vimm.s32 $0xECCBAA89;
	v46 =	vimm.s32 $0x69482706;
	v48 =	vimm.s32 $0xEDCCAB8A  }
0x8: {  	v51 =	vimm.s32 $0x6A492807;
	v52 =	vimm.s32 $0xEECDAC8B;
	v56 =	vimm.s32 $0x6B4A2908  }
0x9: {  	v58 =	vimm.s32 $0xEFCEAD8C;
	v61 =	vimm.s32 $0x6C4B2A09;
	v62 =	vimm.s32 $0xE0CFAE8D  }
0xa: {  	v8 =	vimm.s32 $0x6D4C2B0A;
	v10 =	vimm.s32 $0xE1C0AF8E;
	v4 =	vimm.s32 $0xE5C4A382  }
0xb: {  	v5 =	vimm.s32 $0x210FEDCB;
	v12 =	vimm.s32 $0x543210FE;
	v13 =	vimm.s32 $0x6543210F  }
0xc: {  	v14 =	vimm.s32 $0xEDCBA987;
	v18 =	vimm.s32 $0xFEDCBA98;
	v19 =	vimm.s32 $0x76543210  }
0xd: {  	vm10 =	vcmask $0x300;
	vm12 =	vcmask $0x704;
	vm13 =	vcmask $0xB08  }
0xe: {  	vm11 =	vcmask $0xF0C;
	vm9 =	vcmask $0x1310;
	v30 =	vimm.s32 $0x3F0  }
0xf: {  	v31 =	vimm.s32 $0x3F1;
	vm14 =	vcmask $0x1B18;
	vm15 =	vcmask $0x1F1C  }
0x10: {  	v0 =	vunpack.c.0.s8.s32 v0;
	v1 =	vunpack.c.0.s8.s32 v1;
	v2 =	vunpack.c.0.s8.s32 v2  }
0x11: {  	v3 =	vunpack.c.0.s8.s32 v3;
	v37 =	vunpack.c.0.s8.s32 v36;
	v47 =	vunpack.c.0.s8.s32 v46  }
0x12: {  	v57 =	vunpack.c.0.s8.s32 v56;
	v9 =	vunpack.c.0.s8.s32 v8;
	v46 =	vimm.s32 $0x61402F0E  }
0x13: {  	v5 =	vunpack.c.l.s4.s8 v5;
	v8 =	vimm.s32 $0x3210FEDC;
	v13 =	vunpack.c.l.s4.s8 v13  }
0x14: {  	v14 =	vunpack.c.l.s4.s8 v14;
	v20 =	vunpack.c.l.s4.s8 v18;
	v30 =	vsel vm10, $0x211, v30  }
0x15: {  	v19 =	vunpack.c.l.s4.s8 v19;
	v31 =	vsel vm10, $0x212, v31;
	v30 =	vsel vm12, $0x232, v30  }
0x16: {  	v31 =	vsel vm12, $0x233, v31;
	v0 =	vand.u32 $0xFF, v0;
	v1 =	vand.u32 $0xFF, v1  }
0x17: {  	v2 =	vand.u32 $0xFF, v2;
	v35 =	vand.u32 $0xFF, v3;
	v3 =	vunpack.c.0.s8.s32 v38  }
0x18: {  	v38 =	vimm.s32 $0x6F4E2D0C;
	v5 =	vunpack.c.0.s8.s32 v5;
	v13 =	vunpack.c.0.s8.s32 v13  }
0x19: {  	v14 =	vunpack.c.0.s8.s32 v14;
	v20 =	vunpack.c.0.s8.s32 v20;
	v23 =	vunpack.c.0.s8.s32 v19  }
0x1a: {  	v30 =	vsel vm13, $0x253, v30;
	v31 =	vsel vm13, $0x254, v31;
	v0 =	vnsel vm8, $0x1E0, v0  }
0x1b: {  	v30 =	vsel vm11, $0x274, v30;
	v0 =	vsel vm0, v1, v0;
	v1 =	vunpack.c.0.s8.s32 v11  }
0x1c: {  	v31 =	vsel vm11, $0x275, v31;
	v3 =	vand.u32 $0xFF, v3;
	v0 =	vsel vm6, $0x109, v0  }
0x1d: {  	v22 =	vcombine.low v14, v13;
	v0 =	vsel vm7, $0x12A, v0;
	v1 =	vand.u32 $0xFF, v1  }
0x1e: {  	v30 =	vsel vm9, $0x295, v30;
	v0 =	vsel vm5, $0x14B, v0;
	v1 =	vnsel vm8, $0x1E1, v1  }
0x1f: {  	v0 =	vsel vm4, $0x16C, v0;
	v1 =	vsel vm0, v2, v1;
	v2 =	vunpack.c.0.s8.s32 v32  }
0x20: {  	v31 =	vsel vm9, $0x296, v31;
	v0 =	vsel vm2, $0x18D, v0;
	v1 =	vsel vm6, $0x10A, v1  }
0x21: {  	v0 =	vsel vm1, $0x1AE, v0;
	v1 =	vsel vm7, $0x12B, v1;
	v34 =	vand.u32 $0xFF, v2  }
0x22: {  	v2 =	vand.u32 $0xFF, v37;
	v1 =	vsel vm5, $0x14C, v1;
	v0 =	vsel vm3, $0x1CF, v0  }
0x23: {  	v2 =	vnsel vm8, $0x1E3, v2;
	v33 =	vsel vm4, $0x16D, v1;
	v1 =	vnsel vm8, $0x1E2, v34  }
0x24: {  	v40 =	vsel vm0, v3, v2;
	v2 =	vunpack.c.0.s8.s32 v41;
	v3 =	vunpack.c.0.s8.s32 v42  }
0x25: {  	[tilespmem:$0x1FA40] =	vst v0;
	v34 =	vimm.s32 $0xE2C1A08F;
	v1 =	vsel vm0, v35, v1;
	v0 =	vsel vm2, $0x18E, v33  }
0x26: {  	v33 =	vimm.s32 $0x6E4D2C0B;
	v1 =	vsel vm6, $0x10B, v1;
	v0 =	vsel vm1, $0x1AF, v0  }
0x27: {  	v44 =	vand.u32 $0xFF, v2;
	v45 =	vand.u32 $0xFF, v3;
	v3 =	vunpack.c.0.s8.s32 v48  }
0x28: {  	v2 =	vand.u32 $0xFF, v47;
	v47 =	vunpack.c.0.s8.s32 v4;
	v1 =	vsel vm7, $0x12C, v1  }
0x29: {  	v0 =	vsel vm3, $0x1C0, v0;
	v2 =	vnsel vm8, $0x1E5, v2;
	v1 =	vsel vm5, $0x14D, v1  }
0x2a: {  	v3 =	vand.u32 $0xFF, v3;
	v39 =	vsel vm4, $0x16E, v1;
	v1 =	vsel vm6, $0x10C, v40  }
0x2b: {  	v50 =	vsel vm0, v3, v2;
	v2 =	vunpack.c.0.s8.s32 v51;
	v3 =	vunpack.c.0.s8.s32 v52  }
0x2c: {  	[tilespmem:$0x1FA50] =	vst v0;
	v40 =	vimm.s32 $0xE3C2A180;
	v52 =	vimm.s32 $0xE6C5A483;
	v0 =	vsel vm2, $0x18F, v39  }
0x2d: {  	v1 =	vsel vm7, $0x12D, v1;
	v39 =	vunpack.c.0.s8.s32 v38;
	v0 =	vsel vm1, $0x1A0, v0  }
0x2e: {  	v1 =	vsel vm5, $0x14E, v1;
	v54 =	vand.u32 $0xFF, v2;
	v55 =	vand.u32 $0xFF, v3  }
0x2f: {  	v3 =	vunpack.c.0.s8.s32 v58;
	v2 =	vand.u32 $0xFF, v57;
	v0 =	vsel vm3, $0x1C1, v0  }
0x30: {  	v43 =	vsel vm4, $0x16F, v1;
	v1 =	vnsel vm8, $0x1E4, v44;
	v2 =	vnsel vm8, $0x1E7, v2  }
0x31: {  	[tilespmem:$0x1FA60] =	vst v0;
	v1 =	vsel vm0, v45, v1;
	v0 =	vsel vm2, $0x180, v43;
	v3 =	vand.u32 $0xFF, v3  }
0x32: {  	v43 =	vimm.s32 $0x604F2E0D;
	v45 =	vimm.s32 $0xE4C3A281;
	v1 =	vsel vm6, $0x10D, v1  }
0x33: {  	v0 =	vsel vm1, $0x1A1, v0;
	v60 =	vsel vm0, v3, v2;
	v2 =	vunpack.c.0.s8.s32 v61  }
0x34: {  	v3 =	vunpack.c.0.s8.s32 v62;
	v61 =	vunpack.c.l.s4.s8 v8;
	v1 =	vsel vm7, $0x12E, v1  }
0x35: {  	v0 =	vsel vm3, $0x1C2, v0;
	v1 =	vsel vm5, $0x14F, v1;
	v6 =	vand.u32 $0xFF, v2  }
0x36: {  	v7 =	vand.u32 $0xFF, v3;
	v3 =	vunpack.c.0.s8.s32 v10;
	v2 =	vand.u32 $0xFF, v9  }
0x37: {  	v9 =	vimm.s32 $0xBA987654;
	v10 =	vimm.s32 $0x43210FED;
	v49 =	vsel vm4, $0x160, v1  }
0x38: {  	v1 =	vsel vm6, $0x10E, v50;
	v2 =	vnsel vm8, $0x1E9, v2;
	v50 =	vimm.s32 $0x6241200F  }
0x39: {  	[tilespmem:$0x1FA70] =	vst v0;
	v62 =	vunpack.c.l.s4.s8 v9;
	v10 =	vunpack.c.l.s4.s8 v10;
	v0 =	vsel vm2, $0x181, v49  }
0x3a: {  	v1 =	vsel vm7, $0x12F, v1;
	v3 =	vand.u32 $0xFF, v3;
	v51 =	vunpack.c.0.s8.s32 v50  }
0x3b: {  	v0 =	vsel vm1, $0x1A2, v0;
	v1 =	vsel vm5, $0x140, v1;
	v32 =	vsel vm0, v3, v2  }
0x3c: {  	v2 =	vunpack.c.0.s8.s32 v33;
	v3 =	vunpack.c.0.s8.s32 v34;
	v8 =	vunpack.c.0.s8.s32 v62  }
0x3d: {  	v34 =	vunpack.c.l.s4.s8 v12;
	v10 =	vunpack.c.0.s8.s32 v10;
	v12 =	vimm.s32 $0xDCBA9876  }
0x3e: {  	v0 =	vsel vm3, $0x1C3, v0;
	v53 =	vsel vm4, $0x161, v1;
	v1 =	vnsel vm8, $0x1E6, v54  }
0x3f: {  	v54 =	vimm.s32 $0x87654321;
	v12 =	vunpack.c.l.s4.s8 v12;
	v1 =	vsel vm0, v55, v1  }
0x40: {  	[tilespmem:$0x1FA80] =	vst v0;
	v0 =	vsel vm2, $0x182, v53;
	v36 =	vand.u32 $0xFF, v2;
	v37 =	vand.u32 $0xFF, v3  }
0x41: {  	v3 =	vunpack.c.0.s8.s32 v40;
	v2 =	vand.u32 $0xFF, v39;
	v53 =	vimm.s32 $0xFEDCBA9  }
0x42: {  	v4 =	vunpack.c.l.s4.s8 v54;
	v39 =	vimm.s32 $0x74533211;
	v1 =	vsel vm6, $0x10F, v1  }
0x43: {  	v0 =	vsel vm1, $0x1A3, v0;
	v2 =	vnsel vm8, $0x1EB, v2;
	v12 =	vunpack.c.0.s8.s32 v12  }
0x44: {  	v1 =	vsel vm7, $0x120, v1;
	v0 =	vsel vm3, $0x1C4, v0;
	v3 =	vand.u32 $0xFF, v3  }
0x45: {  	v58 =	vunpack.c.0.s8.s32 v4;
	v1 =	vsel vm5, $0x141, v1;
	v42 =	vsel vm0, v3, v2  }
0x46: {  	v2 =	vunpack.c.0.s8.s32 v43;
	v3 =	vunpack.c.0.s8.s32 v46;
	v46 =	vcombine.low v13, v14  }
0x47: {  	v13 =	vimm.s32 $0x3ED;
	v14 =	vimm.s32 $0x3EE;
	v59 =	vsel vm4, $0x162, v1  }
0x48: {  	v1 =	vsel vm6, $0x100, v60;
	v60 =	vimm.s32 $0x98765432;
	v13 =	vsel vm10, $0x20E, v13  }
0x49: {  	[tilespmem:$0x1FA90] =	vst v0;
	v14 =	vsel vm10, $0x20F, v14;
	v0 =	vsel vm2, $0x183, v59;
	v1 =	vsel vm7, $0x121, v1  }
0x4a: {  	v2 =	vand.u32 $0xFF, v2;
	v49 =	vand.u32 $0xFF, v3;
	v3 =	vunpack.c.0.s8.s32 v52  }
0x4b: {  	v59 =	vimm.s32 $0x10FEDCBA;
	v4 =	vunpack.c.l.s4.s8 v60;
	v29 =	vand.u32 $0xF, v46  }
0x4c: {  	v13 =	vsel vm12, $0x22F, v13;
	v14 =	vsel vm12, $0x220, v14;
	v0 =	vsel vm1, $0x1A4, v0  }
0x4d: {  	v1 =	vsel vm5, $0x142, v1;
	v2 =	vnsel vm8, $0x1EC, v2;
	v13 =	vsel vm13, $0x240, v13  }
0x4e: {  	v14 =	vsel vm13, $0x241, v14;
	v0 =	vsel vm3, $0x1C5, v0;
	v63 =	vsel vm4, $0x163, v1  }
0x4f: {  	v1 =	vnsel vm8, $0x1E8, v6;
	v3 =	vand.u32 $0xFF, v3;
	v6 =	vimm.s32 $0xA9876543  }
0x50: {  	v4 =	vunpack.c.0.s8.s32 v4;
	v13 =	vsel vm11, $0x261, v13;
	v1 =	vsel vm0, v7, v1  }
0x51: {  	v14 =	vsel vm11, $0x262, v14;
	v6 =	vunpack.c.l.s4.s8 v6;
	v1 =	vsel vm6, $0x101, v1  }
0x52: {  	[tilespmem:$0x1FAA0] =	vst v0;
	v0 =	vsel vm2, $0x184, v63;
	v13 =	vsel vm9, $0x282, v13;
	v1 =	vsel vm7, $0x122, v1  }
0x53: {  	v0 =	vsel vm1, $0x1A5, v0;
	v6 =	vunpack.c.0.s8.s32 v6;
	v1 =	vsel vm5, $0x143, v1  }
0x54: {  	v14 =	vsel vm9, $0x283, v14;
	v0 =	vsel vm3, $0x1C6, v0;
	v11 =	vsel vm4, $0x164, v1  }
0x55: {  	v1 =	vsel vm6, $0x102, v32;
	v32 =	vcombine.low v6, v5;
	v40 =	vcombine.low v5, v6  }
0x56: {  	[tilespmem:$0x1FAB0] =	vst v0;
	v6 =	vimm.s32 $0x79583716;
	v0 =	vsel vm2, $0x185, v11;
	v1 =	vsel vm7, $0x123, v1  }
0x57: {  	v11 =	vimm.s32 $0xCBA98765;
	v0 =	vsel vm1, $0x1A6, v0;
	v1 =	vsel vm5, $0x144, v1  }
0x58: {  	v33 =	vunpack.c.l.s4.s8 v11;
	v17 =	vand.u32 $0xF, v32;
	v11 =	vunpack.c.0.s8.s32 v34  }
0x59: {  	v25 =	vand.u32 $0xF, v40;
	v35 =	vsel vm4, $0x165, v1;
	v1 =	vnsel vm8, $0x1EA, v36  }
0x5a: {  	v40 =	vimm.s32 $0xF0DFBE9D;
	v0 =	vsel vm3, $0x1C7, v0;
	v1 =	vsel vm0, v37, v1  }
0x5b: {  	[tilespmem:$0x1FAC0] =	vst v0;
	v0 =	vsel vm2, $0x186, v35;
	v21 =	vcombine.low v12, v11;
	v1 =	vsel vm6, $0x103, v1  }
0x5c: {  	v37 =	vand.u32 $0xF, v20;
	v0 =	vsel vm1, $0x1A7, v0;
	v1 =	vsel vm7, $0x124, v1  }
0x5d: {  	v0 =	vsel vm3, $0x1C8, v0;
	v20 =	vand.u32 $0xF, v21;
	v1 =	vsel vm5, $0x145, v1  }
0x5e: {  	v21 =	vand.u32 $0xF, v22;
	v41 =	vsel vm4, $0x166, v1;
	v1 =	vsel vm6, $0x104, v42  }
0x5f: {  	v22 =	vcombine.low v37, v23;
	[tilespmem:$0x1FAD0] =	vst v0;
	v0 =	vsel vm2, $0x187, v41;
	v1 =	vsel vm7, $0x125, v1  }
0x60: {  	v41 =	vimm.s32 $0xF8D7B695;
	v0 =	vsel vm1, $0x1A8, v0;
	v44 =	vsel vm5, $0x146, v1  }
0x61: {  	v1 =	vunpack.c.0.s8.s32 v45;
	v42 =	vunpack.c.0.s8.s32 v41;
	v45 =	vcombine.low v11, v12  }
0x62: {  	v11 =	vimm.s32 $0x7A593817;
	v41 =	vunpack.c.0.s8.s32 v40;
	v12 =	vimm.s32 $0x3EC  }
0x63: {  	v0 =	vsel vm3, $0x1C9, v0;
	v32 =	vunpack.c.0.s8.s32 v11;
	v12 =	vsel vm10, $0x20D, v12  }
0x64: {  	[tilespmem:$0x1FAE0] =	vst v0;
	v0 =	vsel vm4, $0x167, v44;
	v1 =	vand.u32 $0xFF, v1;
	v28 =	vand.u32 $0xF, v45  }
0x65: {  	v45 =	vimm.s32 $0xF1D0BF9E;
	v12 =	vsel vm12, $0x22E, v12;
	v0 =	vsel vm2, $0x188, v0  }
0x66: {  	v1 =	vsel vm0, v1, v2;
	v2 =	vand.u32 $0xFF, v47;
	v47 =	vimm.s32 $0x75543312  }
0x67: {  	v12 =	vsel vm13, $0x24F, v12;
	v0 =	vsel vm1, $0x1A9, v0;
	v48 =	vsel vm6, $0x105, v1  }
0x68: {  	v1 =	vnsel vm8, $0x1ED, v49;
	v12 =	vsel vm11, $0x260, v12;
	v0 =	vsel vm3, $0x1CA, v0  }
0x69: {  	v1 =	vsel vm0, v2, v1;
	v2 =	vand.u32 $0xFF, v51;
	v51 =	vimm.s32 $0x76553413  }
0x6a: {  	v12 =	vsel vm9, $0x281, v12;
	[tilespmem:$0x1FAF0] =	vst v0;
	v0 =	vsel vm7, $0x126, v48;
	v1 =	vsel vm6, $0x106, v1  }
0x6b: {  	v2 =	vnsel vm8, $0x1EE, v2;
	v48 =	vimm.s32 $0xF9D8B796;
	v52 =	vunpack.c.0.s8.s32 v51  }
0x6c: {  	v51 =	vimm.s32 $0x7F5E3D1C;
	v0 =	vsel vm5, $0x147, v0;
	v1 =	vsel vm7, $0x127, v1  }
0x6d: {  	v2 =	vsel vm0, v3, v2;
	v3 =	vunpack.c.l.s4.s8 v53;
	v49 =	vunpack.c.0.s8.s32 v48  }
0x6e: {  	v53 =	vimm.s32 $0xFAD9B897;
	v1 =	vsel vm5, $0x148, v1;
	v0 =	vsel vm4, $0x168, v0  }
0x6f: {  	v2 =	vsel vm6, $0x107, v2;
	v1 =	vsel vm4, $0x169, v1;
	v0 =	vsel vm2, $0x189, v0  }
0x70: {  	v2 =	vsel vm7, $0x128, v2;
	v57 =	vunpack.c.0.s8.s32 v3;
	v3 =	vunpack.c.l.s4.s8 v59  }
0x71: {  	v1 =	vsel vm2, $0x18A, v1;
	v0 =	vsel vm1, $0x1AA, v0;
	v2 =	vsel vm5, $0x149, v2  }
0x72: {  	v1 =	vsel vm1, $0x1AB, v1;
	v2 =	vsel vm4, $0x16A, v2;
	v0 =	vsel vm3, $0x1CB, v0  }
0x73: {  	v7 =	vcombine.low v58, v57;
	v3 =	vunpack.c.0.s8.s32 v3;
	v55 =	vsel vm3, $0x1CC, v1  }
0x74: {  	v56 =	vsel vm2, $0x18B, v2;
	v1 =	vcombine.low v57, v58;
	v2 =	vunpack.c.0.s8.s32 v39  }
0x75: {  	[tilespmem:$0x1FB00] =	vst v0;
	v57 =	vimm.s32 $0xFBDAB998;
	v39 =	vimm.s32 $0x7C5B3A19;
	v0 =	vsel vm1, $0x1AC, v56  }
0x76: {  	v15 =	vand.u32 $0xF, v7;
	v63 =	vcombine.low v4, v3;
	v7 =	vunpack.c.0.s8.s32 v33  }
0x77: {  	v38 =	vcombine.low v3, v4;
	v3 =	vunpack.c.0.s8.s32 v47;
	v56 =	vimm.s32 $0x77563514  }
0x78: {  	v33 =	vimm.s32 $0xFEDDBC9B;
	v0 =	vsel vm3, $0x1CD, v0;
	v23 =	vand.u32 $0xF, v1  }
0x79: {  	v2 =	vand.u32 $0xFF, v2;
	v1 =	vand.u32 $0xFF, v42;
	[tilespmem:$0x1FB20] =	vst v0;
	v0 =	vunpack.c.0.s8.s32 v61  }
0x7a: {  	v16 =	vand.u32 $0xF, v63;
	v36 =	vcombine.low v7, v10;
	v24 =	vand.u32 $0xF, v38  }
0x7b: {  	v43 =	vcombine.low v10, v7;
	v44 =	vnsel vm8, $0x1F0, v2;
	v50 =	vand.u32 $0xFF, v3  }
0x7c: {  	v2 =	vand.u32 $0xFF, v49;
	v3 =	vunpack.c.0.s8.s32 v53;
	v61 =	vimm.s32 $0x78573615  }
0x7d: {  	v63 =	vimm.s32 $0xFCDBBA99;
	v7 =	vimm.s32 $0xFDDCBB9A;
	v38 =	vimm.s32 $0xFFDEBD9C  }
0x7e: {  	v49 =	vimm.s32 $0x7E5D3C1B;
	v62 =	vunpack.c.0.s8.s32 v61;
	v35 =	vcombine.low v8, v0  }
0x7f: {  	v19 =	vand.u32 $0xF, v36;
	v0 =	vcombine.low v0, v8;
	v27 =	vand.u32 $0xF, v43  }
0x80: {  	v3 =	vand.u32 $0xFF, v3;
	v36 =	vimm.s32 $0x7B5A3918;
	v18 =	vand.u32 $0xF, v35  }
0x81: {  	v26 =	vand.u32 $0xF, v0;
	v0 =	vsel vm0, v1, v44;
	v1 =	vnsel vm8, $0x1F1, v50  }
0x82: {  	v44 =	vimm.s32 $0x7D5C3B1A;
	v50 =	vimm.s32 $0xF2D1B09F;
	v0 =	vsel vm6, $0x119, v0  }
0x83: {  	v1 =	vsel vm0, v2, v1;
	v2 =	vand.u32 $0xFF, v52;
	v52 =	vimm.s32 $0xF3D2B190  }
0x84: {  	v0 =	vsel vm7, $0x13A, v0;
	v1 =	vsel vm6, $0x11A, v1;
	v2 =	vnsel vm8, $0x1F2, v2  }
0x85: {  	[tilespmem:$0x1FB10] =	vst v55;
	v0 =	vsel vm5, $0x15B, v0;
	v1 =	vsel vm7, $0x13B, v1;
	v55 =	vsel vm0, v3, v2  }
0x86: {  	v2 =	vunpack.c.0.s8.s32 v56;
	v3 =	vunpack.c.0.s8.s32 v57;
	v0 =	vsel vm4, $0x17C, v0  }
0x87: {  	v57 =	vimm.s32 $0x705F3E1D;
	v1 =	vsel vm5, $0x15C, v1;
	v0 =	vsel vm2, $0x19D, v0  }
0x88: {  	v54 =	vsel vm4, $0x17D, v1;
	v1 =	vsel vm6, $0x11B, v55;
	v59 =	vand.u32 $0xFF, v2  }
0x89: {  	v60 =	vand.u32 $0xFF, v3;
	v3 =	vunpack.c.0.s8.s32 v63;
	v2 =	vand.u32 $0xFF, v62  }
0x8a: {  	v62 =	vimm.s32 $0x71503F1E;
	v0 =	vsel vm1, $0x1BE, v0;
	v1 =	vsel vm7, $0x13C, v1  }
0x8b: {  	v2 =	vnsel vm8, $0x1F4, v2;
	v63 =	vunpack.c.0.s8.s32 v62;
	v0 =	vsel vm3, $0x1DF, v0  }
0x8c: {  	v1 =	vsel vm5, $0x15D, v1;
	v3 =	vand.u32 $0xFF, v3;
	[tilespmem:$0x1FB30] =	vst v0;
	v0 =	vsel vm2, $0x19E, v54  }
0x8d: {  	v58 =	vsel vm4, $0x17E, v1;
	v1 =	vnsel vm8, $0x1F3, v59;
	v5 =	vsel vm0, v3, v2  }
0x8e: {  	v2 =	vunpack.c.0.s8.s32 v6;
	v3 =	vunpack.c.0.s8.s32 v7;
	v0 =	vsel vm1, $0x1BF, v0  }
0x8f: {  	v62 =	vimm.s32 $0x1211101F;
	v1 =	vsel vm0, v60, v1;
	v0 =	vsel vm3, $0x1D0, v0  }
0x90: {  	v1 =	vsel vm6, $0x11C, v1;
	v9 =	vand.u32 $0xFF, v2;
	v10 =	vand.u32 $0xFF, v3  }
0x91: {  	v3 =	vunpack.c.0.s8.s32 v33;
	v2 =	vand.u32 $0xFF, v32;
	v33 =	vimm.s32 $0x1C1B1A19  }
0x92: {  	[tilespmem:$0x1FB40] =	vst v0;
	v0 =	vsel vm2, $0x19F, v58;
	v1 =	vsel vm7, $0x13D, v1;
	v2 =	vnsel vm8, $0x1F6, v2  }
0x93: {  	v58 =	vimm.s32 $0xF4D3B291;
	v0 =	vsel vm1, $0x1B0, v0;
	v1 =	vsel vm5, $0x15E, v1  }
0x94: {  	v3 =	vand.u32 $0xFF, v3;
	v0 =	vsel vm3, $0x1D1, v0;
	v4 =	vsel vm4, $0x17F, v1  }
0x95: {  	v1 =	vsel vm6, $0x11D, v5;
	v35 =	vsel vm0, v3, v2;
	v2 =	vunpack.c.0.s8.s32 v36  }
0x96: {  	v3 =	vunpack.c.0.s8.s32 v39;
	v36 =	vimm.s32 $0x14131211;
	v39 =	vimm.s32 $0x3E0  }
0x97: {  	[tilespmem:$0x1FB50] =	vst v0;
	v0 =	vsel vm2, $0x190, v4;
	v1 =	vsel vm7, $0x13E, v1;
	v4 =	vunpack.c.0.s8.s32 v52  }
0x98: {  	v40 =	vsel vm10, $0x201, v39;
	v52 =	vimm.s32 $0x3EA;
	v39 =	vimm.s32 $0x3F9  }
0x99: {  	v0 =	vsel vm1, $0x1B1, v0;
	v1 =	vsel vm5, $0x15F, v1;
	v2 =	vand.u32 $0xFF, v2  }
0x9a: {  	v43 =	vand.u32 $0xFF, v3;
	v3 =	vunpack.c.0.s8.s32 v45;
	v45 =	vimm.s32 $0x3E3  }
0x9b: {  	v39 =	vsel vm10, $0x21A, v39;
	v0 =	vsel vm3, $0x1D2, v0;
	v8 =	vsel vm4, $0x170, v1  }
0x9c: {  	v1 =	vnsel vm8, $0x1F5, v9;
	v2 =	vnsel vm8, $0x1F7, v2;
	v54 =	vand.u32 $0xFF, v4  }
0x9d: {  	v9 =	vimm.s32 $0xF5D4B392;
	v39 =	vsel vm12, $0x23B, v39;
	v1 =	vsel vm0, v10, v1  }
0x9e: {  	[tilespmem:$0x1FB60] =	vst v0;
	v0 =	vsel vm2, $0x191, v8;
	v3 =	vand.u32 $0xFF, v3;
	v8 =	vimm.s32 $0x7251301F  }
0x9f: {  	v10 =	vimm.s32 $0xF6D5B493;
	v39 =	vsel vm13, $0x25C, v39;
	v1 =	vsel vm6, $0x11E, v1  }
0xa0: {  	v0 =	vsel vm1, $0x1B2, v0;
	v4 =	vunpack.c.0.s8.s32 v10;
	v10 =	vsel vm10, $0x20B, v52  }
0xa1: {  	v39 =	vsel vm11, $0x27D, v39;
	v52 =	vimm.s32 $0x13121110;
	v1 =	vsel vm7, $0x13F, v1  }
0xa2: {  	v0 =	vsel vm3, $0x1D3, v0;
	v10 =	vsel vm12, $0x22C, v10;
	v39 =	vsel vm9, $0x29E, v39  }
0xa3: {  	v1 =	vsel vm5, $0x150, v1;
	v4 =	vand.u32 $0xFF, v4;
	v10 =	vsel vm13, $0x24D, v10  }
0xa4: {  	v34 =	vsel vm4, $0x171, v1;
	v1 =	vsel vm6, $0x11F, v35;
	v35 =	vimm.s32 $0x101F1E1D  }
0xa5: {  	[tilespmem:$0x1FB70] =	vst v0;
	v10 =	vsel vm11, $0x26E, v10;
	v0 =	vsel vm2, $0x192, v34;
	v1 =	vsel vm7, $0x130, v1  }
0xa6: {  	v0 =	vsel vm1, $0x1B3, v0;
	v37 =	vsel vm5, $0x151, v1;
	v1 =	vunpack.c.0.s8.s32 v38  }
0xa7: {  	v10 =	vsel vm9, $0x28F, v10;
	v38 =	vimm.s32 $0x1D1C1B1A;
	v0 =	vsel vm3, $0x1D4, v0  }
0xa8: {  	[tilespmem:$0x1FB80] =	vst v0;
	v0 =	vsel vm4, $0x172, v37;
	v1 =	vand.u32 $0xFF, v1;
	v37 =	vimm.s32 $0x18171615  }
0xa9: {  	v0 =	vsel vm2, $0x193, v0;
	v1 =	vsel vm0, v1, v2;
	v2 =	vand.u32 $0xFF, v41  }
0xaa: {  	v41 =	vimm.s32 $0x11101F1E;
	v0 =	vsel vm1, $0x1B4, v0;
	v42 =	vsel vm6, $0x110, v1  }
0xab: {  	v1 =	vnsel vm8, $0x1F8, v43;
	v43 =	vimm.s32 $0x3E1;
	v0 =	vsel vm3, $0x1D5, v0  }
0xac: {  	v1 =	vsel vm0, v2, v1;
	v2 =	vunpack.c.0.s8.s32 v44;
	v44 =	vimm.s32 $0x3E2  }
0xad: {  	[tilespmem:$0x1FB90] =	vst v0;
	v0 =	vsel vm7, $0x131, v42;
	v1 =	vsel vm6, $0x111, v1;
	v42 =	vimm.s32 $0x15141312  }
0xae: {  	v0 =	vsel vm5, $0x152, v0;
	v1 =	vsel vm7, $0x132, v1;
	v2 =	vand.u32 $0xFF, v2  }
0xaf: {  	v0 =	vsel vm4, $0x173, v0;
	v1 =	vsel vm5, $0x153, v1;
	v2 =	vnsel vm8, $0x1F9, v2  }
0xb0: {  	v0 =	vsel vm2, $0x194, v0;
	v1 =	vsel vm4, $0x174, v1;
	v2 =	vsel vm0, v3, v2  }
0xb1: {  	v3 =	vunpack.c.0.s8.s32 v51;
	v51 =	vimm.s32 $0x3E9;
	v0 =	vsel vm1, $0x1B5, v0  }
0xb2: {  	v1 =	vsel vm2, $0x195, v1;
	v47 =	vsel vm6, $0x112, v2;
	v2 =	vunpack.c.0.s8.s32 v50  }
0xb3: {  	v50 =	vimm.s32 $0x3E8;
	v0 =	vsel vm3, $0x1D6, v0;
	v46 =	vsel vm1, $0x1B6, v1  }
0xb4: {  	v48 =	vsel vm7, $0x133, v47;
	v1 =	vunpack.c.0.s8.s32 v49;
	v3 =	vand.u32 $0xFF, v3  }
0xb5: {  	v47 =	vimm.s32 $0x3E5;
	v49 =	vimm.s32 $0x3E7;
	[tilespmem:$0x1FBA0] =	vst v0;
	v0 =	vsel vm3, $0x1D7, v46  }
0xb6: {  	v2 =	vand.u32 $0xFF, v2;
	v53 =	vnsel vm8, $0x1FB, v3;
	v3 =	vunpack.c.0.s8.s32 v58  }
0xb7: {  	v58 =	vunpack.c.0.s8.s32 v38;
	v46 =	vimm.s32 $0x3E4;
	v5 =	vsel vm10, $0x206, v47  }
0xb8: {  	v7 =	vsel vm10, $0x208, v49;
	v38 =	vimm.s32 $0x3F8;
	v49 =	vimm.s32 $0x1A191817  }
0xb9: {  	[tilespmem:$0x1FBB0] =	vst v0;
	v0 =	vsel vm5, $0x154, v48;
	v1 =	vand.u32 $0xFF, v1;
	v48 =	vimm.s32 $0x3E6  }
0xba: {  	v38 =	vsel vm10, $0x219, v38;
	v5 =	vsel vm12, $0x227, v5;
	v7 =	vsel vm12, $0x229, v7  }
0xbb: {  	v1 =	vnsel vm8, $0x1FA, v1;
	v0 =	vsel vm4, $0x175, v0;
	v61 =	vand.u32 $0xFF, v3  }
0xbc: {  	v3 =	vunpack.c.0.s8.s32 v9;
	v6 =	vsel vm10, $0x207, v48;
	v9 =	vsel vm10, $0x20A, v51  }
0xbd: {  	v5 =	vsel vm13, $0x248, v5;
	v7 =	vsel vm13, $0x24A, v7;
	v38 =	vsel vm12, $0x23A, v38  }
0xbe: {  	v48 =	vimm.s32 $0x16151413;
	v51 =	vimm.s32 $0x1F1E1D1C;
	v1 =	vsel vm0, v2, v1  }
0xbf: {  	v2 =	vsel vm0, v54, v53;
	v0 =	vsel vm2, $0x196, v0;
	v53 =	vimm.s32 $0x3EB  }
0xc0: {  	v6 =	vsel vm12, $0x228, v6;
	v9 =	vsel vm12, $0x22B, v9;
	v38 =	vsel vm13, $0x25B, v38  }
0xc1: {  	v5 =	vsel vm11, $0x269, v5;
	v7 =	vsel vm11, $0x26B, v7;
	v1 =	vsel vm6, $0x113, v1  }
0xc2: {  	v2 =	vsel vm6, $0x114, v2;
	v0 =	vsel vm1, $0x1B7, v0;
	v3 =	vand.u32 $0xFF, v3  }
0xc3: {  	v6 =	vsel vm13, $0x249, v6;
	v9 =	vsel vm13, $0x24C, v9;
	v38 =	vsel vm11, $0x27C, v38  }
0xc4: {  	v5 =	vsel vm9, $0x28A, v5;
	v7 =	vsel vm9, $0x28C, v7;
	v1 =	vsel vm7, $0x134, v1  }
0xc5: {  	v2 =	vsel vm7, $0x135, v2;
	v0 =	vsel vm3, $0x1D8, v0;
	v6 =	vsel vm11, $0x26A, v6  }
0xc6: {  	v9 =	vsel vm11, $0x26D, v9;
	v38 =	vsel vm9, $0x29D, v38;
	v1 =	vsel vm5, $0x155, v1  }
0xc7: {  	v56 =	vsel vm5, $0x156, v2;
	v2 =	vunpack.c.0.s8.s32 v57;
	v57 =	vunpack.c.0.s8.s32 v37  }
0xc8: {  	v37 =	vimm.s32 $0x3F7;
	v6 =	vsel vm9, $0x28B, v6;
	v9 =	vsel vm9, $0x28E, v9  }
0xc9: {  	v55 =	vsel vm4, $0x176, v1;
	v1 =	vsel vm4, $0x177, v56;
	v56 =	vunpack.c.0.s8.s32 v36  }
0xca: {  	[tilespmem:$0x1FBC0] =	vst v0;
	v36 =	vimm.s32 $0x3F6;
	v37 =	vsel vm10, $0x218, v37;
	v0 =	vsel vm2, $0x197, v55  }
0xcb: {  	v1 =	vsel vm2, $0x198, v1;
	v60 =	vand.u32 $0xFF, v2;
	v2 =	vunpack.c.0.s8.s32 v8  }
0xcc: {  	v55 =	vunpack.c.0.s8.s32 v35;
	v8 =	vsel vm10, $0x209, v50;
	v35 =	vimm.s32 $0x3F5  }
0xcd: {  	v36 =	vsel vm10, $0x217, v36;
	v37 =	vsel vm12, $0x239, v37;
	v50 =	vunpack.c.0.s8.s32 v49  }
0xce: {  	v0 =	vsel vm1, $0x1B8, v0;
	v1 =	vsel vm1, $0x1B9, v1;
	v35 =	vsel vm10, $0x216, v35  }
0xcf: {  	v8 =	vsel vm12, $0x22A, v8;
	v36 =	vsel vm12, $0x238, v36;
	v37 =	vsel vm13, $0x25A, v37  }
0xd0: {  	v0 =	vsel vm3, $0x1D9, v0;
	v59 =	vsel vm3, $0x1DA, v1;
	v1 =	vand.u32 $0xFF, v63  }
0xd1: {  	v2 =	vand.u32 $0xFF, v2;
	v63 =	vunpack.c.0.s8.s32 v33;
	v33 =	vimm.s32 $0x3F3  }
0xd2: {  	v8 =	vsel vm13, $0x24B, v8;
	v35 =	vsel vm12, $0x237, v35;
	v36 =	vsel vm13, $0x259, v36  }
0xd3: {  	v37 =	vsel vm11, $0x27B, v37;
	[tilespmem:$0x1FBD0] =	vst v0;
	v0 =	vnsel vm8, $0x1FC, v60;
	v1 =	vnsel vm8, $0x1FD, v1  }
0xd4: {  	[tilespmem:$0x1FBE0] =	vst v59;
	v2 =	vnsel vm8, $0x1FE, v2;
	v59 =	vunpack.c.0.s8.s32 v41;
	v60 =	vunpack.c.0.s8.s32 v42  }
0xd5: {  	vm8 =	vcmask $0x1714;
	v33 =	vsel vm10, $0x214, v33;
	v41 =	vimm.s32 $0x3FB  }
0xd6: {  	v42 =	vimm.s32 $0x3FC;
	v35 =	vsel vm13, $0x258, v35;
	v8 =	vsel vm11, $0x26C, v8  }
0xd7: {  	v36 =	vsel vm11, $0x27A, v36;
	v37 =	vsel vm9, $0x29C, v37;
	v0 =	vsel vm0, v61, v0  }
0xd8: {  	v1 =	vsel vm0, v3, v1;
	v2 =	vsel vm0, v4, v2;
	v3 =	vsel vm10, $0x204, v45  }
0xd9: {  	v4 =	vsel vm10, $0x205, v46;
	v41 =	vsel vm10, $0x21C, v41;
	v42 =	vsel vm10, $0x21D, v42  }
0xda: {  	v33 =	vsel vm12, $0x235, v33;
	v45 =	vimm.s32 $0x19181716;
	v46 =	vimm.s32 $0x1E1D1C1B  }
0xdb: {  	v35 =	vsel vm11, $0x279, v35;
	v8 =	vsel vm9, $0x28D, v8;
	v36 =	vsel vm9, $0x29B, v36  }
0xdc: {  	v5 =	vsel vm8, $0x2AB, v5;
	v6 =	vsel vm8, $0x2AC, v6;
	v7 =	vsel vm8, $0x2AD, v7  }
0xdd: {  	v9 =	vsel vm8, $0x2AF, v9;
	v10 =	vsel vm8, $0x2A0, v10;
	v12 =	vsel vm8, $0x2A2, v12  }
0xde: {  	v13 =	vsel vm8, $0x2A3, v13;
	v14 =	vsel vm8, $0x2A4, v14;
	v30 =	vsel vm8, $0x2B6, v30  }
0xdf: {  	v31 =	vsel vm8, $0x2B7, v31;
	v37 =	vsel vm8, $0x2BD, v37;
	v38 =	vsel vm8, $0x2BE, v38  }
0xe0: {  	v39 =	vsel vm8, $0x2BF, v39;
	v0 =	vsel vm6, $0x115, v0;
	v1 =	vsel vm6, $0x116, v1  }
0xe1: {  	v2 =	vsel vm6, $0x117, v2;
	v3 =	vsel vm12, $0x225, v3;
	v4 =	vsel vm12, $0x226, v4  }
0xe2: {  	v33 =	vsel vm13, $0x256, v33;
	v41 =	vsel vm12, $0x23D, v41;
	v42 =	vsel vm12, $0x23E, v42  }
0xe3: {  	v61 =	vunpack.c.0.s8.s32 v45;
	v54 =	vunpack.c.0.s8.s32 v46;
	v35 =	vsel vm9, $0x29A, v35  }
0xe4: {  	v45 =	vunpack.c.0.s8.s32 v62;
	v5 =	vsel vm14, $0x2CC, v5;
	v6 =	vsel vm14, $0x2CD, v6  }
0xe5: {  	v7 =	vsel vm14, $0x2CE, v7;
	v8 =	vsel vm8, $0x2AE, v8;
	v9 =	vsel vm14, $0x2C0, v9  }
0xe6: {  	v10 =	vsel vm14, $0x2C1, v10;
	v12 =	vsel vm14, $0x2C3, v12;
	v13 =	vsel vm14, $0x2C4, v13  }
0xe7: {  	v14 =	vsel vm14, $0x2C5, v14;
	v30 =	vsel vm14, $0x2D7, v30;
	v31 =	vsel vm14, $0x2D8, v31  }
0xe8: {  	v36 =	vsel vm8, $0x2BC, v36;
	v37 =	vsel vm14, $0x2DE, v37;
	v38 =	vsel vm14, $0x2DF, v38  }
0xe9: {  	v39 =	vsel vm14, $0x2D0, v39;
	v62 =	vimm.s32 $0x1B1A1918;
	v0 =	vsel vm7, $0x136, v0  }
0xea: {  	v1 =	vsel vm7, $0x137, v1;
	v2 =	vsel vm7, $0x138, v2;
	v3 =	vsel vm13, $0x246, v3  }
0xeb: {  	v4 =	vsel vm13, $0x247, v4;
	v41 =	vsel vm13, $0x25E, v41;
	v42 =	vsel vm13, $0x25F, v42  }
0xec: {  	v33 =	vsel vm11, $0x277, v33;
	v8 =	vsel vm14, $0x2CF, v8;
	v35 =	vsel vm8, $0x2BB, v35  }
0xed: {  	v36 =	vsel vm14, $0x2DD, v36;
	v5 =	vsel vm15, $0x2ED, v5;
	v6 =	vsel vm15, $0x2EE, v6  }
0xee: {  	v7 =	vsel vm15, $0x2EF, v7;
	v9 =	vsel vm15, $0x2E1, v9;
	v10 =	vsel vm15, $0x2E2, v10  }
0xef: {  	v12 =	vsel vm15, $0x2E4, v12;
	v13 =	vsel vm15, $0x2E5, v13;
	v14 =	vsel vm15, $0x2E6, v14  }
0xf0: {  	v30 =	vsel vm15, $0x2F8, v30;
	v31 =	vsel vm15, $0x2F9, v31;
	v37 =	vsel vm15, $0x2FF, v37  }
0xf1: {  	v38 =	vsel vm15, $0x2F0, v38;
	v39 =	vsel vm15, $0x2F1, v39;
	v0 =	vsel vm5, $0x157, v0  }
0xf2: {  	v1 =	vsel vm5, $0x158, v1;
	v2 =	vsel vm5, $0x159, v2;
	v3 =	vsel vm11, $0x267, v3  }
0xf3: {  	v4 =	vsel vm11, $0x268, v4;
	v41 =	vsel vm11, $0x27F, v41;
	v42 =	vsel vm11, $0x270, v42  }
0xf4: {  	v33 =	vsel vm9, $0x298, v33;
	[tilespmem:$0x1FC30] =	vst v45;
	v45 =	vunpack.c.0.s8.s32 v48;
	v8 =	vsel vm15, $0x2E0, v8  }
0xf5: {  	v36 =	vsel vm15, $0x2FE, v36;
	v5 =	vsel vm6, $0x30E, v5;
	v6 =	vsel vm6, $0x30F, v6  }
0xf6: {  	v7 =	vsel vm6, $0x300, v7;
	v9 =	vsel vm6, $0x302, v9;
	v10 =	vsel vm6, $0x303, v10  }
0xf7: {  	v37 =	vsel vm6, $0x310, v37;
	v38 =	vsel vm6, $0x311, v38;
	v39 =	vsel vm6, $0x312, v39  }
0xf8: {  	v0 =	vsel vm4, $0x178, v0;
	v1 =	vsel vm4, $0x179, v1;
	v2 =	vsel vm4, $0x17A, v2  }
0xf9: {  	v3 =	vsel vm9, $0x288, v3;
	v4 =	vsel vm9, $0x289, v4;
	v41 =	vsel vm9, $0x290, v41  }
0xfa: {  	v42 =	vsel vm9, $0x291, v42;
	v5 =	vsel vm7, $0x32F, v5;
	v6 =	vsel vm7, $0x320, v6  }
0xfb: {  	v7 =	vsel vm7, $0x321, v7;
	v8 =	vsel vm6, $0x301, v8;
	v9 =	vsel vm7, $0x323, v9  }
0xfc: {  	v10 =	vsel vm7, $0x324, v10;
	v36 =	vsel vm6, $0x31F, v36;
	v37 =	vsel vm7, $0x331, v37  }
0xfd: {  	v38 =	vsel vm7, $0x332, v38;
	v39 =	vsel vm7, $0x333, v39;
	v0 =	vsel vm2, $0x199, v0  }
0xfe: {  	v11 =	vsel vm2, $0x19A, v1;
	v32 =	vsel vm2, $0x19B, v2;
	v2 =	vsel vm10, $0x203, v44  }
0xff: {  	v44 =	vimm.s32 $0x3FE;
	v3 =	vsel vm8, $0x2A9, v3;
	v4 =	vsel vm8, $0x2AA, v4  }
0x100: {  	v41 =	vsel vm8, $0x2B1, v41;
	v42 =	vsel vm8, $0x2B2, v42;
	[tilespmem:$0x1FC40] =	vst v45;
	v45 =	vunpack.c.0.s8.s32 v51  }
0x101: {  	[tilespmem:$0x1FC50] =	vst v50;
	v8 =	vsel vm7, $0x322, v8;
	v36 =	vsel vm7, $0x330, v36;
	v50 =	vsel vm5, $0x340, v5  }
0x102: {  	v51 =	vsel vm5, $0x341, v6;
	v9 =	vsel vm5, $0x344, v9;
	v10 =	vsel vm5, $0x345, v10  }
0x103: {  	v6 =	vsel vm5, $0x353, v38;
	v5 =	vsel vm5, $0x354, v39;
	v0 =	vsel vm1, $0x1BA, v0  }
0x104: {  	v1 =	vsel vm1, $0x1BC, v32;
	v44 =	vsel vm10, $0x21F, v44;
	v2 =	vsel vm12, $0x224, v2  }
0x105: {  	v3 =	vsel vm14, $0x2CA, v3;
	v4 =	vsel vm14, $0x2CB, v4;
	v41 =	vsel vm14, $0x2D2, v41  }
0x106: {  	v42 =	vsel vm14, $0x2D3, v42;
	v9 =	vsel vm4, $0x365, v9;
	v10 =	vsel vm4, $0x366, v10  }
0x107: {  	v6 =	vsel vm4, $0x374, v6;
	v5 =	vsel vm4, $0x375, v5;
	v0 =	vsel vm3, $0x1DB, v0  }
0x108: {  	v34 =	vsel vm3, $0x1DD, v1;
	v1 =	vsel vm10, $0x202, v43;
	v43 =	vimm.s32 $0x3FD  }
0x109: {  	v2 =	vsel vm13, $0x245, v2;
	v44 =	vsel vm12, $0x230, v44;
	v3 =	vsel vm15, $0x2EB, v3  }
0x10a: {  	v4 =	vsel vm15, $0x2EC, v4;
	v41 =	vsel vm15, $0x2F3, v41;
	v42 =	vsel vm15, $0x2F4, v42  }
0x10b: {  	[tilespmem:$0x1FC60] =	vst v45;
	v45 =	vunpack.c.0.s8.s32 v52;
	v52 =	vsel vm5, $0x342, v7;
	v7 =	vsel vm5, $0x352, v37  }
0x10c: {  	v9 =	vsel vm2, $0x386, v9;
	v6 =	vsel vm2, $0x395, v6;
	v5 =	vsel vm2, $0x396, v5  }
0x10d: {  	[tilespmem:$0x1FBF0] =	vst v0;
	v0 =	vsel vm1, $0x1BB, v11;
	v1 =	vsel vm12, $0x223, v1;
	v11 =	vsel vm10, $0x20C, v53  }
0x10e: {  	v43 =	vsel vm10, $0x21E, v43;
	v44 =	vsel vm13, $0x251, v44;
	v2 =	vsel vm11, $0x266, v2  }
0x10f: {  	v3 =	vsel vm6, $0x30C, v3;
	v4 =	vsel vm6, $0x30D, v4;
	v41 =	vsel vm6, $0x314, v41  }
0x110: {  	v42 =	vsel vm6, $0x315, v42;
	v53 =	vimm.s32 $0x17161514;
	v9 =	vsel vm1, $0x3A7, v9  }
0x111: {  	v7 =	vsel vm4, $0x373, v7;
	v6 =	vsel vm1, $0x3B6, v6;
	v5 =	vsel vm1, $0x3B7, v5  }
0x112: {  	v0 =	vsel vm3, $0x1DC, v0;
	v1 =	vsel vm13, $0x244, v1;
	v43 =	vsel vm12, $0x23F, v43  }
0x113: {  	v44 =	vsel vm11, $0x272, v44;
	v2 =	vsel vm9, $0x287, v2;
	v3 =	vsel vm7, $0x32D, v3  }
0x114: {  	v4 =	vsel vm7, $0x32E, v4;
	v41 =	vsel vm7, $0x335, v41;
	v42 =	vsel vm7, $0x336, v42  }
0x115: {  	[tilespmem:$0x1FC20] =	vst v54;
	v54 =	vunpack.c.0.s8.s32 v53;
	v53 =	vsel vm5, $0x343, v8;
	v8 =	vsel vm5, $0x351, v36  }
0x116: {  	v9 =	vsel vm3, $0x3C8, v9;
	v7 =	vsel vm2, $0x394, v7;
	[tilespmem:$0x1FC00] =	vst v0;
	v0 =	vsel vm12, $0x222, v40  }
0x117: {  	v40 =	vimm.s32 $0x3FA;
	v43 =	vsel vm13, $0x250, v43;
	v1 =	vsel vm11, $0x265, v1  }
0x118: {  	v44 =	vsel vm9, $0x293, v44;
	v2 =	vsel vm8, $0x2A8, v2;
	v48 =	vsel vm5, $0x34E, v3  }
0x119: {  	v49 =	vsel vm5, $0x34F, v4;
	v3 =	vsel vm5, $0x356, v41;
	v0 =	vsel vm13, $0x243, v0  }
0x11a: {  	v40 =	vsel vm10, $0x21B, v40;
	v43 =	vsel vm11, $0x271, v43;
	v1 =	vsel vm9, $0x286, v1  }
0x11b: {  	v2 =	vsel vm14, $0x2C9, v2;
	v44 =	vsel vm8, $0x2B4, v44;
	[tilespmem:$0x1FC80] =	vst v54;
	v54 =	vunpack.c.0.s8.s32 v62  }
0x11c: {  	v0 =	vsel vm11, $0x264, v0;
	v40 =	vsel vm12, $0x23C, v40;
	v43 =	vsel vm9, $0x292, v43  }
0x11d: {  	v1 =	vsel vm8, $0x2A7, v1;
	v44 =	vsel vm14, $0x2D5, v44;
	v2 =	vsel vm15, $0x2EA, v2  }
0x11e: {  	v0 =	vsel vm9, $0x285, v0;
	v40 =	vsel vm13, $0x25D, v40;
	v1 =	vsel vm14, $0x2C8, v1  }
0x11f: {  	v43 =	vsel vm8, $0x2B3, v43;
	v44 =	vsel vm15, $0x2F6, v44;
	v2 =	vsel vm6, $0x30B, v2  }
0x120: {  	v0 =	vsel vm8, $0x2A6, v0;
	v40 =	vsel vm11, $0x27E, v40;
	v43 =	vsel vm14, $0x2D4, v43  }
0x121: {  	v1 =	vsel vm15, $0x2E9, v1;
	v2 =	vsel vm7, $0x32C, v2;
	v44 =	vsel vm6, $0x317, v44  }
0x122: {  	v0 =	vsel vm14, $0x2C7, v0;
	v40 =	vsel vm9, $0x29F, v40;
	v43 =	vsel vm15, $0x2F5, v43  }
0x123: {  	v1 =	vsel vm6, $0x30A, v1;
	v44 =	vsel vm7, $0x338, v44;
	v47 =	vsel vm5, $0x34D, v2  }
0x124: {  	v2 =	vsel vm5, $0x357, v42;
	v0 =	vsel vm15, $0x2E8, v0;
	v40 =	vsel vm8, $0x2B0, v40  }
0x125: {  	v1 =	vsel vm7, $0x32B, v1;
	v43 =	vsel vm6, $0x316, v43;
	v0 =	vsel vm6, $0x309, v0  }
0x126: {  	v40 =	vsel vm14, $0x2D1, v40;
	v43 =	vsel vm7, $0x337, v43;
	v0 =	vsel vm7, $0x32A, v0  }
0x127: {  	v46 =	vsel vm5, $0x34C, v1;
	v40 =	vsel vm15, $0x2F2, v40;
	v0 =	vsel vm5, $0x34B, v0  }
0x128: {  	v1 =	vsel vm5, $0x358, v43;
	v40 =	vsel vm6, $0x313, v40;
	v0 =	vsel vm4, $0x36C, v0  }
0x129: {  	[tilespmem:$0x1FC70] =	vst v45;
	v41 =	vsel vm4, $0x36D, v46;
	v40 =	vsel vm7, $0x334, v40;
	v45 =	vsel vm2, $0x38D, v0  }
0x12a: {  	v43 =	vsel vm4, $0x36E, v47;
	v4 =	vsel vm5, $0x355, v40;
	v40 =	vsel vm1, $0x3AE, v45  }
0x12b: {  	v42 =	vsel vm2, $0x38E, v41;
	v37 =	vsel vm2, $0x38F, v43;
	v36 =	vsel vm3, $0x3CF, v40  }
0x12c: {  	v0 =	vsel vm5, $0x359, v44;
	v44 =	vsel vm4, $0x36F, v48;
	[tilespmem:$0x1FC90] =	vst v36;
	v36 =	vsel vm1, $0x3AF, v42  }
0x12d: {  	v45 =	vsel vm1, $0x3A0, v37;
	v46 =	vsel vm2, $0x380, v44;
	v36 =	vsel vm3, $0x3C0, v36  }
0x12e: {  	v48 =	vsel vm4, $0x360, v49;
	v47 =	vsel vm1, $0x3A1, v46;
	[tilespmem:$0x1FCA0] =	vst v36;
	v36 =	vsel vm3, $0x3C1, v45  }
0x12f: {  	v62 =	vsel vm4, $0x361, v50;
	v49 =	vsel vm2, $0x381, v48;
	[tilespmem:$0x1FCB0] =	vst v36;
	v36 =	vsel vm3, $0x3C2, v47  }
0x130: {  	v37 =	vsel vm2, $0x382, v62;
	v40 =	vsel vm4, $0x362, v51;
	[tilespmem:$0x1FCC0] =	vst v36;
	v36 =	vsel vm1, $0x3A2, v49  }
0x131: {  	[tilespmem:$0x1FC10] =	vst v34;
	v41 =	vsel vm1, $0x3A3, v37;
	v42 =	vsel vm2, $0x383, v40;
	v36 =	vsel vm3, $0x3C3, v36  }
0x132: {  	v44 =	vsel vm4, $0x363, v52;
	v43 =	vsel vm1, $0x3A4, v42;
	[tilespmem:$0x1FCD0] =	vst v36;
	v36 =	vsel vm3, $0x3C4, v41  }
0x133: {  	v46 =	vsel vm4, $0x364, v53;
	v45 =	vsel vm2, $0x384, v44;
	[tilespmem:$0x1FCE0] =	vst v36;
	v36 =	vsel vm3, $0x3C5, v43  }
0x134: {  	v8 =	vsel vm4, $0x372, v8;
	v37 =	vsel vm2, $0x385, v46;
	[tilespmem:$0x1FCF0] =	vst v36;
	v36 =	vsel vm1, $0x3A5, v45  }
0x135: {  	s0 =	rddreg [dreg:$0x0];
	[tilespmem:$0x1FD20] =	vst v9;
	v48 =	vsel vm2, $0x387, v10;
	v47 =	vsel vm1, $0x3A6, v37;
	v36 =	vsel vm3, $0x3C6, v36  }
0x136: {  	s1 =	rddreg [dreg:$0x1];
	s3 =	simm.s32 $0x0;
	v8 =	vsel vm2, $0x393, v8;
	v9 =	vsel vm1, $0x3A8, v48;
	[tilespmem:$0x1FD00] =	vst v36;
	v36 =	vsel vm3, $0x3C7, v47  }
0x137: {  	[smem:$0x7FF] =	sst s3;
	v6 =	vsel vm3, $0x3D7, v6;
	v8 =	vsel vm1, $0x3B4, v8;
	v9 =	vsel vm3, $0x3C9, v9;
	[tilespmem:$0x1FD10] =	vst v36  }
0x138: {  	s2 =	rddreg [dreg:$0x2];
	v7 =	vsel vm1, $0x3B5, v7;
	v3 =	vsel vm4, $0x377, v3;
	v8 =	vsel vm3, $0x3D5, v8;
	_ =	strace $0x80000047;
	[tilespmem:$0x1FD30] =	vst v9  }
0x139: {  	v7 =	vsel vm3, $0x3D6, v7;
	v3 =	vsel vm2, $0x398, v3;
	v4 =	vsel vm4, $0x376, v4;
	[tilespmem:$0x1FDE0] =	vst v8  }
0x13a: {  	v5 =	vsel vm3, $0x3D8, v5;
	v3 =	vsel vm1, $0x3B9, v3;
	v4 =	vsel vm2, $0x397, v4;
	[tilespmem:$0x1FDF0] =	vst v7  }
0x13b: {  	v3 =	vsel vm3, $0x3DA, v3;
	v2 =	vsel vm4, $0x378, v2;
	v4 =	vsel vm1, $0x3B8, v4;
	[tilespmem:$0x1FE00] =	vst v6  }
0x13c: {  	v2 =	vsel vm2, $0x399, v2;
	v1 =	vsel vm4, $0x379, v1;
	v4 =	vsel vm3, $0x3D9, v4;
	[tilespmem:$0x1FE10] =	vst v5  }
0x13d: {  	v2 =	vsel vm1, $0x3BA, v2;
	v1 =	vsel vm2, $0x39A, v1;
	v0 =	vsel vm4, $0x37A, v0;
	[tilespmem:$0x1FE20] =	vst v4  }
0x13e: {  	v2 =	vsel vm3, $0x3DB, v2;
	v1 =	vsel vm1, $0x3BB, v1;
	v0 =	vsel vm2, $0x39B, v0;
	[tilespmem:$0x1FE30] =	vst v3  }
0x13f: {  	v35 =	vsel vm14, $0x2DC, v35;
	v1 =	vsel vm3, $0x3DC, v1;
	v0 =	vsel vm1, $0x3BC, v0;
	[tilespmem:$0x1FE40] =	vst v2  }
0x140: {  	v12 =	vsel vm6, $0x305, v12;
	v13 =	vsel vm6, $0x306, v13;
	v0 =	vsel vm3, $0x3DD, v0;
	[tilespmem:$0x1FE50] =	vst v1  }
0x141: {  	v14 =	vsel vm6, $0x307, v14;
	v30 =	vsel vm6, $0x319, v30;
	v31 =	vsel vm6, $0x31A, v31;
	[tilespmem:$0x1FE60] =	vst v0  }
0x142: {  	v33 =	vsel vm8, $0x2B9, v33;
	v35 =	vsel vm15, $0x2FD, v35;
	v12 =	vsel vm7, $0x326, v12;
	[tilespmem:$0x1FE80] =	vst v15  }
0x143: {  	v13 =	vsel vm7, $0x327, v13;
	v14 =	vsel vm7, $0x328, v14;
	v30 =	vsel vm7, $0x33A, v30;
	[tilespmem:$0x1FE90] =	vst v63  }
0x144: {  	v31 =	vsel vm7, $0x33B, v31;
	v33 =	vsel vm14, $0x2DA, v33;
	v35 =	vsel vm6, $0x31E, v35;
	[tilespmem:$0x1FEA0] =	vst v55  }
0x145: {  	v12 =	vsel vm5, $0x347, v12;
	v13 =	vsel vm5, $0x348, v13;
	v14 =	vsel vm5, $0x349, v14;
	[tilespmem:$0x1FEB0] =	vst v56  }
0x146: {  	v30 =	vsel vm5, $0x35B, v30;
	v31 =	vsel vm5, $0x35C, v31;
	v32 =	vimm.s32 $0x3F2;
	[tilespmem:$0x1FEC0] =	vst v57  }
0x147: {  	v33 =	vsel vm15, $0x2FB, v33;
	v35 =	vsel vm7, $0x33F, v35;
	v38 =	vsel vm4, $0x37C, v30;
	[tilespmem:$0x1FED0] =	vst v58  }
0x148: {  	v32 =	vsel vm10, $0x213, v32;
	v33 =	vsel vm6, $0x31C, v33;
	v34 =	vimm.s32 $0x3F4;
	[tilespmem:$0x1FEE0] =	vst v59  }
0x149: {  	v32 =	vsel vm12, $0x234, v32;
	v33 =	vsel vm7, $0x33D, v33;
	v34 =	vsel vm10, $0x215, v34;
	[tilespmem:$0x1FEF0] =	vst v60  }
0x14a: {  	v11 =	vsel vm12, $0x22D, v11;
	v32 =	vsel vm13, $0x255, v32;
	v33 =	vsel vm5, $0x35E, v33;
	[tilespmem:$0x1FF00] =	vst v61  }
0x14b: {  	v11 =	vsel vm13, $0x24E, v11;
	v34 =	vsel vm12, $0x236, v34;
	v32 =	vsel vm11, $0x276, v32;
	[tilespmem:$0x1FF10] =	vst v54  }
0x14c: {  	v34 =	vsel vm13, $0x257, v34;
	v11 =	vsel vm11, $0x26F, v11;
	v32 =	vsel vm9, $0x297, v32;
	[tilespmem:$0x1FF20] =	vst v16  }
0x14d: {  	v50 =	vsel vm4, $0x368, v12;
	v34 =	vsel vm11, $0x278, v34;
	v11 =	vsel vm9, $0x280, v11;
	[tilespmem:$0x1FF30] =	vst v17  }
0x14e: {  	v32 =	vsel vm8, $0x2B8, v32;
	v34 =	vsel vm9, $0x299, v34;
	v11 =	vsel vm8, $0x2A1, v11;
	[tilespmem:$0x1FF40] =	vst v19  }
0x14f: {  	v32 =	vsel vm14, $0x2D9, v32;
	v11 =	vsel vm14, $0x2C2, v11;
	v34 =	vsel vm8, $0x2BA, v34;
	[tilespmem:$0x1FF50] =	vst v20  }
0x150: {  	v32 =	vsel vm15, $0x2FA, v32;
	v34 =	vsel vm14, $0x2DB, v34;
	v11 =	vsel vm15, $0x2E3, v11;
	[tilespmem:$0x1FF60] =	vst v21  }
0x151: {  	v32 =	vsel vm6, $0x31B, v32;
	v34 =	vsel vm15, $0x2FC, v34;
	v11 =	vsel vm6, $0x304, v11;
	[tilespmem:$0x1FF70] =	vst v22  }
0x152: {  	v32 =	vsel vm7, $0x33C, v32;
	v11 =	vsel vm7, $0x325, v11;
	v34 =	vsel vm6, $0x31D, v34;
	[tilespmem:$0x1FF80] =	vst v23  }
0x153: {  	v32 =	vsel vm5, $0x35D, v32;
	v34 =	vsel vm7, $0x33E, v34;
	v11 =	vsel vm5, $0x346, v11;
	[tilespmem:$0x1FF90] =	vst v24  }
0x154: {  	v34 =	vsel vm5, $0x35F, v34;
	v52 =	vsel vm2, $0x389, v50;
	v49 =	vsel vm4, $0x367, v11;
	[tilespmem:$0x1FFA0] =	vst v26  }
0x155: {  	v62 =	vsel vm4, $0x369, v13;
	v53 =	vsel vm1, $0x3AA, v52;
	v10 =	vsel vm2, $0x388, v49;
	[tilespmem:$0x1FFB0] =	vst v27  }
0x156: {  	v37 =	vsel vm4, $0x36A, v14;
	v49 =	vsel vm4, $0x370, v34;
	v51 =	vsel vm1, $0x3A9, v10;
	[tilespmem:$0x1FFC0] =	vst v29  }
0x157: {  	s13 =	simm.s32 $0x7200;
	s14 =	simm.s32 $0x32;
	v50 =	vsel vm2, $0x391, v49;
	v49 =	vlaneseq.u32;
	v9 =	vsel vm3, $0x3CA, v51;
	[tilespmem:$0x1FFF0] =	vst v28  }
0x158: {  	s15 =	simm.s32 $0x7600;
	s20 =	simm.s32 $0x105C0;
	v36 =	vsel vm2, $0x38A, v62;
	v62 =	vmul.u32 $0x21, v49;
	[tilespmem:$0x1FD40] =	vst v9;
	v9 =	vsel vm3, $0x3CB, v53  }
0x159: {  	s25 =	srdreg.scid;
	s21 =	simm.s32 $0x10C00;
	s22 =	simm.s32 $0x11240;
	v40 =	vsel vm2, $0x39D, v38;
	v10 =	vsel vm2, $0x38B, v37;
	[tilespmem:$0x1FD50] =	vst v9;
	v9 =	vsel vm1, $0x3AB, v36  }
0x15a: {  	s4 =	stileid.u32;
	s23 =	simm.s32 $0x11880;
	s24 =	simm.s32 $0x11EC0;
	v42 =	vsel vm4, $0x37D, v31;
	v39 =	vsel vm1, $0x3AC, v10;
	[tilespmem:$0x1FFD0] =	vst v62;
	v9 =	vsel vm3, $0x3CC, v9  }
0x15b: {  	s10 =	simm.s32 $0x5;
	s28 =	simm.s32 $0x13180;
	s29 =	simm.s32 $0x137C0;
	v44 =	vsel vm4, $0x37E, v32;
	v41 =	vsel vm1, $0x3BE, v40;
	[tilespmem:$0x1FD60] =	vst v9;
	v9 =	vsel vm3, $0x3CD, v39  }
0x15c: {  	s12 =	simm.s32 $0x10;
	s11 =	simm.s32 $0x3;
	s3 =	sadd.s32 $0x1313400, s2;
	v43 =	vsel vm2, $0x39E, v42;
	v10 =	vsel vm2, $0x39F, v44;
	[tilespmem:$0x1FD70] =	vst v9;
	v9 =	vsel vm3, $0x3DF, v41  }
0x15d: {  	s6 =	sand.u32 $0x1, s25;
	s4 =	sshll.u32 s4, $0xA;
	s25 =	simm.s32 $0x12500;
	v45 =	vsel vm4, $0x37F, v33;
	v53 =	vadd.s32 $0x10, v62;
	[tilespmem:$0x1FD80] =	vst v9;
	v9 =	vsel vm1, $0x3BF, v43  }
0x15e: {  	s5 =	sshll.u32 s6, $0x9;
	s7 =	ssub.s32 $0x2, s6;
	s6 =	sadd.s32 $0x600, s2;
	v46 =	vsel vm1, $0x3B0, v10;
	v47 =	vsel vm2, $0x390, v45;
	[tilespmem:$0x1FE70] =	vst v53;
	v9 =	vsel vm3, $0x3D0, v9  }
0x15f: {  	s4 =	sor.u32 s5, s4;
	s5 =	sadd.s32 $0xF42A00, s2;
	s26 =	sshrl.u32 s7, $0x1;
	v35 =	vsel vm5, $0x350, v35;
	v48 =	vsel vm1, $0x3B1, v47;
	[tilespmem:$0x1FD90] =	vst v9;
	v9 =	vsel vm3, $0x3D1, v46  }
0x160: {  	s8 =	smul.u32 $0x7, s4;
	s9 =	sshrl.u32 s4, $0x3;
	s2 =	ssub.s32 s7, s26;
	v51 =	vsel vm4, $0x371, v35;
	v39 =	vmul.u32 $0x640, v49;
	[tilespmem:$0x1FDA0] =	vst v9;
	v9 =	vsel vm3, $0x3D2, v48  }
0x161: {  	s26 =	simm.s32 $0x12B40;
	s7 =	simm.s32 $0x4000;
	s0 =	sadd.s32 s0, s9;
	v10 =	vsel vm2, $0x392, v51;
	[tilespmem:$0x1FDB0] =	vst v9;
	v9 =	vsel vm1, $0x3B2, v50  }
0x162: {  	s31 =	smax.u32 s2, $0x1;
	s30 =	sadd.s32 s1, s8;
	[dreg:$0x4] =	wrdreg s0;
	v52 =	vsel vm1, $0x3B3, v10;
	[tilespmem:$0x1FFE0] =	vst v39;
	v9 =	vsel vm3, $0x3D3, v9  }
0x163: {  	s9 =	simm.s32 $0x2;
	s2 =	simm.s32 $0x0;
	[dreg:$0x5] =	wrdreg s30;
	[tilespmem:$0x1FDC0] =	vst v9;
	v9 =	vsel vm3, $0x3D4, v52  }
0x164: {  	s8 =	simm.s32 $0x13E00;
	s1 =	simm.s32 $0x4;
	[dreg:$0x6] =	wrdreg s31;
	[tilespmem:$0x1FDD0] =	vst v9  }
.LBB2_1:
0x165: {  	[dreg:$0x7] =	wrdreg s2  }
0x166: {  	s0 =	simm.s32 $0x0;
	s19 =	rddreg [dreg:$0x4]  }
0x167: {  	[tilespmem:s0], [sflag:$0x5] =	stream.linear.gather [hbm4b:s19+s0], $0x200, $0x38;
	[tilespmem:$0x14120] =	vst v63  }
0x168: {  	_ =	swait.ge [sflag:s10], $0x200  }
0x169: {  	[sflag:s10] =	ssyncset.done $0x0  }
0x16a: {  	s16 =	simm.s32 $0x200;
	s31 =	rddreg [dreg:$0x5];
	[sflag:s10] =	ssyncadd.s32 $0xFFFFFE00  }
0x16b: {  	[tilespmem:s16], [sflag:$0x5] =	stream.linear.gather [hbm4b:s31+s0], $0x7000, $0x38;
	[tilespmem:$0x14120] =	vst v63  }
0x16c: {  	_ =	swait.ge [sflag:s10], $0x7000  }
0x16d: {  	[sflag:s10] =	ssyncset.done $0x0  }
0x16e: {  	[sflag:s10] =	ssyncadd.s32 $0xFFFF9000  }
0x16f: {  	[tilespmem:s13], [sflag:$0x1] =	stream.indirect.gather [hbm4b:s3+s12], $0x20, s0, s12, $0xb8;
	[tilespmem:$0x14120] =	vst v63  }
0x170: {  	_ = 	snop  }
0x171: {  	[tilespmem:s15], [sflag:$0x3] =	stream.indirect.gather [hbm4b:s5+s14], $0x20, s16, s14, $0xb8;
	[tilespmem:$0x14120] =	vst v63  }
0x172: {  	s2 =	simm.s32 $0x238;
	s16 =	simm.s32 $0x7C40  }
0x173: {  	[tilespmem:s16], [sflag:$0x3] =	stream.indirect.gather [hbm4b:s5+s14], $0x20, s2, s14, $0xb8;
	[tilespmem:$0x14120] =	vst v63  }
0x174: {  	s17 =	simm.s32 $0x270;
	s18 =	simm.s32 $0x8280  }
0x175: {  	[tilespmem:s18], [sflag:$0x3] =	stream.indirect.gather [hbm4b:s5+s14], $0x20, s17, s14, $0xb8;
	[tilespmem:$0x14120] =	vst v63  }
0x176: {  	s19 =	simm.s32 $0x2A8;
	s31 =	simm.s32 $0x88C0  }
0x177: {  	[tilespmem:s31], [sflag:$0x3] =	stream.indirect.gather [hbm4b:s5+s14], $0x20, s19, s14, $0xb8;
	[tilespmem:$0x14120] =	vst v63  }
0x178: {  	s2 =	simm.s32 $0x2E0;
	s16 =	simm.s32 $0x8F00  }
0x179: {  	[tilespmem:s16], [sflag:$0x3] =	stream.indirect.gather [hbm4b:s5+s14], $0x20, s2, s14, $0xb8;
	[tilespmem:$0x14120] =	vst v63  }
0x17a: {  	s17 =	simm.s32 $0x318;
	s18 =	simm.s32 $0x9540  }
0x17b: {  	[tilespmem:s18], [sflag:$0x3] =	stream.indirect.gather [hbm4b:s5+s14], $0x20, s17, s14, $0xb8;
	[tilespmem:$0x14120] =	vst v63  }
0x17c: {  	s19 =	simm.s32 $0x350;
	s31 =	simm.s32 $0x9B80  }
0x17d: {  	[tilespmem:s31], [sflag:$0x3] =	stream.indirect.gather [hbm4b:s5+s14], $0x20, s19, s14, $0xb8;
	[tilespmem:$0x14120] =	vst v63  }
0x17e: {  	s2 =	simm.s32 $0x388;
	s16 =	simm.s32 $0xA1C0  }
0x17f: {  	[tilespmem:s16], [sflag:$0x3] =	stream.indirect.gather [hbm4b:s5+s14], $0x20, s2, s14, $0xb8;
	[tilespmem:$0x14120] =	vst v63  }
0x180: {  	s17 =	simm.s32 $0x3C0;
	s18 =	simm.s32 $0xA800  }
0x181: {  	[tilespmem:s18], [sflag:$0x3] =	stream.indirect.gather [hbm4b:s5+s14], $0x20, s17, s14, $0xb8;
	[tilespmem:$0x14120] =	vst v63  }
0x182: {  	s19 =	simm.s32 $0x3F8;
	s31 =	simm.s32 $0xAE40  }
0x183: {  	[tilespmem:s31], [sflag:$0x3] =	stream.indirect.gather [hbm4b:s5+s14], $0x20, s19, s14, $0xb8;
	[tilespmem:$0x14120] =	vst v63  }
0x184: {  	s2 =	simm.s32 $0x430;
	s16 =	simm.s32 $0xB480  }
0x185: {  	[tilespmem:s16], [sflag:$0x3] =	stream.indirect.gather [hbm4b:s5+s14], $0x20, s2, s14, $0xb8;
	[tilespmem:$0x14120] =	vst v63  }
0x186: {  	s17 =	simm.s32 $0x468;
	s18 =	simm.s32 $0xBAC0  }
0x187: {  	[tilespmem:s18], [sflag:$0x3] =	stream.indirect.gather [hbm4b:s5+s14], $0x20, s17, s14, $0xb8;
	[tilespmem:$0x14120] =	vst v63  }
0x188: {  	s19 =	simm.s32 $0x4A0;
	s31 =	simm.s32 $0xC100  }
0x189: {  	[tilespmem:s31], [sflag:$0x3] =	stream.indirect.gather [hbm4b:s5+s14], $0x20, s19, s14, $0xb8;
	[tilespmem:$0x14120] =	vst v63  }
0x18a: {  	s2 =	simm.s32 $0x4D8;
	s16 =	simm.s32 $0xC740  }
0x18b: {  	[tilespmem:s16], [sflag:$0x3] =	stream.indirect.gather [hbm4b:s5+s14], $0x20, s2, s14, $0xb8;
	[tilespmem:$0x14120] =	vst v63  }
0x18c: {  	s17 =	simm.s32 $0x510;
	s18 =	simm.s32 $0xCD80  }
0x18d: {  	[tilespmem:s18], [sflag:$0x3] =	stream.indirect.gather [hbm4b:s5+s14], $0x20, s17, s14, $0xb8;
	[tilespmem:$0x14120] =	vst v63  }
0x18e: {  	s30 =	simm.s32 $0x0;
	s19 =	simm.s32 $0x548;
	s31 =	simm.s32 $0xD3C0  }
0x18f: {  	[tilespmem:s31], [sflag:$0x3] =	stream.indirect.gather [hbm4b:s5+s14], $0x20, s19, s14, $0xb8;
	[tilespmem:$0x14120] =	vst v63  }
.LBB2_2:
0x190: {  	s0 =	sshll.u32 s30, $0x5  }
0x191: {  	s31 =	sor.u32 $0x10, s0  }
0x192: {  	s16 =	simm.s32 $0x7400;
	s2 =	smul.u32 $0xE0, s31  }
0x193: {  	[tilespmem:s16], [sflag:$0x2] =	stream.indirect.gather [hbm4b:s3+s12], $0x20, s31, s12, $0xb8;
	[tilespmem:$0x14120] =	vst v63  }
0x194: {  	s2 =	sshra.s32 s2, $0x2  }
0x195: {  	s18 =	smul.u32 $0x1C00, s30;
	s17 =	simm.s32 $0xDA00;
	s2 =	sadd.s32 $0x200, s2  }
0x196: {  	[tilespmem:s17], [sflag:$0x4] =	stream.indirect.gather [hbm4b:s5+s14], $0x20, s2, s14, $0xb8;
	[tilespmem:$0x14120] =	vst v63  }
0x197: {  	s2 =	sshra.s32 s18, $0x2  }
0x198: {  	s19 =	simm.s32 $0xE040;
	s16 =	sadd.s32 $0x5B8, s2  }
0x199: {  	[tilespmem:s19], [sflag:$0x4] =	stream.indirect.gather [hbm4b:s5+s14], $0x20, s16, s14, $0xb8;
	[tilespmem:$0x14120] =	vst v63  }
0x19a: {  	s18 =	sadd.s32 $0x5F0, s2;
	s19 =	simm.s32 $0xE680  }
0x19b: {  	[tilespmem:s19], [sflag:$0x4] =	stream.indirect.gather [hbm4b:s5+s14], $0x20, s18, s14, $0xb8;
	[tilespmem:$0x14120] =	vst v63  }
0x19c: {  	s18 =	sadd.s32 $0x628, s2;
	s19 =	simm.s32 $0xECC0  }
0x19d: {  	[tilespmem:s19], [sflag:$0x4] =	stream.indirect.gather [hbm4b:s5+s14], $0x20, s18, s14, $0xb8;
	[tilespmem:$0x14120] =	vst v63  }
0x19e: {  	s18 =	sadd.s32 $0x660, s2;
	s19 =	simm.s32 $0xF300  }
0x19f: {  	[tilespmem:s19], [sflag:$0x4] =	stream.indirect.gather [hbm4b:s5+s14], $0x20, s18, s14, $0xb8;
	[tilespmem:$0x14120] =	vst v63  }
0x1a0: {  	s18 =	sadd.s32 $0x698, s2;
	s19 =	simm.s32 $0xF940  }
0x1a1: {  	[tilespmem:s19], [sflag:$0x4] =	stream.indirect.gather [hbm4b:s5+s14], $0x20, s18, s14, $0xb8;
	[tilespmem:$0x14120] =	vst v63  }
0x1a2: {  	s17 =	sadd.s32 $0x6D0, s2;
	s18 =	simm.s32 $0xFF80  }
0x1a3: {  	[tilespmem:s18], [sflag:$0x4] =	stream.indirect.gather [hbm4b:s5+s14], $0x20, s17, s14, $0xb8;
	[tilespmem:$0x14120] =	vst v63  }
0x1a4: {  	s19 =	sadd.s32 $0x708, s2  }
0x1a5: {  	[tilespmem:s20], [sflag:$0x4] =	stream.indirect.gather [hbm4b:s5+s14], $0x20, s19, s14, $0xb8;
	[tilespmem:$0x14120] =	vst v63  }
0x1a6: {  	s17 =	sadd.s32 $0x740, s2  }
0x1a7: {  	[tilespmem:s21], [sflag:$0x4] =	stream.indirect.gather [hbm4b:s5+s14], $0x20, s17, s14, $0xb8;
	[tilespmem:$0x14120] =	vst v63  }
0x1a8: {  	s18 =	sadd.s32 $0x778, s2  }
0x1a9: {  	[tilespmem:s22], [sflag:$0x4] =	stream.indirect.gather [hbm4b:s5+s14], $0x20, s18, s14, $0xb8;
	[tilespmem:$0x14120] =	vst v63  }
0x1aa: {  	s19 =	sadd.s32 $0x7B0, s2  }
0x1ab: {  	[tilespmem:s23], [sflag:$0x4] =	stream.indirect.gather [hbm4b:s5+s14], $0x20, s19, s14, $0xb8;
	[tilespmem:$0x14120] =	vst v63  }
0x1ac: {  	s17 =	sadd.s32 $0x7E8, s2  }
0x1ad: {  	[tilespmem:s24], [sflag:$0x4] =	stream.indirect.gather [hbm4b:s5+s14], $0x20, s17, s14, $0xb8;
	[tilespmem:$0x14120] =	vst v63  }
0x1ae: {  	s18 =	sadd.s32 $0x820, s2  }
0x1af: {  	[tilespmem:s25], [sflag:$0x4] =	stream.indirect.gather [hbm4b:s5+s14], $0x20, s18, s14, $0xb8;
	[tilespmem:$0x14120] =	vst v63  }
0x1b0: {  	s19 =	sadd.s32 $0x858, s2  }
0x1b1: {  	[tilespmem:s26], [sflag:$0x4] =	stream.indirect.gather [hbm4b:s5+s14], $0x20, s19, s14, $0xb8;
	[tilespmem:$0x14120] =	vst v63  }
0x1b2: {  	s17 =	sadd.s32 $0x890, s2  }
0x1b3: {  	[tilespmem:s28], [sflag:$0x4] =	stream.indirect.gather [hbm4b:s5+s14], $0x20, s17, s14, $0xb8;
	[tilespmem:$0x14120] =	vst v63  }
0x1b4: {  	s2 =	sadd.s32 $0x8C8, s2;
	s18 =	simm.s32 $0x1  }
0x1b5: {  	[tilespmem:s29], [sflag:$0x4] =	stream.indirect.gather [hbm4b:s5+s14], $0x20, s2, s14, $0xb8;
	[tilespmem:$0x14120] =	vst v63  }
0x1b6: {  	_ =	swait.ge [sflag:s18], $0x200  }
0x1b7: {  	[sflag:s18] =	ssyncset.done $0x0  }
0x1b8: {  	[sflag:s18] =	ssyncadd.s32 $0xFFFFFE00  }
0x1b9: {  	_ =	swait.ge [sflag:s11], $0x6400  }
0x1ba: {  	v1 =	vld [tilespmem:$0x1FA50];
	_ =	sdelay $0x1  }
0x1bb: {  	v2 =	vld [tilespmem:$0x1FAA0];
	_ =	sdelay $0x3  }
0x1bc: {  	[sflag:s11] =	ssyncset.done $0x0  }
0x1bd: {  	[sflag:s11] =	ssyncadd.s32 $0xFFFF9C00  }
0x1be: {  	v8 =	vld.idx.msk [tilespmem:v1+s13+$0x0], $0xffff  }
0x1bf: {  	v1 =	vld [tilespmem:$0x1FA60]  }
0x1c0: {  	v4 =	vld.idx.msk [tilespmem:v2+s13+$0x0], $0xffff  }
0x1c1: {  	v2 =	vld [tilespmem:$0x1FAB0];
	_ =	sdelay $0x3  }
0x1c2: {  	v0 =	vld [tilespmem:$0x1FA40]  }
0x1c3: {  	v5 =	vld [tilespmem:$0x1FAC0]  }
0x1c4: {  	v12 =	vld [tilespmem:$0x1FB20]  }
0x1c5: {  	s19 =	simm.s32 $0x0;
	v3 =	vld.idx.msk [tilespmem:v1+s13+$0x0], $0xffff  }
0x1c6: {  	v14 =	vld.idx.msk [tilespmem:v2+s13+$0x0], $0xffff;
	v2 =	vmov s19  }
0x1c7: {  	v1 =	vld [tilespmem:$0x1FA70];
	v6 =	vshll.u32 v2, $0x5  }
0x1c8: {  	v31 =	vadd.s32 v39, v6;
	v6 =	vld [tilespmem:$0x1FAE0];
	_ =	sdelay $0x1  }
0x1c9: {  	v11 =	vld.idx.msk [tilespmem:v62+s13+$0x0], $0xffff  }
0x1ca: {  	v0 =	vld.idx.msk [tilespmem:v0+s13+$0x0], $0xffff  }
0x1cb: {  	v5 =	vld.idx.msk [tilespmem:v5+s13+$0x0], $0xffff  }
0x1cc: {  	v12 =	vld.idx.msk [tilespmem:v12+s13+$0x0], $0xffff  }
0x1cd: {  	v2 =	vld [tilespmem:$0x1FAD0];
	v32 =	vor.u32 v49, v31  }
0x1ce: {  	v33 =	vor.u32 v15, v31;
	v13 =	vld.idx.msk [tilespmem:v1+s13+$0x0], $0xffff  }
0x1cf: {  	v34 =	vor.u32 v21, v31;
	v10 =	vld.idx.msk [tilespmem:v6+s13+$0x0], $0xffff  }
0x1d0: {  	v35 =	vor.u32 v25, v31;
	v6 =	vld [tilespmem:$0x1FAF0]  }
0x1d1: {  	v36 =	vor.u32 v24, v31;
	v1 =	vld [tilespmem:$0x1FA80]  }
0x1d2: {  	v37 =	vor.u32 v20, v31;
	v32 =	vld.idx.msk [tilespmem:v32+s15+$0x0], $0xffff  }
0x1d3: {  	v33 =	vld.idx.msk [tilespmem:v33+s15+$0x0], $0xffff  }
0x1d4: {  	v34 =	vld.idx.msk [tilespmem:v34+s15+$0x0], $0xffff  }
0x1d5: {  	v38 =	vor.u32 v23, v31;
	v35 =	vld.idx.msk [tilespmem:v35+s15+$0x0], $0xffff  }
0x1d6: {  	v40 =	vor.u32 v18, v31;
	v36 =	vld.idx.msk [tilespmem:v36+s15+$0x0], $0xffff  }
0x1d7: {  	v41 =	vor.u32 v22, v31;
	v37 =	vld.idx.msk [tilespmem:v37+s15+$0x0], $0xffff  }
0x1d8: {  	v30 =	vld.idx.msk [tilespmem:v6+s13+$0x0], $0xffff  }
0x1d9: {  	v6 =	vld [tilespmem:$0x1FB00]  }
0x1da: {  	v42 =	vor.u32 v19, v31;
	v38 =	vld.idx.msk [tilespmem:v38+s15+$0x0], $0xffff  }
0x1db: {  	v43 =	vor.u32 v16, v31;
	v40 =	vld.idx.msk [tilespmem:v40+s15+$0x0], $0xffff  }
0x1dc: {  	v41 =	vld.idx.msk [tilespmem:v41+s15+$0x0], $0xffff  }
0x1dd: {  	v9 =	vld.idx.msk [tilespmem:v1+s13+$0x0], $0xffff  }
0x1de: {  	v45 =	vor.u32 v17, v31;
	v1 =	vld [tilespmem:$0x1FA90]  }
0x1df: {  	v46 =	vor.u32 v27, v31;
	v42 =	vld.idx.msk [tilespmem:v42+s15+$0x0], $0xffff  }
0x1e0: {  	v47 =	vor.u32 v26, v31;
	v48 =	vor.u32 v28, v31;
	v31 =	vor.u32 v29, v31;
	v43 =	vld.idx.msk [tilespmem:v43+s15+$0x0], $0xffff  }
0x1e1: {  	v7 =	vld.idx.msk [tilespmem:v6+s13+$0x0], $0xffff  }
0x1e2: {  	v6 =	vld [tilespmem:$0x1FB10]  }
0x1e3: {  	v45 =	vld.idx.msk [tilespmem:v45+s15+$0x0], $0xffff  }
0x1e4: {  	v46 =	vld.idx.msk [tilespmem:v46+s15+$0x0], $0xffff  }
0x1e5: {  	v31 =	vld.idx.msk [tilespmem:v31+s15+$0x0], $0xffff  }
0x1e6: {  	v32 =	vmul.f32 v32, v11;
	v1 =	vld.idx.msk [tilespmem:v1+s13+$0x0], $0xffff  }
0x1e7: {  	v47 =	vld.idx.msk [tilespmem:v47+s15+$0x0], $0xffff;
	v33 =	vmul.f32 v33, v0;
	v40 =	vmul.f32 v40, v13  }
0x1e8: {  	v2 =	vld.idx.msk [tilespmem:v2+s13+$0x0], $0xffff;
	v38 =	vmul.f32 v38, v5;
	v34 =	vmul.f32 v34, v4  }
0x1e9: {  	v48 =	vld.idx.msk [tilespmem:v48+s15+$0x0], $0xffff;
	v63 =	vmul.f32 v43, v8;
	v41 =	vmul.f32 v41, v14  }
0x1ea: {  	v45 =	vmul.f32 v45, v3;
	v42 =	vmul.f32 v42, v9;
	v6 =	vld.idx.msk [tilespmem:v6+s13+$0x0], $0xffff  }
0x1eb: {  	v31 =	vmul.f32 v31, v12;
	v32 =	vadd.f32 v40, v32;
	v37 =	vmul.f32 v37, v1  }
0x1ec: {  	v35 =	vmul.f32 v35, v10;
	v34 =	vadd.f32 v34, v45;
	v33 =	vadd.f32 v42, v33  }
0x1ed: {  	v36 =	vmul.f32 v36, v2;
	v32 =	vadd.f32 v41, v32;
	v37 =	vadd.f32 v37, v63  }
0x1ee: {  	v34 =	vadd.f32 v35, v34;
	v51 =	vmul.f32 v47, v30;
	v33 =	vadd.f32 v38, v33  }
0x1ef: {  	v46 =	vmul.f32 v46, v7;
	v36 =	vadd.f32 v36, v37;
	v50 =	vmul.f32 v48, v6  }
0x1f0: {  	v53 =	vmov s18;
	v31 =	vadd.f32 v31, v34;
	v32 =	vadd.f32 v51, v32  }
0x1f1: {  	v52 =	vadd.f32 v46, v33;
	v33 =	vshll.u32 v53, $0x5;
	v36 =	vadd.f32 v50, v36  }
0x1f2: {  	v33 =	vadd.s32 v39, v33  }
0x1f3: {  	v32 =	vadd.f32 v52, v32;
	v55 =	vor.u32 v25, v33;
	v31 =	vadd.f32 v31, v36  }
0x1f4: {  	v56 =	vor.u32 v24, v33  }
0x1f5: {  	v57 =	vor.u32 v49, v33;
	v31 =	vadd.f32 v31, v32  }
0x1f6: {  	s16 =	simm.s32 $0x13E10;
	v58 =	vor.u32 v18, v33  }
0x1f7: {  	v59 =	vor.u32 v22, v33;
	[tilespmem:s16+$0xFFFFFFF0] =	vst v31  }
0x1f8: {  	v62 =	vor.u32 v15, v33;
	v32 =	vld.idx.msk [tilespmem:v55+s15+$0x0], $0xffff  }
0x1f9: {  	v63 =	vor.u32 v16, v33;
	v31 =	vld.idx.msk [tilespmem:v56+s15+$0x0], $0xffff  }
0x1fa: {  	v37 =	vld.idx.msk [tilespmem:v57+s15+$0x0], $0xffff  }
0x1fb: {  	v46 =	vor.u32 v19, v33;
	v38 =	vld.idx.msk [tilespmem:v58+s15+$0x0], $0xffff  }
0x1fc: {  	v43 =	vor.u32 v26, v33;
	v36 =	vld.idx.msk [tilespmem:v59+s15+$0x0], $0xffff  }
0x1fd: {  	v45 =	vor.u32 v17, v33;
	v35 =	vld.idx.msk [tilespmem:v62+s15+$0x0], $0xffff  }
0x1fe: {  	s17 =	simm.s32 $0x3;
	s2 =	simm.s32 $0x13E10;
	v34 =	vor.u32 v23, v33;
	v41 =	vor.u32 v21, v33;
	v42 =	vor.u32 v20, v33;
	v40 =	vld.idx.msk [tilespmem:v63+s15+$0x0], $0xffff  }
.LBB2_3:
0x1ff: {  	p0 =	sne.s32 s17, $0x31  }
0x200: {  	v46 =	vld.idx.msk [tilespmem:v46+s15+$0x0], $0xffff;
	s16 =	sadd.s32 $0x20, s16;
	s18 =	smov.u32 s17;
	s17 =	sadd.s32 $0x2, s17  }
0x201: {  	v47 =	vor.u32 v29, v33;
	v43 =	vld.idx.msk [tilespmem:v43+s15+$0x0], $0xffff  }
0x202: {  	v48 =	vor.u32 v27, v33;
	v45 =	vld.idx.msk [tilespmem:v45+s15+$0x0], $0xffff  }
0x203: {  	v37 =	vmul.f32 v37, v11;
	v33 =	vor.u32 v28, v33;
	v38 =	vmul.f32 v38, v13;
	v41 =	vld.idx.msk [tilespmem:v41+s15+$0x0], $0xffff  }
0x204: {  	v42 =	vld.idx.msk [tilespmem:v42+s15+$0x0], $0xffff  }
0x205: {  	v36 =	vmul.f32 v36, v14;
	v37 =	vadd.f32 v38, v37;
	v34 =	vld.idx.msk [tilespmem:v34+s15+$0x0], $0xffff  }
0x206: {  	v38 =	vmul.f32 v40, v8;
	v40 =	vld.idx.msk [tilespmem:v47+s15+$0x0], $0xffff  }
0x207: {  	v46 =	vmul.f32 v46, v9;
	v36 =	vadd.f32 v36, v37;
	v37 =	vmul.f32 v43, v30;
	v43 =	vld.idx.msk [tilespmem:v48+s15+$0x0], $0xffff  }
0x208: {  	v45 =	vmul.f32 v45, v3;
	v33 =	vld.idx.msk [tilespmem:v33+s15+$0x0], $0xffff  }
0x209: {  	v35 =	vmul.f32 v35, v0;
	v41 =	vmul.f32 v41, v4;
	v36 =	vadd.f32 v37, v36  }
0x20a: {  	v32 =	vmul.f32 v32, v10;
	v37 =	vmul.f32 v42, v1  }
0x20b: {  	v35 =	vadd.f32 v46, v35;
	v41 =	vadd.f32 v41, v45;
	v34 =	vmul.f32 v34, v5  }
0x20c: {  	v31 =	vmul.f32 v31, v2;
	v37 =	vadd.f32 v37, v38;
	v38 =	vmul.f32 v40, v12  }
0x20d: {  	v34 =	vadd.f32 v34, v35;
	v32 =	vadd.f32 v32, v41;
	v35 =	vmul.f32 v43, v7  }
0x20e: {  	s19 =	sadd.s32 $0xFFFFFFFF, s18;
	v31 =	vadd.f32 v31, v37;
	v33 =	vmul.f32 v33, v6  }
0x20f: {  	v37 =	vmov s19;
	v34 =	vadd.f32 v35, v34  }
0x210: {  	v35 =	vshll.u32 v37, $0x5;
	v32 =	vadd.f32 v38, v32;
	v31 =	vadd.f32 v33, v31  }
0x211: {  	v33 =	vadd.s32 v39, v35;
	v34 =	vadd.f32 v34, v36  }
0x212: {  	v35 =	vor.u32 v49, v33;
	v36 =	vor.u32 v15, v33;
	v31 =	vadd.f32 v32, v31  }
0x213: {  	v37 =	vor.u32 v17, v33;
	v38 =	vor.u32 v21, v33;
	v32 =	vor.u32 v16, v33  }
0x214: {  	v40 =	vor.u32 v19, v33;
	v41 =	vor.u32 v22, v33;
	v31 =	vadd.f32 v31, v34  }
0x215: {  	v42 =	vor.u32 v24, v33;
	v43 =	vor.u32 v25, v33;
	v34 =	vor.u32 v23, v33  }
0x216: {  	v45 =	vor.u32 v26, v33;
	v46 =	vor.u32 v27, v33;
	v47 =	vor.u32 v28, v33;
	[tilespmem:s2+$0x0] =	vst v31;
	s2 =	smov.u32 s16  }
0x217: {  	v48 =	vor.u32 v20, v33;
	v31 =	vld.idx.msk [tilespmem:v35+s15+$0x0], $0xffff;
	v35 =	vor.u32 v18, v33;
	v33 =	vor.u32 v29, v33  }
0x218: {  	v36 =	vld.idx.msk [tilespmem:v36+s15+$0x0], $0xffff  }
0x219: {  	v38 =	vld.idx.msk [tilespmem:v38+s15+$0x0], $0xffff  }
0x21a: {  	v43 =	vld.idx.msk [tilespmem:v43+s15+$0x0], $0xffff  }
0x21b: {  	v42 =	vld.idx.msk [tilespmem:v42+s15+$0x0], $0xffff  }
0x21c: {  	v48 =	vld.idx.msk [tilespmem:v48+s15+$0x0], $0xffff  }
0x21d: {  	v31 =	vmul.f32 v31, v11;
	v34 =	vld.idx.msk [tilespmem:v34+s15+$0x0], $0xffff  }
0x21e: {  	v35 =	vld.idx.msk [tilespmem:v35+s15+$0x0], $0xffff  }
0x21f: {  	v41 =	vld.idx.msk [tilespmem:v41+s15+$0x0], $0xffff  }
0x220: {  	v40 =	vld.idx.msk [tilespmem:v40+s15+$0x0], $0xffff  }
0x221: {  	v36 =	vmul.f32 v36, v0;
	v32 =	vld.idx.msk [tilespmem:v32+s15+$0x0], $0xffff  }
0x222: {  	v48 =	vmul.f32 v48, v1;
	v37 =	vld.idx.msk [tilespmem:v37+s15+$0x0], $0xffff  }
0x223: {  	v46 =	vld.idx.msk [tilespmem:v46+s15+$0x0], $0xffff  }
0x224: {  	v34 =	vmul.f32 v34, v5;
	v35 =	vmul.f32 v35, v13;
	v45 =	vld.idx.msk [tilespmem:v45+s15+$0x0], $0xffff  }
0x225: {  	v38 =	vmul.f32 v38, v4;
	v47 =	vld.idx.msk [tilespmem:v47+s15+$0x0], $0xffff  }
0x226: {  	v31 =	vadd.f32 v35, v31;
	v35 =	vmul.f32 v40, v9;
	v40 =	vmul.f32 v41, v14;
	v33 =	vld.idx.msk [tilespmem:v33+s15+$0x0], $0xffff  }
0x227: {  	v41 =	vmul.f32 v42, v2;
	v32 =	vmul.f32 v32, v8  }
0x228: {  	v37 =	vmul.f32 v37, v3;
	v35 =	vadd.f32 v35, v36;
	v36 =	vmul.f32 v43, v10  }
0x229: {  	v31 =	vadd.f32 v40, v31;
	v32 =	vadd.f32 v48, v32;
	v40 =	vmul.f32 v46, v7  }
0x22a: {  	v37 =	vadd.f32 v38, v37;
	v34 =	vadd.f32 v34, v35;
	v35 =	vmul.f32 v45, v30  }
0x22b: {  	v32 =	vadd.f32 v41, v32;
	v38 =	vmul.f32 v47, v6  }
0x22c: {  	v36 =	vadd.f32 v36, v37;
	v34 =	vadd.f32 v40, v34;
	v33 =	vmul.f32 v33, v12  }
0x22d: {  	v37 =	vmov s18;
	v32 =	vadd.f32 v38, v32  }
0x22e: {  	v31 =	vadd.f32 v35, v31;
	v35 =	vadd.f32 v33, v36;
	v33 =	vshll.u32 v37, $0x5  }
0x22f: {  	v33 =	vadd.s32 v39, v33  }
0x230: {  	v31 =	vadd.f32 v34, v31;
	v32 =	vadd.f32 v35, v32;
	v35 =	vor.u32 v25, v33  }
0x231: {  	v34 =	vor.u32 v23, v33;
	v36 =	vor.u32 v24, v33  }
0x232: {  	v37 =	vor.u32 v49, v33;
	v31 =	vadd.f32 v32, v31  }
0x233: {  	v38 =	vor.u32 v18, v33  }
0x234: {  	v40 =	vor.u32 v22, v33;
	[tilespmem:s16+$0xFFFFFFF0] =	vst v31  }
0x235: {  	v41 =	vor.u32 v15, v33;
	v32 =	vld.idx.msk [tilespmem:v35+s15+$0x0], $0xffff  }
0x236: {  	v42 =	vor.u32 v16, v33;
	v31 =	vld.idx.msk [tilespmem:v36+s15+$0x0], $0xffff  }
.Ltmp0:
0x237: {  	v46 =	vor.u32 v19, v33;
	v37 =	vld.idx.msk [tilespmem:v37+s15+$0x0], $0xffff;
	(pc) =	sbr.rel @p0 .LBB2_3-.Ltmp0, $4  }
0x238: {  	v43 =	vor.u32 v26, v33;
	v38 =	vld.idx.msk [tilespmem:v38+s15+$0x0], $0xffff  }
0x239: {  	v45 =	vor.u32 v17, v33;
	v36 =	vld.idx.msk [tilespmem:v40+s15+$0x0], $0xffff  }
0x23a: {  	v35 =	vld.idx.msk [tilespmem:v41+s15+$0x0], $0xffff;
	v41 =	vor.u32 v21, v33  }
0x23b: {  	v40 =	vld.idx.msk [tilespmem:v42+s15+$0x0], $0xffff;
	v42 =	vor.u32 v20, v33  }
0x23c: {  	_ =	sdelay $0x3  }
0x23d: {  	v46 =	vld.idx.msk [tilespmem:v46+s15+$0x0], $0xffff  }
0x23e: {  	v43 =	vld.idx.msk [tilespmem:v43+s15+$0x0], $0xffff;
	v47 =	vor.u32 v29, v33  }
0x23f: {  	v45 =	vld.idx.msk [tilespmem:v45+s15+$0x0], $0xffff;
	v48 =	vor.u32 v27, v33  }
0x240: {  	v41 =	vld.idx.msk [tilespmem:v41+s15+$0x0], $0xffff;
	v62 =	vor.u32 v28, v33  }
0x241: {  	v42 =	vld.idx.msk [tilespmem:v42+s15+$0x0], $0xffff;
	v11 =	vmul.f32 v37, v11  }
0x242: {  	v34 =	vld.idx.msk [tilespmem:v34+s15+$0x0], $0xffff;
	v10 =	vmul.f32 v32, v10;
	v2 =	vmul.f32 v31, v2  }
0x243: {  	v13 =	vmul.f32 v38, v13;
	v14 =	vmul.f32 v36, v14;
	v63 =	vld.idx.msk [tilespmem:v47+s15+$0x0], $0xffff  }
0x244: {  	v0 =	vmul.f32 v35, v0;
	v9 =	vmul.f32 v46, v9;
	v38 =	vld.idx.msk [tilespmem:v48+s15+$0x0], $0xffff  }
0x245: {  	v3 =	vmul.f32 v45, v3;
	v33 =	vld.idx.msk [tilespmem:v62+s15+$0x0], $0xffff;
	v4 =	vmul.f32 v41, v4  }
0x246: {  	v11 =	vadd.f32 v13, v11;
	v8 =	vmul.f32 v40, v8;
	v1 =	vmul.f32 v42, v1  }
0x247: {  	v5 =	vmul.f32 v34, v5;
	v0 =	vadd.f32 v9, v0;
	v3 =	vadd.f32 v4, v3  }
0x248: {  	v13 =	vmul.f32 v43, v30;
	v11 =	vadd.f32 v14, v11;
	v1 =	vadd.f32 v1, v8  }
0x249: {  	v0 =	vadd.f32 v5, v0;
	v3 =	vadd.f32 v10, v3;
	v40 =	vmul.f32 v38, v7  }
0x24a: {  	v1 =	vadd.f32 v2, v1;
	v39 =	vmul.f32 v63, v12;
	v41 =	vmul.f32 v33, v6  }
0x24b: {  	v44 =	vld [tilespmem:$0x1FE70];
	v42 =	vadd.f32 v13, v11;
	v0 =	vadd.f32 v40, v0  }
0x24c: {  	v1 =	vadd.f32 v41, v1;
	v43 =	vadd.f32 v39, v3;
	_ =	sdelay $0x1  }
0x24d: {  	v0 =	vadd.f32 v0, v42;
	v1 =	vadd.f32 v43, v1;
	_ =	sdelay $0x1  }
0x24e: {  	v45 =	vld [tilespmem:$0x1FB30];
	v0 =	vadd.f32 v1, v0;
	_ =	sdelay $0x1  }
0x24f: {  	[tilespmem:s2+$0x0] =	vst v0  }
0x250: {  	v0 =	vld.idx.msk [tilespmem:v44+s13+$0x0], $0xffff;
	_ =	sdelay $0x1  }
0x251: {  	v46 =	vld [tilespmem:$0x1FB40];
	_ =	sdelay $0x2  }
0x252: {  	[tilespmem:$0x1F940] =	vst v0;
	v0 =	vld.idx.msk [tilespmem:v45+s13+$0x0], $0xffff;
	_ =	sdelay $0x1  }
0x253: {  	v47 =	vld [tilespmem:$0x1FB50];
	_ =	sdelay $0x2  }
0x254: {  	[tilespmem:$0x1F950] =	vst v0;
	v0 =	vld.idx.msk [tilespmem:v46+s13+$0x0], $0xffff;
	_ =	sdelay $0x1  }
0x255: {  	v48 =	vld [tilespmem:$0x1FB60];
	_ =	sdelay $0x2  }
0x256: {  	[tilespmem:$0x1F960] =	vst v0;
	v0 =	vld.idx.msk [tilespmem:v47+s13+$0x0], $0xffff;
	_ =	sdelay $0x1  }
0x257: {  	v50 =	vld [tilespmem:$0x1FB70];
	_ =	sdelay $0x2  }
0x258: {  	[tilespmem:$0x1F970] =	vst v0;
	v0 =	vld.idx.msk [tilespmem:v48+s13+$0x0], $0xffff;
	_ =	sdelay $0x1  }
0x259: {  	v51 =	vld [tilespmem:$0x1FB80];
	_ =	sdelay $0x2  }
0x25a: {  	[tilespmem:$0x1F980] =	vst v0;
	v0 =	vld.idx.msk [tilespmem:v50+s13+$0x0], $0xffff;
	_ =	sdelay $0x1  }
0x25b: {  	v52 =	vld [tilespmem:$0x1FB90];
	_ =	sdelay $0x2  }
0x25c: {  	[tilespmem:$0x1F990] =	vst v0;
	v0 =	vld.idx.msk [tilespmem:v51+s13+$0x0], $0xffff;
	_ =	sdelay $0x1  }
0x25d: {  	v53 =	vld [tilespmem:$0x1FBA0];
	_ =	sdelay $0x2  }
0x25e: {  	[tilespmem:$0x1F9A0] =	vst v0;
	v0 =	vld.idx.msk [tilespmem:v52+s13+$0x0], $0xffff;
	_ =	sdelay $0x1  }
0x25f: {  	v55 =	vld [tilespmem:$0x1FBB0];
	_ =	sdelay $0x2  }
0x260: {  	[tilespmem:$0x1F9B0] =	vst v0;
	v0 =	vld.idx.msk [tilespmem:v53+s13+$0x0], $0xffff;
	_ =	sdelay $0x1  }
0x261: {  	v56 =	vld [tilespmem:$0x1FBC0];
	_ =	sdelay $0x2  }
0x262: {  	[tilespmem:$0x1F9C0] =	vst v0;
	v0 =	vld.idx.msk [tilespmem:v55+s13+$0x0], $0xffff;
	_ =	sdelay $0x1  }
0x263: {  	v57 =	vld [tilespmem:$0x1FBD0];
	_ =	sdelay $0x2  }
0x264: {  	[tilespmem:$0x1F9D0] =	vst v0;
	v0 =	vld.idx.msk [tilespmem:v56+s13+$0x0], $0xffff;
	_ =	sdelay $0x1  }
0x265: {  	v58 =	vld [tilespmem:$0x1FBE0];
	_ =	sdelay $0x2  }
0x266: {  	[tilespmem:$0x1F9E0] =	vst v0;
	v0 =	vld.idx.msk [tilespmem:v57+s13+$0x0], $0xffff;
	_ =	sdelay $0x1  }
0x267: {  	v59 =	vld [tilespmem:$0x1FBF0];
	_ =	sdelay $0x2  }
0x268: {  	[tilespmem:$0x1F9F0] =	vst v0;
	v0 =	vld.idx.msk [tilespmem:v58+s13+$0x0], $0xffff;
	_ =	sdelay $0x1  }
0x269: {  	v62 =	vld [tilespmem:$0x1FC00];
	_ =	sdelay $0x2  }
0x26a: {  	[tilespmem:$0x1FA00] =	vst v0;
	v0 =	vld.idx.msk [tilespmem:v59+s13+$0x0], $0xffff;
	_ =	sdelay $0x1  }
0x26b: {  	v63 =	vld [tilespmem:$0x1FC10];
	_ =	sdelay $0x2  }
0x26c: {  	[tilespmem:$0x1FA10] =	vst v0;
	v0 =	vld.idx.msk [tilespmem:v62+s13+$0x0], $0xffff;
	_ =	sdelay $0x4  }
0x26d: {  	[tilespmem:$0x1FA20] =	vst v0;
	v0 =	vld.idx.msk [tilespmem:v63+s13+$0x0], $0xffff;
	_ =	sdelay $0x2  }
0x26e: {  	v43 =	vld [tilespmem:$0x1FC60]  }
0x26f: {  	v45 =	vld [tilespmem:$0x1FC70]  }
0x270: {  	s16 =	simm.s32 $0x13E10;
	v37 =	vmov v61;
	v36 =	vmov v60;
	v38 =	vmov v54;
	s2 =	simm.s32 $0x1;
	v46 =	vld [tilespmem:$0x1FC80];
	[tilespmem:$0x1FA30] =	vst v0  }
.LBB2_5:
0x271: {  	v28 =	vld [tilespmem:$0x1FFE0]  }
0x272: {  	v8 =	vld [tilespmem:$0x1FE90]  }
0x273: {  	v10 =	vld [tilespmem:$0x1FEA0]  }
0x274: {  	v3 =	vld [tilespmem:$0x1FEB0]  }
0x275: {  	v4 =	vld [tilespmem:$0x1FEC0]  }
0x276: {  	v14 =	vld [tilespmem:$0x1FED0]  }
0x277: {  	v16 =	vld [tilespmem:$0x1FEE0]  }
0x278: {  	v26 =	vld [tilespmem:$0x1FC20]  }
0x279: {  	v27 =	vld [tilespmem:$0x1FC30]  }
0x27a: {  	v29 =	vld [tilespmem:$0x1FC40]  }
0x27b: {  	s17 =	sadd.s32 $0xFFFFFFFF, s2;
	v30 =	vld [tilespmem:$0x1FC50]  }
0x27c: {  	v63 =	vor.u32 $0x10, v49;
	v11 =	vsel vm0, v37, v36;
	v0 =	vmov s17  }
0x27d: {  	v48 =	vsel vm0, v45, v43;
	v40 =	vsel vm0, v38, v46;
	v0 =	vshll.u32 v0, $0x5  }
0x27e: {  	v2 =	vcombine.low v40, v48;
	v47 =	vadd.s32 v28, v0;
	v6 =	vsel vm0, v10, v8  }
0x27f: {  	v7 =	vsel vm0, v4, v3;
	v9 =	vsel vm0, v16, v14;
	v12 =	vsel vm0, v27, v26  }
0x280: {  	v34 =	vld [tilespmem:$0x1FA10];
	v13 =	vsel vm0, v30, v29;
	v50 =	vsel vm0, v3, v10;
	v51 =	vsel vm0, v8, v4  }
0x281: {  	v35 =	vld [tilespmem:$0x1FA30];
	v55 =	vsel vm0, v36, v16;
	v5 =	vor.u32 v63, v47;
	v0 =	vcombine.low v7, v6  }
0x282: {  	v58 =	vsel vm0, v26, v30;
	v26 =	vld [tilespmem:$0x1F940];
	v17 =	vcombine.low v11, v9;
	v53 =	vor.u32 v2, v47  }
0x283: {  	v57 =	vsel vm0, v29, v27;
	v29 =	vld [tilespmem:$0x1F9A0];
	v1 =	vcombine.low v13, v12;
	v8 =	vor.u32 v0, v47  }
0x284: {  	v56 =	vsel vm0, v14, v37;
	v16 =	vld [tilespmem:$0x1F9B0];
	v4 =	vcombine.low v51, v50;
	v10 =	vor.u32 v17, v47  }
0x285: {  	v27 =	vld [tilespmem:$0x1F9C0];
	v3 =	vcombine.low v56, v55;
	v52 =	vor.u32 v1, v47  }
0x286: {  	v54 =	vor.u32 v4, v47;
	v59 =	vld.idx.msk [tilespmem:v5+s15+$0x0], $0xffff  }
0x287: {  	v41 =	vor.u32 v3, v47;
	v53 =	vld.idx.msk [tilespmem:v53+s15+$0x0], $0xffff  }
0x288: {  	v14 =	vld.idx.msk [tilespmem:v8+s15+$0x0], $0xffff  }
0x289: {  	v42 =	vld.idx.msk [tilespmem:v10+s15+$0x0], $0xffff  }
0x28a: {  	v5 =	vcombine.low v58, v57;
	v52 =	vld.idx.msk [tilespmem:v52+s15+$0x0], $0xffff  }
0x28b: {  	v60 =	vsel vm0, v46, v45;
	v61 =	vsel vm0, v43, v38;
	v54 =	vld.idx.msk [tilespmem:v54+s15+$0x0], $0xffff  }
0x28c: {  	v8 =	vcombine.low v61, v60;
	v44 =	vor.u32 v5, v47;
	v10 =	vcombine.low v6, v7;
	v30 =	vld.idx.msk [tilespmem:v41+s15+$0x0], $0xffff  }
0x28d: {  	v6 =	vcombine.low v9, v11;
	v11 =	vcombine.low v57, v58;
	v58 =	vld [tilespmem:$0x1F950]  }
0x28e: {  	v61 =	vld [tilespmem:$0x1F980];
	v31 =	vor.u32 v8, v47  }
0x28f: {  	v7 =	vcombine.low v12, v13;
	v60 =	vld [tilespmem:$0x1F970];
	v32 =	vor.u32 v10, v47  }
0x290: {  	v12 =	vcombine.low v48, v40;
	v33 =	vor.u32 v6, v47;
	v41 =	vmul.f32 v59, v26;
	v59 =	vld [tilespmem:$0x1F960]  }
0x291: {  	v13 =	vcombine.low v50, v51;
	v62 =	vor.u32 v7, v47;
	v39 =	vld.idx.msk [tilespmem:v44+s15+$0x0], $0xffff  }
0x292: {  	v40 =	vor.u32 v12, v47;
	v44 =	vld [tilespmem:$0x1F9F0]  }
0x293: {  	v9 =	vcombine.low v55, v56;
	v51 =	vor.u32 v13, v47;
	v31 =	vld.idx.msk [tilespmem:v31+s15+$0x0], $0xffff  }
0x294: {  	v32 =	vld.idx.msk [tilespmem:v32+s15+$0x0], $0xffff  }
0x295: {  	v55 =	vor.u32 v9, v47;
	v33 =	vld.idx.msk [tilespmem:v33+s15+$0x0], $0xffff  }
0x296: {  	v48 =	vld.idx.msk [tilespmem:v62+s15+$0x0], $0xffff  }
0x297: {  	v50 =	vld.idx.msk [tilespmem:v40+s15+$0x0], $0xffff  }
0x298: {  	v51 =	vld.idx.msk [tilespmem:v51+s15+$0x0], $0xffff  }
0x299: {  	v62 =	vld [tilespmem:$0x1F990]  }
0x29a: {  	v47 =	vor.u32 v11, v47;
	v53 =	vmul.f32 v53, v61;
	v55 =	vld.idx.msk [tilespmem:v55+s15+$0x0], $0xffff  }
0x29b: {  	v40 =	vld [tilespmem:$0x1F9E0]  }
0x29c: {  	v30 =	vmul.f32 v30, v29;
	v53 =	vadd.f32 v53, v41;
	v41 =	vld [tilespmem:$0x1FA00];
	v42 =	vmul.f32 v42, v59  }
0x29d: {  	v49 =	vmul.f32 v39, v16;
	v39 =	vld [tilespmem:$0x1F9D0]  }
0x29e: {  	v52 =	vmul.f32 v52, v60;
	v30 =	vadd.f32 v30, v42;
	v42 =	vld [tilespmem:$0x1FA20]  }
0x29f: {  	v14 =	vmul.f32 v14, v58;
	v47 =	vld.idx.msk [tilespmem:v47+s15+$0x0], $0xffff;
	v54 =	vmul.f32 v54, v62  }
0x2a0: {  	v31 =	vmul.f32 v31, v27;
	v49 =	vadd.f32 v49, v52  }
0x2a1: {  	v33 =	vmul.f32 v33, v40;
	v56 =	vmul.f32 v51, v34;
	v14 =	vadd.f32 v54, v14  }
0x2a2: {  	v31 =	vadd.f32 v31, v53;
	v53 =	vmul.f32 v48, v44;
	v32 =	vmul.f32 v32, v39  }
0x2a3: {  	v30 =	vadd.f32 v33, v30;
	v54 =	vmul.f32 v50, v41;
	v57 =	vmul.f32 v55, v42  }
0x2a4: {  	v47 =	vmul.f32 v47, v35;
	v14 =	vadd.f32 v32, v14;
	v32 =	vadd.f32 v53, v49  }
0x2a5: {  	v31 =	vadd.f32 v54, v31;
	v30 =	vadd.f32 v57, v30  }
0x2a6: {  	v14 =	vadd.f32 v56, v14;
	v32 =	vadd.f32 v47, v32  }
0x2a7: {  	v51 =	vmov s2;
	v50 =	vld [tilespmem:s16+$0xFFFFFFF0]  }
0x2a8: {  	v52 =	vshll.u32 v51, $0x5;
	v14 =	vadd.f32 v14, v31;
	v30 =	vadd.f32 v32, v30  }
0x2a9: {  	v31 =	vadd.s32 v28, v52  }
0x2aa: {  	v53 =	vor.u32 v63, v31;
	v14 =	vadd.f32 v30, v14  }
0x2ab: {  	v54 =	vor.u32 v0, v31  }
0x2ac: {  	v55 =	vor.u32 v17, v31;
	v14 =	vadd.f32 v14, v50  }
0x2ad: {  	v57 =	vor.u32 v1, v31  }
0x2ae: {  	v28 =	vor.u32 v4, v31;
	[tilespmem:s16+$0xFFFFFFF0] =	vst v14  }
0x2af: {  	v56 =	vor.u32 v3, v31;
	v30 =	vld.idx.msk [tilespmem:v53+s15+$0x0], $0xffff  }
0x2b0: {  	v52 =	vor.u32 v10, v31;
	v32 =	vld.idx.msk [tilespmem:v54+s15+$0x0], $0xffff  }
0x2b1: {  	v50 =	vor.u32 v5, v31;
	v33 =	vld.idx.msk [tilespmem:v55+s15+$0x0], $0xffff  }
0x2b2: {  	v14 =	vor.u32 v2, v31;
	v47 =	vld.idx.msk [tilespmem:v57+s15+$0x0], $0xffff  }
0x2b3: {  	v57 =	vor.u32 v8, v31;
	v48 =	vld.idx.msk [tilespmem:v28+s15+$0x0], $0xffff  }
0x2b4: {  	v28 =	vor.u32 v6, v31;
	v49 =	vld.idx.msk [tilespmem:v56+s15+$0x0], $0xffff  }
0x2b5: {  	v54 =	vor.u32 v7, v31;
	v52 =	vld.idx.msk [tilespmem:v52+s15+$0x0], $0xffff  }
0x2b6: {  	v55 =	vor.u32 v12, v31;
	v50 =	vld.idx.msk [tilespmem:v50+s15+$0x0], $0xffff  }
0x2b7: {  	v56 =	vor.u32 v13, v31;
	v14 =	vld.idx.msk [tilespmem:v14+s15+$0x0], $0xffff  }
0x2b8: {  	v51 =	vld.idx.msk [tilespmem:v57+s15+$0x0], $0xffff;
	v57 =	vor.u32 v9, v31  }
0x2b9: {  	v53 =	vld.idx.msk [tilespmem:v28+s15+$0x0], $0xffff;
	v31 =	vor.u32 v11, v31  }
0x2ba: {  	v54 =	vld.idx.msk [tilespmem:v54+s15+$0x0], $0xffff  }
0x2bb: {  	v32 =	vmul.f32 v32, v58;
	v55 =	vld.idx.msk [tilespmem:v55+s15+$0x0], $0xffff;
	v48 =	vmul.f32 v48, v62  }
0x2bc: {  	v30 =	vmul.f32 v30, v26;
	v33 =	vmul.f32 v33, v59;
	v56 =	vld.idx.msk [tilespmem:v56+s15+$0x0], $0xffff  }
0x2bd: {  	v47 =	vmul.f32 v47, v60;
	v39 =	vmul.f32 v52, v39;
	v32 =	vadd.f32 v48, v32;
	v57 =	vld.idx.msk [tilespmem:v57+s15+$0x0], $0xffff  }
0x2be: {  	v60 =	vmul.f32 v49, v29;
	v14 =	vmul.f32 v14, v61;
	v31 =	vld.idx.msk [tilespmem:v31+s15+$0x0], $0xffff  }
0x2bf: {  	v61 =	vmul.f32 v50, v16;
	v32 =	vadd.f32 v39, v32;
	v62 =	vmul.f32 v51, v27  }
0x2c0: {  	v53 =	vmul.f32 v53, v40;
	v14 =	vadd.f32 v14, v30;
	v30 =	vadd.f32 v60, v33  }
0x2c1: {  	v58 =	vmul.f32 v54, v44;
	v59 =	vmul.f32 v55, v41;
	v52 =	vadd.f32 v61, v47  }
0x2c2: {  	v60 =	vmul.f32 v56, v34;
	v14 =	vadd.f32 v62, v14;
	v30 =	vadd.f32 v53, v30  }
0x2c3: {  	v33 =	vadd.f32 v58, v52;
	v61 =	vmul.f32 v57, v42;
	v31 =	vmul.f32 v31, v35  }
0x2c4: {  	v32 =	vadd.f32 v60, v32;
	v14 =	vadd.f32 v59, v14  }
0x2c5: {  	v30 =	vadd.f32 v61, v30;
	v31 =	vadd.f32 v31, v33  }
0x2c6: {  	v62 =	vld [tilespmem:s16+$0x0]  }
0x2c7: {  	v14 =	vadd.f32 v32, v14;
	v30 =	vadd.f32 v31, v30  }
0x2c8: {  	p0 =	sne.s32 s2, $0x31  }
.Ltmp1:
0x2c9: {  	v14 =	vadd.f32 v30, v14;
	(pc) =	sbr.rel @p0 .LBB2_5-.Ltmp1, $3  }
0x2ca: {  	_ = 	snop  }
0x2cb: {  	v14 =	vadd.f32 v14, v62;
	_ =	sdelay $0x1  }
0x2cc: {  	s2 =	sadd.s32 $0x2, s2;
	v49 =	vlaneseq.u32;
	[tilespmem:s16+$0x0] =	vst v14;
	s16 =	sadd.s32 $0x20, s16  }
0x2cd: {  	s0 =	sor.u32 s4, s0  }
0x2ce: {  	s0 =	sshrl.u32 s0, $0x3  }
0x2cf: {  	p0 =	seq.s32 s30, $0xF;
	s0 =	sadd.s32 s6, s0  }
0x2d0: {  	[hbm4b:s0+s12] =	stream.strided.scatter [tilespmem:s8], [sflag:$0x5], $0x320, s7, s12, $0x38;
	[tilespmem:$0x14120] =	vst v63  }
0x2d1: {  	[tilespmem:$0x1F8F0] =	vst v17;
	s0 =	sshll.u32 @!p0 s30, $0x1  }
0x2d2: {  	s16 =	simm.s32 @!p0 $0x10;
	_ =	swait.ge [sflag:s10], $0x320;
	s0 =	sadd.s32 @!p0 $0x2, s0  }
0x2d3: {  	s17 =	simm.s32 @!p0 $0x7200;
	[sflag:s10] =	ssyncset.done $0x0;
	s2 =	sshll.u32 @!p0 s0, $0x4  }
0x2d4: {  	s0 =	smul.u32 @!p0 $0xE00, s0;
	[sflag:s10] =	ssyncadd.s32 $0xFFFFFCE0;
	s2 =	sand.u32 @!p0 $0x3FFFFFE0, s2  }
0x2d5: {  	[tilespmem:s17], [sflag:$0x1] =	stream.indirect.gather @!p0 [hbm4b:s3+s16], $0x20, s2, s16, $0xb8;
	[tilespmem:$0x14120] =	vst v63  }
0x2d6: {  	s0 =	sshra.s32 @!p0 s0, $0x2  }
0x2d7: {  	s16 =	simm.s32 @!p0 $0x32;
	s17 =	simm.s32 @!p0 $0x7600;
	s2 =	sadd.s32 @!p0 $0x200, s0  }
0x2d8: {  	[tilespmem:s17], [sflag:$0x3] =	stream.indirect.gather @!p0 [hbm4b:s5+s16], $0x20, s2, s16, $0xb8;
	[tilespmem:$0x14120] =	vst v63  }
0x2d9: {  	s2 =	sadd.s32 @!p0 $0x238, s0;
	s17 =	simm.s32 @!p0 $0x7C40  }
0x2da: {  	[tilespmem:s17], [sflag:$0x3] =	stream.indirect.gather @!p0 [hbm4b:s5+s16], $0x20, s2, s16, $0xb8;
	[tilespmem:$0x14120] =	vst v63  }
0x2db: {  	s2 =	sadd.s32 @!p0 $0x270, s0;
	s17 =	simm.s32 @!p0 $0x8280  }
0x2dc: {  	[tilespmem:s17], [sflag:$0x3] =	stream.indirect.gather @!p0 [hbm4b:s5+s16], $0x20, s2, s16, $0xb8;
	[tilespmem:$0x14120] =	vst v63  }
0x2dd: {  	s2 =	sadd.s32 @!p0 $0x2A8, s0;
	s17 =	simm.s32 @!p0 $0x88C0  }
0x2de: {  	[tilespmem:s17], [sflag:$0x3] =	stream.indirect.gather @!p0 [hbm4b:s5+s16], $0x20, s2, s16, $0xb8;
	[tilespmem:$0x14120] =	vst v63  }
0x2df: {  	s2 =	sadd.s32 @!p0 $0x2E0, s0;
	s17 =	simm.s32 @!p0 $0x8F00  }
0x2e0: {  	[tilespmem:s17], [sflag:$0x3] =	stream.indirect.gather @!p0 [hbm4b:s5+s16], $0x20, s2, s16, $0xb8;
	[tilespmem:$0x14120] =	vst v63  }
0x2e1: {  	s2 =	sadd.s32 @!p0 $0x318, s0;
	s17 =	simm.s32 @!p0 $0x9540  }
0x2e2: {  	[tilespmem:s17], [sflag:$0x3] =	stream.indirect.gather @!p0 [hbm4b:s5+s16], $0x20, s2, s16, $0xb8;
	[tilespmem:$0x14120] =	vst v63  }
0x2e3: {  	s2 =	sadd.s32 @!p0 $0x350, s0;
	s17 =	simm.s32 @!p0 $0x9B80  }
0x2e4: {  	[tilespmem:s17], [sflag:$0x3] =	stream.indirect.gather @!p0 [hbm4b:s5+s16], $0x20, s2, s16, $0xb8;
	[tilespmem:$0x14120] =	vst v63  }
0x2e5: {  	s2 =	sadd.s32 @!p0 $0x388, s0;
	s17 =	simm.s32 @!p0 $0xA1C0  }
0x2e6: {  	[tilespmem:s17], [sflag:$0x3] =	stream.indirect.gather @!p0 [hbm4b:s5+s16], $0x20, s2, s16, $0xb8;
	[tilespmem:$0x14120] =	vst v63  }
0x2e7: {  	s2 =	sadd.s32 @!p0 $0x3C0, s0;
	s17 =	simm.s32 @!p0 $0xA800  }
0x2e8: {  	[tilespmem:s17], [sflag:$0x3] =	stream.indirect.gather @!p0 [hbm4b:s5+s16], $0x20, s2, s16, $0xb8;
	[tilespmem:$0x14120] =	vst v63  }
0x2e9: {  	s2 =	sadd.s32 @!p0 $0x3F8, s0;
	s17 =	simm.s32 @!p0 $0xAE40  }
0x2ea: {  	[tilespmem:s17], [sflag:$0x3] =	stream.indirect.gather @!p0 [hbm4b:s5+s16], $0x20, s2, s16, $0xb8;
	[tilespmem:$0x14120] =	vst v63  }
0x2eb: {  	s2 =	sadd.s32 @!p0 $0x430, s0;
	s17 =	simm.s32 @!p0 $0xB480  }
0x2ec: {  	[tilespmem:s17], [sflag:$0x3] =	stream.indirect.gather @!p0 [hbm4b:s5+s16], $0x20, s2, s16, $0xb8;
	[tilespmem:$0x14120] =	vst v63  }
0x2ed: {  	s2 =	sadd.s32 @!p0 $0x468, s0;
	s17 =	simm.s32 @!p0 $0xBAC0  }
0x2ee: {  	[tilespmem:s17], [sflag:$0x3] =	stream.indirect.gather @!p0 [hbm4b:s5+s16], $0x20, s2, s16, $0xb8;
	[tilespmem:$0x14120] =	vst v63  }
0x2ef: {  	s2 =	sadd.s32 @!p0 $0x4A0, s0;
	s17 =	simm.s32 @!p0 $0xC100  }
0x2f0: {  	[tilespmem:s17], [sflag:$0x3] =	stream.indirect.gather @!p0 [hbm4b:s5+s16], $0x20, s2, s16, $0xb8;
	[tilespmem:$0x14120] =	vst v63  }
0x2f1: {  	s2 =	sadd.s32 @!p0 $0x4D8, s0;
	s17 =	simm.s32 @!p0 $0xC740  }
0x2f2: {  	[tilespmem:s17], [sflag:$0x3] =	stream.indirect.gather @!p0 [hbm4b:s5+s16], $0x20, s2, s16, $0xb8;
	[tilespmem:$0x14120] =	vst v63  }
0x2f3: {  	s2 =	sadd.s32 @!p0 $0x510, s0;
	s17 =	simm.s32 @!p0 $0xCD80  }
0x2f4: {  	[tilespmem:s17], [sflag:$0x3] =	stream.indirect.gather @!p0 [hbm4b:s5+s16], $0x20, s2, s16, $0xb8;
	[tilespmem:$0x14120] =	vst v63  }
0x2f5: {  	s0 =	sadd.s32 @!p0 $0x548, s0;
	s2 =	simm.s32 @!p0 $0xD3C0  }
0x2f6: {  	[tilespmem:s2], [sflag:$0x3] =	stream.indirect.gather @!p0 [hbm4b:s5+s16], $0x20, s0, s16, $0xb8;
	[tilespmem:$0x14120] =	vst v63  }
0x2f7: {  	_ =	swait.ge [sflag:s9], $0x200  }
0x2f8: {  	v14 =	vld [tilespmem:$0x1FFD0];
	_ =	sdelay $0x4  }
0x2f9: {  	[sflag:s9] =	ssyncset.done $0x0;
	v14 =	vor.u32 $0x200, v14  }
0x2fa: {  	[sflag:s9] =	ssyncadd.s32 $0xFFFFFE00  }
0x2fb: {  	_ =	swait.ge [sflag:s1], $0x6400  }
0x2fc: {  	[sflag:s1] =	ssyncset.done $0x0  }
0x2fd: {  	[sflag:s1] =	ssyncadd.s32 $0xFFFF9C00  }
0x2fe: {  	v38 =	vld.idx.msk [tilespmem:v14+s13+$0x0], $0xffff  }
0x2ff: {  	v14 =	vld [tilespmem:$0x1FC90];
	_ =	sdelay $0x7  }
0x300: {  	v41 =	vld.idx.msk [tilespmem:v14+s13+$0x0], $0xffff  }
0x301: {  	v14 =	vld [tilespmem:$0x1FCA0];
	_ =	sdelay $0x7  }
0x302: {  	v33 =	vld.idx.msk [tilespmem:v14+s13+$0x0], $0xffff  }
0x303: {  	v14 =	vld [tilespmem:$0x1FCB0];
	_ =	sdelay $0x7  }
0x304: {  	v30 =	vld.idx.msk [tilespmem:v14+s13+$0x0], $0xffff  }
0x305: {  	v14 =	vld [tilespmem:$0x1FCC0];
	_ =	sdelay $0x7  }
0x306: {  	v34 =	vld.idx.msk [tilespmem:v14+s13+$0x0], $0xffff  }
0x307: {  	v14 =	vld [tilespmem:$0x1FCD0];
	_ =	sdelay $0x7  }
0x308: {  	v46 =	vld.idx.msk [tilespmem:v14+s13+$0x0], $0xffff  }
0x309: {  	v14 =	vld [tilespmem:$0x1FCE0];
	_ =	sdelay $0x7  }
0x30a: {  	v43 =	vld.idx.msk [tilespmem:v14+s13+$0x0], $0xffff  }
0x30b: {  	v14 =	vld [tilespmem:$0x1FCF0];
	_ =	sdelay $0x7  }
0x30c: {  	v32 =	vld.idx.msk [tilespmem:v14+s13+$0x0], $0xffff  }
0x30d: {  	v14 =	vld [tilespmem:$0x1FD00];
	_ =	sdelay $0x6  }
0x30e: {  	s18 =	simm.s32 $0x0  }
0x30f: {  	v31 =	vld.idx.msk [tilespmem:v14+s13+$0x0], $0xffff;
	v14 =	vmov s18  }
0x310: {  	v48 =	vshll.u32 v14, $0x5;
	v14 =	vld [tilespmem:$0x1FFE0];
	_ =	sdelay $0x1  }
0x311: {  	v36 =	vld [tilespmem:$0x1FD20]  }
0x312: {  	v49 =	vld [tilespmem:$0x1FD30];
	_ =	sdelay $0x1  }
0x313: {  	v14 =	vadd.s32 $0x6400, v14  }
0x314: {  	v47 =	vadd.s32 v14, v48  }
0x315: {  	v35 =	vld [tilespmem:$0x1FD10];
	v48 =	vor.u32 v15, v47  }
0x316: {  	v50 =	vld [tilespmem:$0x1FD40]  }
0x317: {  	v37 =	vld [tilespmem:$0x1FD50]  }
0x318: {  	v45 =	vld.idx.msk [tilespmem:v36+s13+$0x0], $0xffff  }
0x319: {  	v16 =	vlaneseq.u32;
	v36 =	vld.idx.msk [tilespmem:v49+s13+$0x0], $0xffff  }
0x31a: {  	v49 =	vor.u32 v16, v47;
	v17 =	vld.idx.msk [tilespmem:v48+s15+$0x0], $0xffff  }
0x31b: {  	v51 =	vld [tilespmem:$0x1FD60];
	_ =	sdelay $0x1  }
0x31c: {  	v61 =	vld.idx.msk [tilespmem:v35+s13+$0x0], $0xffff  }
0x31d: {  	v35 =	vld.idx.msk [tilespmem:v50+s13+$0x0], $0xffff  }
0x31e: {  	v50 =	vor.u32 v22, v47;
	[tilespmem:$0x1F910] =	vst v17;
	v17 =	vld.idx.msk [tilespmem:v49+s15+$0x0], $0xffff  }
0x31f: {  	v39 =	vld [tilespmem:$0x1FD70];
	_ =	sdelay $0x1  }
0x320: {  	v42 =	vld.idx.msk [tilespmem:v37+s13+$0x0], $0xffff  }
0x321: {  	v37 =	vld.idx.msk [tilespmem:v51+s13+$0x0], $0xffff  }
0x322: {  	v51 =	vor.u32 v21, v47;
	[tilespmem:$0x1F900] =	vst v17;
	v17 =	vld.idx.msk [tilespmem:v50+s15+$0x0], $0xffff  }
0x323: {  	v27 =	vld [tilespmem:$0x1FFA0]  }
0x324: {  	v28 =	vld [tilespmem:$0x1FFB0]  }
0x325: {  	v29 =	vld [tilespmem:$0x1FFF0];
	v52 =	vor.u32 v24, v47  }
0x326: {  	v40 =	vld.idx.msk [tilespmem:v39+s13+$0x0], $0xffff;
	v53 =	vor.u32 v23, v47  }
0x327: {  	[tilespmem:$0x1F930] =	vst v17;
	v17 =	vld.idx.msk [tilespmem:v51+s15+$0x0], $0xffff  }
0x328: {  	v26 =	vmovc v25;
	v54 =	vor.u32 v25, v47;
	v56 =	vor.u32 v18, v47;
	v25 =	vmov v18;
	v18 =	vld [tilespmem:$0x1FF30]  }
0x329: {  	v62 =	vmov v15;
	v55 =	vor.u32 v20, v47;
	v15 =	vld [tilespmem:$0x1FFC0]  }
0x32a: {  	v39 =	vld.idx.msk [tilespmem:v52+s15+$0x0], $0xffff  }
0x32b: {  	v44 =	vld.idx.msk [tilespmem:v53+s15+$0x0], $0xffff  }
0x32c: {  	[tilespmem:$0x1F920] =	vst v17;
	v17 =	vld [tilespmem:$0x1FF20]  }
0x32d: {  	v57 =	vor.u32 v19, v47;
	v54 =	vld.idx.msk [tilespmem:v54+s15+$0x0], $0xffff  }
0x32e: {  	v59 =	vor.u32 v18, v47;
	v55 =	vld.idx.msk [tilespmem:v55+s15+$0x0], $0xffff  }
0x32f: {  	v48 =	vor.u32 v28, v47;
	v53 =	vld [tilespmem:$0x1F910]  }
0x330: {  	v52 =	vld [tilespmem:$0x1F900]  }
0x331: {  	v56 =	vld.idx.msk [tilespmem:v56+s15+$0x0], $0xffff;
	v58 =	vor.u32 v17, v47  }
0x332: {  	v57 =	vld.idx.msk [tilespmem:v57+s15+$0x0], $0xffff  }
0x333: {  	v60 =	vor.u32 v27, v47;
	v59 =	vld.idx.msk [tilespmem:v59+s15+$0x0], $0xffff  }
0x334: {  	v49 =	vor.u32 v29, v47;
	v50 =	vmul.f32 v53, v41;
	v53 =	vld.idx.msk [tilespmem:v48+s15+$0x0], $0xffff  }
0x335: {  	v51 =	vor.u32 v15, v47;
	v47 =	vmul.f32 v52, v38;
	v52 =	vld [tilespmem:$0x1F920]  }
0x336: {  	v58 =	vld.idx.msk [tilespmem:v58+s15+$0x0], $0xffff  }
0x337: {  	v48 =	vld [tilespmem:$0x1F930]  }
0x338: {  	v60 =	vld.idx.msk [tilespmem:v60+s15+$0x0], $0xffff;
	v56 =	vmul.f32 v56, v34;
	v57 =	vmul.f32 v57, v46  }
0x339: {  	v55 =	vmul.f32 v55, v43;
	v54 =	vmul.f32 v54, v36;
	v49 =	vld.idx.msk [tilespmem:v49+s15+$0x0], $0xffff  }
0x33a: {  	v50 =	vadd.f32 v57, v50;
	v57 =	vmul.f32 v44, v61;
	v51 =	vld.idx.msk [tilespmem:v51+s15+$0x0], $0xffff;
	v52 =	vmul.f32 v52, v32  }
0x33b: {  	v47 =	vadd.f32 v56, v47;
	v56 =	vmul.f32 v58, v33;
	v58 =	vmul.f32 v59, v30  }
0x33c: {  	v39 =	vmul.f32 v39, v45;
	v50 =	vadd.f32 v57, v50;
	v48 =	vmul.f32 v48, v31  }
0x33d: {  	v44 =	vmul.f32 v60, v35;
	v55 =	vadd.f32 v55, v56;
	v52 =	vadd.f32 v52, v58  }
0x33e: {  	v49 =	vmul.f32 v49, v37;
	v53 =	vmul.f32 v53, v42;
	v47 =	vadd.f32 v48, v47  }
0x33f: {  	s19 =	simm.s32 $0x1;
	v51 =	vmul.f32 v51, v40;
	v55 =	vadd.f32 v39, v55;
	v52 =	vadd.f32 v54, v52  }
0x340: {  	v60 =	vmov s19;
	v50 =	vadd.f32 v53, v50;
	v47 =	vadd.f32 v44, v47  }
0x341: {  	v48 =	vshll.u32 v60, $0x5;
	v49 =	vadd.f32 v49, v55;
	v51 =	vadd.f32 v51, v52  }
0x342: {  	v48 =	vadd.s32 v14, v48  }
0x343: {  	v47 =	vadd.f32 v50, v47;
	v39 =	vor.u32 v16, v48;
	v49 =	vadd.f32 v51, v49  }
0x344: {  	v57 =	vor.u32 v62, v48  }
0x345: {  	v58 =	vor.u32 v22, v48;
	v47 =	vadd.f32 v49, v47  }
0x346: {  	s2 =	simm.s32 $0x13E10;
	v60 =	vor.u32 v20, v48  }
0x347: {  	v59 =	vor.u32 v19, v48;
	[tilespmem:s2+$0xFFFFFFF0] =	vst v47  }
0x348: {  	v50 =	vor.u32 v23, v48;
	v51 =	vld.idx.msk [tilespmem:v39+s15+$0x0], $0xffff  }
0x349: {  	v52 =	vld.idx.msk [tilespmem:v57+s15+$0x0], $0xffff;
	v39 =	vor.u32 v28, v48  }
0x34a: {  	v47 =	vld.idx.msk [tilespmem:v58+s15+$0x0], $0xffff  }
0x34b: {  	v54 =	vld.idx.msk [tilespmem:v60+s15+$0x0], $0xffff;
	v60 =	vor.u32 v24, v48  }
0x34c: {  	v55 =	vld.idx.msk [tilespmem:v59+s15+$0x0], $0xffff;
	v59 =	vor.u32 v21, v48  }
0x34d: {  	v53 =	vld.idx.msk [tilespmem:v50+s15+$0x0], $0xffff;
	v58 =	vor.u32 v17, v48  }
0x34e: {  	s16 =	simm.s32 $0x3;
	s0 =	simm.s32 $0x13E10;
	v56 =	vor.u32 v18, v48;
	v49 =	vor.u32 v15, v48;
	v57 =	vor.u32 v25, v48;
	v50 =	vld.idx.msk [tilespmem:v39+s15+$0x0], $0xffff  }
.LBB2_7:
0x34f: {  	p0 =	sne.s32 s16, $0x31  }
0x350: {  	v60 =	vld.idx.msk [tilespmem:v60+s15+$0x0], $0xffff;
	s2 =	sadd.s32 $0x20, s2;
	s17 =	smov.u32 s16;
	s16 =	sadd.s32 $0x2, s16  }
0x351: {  	v51 =	vmul.f32 v51, v38;
	v39 =	vor.u32 v26, v48;
	v59 =	vld.idx.msk [tilespmem:v59+s15+$0x0], $0xffff  }
0x352: {  	v52 =	vmul.f32 v52, v41;
	v44 =	vor.u32 v27, v48;
	v55 =	vmul.f32 v55, v46;
	v58 =	vld.idx.msk [tilespmem:v58+s15+$0x0], $0xffff  }
0x353: {  	v48 =	vor.u32 v29, v48;
	v54 =	vmul.f32 v54, v43;
	v57 =	vld.idx.msk [tilespmem:v57+s15+$0x0], $0xffff  }
0x354: {  	v52 =	vadd.f32 v55, v52;
	v53 =	vmul.f32 v53, v61;
	v56 =	vld.idx.msk [tilespmem:v56+s15+$0x0], $0xffff  }
0x355: {  	v49 =	vld.idx.msk [tilespmem:v49+s15+$0x0], $0xffff  }
0x356: {  	v50 =	vmul.f32 v50, v42;
	v52 =	vadd.f32 v53, v52;
	v39 =	vld.idx.msk [tilespmem:v39+s15+$0x0], $0xffff  }
0x357: {  	v44 =	vld.idx.msk [tilespmem:v44+s15+$0x0], $0xffff  }
0x358: {  	v53 =	vmul.f32 v58, v33;
	v50 =	vadd.f32 v50, v52;
	v48 =	vld.idx.msk [tilespmem:v48+s15+$0x0], $0xffff  }
0x359: {  	v55 =	vmul.f32 v60, v45;
	v52 =	vmul.f32 v57, v34  }
0x35a: {  	v56 =	vmul.f32 v56, v30;
	v53 =	vadd.f32 v54, v53;
	v54 =	vmul.f32 v59, v32  }
0x35b: {  	v47 =	vmul.f32 v47, v31;
	v51 =	vadd.f32 v52, v51  }
0x35c: {  	v52 =	vadd.f32 v54, v56;
	v53 =	vadd.f32 v55, v53;
	v39 =	vmul.f32 v39, v36  }
0x35d: {  	v47 =	vadd.f32 v47, v51;
	v44 =	vmul.f32 v44, v35  }
0x35e: {  	v49 =	vmul.f32 v49, v40;
	v39 =	vadd.f32 v39, v52;
	v48 =	vmul.f32 v48, v37  }
0x35f: {  	s18 =	sadd.s32 $0xFFFFFFFF, s17;
	v44 =	vadd.f32 v44, v47  }
0x360: {  	v47 =	vmov s18;
	v48 =	vadd.f32 v48, v53;
	v39 =	vadd.f32 v49, v39  }
0x361: {  	v47 =	vshll.u32 v47, $0x5;
	v44 =	vadd.f32 v50, v44  }
0x362: {  	v47 =	vadd.s32 v14, v47;
	v39 =	vadd.f32 v39, v48  }
0x363: {  	v48 =	vor.u32 v16, v47;
	v49 =	vor.u32 v62, v47;
	v50 =	vor.u32 v24, v47  }
0x364: {  	v51 =	vor.u32 v17, v47;
	v52 =	vor.u32 v18, v47;
	v39 =	vadd.f32 v39, v44  }
0x365: {  	v53 =	vor.u32 v21, v47;
	v54 =	vor.u32 v22, v47;
	v44 =	vor.u32 v19, v47  }
0x366: {  	v55 =	vor.u32 v23, v47;
	v56 =	vor.u32 v27, v47;
	[tilespmem:s0+$0x0] =	vst v39;
	s0 =	smov.u32 s2  }
0x367: {  	v57 =	vor.u32 v28, v47;
	v39 =	vor.u32 v26, v47  }
0x368: {  	v58 =	vor.u32 v15, v47;
	v49 =	vld.idx.msk [tilespmem:v49+s15+$0x0], $0xffff  }
0x369: {  	v59 =	vor.u32 v20, v47;
	v48 =	vld.idx.msk [tilespmem:v48+s15+$0x0], $0xffff  }
0x36a: {  	v60 =	vor.u32 v25, v47;
	v54 =	vld.idx.msk [tilespmem:v54+s15+$0x0], $0xffff  }
0x36b: {  	v53 =	vld.idx.msk [tilespmem:v53+s15+$0x0], $0xffff  }
0x36c: {  	v50 =	vld.idx.msk [tilespmem:v50+s15+$0x0], $0xffff  }
0x36d: {  	v55 =	vld.idx.msk [tilespmem:v55+s15+$0x0], $0xffff  }
0x36e: {  	v39 =	vld.idx.msk [tilespmem:v39+s15+$0x0], $0xffff  }
0x36f: {  	v59 =	vld.idx.msk [tilespmem:v59+s15+$0x0], $0xffff  }
0x370: {  	v60 =	vld.idx.msk [tilespmem:v60+s15+$0x0], $0xffff  }
0x371: {  	v47 =	vor.u32 v29, v47;
	v44 =	vld.idx.msk [tilespmem:v44+s15+$0x0], $0xffff  }
0x372: {  	v51 =	vld.idx.msk [tilespmem:v51+s15+$0x0], $0xffff  }
0x373: {  	v52 =	vld.idx.msk [tilespmem:v52+s15+$0x0], $0xffff  }
0x374: {  	v49 =	vmul.f32 v49, v41;
	v48 =	vmul.f32 v48, v38;
	v56 =	vld.idx.msk [tilespmem:v56+s15+$0x0], $0xffff  }
0x375: {  	v54 =	vmul.f32 v54, v31;
	v53 =	vmul.f32 v53, v32;
	v57 =	vld.idx.msk [tilespmem:v57+s15+$0x0], $0xffff  }
0x376: {  	v55 =	vmul.f32 v55, v61;
	v60 =	vmul.f32 v60, v34;
	v47 =	vld.idx.msk [tilespmem:v47+s15+$0x0], $0xffff  }
0x377: {  	v59 =	vmul.f32 v59, v43;
	v44 =	vmul.f32 v44, v46;
	v58 =	vld.idx.msk [tilespmem:v58+s15+$0x0], $0xffff  }
0x378: {  	v39 =	vmul.f32 v39, v36;
	v51 =	vmul.f32 v51, v33;
	v48 =	vadd.f32 v60, v48  }
0x379: {  	v52 =	vmul.f32 v52, v30;
	v44 =	vadd.f32 v44, v49;
	v49 =	vmul.f32 v50, v45  }
0x37a: {  	v50 =	vadd.f32 v59, v51;
	v48 =	vadd.f32 v54, v48;
	v51 =	vmul.f32 v56, v35  }
0x37b: {  	v52 =	vadd.f32 v53, v52;
	v44 =	vadd.f32 v55, v44;
	v53 =	vmul.f32 v57, v42  }
0x37c: {  	v49 =	vadd.f32 v49, v50;
	v48 =	vadd.f32 v51, v48;
	v47 =	vmul.f32 v47, v37  }
0x37d: {  	v39 =	vadd.f32 v39, v52;
	v44 =	vadd.f32 v53, v44;
	v50 =	vmul.f32 v58, v40  }
0x37e: {  	v47 =	vadd.f32 v47, v49;
	v49 =	vmov s17  }
0x37f: {  	v39 =	vadd.f32 v50, v39;
	v44 =	vadd.f32 v44, v48;
	v48 =	vshll.u32 v49, $0x5  }
0x380: {  	v48 =	vadd.s32 v14, v48  }
0x381: {  	v39 =	vadd.f32 v39, v47;
	v47 =	vor.u32 v16, v48;
	v49 =	vor.u32 v15, v48  }
0x382: {  	v50 =	vor.u32 v62, v48  }
0x383: {  	v39 =	vadd.f32 v39, v44;
	v44 =	vor.u32 v22, v48  }
0x384: {  	v53 =	vor.u32 v19, v48  }
0x385: {  	[tilespmem:s2+$0xFFFFFFF0] =	vst v39;
	v39 =	vor.u32 v20, v48  }
0x386: {  	v56 =	vor.u32 v23, v48;
	v51 =	vld.idx.msk [tilespmem:v47+s15+$0x0], $0xffff  }
0x387: {  	v52 =	vld.idx.msk [tilespmem:v50+s15+$0x0], $0xffff;
	v50 =	vor.u32 v28, v48  }
.Ltmp2:
0x388: {  	v60 =	vor.u32 v24, v48;
	v47 =	vld.idx.msk [tilespmem:v44+s15+$0x0], $0xffff;
	(pc) =	sbr.rel @p0 .LBB2_7-.Ltmp2, $4  }
0x389: {  	v59 =	vor.u32 v21, v48;
	v55 =	vld.idx.msk [tilespmem:v53+s15+$0x0], $0xffff  }
0x38a: {  	v58 =	vor.u32 v17, v48;
	v54 =	vld.idx.msk [tilespmem:v39+s15+$0x0], $0xffff  }
0x38b: {  	v57 =	vor.u32 v25, v48;
	v53 =	vld.idx.msk [tilespmem:v56+s15+$0x0], $0xffff  }
0x38c: {  	v56 =	vor.u32 v18, v48;
	v50 =	vld.idx.msk [tilespmem:v50+s15+$0x0], $0xffff  }
0x38d: {  	_ =	sdelay $0x3  }
0x38e: {  	v39 =	vld.idx.msk [tilespmem:v60+s15+$0x0], $0xffff  }
0x38f: {  	v44 =	vld.idx.msk [tilespmem:v59+s15+$0x0], $0xffff;
	v22 =	vor.u32 v26, v48  }
0x390: {  	v58 =	vld.idx.msk [tilespmem:v58+s15+$0x0], $0xffff;
	v23 =	vor.u32 v27, v48  }
0x391: {  	v57 =	vld.idx.msk [tilespmem:v57+s15+$0x0], $0xffff;
	v62 =	vor.u32 v29, v48  }
0x392: {  	v56 =	vld.idx.msk [tilespmem:v56+s15+$0x0], $0xffff;
	v41 =	vmul.f32 v52, v41  }
0x393: {  	v49 =	vld.idx.msk [tilespmem:v49+s15+$0x0], $0xffff;
	v38 =	vmul.f32 v51, v38;
	v31 =	vmul.f32 v47, v31  }
0x394: {  	v46 =	vmul.f32 v55, v46;
	v43 =	vmul.f32 v54, v43;
	v21 =	vld.idx.msk [tilespmem:v22+s15+$0x0], $0xffff  }
0x395: {  	v22 =	vmul.f32 v53, v61;
	v23 =	vld.idx.msk [tilespmem:v23+s15+$0x0], $0xffff;
	v33 =	vmul.f32 v58, v33  }
0x396: {  	v48 =	vld.idx.msk [tilespmem:v62+s15+$0x0], $0xffff;
	v34 =	vmul.f32 v57, v34;
	v39 =	vmul.f32 v39, v45  }
0x397: {  	v41 =	vadd.f32 v46, v41;
	v30 =	vmul.f32 v56, v30;
	v32 =	vmul.f32 v44, v32  }
0x398: {  	v45 =	vmul.f32 v50, v42;
	v50 =	vmul.f32 v49, v40;
	v34 =	vadd.f32 v34, v38  }
0x399: {  	v33 =	vadd.f32 v43, v33;
	v30 =	vadd.f32 v32, v30;
	v46 =	vmul.f32 v21, v36  }
0x39a: {  	v41 =	vadd.f32 v22, v41;
	v31 =	vadd.f32 v31, v34;
	v47 =	vmul.f32 v23, v35  }
0x39b: {  	v33 =	vadd.f32 v39, v33;
	v48 =	vmul.f32 v48, v37;
	v30 =	vadd.f32 v46, v30  }
0x39c: {  	v15 =	vld [tilespmem:$0x1FD80];
	v51 =	vadd.f32 v45, v41;
	v31 =	vadd.f32 v47, v31  }
0x39d: {  	v32 =	vadd.f32 v48, v33;
	v30 =	vadd.f32 v50, v30;
	_ =	sdelay $0x1  }
0x39e: {  	v31 =	vadd.f32 v51, v31;
	v30 =	vadd.f32 v30, v32;
	_ =	sdelay $0x1  }
0x39f: {  	v30 =	vadd.f32 v30, v31;
	_ =	sdelay $0x1  }
0x3a0: {  	[tilespmem:s0+$0x0] =	vst v30  }
0x3a1: {  	v34 =	vld.idx.msk [tilespmem:v15+s13+$0x0], $0xffff  }
0x3a2: {  	v15 =	vld [tilespmem:$0x1FD90];
	_ =	sdelay $0x7  }
0x3a3: {  	v30 =	vld.idx.msk [tilespmem:v15+s13+$0x0], $0xffff  }
0x3a4: {  	v15 =	vld [tilespmem:$0x1FDA0];
	_ =	sdelay $0x7  }
0x3a5: {  	v32 =	vld.idx.msk [tilespmem:v15+s13+$0x0], $0xffff  }
0x3a6: {  	v15 =	vld [tilespmem:$0x1FDB0];
	_ =	sdelay $0x7  }
0x3a7: {  	v45 =	vld.idx.msk [tilespmem:v15+s13+$0x0], $0xffff  }
0x3a8: {  	v15 =	vld [tilespmem:$0x1FDC0];
	_ =	sdelay $0x7  }
0x3a9: {  	v61 =	vld.idx.msk [tilespmem:v15+s13+$0x0], $0xffff  }
0x3aa: {  	v15 =	vld [tilespmem:$0x1FDD0];
	_ =	sdelay $0x7  }
0x3ab: {  	v31 =	vld.idx.msk [tilespmem:v15+s13+$0x0], $0xffff  }
0x3ac: {  	v15 =	vld [tilespmem:$0x1FDE0];
	_ =	sdelay $0x7  }
0x3ad: {  	v38 =	vld.idx.msk [tilespmem:v15+s13+$0x0], $0xffff  }
0x3ae: {  	v15 =	vld [tilespmem:$0x1FDF0];
	_ =	sdelay $0x7  }
0x3af: {  	v46 =	vld.idx.msk [tilespmem:v15+s13+$0x0], $0xffff  }
0x3b0: {  	v15 =	vld [tilespmem:$0x1FE00];
	_ =	sdelay $0x7  }
0x3b1: {  	v36 =	vld.idx.msk [tilespmem:v15+s13+$0x0], $0xffff  }
0x3b2: {  	v15 =	vld [tilespmem:$0x1FE10];
	_ =	sdelay $0x7  }
0x3b3: {  	v33 =	vld.idx.msk [tilespmem:v15+s13+$0x0], $0xffff  }
0x3b4: {  	v15 =	vld [tilespmem:$0x1FE20];
	_ =	sdelay $0x7  }
0x3b5: {  	v41 =	vld.idx.msk [tilespmem:v15+s13+$0x0], $0xffff  }
0x3b6: {  	v15 =	vld [tilespmem:$0x1FE30];
	_ =	sdelay $0x3  }
0x3b7: {  	v62 =	vld [tilespmem:$0x1FFD0];
	_ =	sdelay $0x1  }
0x3b8: {  	s18 =	simm.s32 $0x0  }
0x3b9: {  	v53 =	vmov s18  }
0x3ba: {  	v54 =	vshll.u32 v53, $0x5;
	v42 =	vld.idx.msk [tilespmem:v15+s13+$0x0], $0xffff  }
0x3bb: {  	v39 =	vadd.s32 v14, v54;
	v52 =	vadd.s32 $0x210, v62;
	v15 =	vld [tilespmem:$0x1FE40]  }
0x3bc: {  	v55 =	vor.u32 v4, v39  }
0x3bd: {  	v56 =	vor.u32 v11, v39;
	_ =	sdelay $0x1  }
0x3be: {  	v16 =	vld [tilespmem:$0x1F8F0]  }
0x3bf: {  	v57 =	vor.u32 v5, v39;
	v40 =	vld.idx.msk [tilespmem:v52+s13+$0x0], $0xffff  }
0x3c0: {  	v58 =	vor.u32 v63, v39;
	v44 =	vld.idx.msk [tilespmem:v55+s15+$0x0], $0xffff  }
0x3c1: {  	v59 =	vor.u32 v0, v39;
	v47 =	vld.idx.msk [tilespmem:v56+s15+$0x0], $0xffff  }
0x3c2: {  	v21 =	vor.u32 v12, v39;
	v37 =	vld.idx.msk [tilespmem:v15+s13+$0x0], $0xffff  }
0x3c3: {  	v22 =	vor.u32 v3, v39;
	v15 =	vld [tilespmem:$0x1FE50]  }
0x3c4: {  	v23 =	vor.u32 v2, v39;
	v48 =	vld.idx.msk [tilespmem:v57+s15+$0x0], $0xffff  }
0x3c5: {  	v60 =	vor.u32 v8, v39;
	v49 =	vld.idx.msk [tilespmem:v58+s15+$0x0], $0xffff  }
0x3c6: {  	v50 =	vld.idx.msk [tilespmem:v59+s15+$0x0], $0xffff  }
0x3c7: {  	v51 =	vld.idx.msk [tilespmem:v21+s15+$0x0], $0xffff  }
0x3c8: {  	v55 =	vor.u32 v16, v39;
	v52 =	vld.idx.msk [tilespmem:v22+s15+$0x0], $0xffff  }
0x3c9: {  	v56 =	vor.u32 v1, v39;
	v53 =	vld.idx.msk [tilespmem:v23+s15+$0x0], $0xffff  }
0x3ca: {  	v57 =	vor.u32 v10, v39;
	v54 =	vld.idx.msk [tilespmem:v60+s15+$0x0], $0xffff  }
0x3cb: {  	v21 =	vor.u32 v6, v39;
	v35 =	vld.idx.msk [tilespmem:v15+s13+$0x0], $0xffff  }
0x3cc: {  	v22 =	vor.u32 v7, v39;
	v15 =	vld [tilespmem:$0x1FE60]  }
0x3cd: {  	v23 =	vor.u32 v13, v39;
	v55 =	vld.idx.msk [tilespmem:v55+s15+$0x0], $0xffff  }
0x3ce: {  	v39 =	vor.u32 v9, v39;
	v56 =	vld.idx.msk [tilespmem:v56+s15+$0x0], $0xffff  }
0x3cf: {  	v57 =	vld.idx.msk [tilespmem:v57+s15+$0x0], $0xffff  }
0x3d0: {  	v58 =	vld.idx.msk [tilespmem:v21+s15+$0x0], $0xffff  }
0x3d1: {  	v49 =	vmul.f32 v49, v40;
	v59 =	vld.idx.msk [tilespmem:v22+s15+$0x0], $0xffff;
	v50 =	vmul.f32 v50, v34  }
0x3d2: {  	v60 =	vld.idx.msk [tilespmem:v23+s15+$0x0], $0xffff;
	v21 =	vmul.f32 v55, v30;
	v53 =	vmul.f32 v53, v45  }
0x3d3: {  	v39 =	vld.idx.msk [tilespmem:v39+s15+$0x0], $0xffff;
	v22 =	vmul.f32 v56, v32;
	v44 =	vmul.f32 v44, v61  }
0x3d4: {  	v49 =	vadd.f32 v53, v49;
	v52 =	vmul.f32 v52, v31;
	v48 =	vmul.f32 v48, v38;
	v43 =	vld.idx.msk [tilespmem:v15+s13+$0x0], $0xffff  }
0x3d5: {  	v44 =	vadd.f32 v44, v50;
	v23 =	vmul.f32 v54, v46;
	v57 =	vmul.f32 v57, v36  }
0x3d6: {  	v52 =	vadd.f32 v52, v21;
	v48 =	vadd.f32 v48, v22;
	v21 =	vmul.f32 v58, v33  }
0x3d7: {  	v49 =	vadd.f32 v23, v49;
	v44 =	vadd.f32 v57, v44;
	v22 =	vmul.f32 v59, v41  }
0x3d8: {  	v52 =	vadd.f32 v21, v52;
	v51 =	vmul.f32 v51, v42;
	v23 =	vmul.f32 v60, v37  }
0x3d9: {  	v48 =	vadd.f32 v22, v48;
	v39 =	vmul.f32 v39, v35;
	v47 =	vmul.f32 v47, v43  }
0x3da: {  	v49 =	vadd.f32 v51, v49;
	v44 =	vadd.f32 v23, v44  }
0x3db: {  	s19 =	simm.s32 $0x1;
	s2 =	simm.s32 $0x13E10;
	v39 =	vadd.f32 v39, v52;
	v47 =	vadd.f32 v47, v48  }
0x3dc: {  	v55 =	vld [tilespmem:s2+$0xFFFFFFF0];
	v56 =	vmov s19  }
0x3dd: {  	v57 =	vshll.u32 v56, $0x5;
	v44 =	vadd.f32 v44, v49;
	v39 =	vadd.f32 v47, v39  }
0x3de: {  	v47 =	vadd.s32 v14, v57  }
0x3df: {  	v58 =	vor.u32 v63, v47;
	v39 =	vadd.f32 v39, v44  }
0x3e0: {  	v59 =	vor.u32 v10, v47  }
0x3e1: {  	v60 =	vor.u32 v2, v47;
	v39 =	vadd.f32 v39, v55;
	_ =	sdelay $0x1  }
0x3e2: {  	v54 =	vor.u32 v4, v47;
	[tilespmem:s2+$0xFFFFFFF0] =	vst v39  }
0x3e3: {  	v53 =	vor.u32 v8, v47;
	v49 =	vld.idx.msk [tilespmem:v58+s15+$0x0], $0xffff  }
0x3e4: {  	v52 =	vor.u32 v12, v47;
	v48 =	vld.idx.msk [tilespmem:v59+s15+$0x0], $0xffff  }
0x3e5: {  	v18 =	vmovc v25;
	s16 =	simm.s32 $0x3;
	v25 =	vmov v26;
	v28 =	vmov v29;
	s0 =	simm.s32 $0x13E10;
	v51 =	vor.u32 v0, v47;
	v50 =	vld.idx.msk [tilespmem:v60+s15+$0x0], $0xffff  }
.LBB2_9:
0x3e6: {  	p0 =	sne.s32 s16, $0x31  }
0x3e7: {  	v39 =	vld.idx.msk [tilespmem:v54+s15+$0x0], $0xffff;
	s2 =	sadd.s32 $0x20, s2;
	s17 =	smov.u32 s16;
	s16 =	sadd.s32 $0x2, s16  }
0x3e8: {  	v44 =	vld.idx.msk [tilespmem:v53+s15+$0x0], $0xffff;
	v53 =	vor.u32 v13, v47  }
0x3e9: {  	v54 =	vor.u32 v5, v47;
	v52 =	vld.idx.msk [tilespmem:v52+s15+$0x0], $0xffff  }
0x3ea: {  	v55 =	vor.u32 v1, v47  }
0x3eb: {  	v56 =	vor.u32 v16, v47;
	v51 =	vld.idx.msk [tilespmem:v51+s15+$0x0], $0xffff  }
0x3ec: {  	v57 =	vor.u32 v3, v47;
	v49 =	vmul.f32 v49, v40;
	v50 =	vmul.f32 v50, v45  }
0x3ed: {  	v58 =	vor.u32 v7, v47;
	v39 =	vmul.f32 v39, v61;
	v53 =	vld.idx.msk [tilespmem:v53+s15+$0x0], $0xffff  }
0x3ee: {  	v49 =	vadd.f32 v50, v49;
	v44 =	vmul.f32 v44, v46;
	v50 =	vld.idx.msk [tilespmem:v54+s15+$0x0], $0xffff;
	v54 =	vor.u32 v6, v47  }
0x3ef: {  	v59 =	vor.u32 v11, v47;
	v55 =	vld.idx.msk [tilespmem:v55+s15+$0x0], $0xffff  }
0x3f0: {  	v47 =	vor.u32 v9, v47;
	v44 =	vadd.f32 v44, v49;
	v49 =	vmul.f32 v52, v42;
	v56 =	vld.idx.msk [tilespmem:v56+s15+$0x0], $0xffff  }
0x3f1: {  	v51 =	vmul.f32 v51, v34;
	v52 =	vld.idx.msk [tilespmem:v57+s15+$0x0], $0xffff  }
0x3f2: {  	v44 =	vadd.f32 v49, v44;
	v57 =	vld.idx.msk [tilespmem:v58+s15+$0x0], $0xffff  }
0x3f3: {  	v48 =	vmul.f32 v48, v36;
	v39 =	vadd.f32 v39, v51;
	v49 =	vld.idx.msk [tilespmem:v54+s15+$0x0], $0xffff  }
0x3f4: {  	v50 =	vmul.f32 v50, v38;
	v51 =	vld.idx.msk [tilespmem:v59+s15+$0x0], $0xffff  }
0x3f5: {  	v54 =	vmul.f32 v55, v32;
	v39 =	vadd.f32 v48, v39;
	v48 =	vmul.f32 v53, v37;
	v47 =	vld.idx.msk [tilespmem:v47+s15+$0x0], $0xffff;
	_ =	sdelay $0x1  }
0x3f6: {  	v53 =	vmul.f32 v56, v30;
	v52 =	vmul.f32 v52, v31;
	v39 =	vadd.f32 v48, v39  }
0x3f7: {  	v48 =	vadd.f32 v50, v54;
	v50 =	vmul.f32 v57, v41  }
0x3f8: {  	s18 =	sadd.s32 $0xFFFFFFFF, s17;
	v52 =	vadd.f32 v52, v53;
	v49 =	vmul.f32 v49, v33;
	v39 =	vadd.f32 v39, v44  }
0x3f9: {  	v44 =	vmov s18;
	v48 =	vadd.f32 v50, v48;
	v50 =	vmul.f32 v51, v43  }
0x3fa: {  	v44 =	vshll.u32 v44, $0x5;
	v49 =	vadd.f32 v49, v52;
	v47 =	vmul.f32 v47, v35  }
0x3fb: {  	v44 =	vadd.s32 v14, v44;
	v48 =	vadd.f32 v50, v48  }
0x3fc: {  	v50 =	vor.u32 v63, v44;
	v51 =	vor.u32 v0, v44;
	v47 =	vadd.f32 v47, v49  }
0x3fd: {  	v52 =	vor.u32 v1, v44;
	v49 =	vor.u32 v16, v44;
	v53 =	vld [tilespmem:s0+$0x0]  }
0x3fe: {  	v54 =	vor.u32 v4, v44;
	v55 =	vor.u32 v8, v44;
	v47 =	vadd.f32 v48, v47  }
0x3ff: {  	v56 =	vor.u32 v12, v44;
	v48 =	vor.u32 v10, v44  }
0x400: {  	v57 =	vor.u32 v7, v44;
	v58 =	vor.u32 v13, v44;
	v39 =	vadd.f32 v47, v39  }
0x401: {  	v59 =	vor.u32 v11, v44;
	v47 =	vor.u32 v6, v44  }
0x402: {  	v60 =	vor.u32 v9, v44;
	v39 =	vadd.f32 v39, v53  }
0x403: {  	v53 =	vor.u32 v5, v44  }
0x404: {  	v15 =	vor.u32 v3, v44;
	[tilespmem:s0+$0x0] =	vst v39;
	s0 =	smov.u32 s2  }
0x405: {  	v39 =	vor.u32 v2, v44;
	v44 =	vld.idx.msk [tilespmem:v54+s15+$0x0], $0xffff  }
0x406: {  	v54 =	vld.idx.msk [tilespmem:v59+s15+$0x0], $0xffff  }
0x407: {  	v59 =	vld.idx.msk [tilespmem:v60+s15+$0x0], $0xffff  }
0x408: {  	v53 =	vld.idx.msk [tilespmem:v53+s15+$0x0], $0xffff  }
0x409: {  	v50 =	vld.idx.msk [tilespmem:v50+s15+$0x0], $0xffff  }
0x40a: {  	v51 =	vld.idx.msk [tilespmem:v51+s15+$0x0], $0xffff  }
0x40b: {  	v56 =	vld.idx.msk [tilespmem:v56+s15+$0x0], $0xffff  }
0x40c: {  	v47 =	vld.idx.msk [tilespmem:v47+s15+$0x0], $0xffff  }
0x40d: {  	v58 =	vld.idx.msk [tilespmem:v58+s15+$0x0], $0xffff  }
0x40e: {  	v15 =	vld.idx.msk [tilespmem:v15+s15+$0x0], $0xffff  }
0x40f: {  	v39 =	vld.idx.msk [tilespmem:v39+s15+$0x0], $0xffff  }
0x410: {  	v50 =	vmul.f32 v50, v40;
	v55 =	vld.idx.msk [tilespmem:v55+s15+$0x0], $0xffff  }
0x411: {  	v49 =	vld.idx.msk [tilespmem:v49+s15+$0x0], $0xffff  }
0x412: {  	v44 =	vmul.f32 v44, v61;
	v52 =	vld.idx.msk [tilespmem:v52+s15+$0x0], $0xffff  }
0x413: {  	v53 =	vmul.f32 v53, v38;
	v56 =	vmul.f32 v56, v42;
	v48 =	vld.idx.msk [tilespmem:v48+s15+$0x0], $0xffff  }
0x414: {  	v58 =	vmul.f32 v58, v37;
	v15 =	vmul.f32 v15, v31;
	v57 =	vld.idx.msk [tilespmem:v57+s15+$0x0], $0xffff  }
0x415: {  	v59 =	vmul.f32 v59, v35;
	v51 =	vmul.f32 v51, v34  }
0x416: {  	v47 =	vmul.f32 v47, v33;
	v39 =	vmul.f32 v39, v45  }
0x417: {  	v55 =	vmul.f32 v55, v46;
	v49 =	vmul.f32 v49, v30  }
0x418: {  	v39 =	vadd.f32 v39, v50;
	v50 =	vmul.f32 v54, v43;
	v52 =	vmul.f32 v52, v32  }
0x419: {  	v44 =	vadd.f32 v44, v51;
	v15 =	vadd.f32 v15, v49;
	v48 =	vmul.f32 v48, v36  }
0x41a: {  	v39 =	vadd.f32 v55, v39;
	v49 =	vadd.f32 v53, v52;
	v51 =	vmul.f32 v57, v41  }
0x41b: {  	v44 =	vadd.f32 v48, v44;
	v15 =	vadd.f32 v47, v15  }
0x41c: {  	v39 =	vadd.f32 v56, v39;
	v47 =	vadd.f32 v51, v49  }
0x41d: {  	v44 =	vadd.f32 v58, v44;
	v15 =	vadd.f32 v59, v15  }
0x41e: {  	v47 =	vadd.f32 v50, v47  }
0x41f: {  	v49 =	vmov s17;
	v48 =	vld [tilespmem:s2+$0xFFFFFFF0]  }
0x420: {  	v39 =	vadd.f32 v44, v39;
	v44 =	vshll.u32 v49, $0x5;
	v15 =	vadd.f32 v47, v15  }
0x421: {  	v47 =	vadd.s32 v14, v44  }
0x422: {  	v15 =	vadd.f32 v15, v39;
	v39 =	vor.u32 v63, v47  }
0x423: {  	v44 =	vor.u32 v10, v47  }
0x424: {  	v50 =	vor.u32 v2, v47;
	v15 =	vadd.f32 v15, v48  }
.Ltmp3:
0x425: {  	v54 =	vor.u32 v4, v47;
	(pc) =	sbr.rel @p0 .LBB2_9-.Ltmp3, $4  }
0x426: {  	v53 =	vor.u32 v8, v47;
	[tilespmem:s2+$0xFFFFFFF0] =	vst v15  }
0x427: {  	v52 =	vor.u32 v12, v47;
	v49 =	vld.idx.msk [tilespmem:v39+s15+$0x0], $0xffff  }
0x428: {  	v48 =	vld.idx.msk [tilespmem:v44+s15+$0x0], $0xffff  }
0x429: {  	v51 =	vor.u32 v0, v47;
	v50 =	vld.idx.msk [tilespmem:v50+s15+$0x0], $0xffff  }
0x42a: {  	_ =	sdelay $0x2  }
0x42b: {  	v0 =	vor.u32 v13, v47  }
0x42c: {  	v2 =	vld.idx.msk [tilespmem:v54+s15+$0x0], $0xffff;
	v4 =	vor.u32 v5, v47  }
0x42d: {  	v56 =	vld.idx.msk [tilespmem:v53+s15+$0x0], $0xffff;
	v1 =	vor.u32 v1, v47  }
0x42e: {  	v8 =	vld.idx.msk [tilespmem:v52+s15+$0x0], $0xffff;
	v10 =	vor.u32 v16, v47  }
0x42f: {  	v12 =	vld.idx.msk [tilespmem:v51+s15+$0x0], $0xffff;
	v3 =	vor.u32 v3, v47  }
0x430: {  	v7 =	vor.u32 v7, v47;
	v0 =	vld.idx.msk [tilespmem:v0+s15+$0x0], $0xffff  }
0x431: {  	v6 =	vor.u32 v6, v47;
	v4 =	vld.idx.msk [tilespmem:v4+s15+$0x0], $0xffff  }
0x432: {  	v11 =	vor.u32 v11, v47;
	v1 =	vld.idx.msk [tilespmem:v1+s15+$0x0], $0xffff  }
0x433: {  	v9 =	vor.u32 v9, v47;
	v10 =	vld.idx.msk [tilespmem:v10+s15+$0x0], $0xffff  }
0x434: {  	v3 =	vld.idx.msk [tilespmem:v3+s15+$0x0], $0xffff  }
0x435: {  	v13 =	vmul.f32 v49, v40;
	v14 =	vmul.f32 v50, v45;
	v7 =	vld.idx.msk [tilespmem:v7+s15+$0x0], $0xffff  }
0x436: {  	v5 =	vmul.f32 v56, v46;
	v6 =	vld.idx.msk [tilespmem:v6+s15+$0x0], $0xffff;
	v2 =	vmul.f32 v2, v61  }
0x437: {  	v12 =	vmul.f32 v12, v34;
	v11 =	vld.idx.msk [tilespmem:v11+s15+$0x0], $0xffff;
	v58 =	vmul.f32 v8, v42  }
0x438: {  	v9 =	vld.idx.msk [tilespmem:v9+s15+$0x0], $0xffff;
	v13 =	vadd.f32 v14, v13;
	v4 =	vmul.f32 v4, v38;
	v1 =	vmul.f32 v1, v32  }
0x439: {  	v2 =	vadd.f32 v2, v12;
	v10 =	vmul.f32 v10, v30;
	v3 =	vmul.f32 v3, v31  }
0x43a: {  	v12 =	vmul.f32 v48, v36;
	v5 =	vadd.f32 v5, v13;
	v57 =	vmul.f32 v7, v41  }
0x43b: {  	v6 =	vmul.f32 v6, v33;
	v1 =	vadd.f32 v4, v1;
	v3 =	vadd.f32 v3, v10  }
0x43c: {  	v2 =	vadd.f32 v12, v2;
	v0 =	vmul.f32 v0, v37;
	v59 =	vmul.f32 v11, v43  }
0x43d: {  	v60 =	vmul.f32 v9, v35;
	v1 =	vadd.f32 v57, v1;
	v3 =	vadd.f32 v6, v3  }
0x43e: {  	v5 =	vadd.f32 v58, v5;
	v0 =	vadd.f32 v0, v2  }
0x43f: {  	v1 =	vadd.f32 v59, v1;
	v61 =	vadd.f32 v60, v3  }
0x440: {  	v63 =	vld [tilespmem:s0+$0x0]  }
0x441: {  	v0 =	vadd.f32 v0, v5;
	v1 =	vadd.f32 v1, v61;
	_ =	sdelay $0x1  }
0x442: {  	v0 =	vadd.f32 v1, v0;
	_ =	sdelay $0x1  }
0x443: {  	s2 =	sor.u32 s4, s31;
	v0 =	vadd.f32 v0, v63  }
0x444: {  	s2 =	sshrl.u32 s2, $0x3  }
0x445: {  	s31 =	sadd.s32 s6, s2;
	[tilespmem:s0+$0x0] =	vst v0  }
0x446: {  	[hbm4b:s31+s12] =	stream.strided.scatter [tilespmem:s8], [sflag:$0x5], $0x320, s7, s12, $0x38;
	[tilespmem:$0x14120] =	vst v63  }
0x447: {  	_ =	swait.ge [sflag:s10], $0x320  }
0x448: {  	v15 =	vld [tilespmem:$0x1FE80]  }
0x449: {  	v60 =	vld [tilespmem:$0x1FEF0]  }
0x44a: {  	v61 =	vld [tilespmem:$0x1FF00]  }
0x44b: {  	v54 =	vld [tilespmem:$0x1FF10]  }
0x44c: {  	v16 =	vld [tilespmem:$0x1FF20]  }
0x44d: {  	v17 =	vld [tilespmem:$0x1FF30]  }
0x44e: {  	v19 =	vld [tilespmem:$0x1FF40]  }
0x44f: {  	v20 =	vld [tilespmem:$0x1FF50]  }
0x450: {  	v21 =	vld [tilespmem:$0x1FF60]  }
0x451: {  	s30 =	sadd.s32 $0x1, s30;
	v22 =	vld [tilespmem:$0x1FF70]  }
0x452: {  	p0 =	sne.s32 s30, $0x10;
	v23 =	vld [tilespmem:$0x1FF80]  }
.Ltmp4:
0x453: {  	v24 =	vld [tilespmem:$0x1FF90];
	(pc) =	sbr.rel @p0 .LBB2_2-.Ltmp4, $4  }
0x454: {  	v26 =	vld [tilespmem:$0x1FFA0]  }
0x455: {  	v29 =	vld [tilespmem:$0x1FFC0]  }
0x456: {  	[sflag:s10] =	ssyncset.done $0x0;
	v27 =	vld [tilespmem:$0x1FFB0]  }
0x457: {  	v49 =	vlaneseq.u32;
	v39 =	vld [tilespmem:$0x1FFE0];
	[sflag:s10] =	ssyncadd.s32 $0xFFFFFCE0  }
0x458: {  	s2 =	rddreg [dreg:$0x7]  }
0x459: {  	s0 =	rddreg [dreg:$0x6];
	s2 =	sadd.s32 $0x1, s2  }
0x45a: {  	p0 =	sne.s32 s2, s0  }
.Ltmp5:
0x45b: {  	_ = 	snop;
	(pc) =	sbr.rel @p0 .LBB2_1-.Ltmp5, $1  }
0x45c: {  	_ =	sdelay $0x3  }
0x45d: {  	_ =	sfence.sel $0x180000  }
0x45e: {  	[bflag:$0x0] =	sbarrier.arrive $0xFFFF  }
0x45f: {  	_ =	strace $0x90000047  }
0x460: {  	s0 =	stileid.u32;
	[bflag:$0x2] =	sbarrier.arrive $0xFFFF  }
0x461: {  	p0 =	sne.s32 s0, $0x0;
	s0 =	rddreg [dreg:$0x3]  }
0x462: {  	s0 =	sadd.s32 @!p0 $0x100000, s0  }
0x463: {  	[sflag:s0] =	ssyncadd.tile.s32 @!p0 $0x1;
	_ =	shalt  }
.Lfunc_end2:
_tile_overlayer_lowered:
.L_overlay_start_2:
0x464: {  	(tag) =	ssettag $0x2  }
0x465: {  	s0 =	rddreg [dreg:$0x0];
	s2 =	stileid.u32  }
0x466: {  	s1 =	rddreg [dreg:$0x1];
	p0 =	sne.s32 s2, $0x0  }
0x467: {  	s3 =	rddreg [dreg:$0x2];
	[bflag:$0x3] =	sbarrier.arrive $0xFFFF;
	s2 =	simm.s32 @!p0 $0x1C05  }
0x468: {  	[timem:s3], [sflag:s2] =	dma.local @!p0 [hbm:s0], s1  }
0x469: {  	s0 =	simm.s32 @!p0 $0x5  }
0x46a: {  	_ =	swait.ge @!p0 [sflag:s0], s1  }
0x46b: {  	s1 =	ssub.s32 @!p0 $0x0, s1;
	[sflag:s0] =	ssyncset.done @!p0 $0x0  }
0x46c: {  	[sflag:s0] =	ssyncadd.s32 @!p0 s1  }
0x46d: {  	[bflag:$0x3] =	sbarrier.arrive $0xFFFF  }
0x46e: {  	_ =	shalt  }

</sc_bundles>
